<compile_context>
chip_gen: v7x
topology: tpu7x:2x2x1
jax: 0.10.2.dev20260603
libtpu: 0.0.44.dev20260713+nightly
codegen_flags: <defaults>
</compile_context>

<pallas_src>
import functools
import math

import jax
import jax.numpy as jnp
from jax import lax
from jax.experimental import pallas as pl
from jax.experimental.pallas import tpu as pltpu
from jax.experimental.pallas import tpu_sc as plsc

NC = 2
NS = 16
NW = NC * NS
LANES = 16


def _vperm(vec, idx):
    dnums = lax.GatherDimensionNumbers(
        offset_dims=(), collapsed_slice_dims=(0,), start_index_map=(0,))
    return lax.gather(vec, idx[:, None], dnums, (1,),
                      mode=lax.GatherScatterMode.PROMISE_IN_BOUNDS)


def _router_sc(x, Wt, D):
    B, S, _ = x.shape
    E = Wt.shape[0]
    SR = 4
    CW = SR * D
    NBUF = 2
    chunks = Wt.shape[1] // NW // CW
    mesh = plsc.VectorSubcoreMesh(core_axis_name="c", subcore_axis_name="s",
                                  num_cores=NC, num_subcores=NS)

    @functools.partial(
        pl.kernel,
        out_type=jax.ShapeDtypeStruct((NW, B, LANES), jnp.float32),
        mesh=mesh,
        scratch_types=[
            pltpu.VMEM((NBUF, E, CW), jnp.float32),
            pltpu.VMEM((NBUF, SR, D), jnp.float32),
            pltpu.VMEM((NBUF, SR, D), jnp.float32),
            pltpu.VMEM((B, LANES), jnp.float32),
            pltpu.VMEM((2 * E, LANES), jnp.float32),
            pltpu.SemaphoreType.DMA,
            pltpu.SemaphoreType.DMA,
            pltpu.SemaphoreType.DMA,
            pltpu.SemaphoreType.DMA,
        ],
    )
    def body(x_hbm, wt_hbm, p_hbm, w_buf, xa_buf, xb_buf, accv, accb,
             sem0, sem1, sem2, sem3):
        cid = lax.axis_index("c")
        sid = lax.axis_index("s")
        wid = cid * NS + sid
        lanes = lax.iota(jnp.int32, LANES)
        sems = (sem0, sem1, sem2, sem3)

        def copies(chunk, buf):
            n0 = (wid * chunks + chunk) * CW
            srow = (wid * chunks + chunk) * SR
            sem = sems[buf]
            return (
                pltpu.make_async_copy(wt_hbm.at[:, pl.ds(n0, CW)],
                                      w_buf.at[buf], sem),
                pltpu.make_async_copy(x_hbm.at[0, pl.ds(srow, SR), :],
                                      xa_buf.at[buf], sem),
                pltpu.make_async_copy(x_hbm.at[1, pl.ds(srow, SR), :],
                                      xb_buf.at[buf], sem),
            )

        def issue(chunk, buf):
            for c in copies(chunk, buf):
                c.start()

        def drain(chunk, buf):
            for c in copies(chunk, buf):
                c.wait()

        def compute(buf):
            for sl in range(SR):
                def grp(g, carry, sl=sl):
                    off = sl * D + g * LANES
                    xa16 = xa_buf[buf, sl, pl.ds(g * LANES, LANES)]
                    xb16 = xb_buf[buf, sl, pl.ds(g * LANES, LANES)]
                    for e in range(E):
                        wv = w_buf[buf, e, pl.ds(off, LANES)]
                        plsc.addupdate(accb.at[2 * e], wv * xa16)
                        plsc.addupdate(accb.at[2 * e + 1], wv * xb16)
                    return carry
                lax.fori_loop(0, D // LANES, grp, 0)

        zero = jnp.zeros((LANES,), jnp.float32)
        for i in range(2 * E):
            accb[i] = zero
        for k in range(NBUF - 1):
            issue(k, k)

        def outer(k4, carry):
            for b in range(NBUF):
                chunk = k4 * NBUF + b
                nxt = chunk + NBUF - 1

                @pl.when(nxt < chunks)
                def _(nxt=nxt, b=b):
                    issue(nxt, (b + NBUF - 1) % NBUF)
                drain(chunk, b)
                compute(b)
            return carry
        lax.fori_loop(0, chunks // NBUF, outer, 0)

        f0 = jnp.zeros((LANES,), jnp.float32)
        f1 = jnp.zeros((LANES,), jnp.float32)
        for e in range(E):
            f0 = jnp.where(lanes == e, _allsum(accb[2 * e], lanes), f0)
            f1 = jnp.where(lanes == e, _allsum(accb[2 * e + 1], lanes), f1)
        accv[0] = f0
        accv[1] = f1
        pltpu.sync_copy(accv, p_hbm.at[wid])

    return body(x, Wt)


def _gates_sc(partials, bsw16):
    B = partials.shape[1]
    mesh = plsc.VectorSubcoreMesh(core_axis_name="c", subcore_axis_name="s",
                                  num_cores=NC, num_subcores=NS)

    @functools.partial(
        pl.kernel,
        out_type=[jax.ShapeDtypeStruct((B, LANES), jnp.float32),
                  jax.ShapeDtypeStruct((B, LANES), jnp.int32)],
        mesh=mesh,
        scratch_types=[
            pltpu.VMEM((NW, B, LANES), jnp.float32),
            pltpu.VMEM((LANES,), jnp.float32),
            pltpu.VMEM((B, LANES), jnp.float32),
            pltpu.VMEM((B, LANES), jnp.int32),
        ],
    )
    def body(p_hbm, bsw_hbm, gv_hbm, gi_hbm, pb, bswb, gvb, gib):
        cid = lax.axis_index("c")
        sid = lax.axis_index("s")

        @pl.when((cid == 0) & (sid == 0))
        def _():
            pltpu.sync_copy(p_hbm, pb)
            pltpu.sync_copy(bsw_hbm, bswb)
            lanes = lax.iota(jnp.int32, LANES)
            bv = bswb[...]
            for b in range(B):
                logit = pb[0, b] + bv
                for w in range(1, NW):
                    logit = logit + pb[w, b]
                lm = jnp.where(lanes < 8, logit, -3.4e38)
                m0 = _allmax(lm, lanes)
                ex = jnp.exp(lm - m0)
                pr = ex / _allsum(ex, lanes)
                pm0 = _allmax(pr, lanes)
                i0 = _allmin(jnp.where(pr == pm0, lanes, LANES), lanes)
                pr2 = jnp.where(lanes == i0, -1.0, pr)
                pm1 = _allmax(pr2, lanes)
                i1 = _allmin(jnp.where(pr2 == pm1, lanes, LANES), lanes)
                gvb[b] = jnp.where(lanes == 0, pm0,
                                   jnp.where(lanes == 1, pm1, 0.0))
                gib[b] = jnp.where(lanes == 0, i0,
                                   jnp.where(lanes == 1, i1, 0))
            pltpu.sync_copy(gvb, gv_hbm)
            pltpu.sync_copy(gib, gi_hbm)

    return body(partials, bsw16)


def _allmax(v, lanes):
    for k in (1, 2, 4, 8):
        v = jnp.maximum(v, _vperm(v, lanes ^ k))
    return v


def _allsum(v, lanes):
    for k in (1, 2, 4, 8):
        v = v + _vperm(v, lanes ^ k)
    return v


def _allmin(v, lanes):
    for k in (1, 2, 4, 8):
        v = jnp.minimum(v, _vperm(v, lanes ^ k))
    return v


def _gelu_tanh(x):
    c = math.sqrt(2.0 / math.pi)
    return 0.5 * x * (1.0 + jnp.tanh(c * (x + 0.044715 * x * x * x)))


def _moe_body(T, HD, G,
              x_ref, gv_ref, gi_ref, w1_ref, b1_ref, w2_ref, b2_ref,
              w3_ref, b3_ref, out_ref, wa_ref, wb_ref, b1c_ref, b2c_ref,
              y_ref):
    b = pl.program_id(0)
    s = pl.program_id(1)
    GW = G * HD
    HW = 2 * GW

    @pl.when(s == 0)
    def _build():
        e0 = gi_ref[b, 0]
        e1 = gi_ref[b, 1]
        g0 = gv_ref[b, 0]
        g1 = gv_ref[b, 1]
        w1a = w1_ref[e0]
        w1b = w1_ref[e1]
        w2a = w2_ref[e0] * g0
        w2b = w2_ref[e1] * g1
        for i in range(G):
            o = i * HD
            wa_ref[pl.ds(o, HD), :] = jnp.zeros((HD, HW), jnp.float32)
            wa_ref[pl.ds(o, HD), pl.ds(o, HD)] = w1a
            wa_ref[pl.ds(o, HD), pl.ds(GW + o, HD)] = w1b
            wb_ref[pl.ds(o, HD), :] = jnp.zeros((HD, GW), jnp.float32)
            wb_ref[pl.ds(GW + o, HD), :] = jnp.zeros((HD, GW), jnp.float32)
            wb_ref[pl.ds(o, HD), pl.ds(o, HD)] = w2a
            wb_ref[pl.ds(GW + o, HD), pl.ds(o, HD)] = w2b
            b1c_ref[0, pl.ds(o, HD)] = b1_ref[e0]
            b1c_ref[0, pl.ds(GW + o, HD)] = b1_ref[e1]
            b2c_ref[0, pl.ds(o, HD)] = b2_ref[e0] * g0 + b2_ref[e1] * g1

    xt = x_ref[0]
    wa16 = wa_ref[...].astype(jnp.bfloat16)
    wb16 = wb_ref[...].astype(jnp.bfloat16)
    ngrp = xt.shape[1] // GW
    for gidx in range(ngrp):
        xg = xt[:, gidx * GW:(gidx + 1) * GW]
        h = jnp.dot(xg.astype(jnp.bfloat16), wa16,
                    preferred_element_type=jnp.float32)
        h = _gelu_tanh(h + b1c_ref[...])
        og = jnp.dot(h.astype(jnp.bfloat16), wb16,
                     preferred_element_type=jnp.float32)
        y_ref[:, gidx * GW:(gidx + 1) * GW] = xg + og + b2c_ref[...]
    out_ref[0] = (jnp.dot(y_ref[...].astype(jnp.bfloat16), w3_ref[...],
                          preferred_element_type=jnp.float32) + b3_ref[...])


def kernel(x, W_sw, b_sw, W1, b1, W2, b2, W3, b3):
    B, S, D = x.shape
    E = W_sw.shape[1]
    HD = W1.shape[1]

    partials = _router_sc(x, W_sw.T, D)
    bsw16 = jnp.pad(b_sw, (0, LANES - E))
    gv, gi = _gates_sc(partials, bsw16)

    T = 256
    G = 4
    out = pl.pallas_call(
        functools.partial(_moe_body, T, HD, G),
        grid=(B, S // T),
        in_specs=[
            pl.BlockSpec((1, T, D), lambda b, s: (b, s, 0)),
            pl.BlockSpec(memory_space=pltpu.SMEM),
            pl.BlockSpec(memory_space=pltpu.SMEM),
            pl.BlockSpec(W1.shape, lambda b, s: (0, 0, 0)),
            pl.BlockSpec(b1.shape, lambda b, s: (0, 0)),
            pl.BlockSpec(W2.shape, lambda b, s: (0, 0, 0)),
            pl.BlockSpec(b2.shape, lambda b, s: (0, 0)),
            pl.BlockSpec(W3.shape, lambda b, s: (0, 0)),
            pl.BlockSpec((1, D), lambda b, s: (0, 0)),
        ],
        out_specs=pl.BlockSpec((1, T, D), lambda b, s: (b, s, 0)),
        out_shape=jax.ShapeDtypeStruct((B, S, D), jnp.float32),
        scratch_shapes=[
            pltpu.VMEM((G * HD, 2 * G * HD), jnp.float32),
            pltpu.VMEM((2 * G * HD, G * HD), jnp.float32),
            pltpu.VMEM((1, 2 * G * HD), jnp.float32),
            pltpu.VMEM((1, G * HD), jnp.float32),
            pltpu.VMEM((T, D), jnp.float32),
        ],
    )(x, gv, gi, W1, b1, W2, b2, W3.astype(jnp.bfloat16),
      b3.reshape(1, D))
    return out

# --- scband reference (transcript-rebuilt; emitter-appended) ---
"""Pipeline reference for scband-mh-u-mlp-11501922418779 (READ-ONLY COPY).

The authoritative reference and input builder live on the scoring server;
editing this copy changes nothing except your own understanding.
"""

import jax, jax.numpy as jnp
import numpy as np

B, S, D = 2, 2048, 1024
H = 16
HD = D // H
E = 8
TOPK = 2
HIDDEN = 1024
HHD = HIDDEN // H
MAXSEQ = 2048


def setup_inputs(seed: int = 0):
    key = jax.random.key(seed)
    ks = jax.random.split(key, 8)
    x = jax.random.normal(ks[0], (B, S, D), dtype=jnp.float32)
    W_sw = jax.random.normal(ks[1], (D * MAXSEQ, E), dtype=jnp.float32) / np.sqrt(D * MAXSEQ)
    b_sw = jnp.zeros((E,), jnp.float32)
    W1 = jax.random.normal(ks[2], (E, HD, HHD), dtype=jnp.float32) / np.sqrt(HD)
    b1 = jnp.zeros((E, HHD), jnp.float32)
    W2 = jax.random.normal(ks[3], (E, HHD, HD), dtype=jnp.float32) / np.sqrt(HHD)
    b2 = jnp.zeros((E, HD), jnp.float32)
    W3 = jax.random.normal(ks[4], (HIDDEN, D), dtype=jnp.float32) / np.sqrt(HIDDEN)
    b3 = jnp.zeros((D,), jnp.float32)
    return {"x": x, "W_sw": W_sw, "b_sw": b_sw, "W1": W1, "b1": b1,
            "W2": W2, "b2": b2, "W3": W3, "b3": b3}


def reference(x, W_sw, b_sw, W1, b1, W2, b2, W3, b3):
    Bn, Sn, Dn = x.shape
    # switch router: flatten first MAXSEQ tokens per sample
    x0 = x[:, :MAXSEQ].reshape(Bn, -1)
    logits = x0 @ W_sw + b_sw
    probs = jax.nn.softmax(logits, axis=-1)
    gate_v, gate_i = jax.lax.top_k(probs, TOPK)  # [B, k]
    # split heads: [B, H, S, hd]
    xh = x.reshape(Bn, Sn, H, HD).transpose(0, 2, 1, 3)
    # gather per-sample expert weights (sparse dispatch equivalent)
    W1s = jnp.take(W1, gate_i, axis=0)  # [B, k, hd, hhd]
    b1s = jnp.take(b1, gate_i, axis=0)  # [B, k, hhd]
    h = jnp.einsum('bhsd,bkdf->bkhsf', xh, W1s) + b1s[:, :, None, None, :]
    h = jax.nn.gelu(h, approximate=False)
    W2s = jnp.take(W2, gate_i, axis=0)  # [B, k, hhd, hd]
    b2s = jnp.take(b2, gate_i, axis=0)  # [B, k, hd]
    o = jnp.einsum('bkhsf,bkfd->bkhsd', h, W2s) + b2s[:, :, None, None, :]
    # gate scaling by routed probability
    o = o * gate_v[:, :, None, None, None]
    # combine heads: [B, k, H, S, hd] -> [B*k, S, D]
    o = o.transpose(0, 1, 3, 2, 4).reshape(Bn * TOPK, Sn, Dn)
    # index_add_ over batch sample indices (each sample receives its topk expert outputs)
    idx = jnp.repeat(jnp.arange(Bn), TOPK)
    agg = jnp.zeros_like(x).at[idx].add(o)
    out = x + agg
    out = out @ W3 + b3
    return out

if __name__ == "__main__":
    import jax
    _d = setup_inputs()
    print(jax.jit(kernel)(*tuple(_d.values())))

</pallas_src>

<mosaic_0001>
#map = affine_map<(d0, d1) -> (0, 0, 0)>
#map1 = affine_map<(d0, d1) -> (0)>
#map2 = affine_map<(d0, d1) -> (0, 0)>
module attributes {stable_mosaic.version = 14 : i64} {
  func.func @body(%arg0: i32, %arg1: i32, %arg2: memref<32x2x16xf32, #tpu.memory_space<hbm>>, %arg3: memref<16xf32, #tpu.memory_space<hbm>>, %arg4: memref<2x16xf32, #tpu.memory_space<hbm>>, %arg5: memref<2x16xi32, #tpu.memory_space<hbm>>, %arg6: memref<32x2x16xf32, #tpu.memory_space<vmem>>, %arg7: memref<16xf32, #tpu.memory_space<vmem>>, %arg8: memref<2x16xf32, #tpu.memory_space<vmem>>, %arg9: memref<2x16xi32, #tpu.memory_space<vmem>>) attributes {dimension_semantics = [#tpu.dimension_semantics<core_parallel>, #tpu.dimension_semantics<subcore_parallel>], iteration_bounds = array<i64: 2, 16>, scalar_prefetch = 0 : i64, scratch_operands = 4 : i64, tpu.core_type = #tpu.core_type<sc_vector_subcore>, window_params = [{transform_indices = #map}, {transform_indices = #map1}, {transform_indices = #map2}, {transform_indices = #map2}]} {
    %eq3A = arith.constant 0 : i32
    %eq3A_0 = arith.cmpi eq, %arg0, %eq3A : i32
    %eq3A_1 = arith.constant 0 : i32
    %eq3A_2 = arith.cmpi eq, %arg1, %eq3A_1 : i32
    %and3A = arith.andi %eq3A_0, %eq3A_2 : i1
    %convert_element_type3A = arith.extui %and3A : i1 to i32
    %cond3A = arith.constant 0 : i32
    %cond3A_3 = arith.cmpi ne, %convert_element_type3A, %cond3A : i32
    scf.if %cond3A_3 {
      "tpu.region"() ({
        %run_scoped3A = tpu.sem_alloc : memref<!tpu.dma_semaphore, #tpu.memory_space<semaphore_mem>>
        tpu.enqueue_dma source(%arg2 : memref<32x2x16xf32, #tpu.memory_space<hbm>>) target(%arg6 : memref<32x2x16xf32, #tpu.memory_space<vmem>>) target_semaphore(%run_scoped3A : memref<!tpu.dma_semaphore, #tpu.memory_space<semaphore_mem>>)
        tpu.wait_dma2 semaphore(%run_scoped3A : memref<!tpu.dma_semaphore, #tpu.memory_space<semaphore_mem>>) src(%arg2 : memref<32x2x16xf32, #tpu.memory_space<hbm>>) dst(%arg6 : memref<32x2x16xf32, #tpu.memory_space<vmem>>)
        tpu.yield
      }) : () -> ()
      "tpu.region"() ({
        %run_scoped3A = tpu.sem_alloc : memref<!tpu.dma_semaphore, #tpu.memory_space<semaphore_mem>>
        tpu.enqueue_dma source(%arg3 : memref<16xf32, #tpu.memory_space<hbm>>) target(%arg7 : memref<16xf32, #tpu.memory_space<vmem>>) target_semaphore(%run_scoped3A : memref<!tpu.dma_semaphore, #tpu.memory_space<semaphore_mem>>)
        tpu.wait_dma2 semaphore(%run_scoped3A : memref<!tpu.dma_semaphore, #tpu.memory_space<semaphore_mem>>) src(%arg3 : memref<16xf32, #tpu.memory_space<hbm>>) dst(%arg7 : memref<16xf32, #tpu.memory_space<vmem>>)
        tpu.yield
      }) : () -> ()
      %iota3A = tpu.iota {dimensions = array<i32: 0>} : vector<16xi32>
      %get3A = arith.constant 0 : index
      %get3A_4 = tpu.vector_load %arg7[%get3A] {strides = array<i32>} : memref<16xf32, #tpu.memory_space<vmem>>, vector<16xf32>,
      %get3A_5 = vector.shape_cast %get3A_4 : vector<16xf32> to vector<16xf32>
      %get3A_6 = arith.constant 0 : i32
      %get3A_7 = arith.constant 0 : i32
      %get3A_8 = arith.index_cast %get3A_6 : i32 to index
      %get3A_9 = arith.index_cast %get3A_7 : i32 to index
      %get3A_10 = arith.constant 0 : index
      %get3A_11 = tpu.vector_load %arg6[%get3A_8, %get3A_9, %get3A_10] {strides = array<i32>} : memref<32x2x16xf32, #tpu.memory_space<vmem>>, vector<1x1x16xf32>,
      %get3A_12 = vector.shape_cast %get3A_11 : vector<1x1x16xf32> to vector<16xf32>
      %add3A = arith.addf %get3A_12, %get3A_5 : vector<16xf32>
      %get3A_13 = arith.constant 1 : i32
      %get3A_14 = arith.constant 0 : i32
      %get3A_15 = arith.index_cast %get3A_13 : i32 to index
      %get3A_16 = arith.index_cast %get3A_14 : i32 to index
      %get3A_17 = arith.constant 0 : index
      %get3A_18 = tpu.vector_load %arg6[%get3A_15, %get3A_16, %get3A_17] {strides = array<i32>} : memref<32x2x16xf32, #tpu.memory_space<vmem>>, vector<1x1x16xf32>,
      %get3A_19 = vector.shape_cast %get3A_18 : vector<1x1x16xf32> to vector<16xf32>
      %add3A_20 = arith.addf %add3A, %get3A_19 : vector<16xf32>
      %get3A_21 = arith.constant 2 : i32
      %get3A_22 = arith.constant 0 : i32
      %get3A_23 = arith.index_cast %get3A_21 : i32 to index
      %get3A_24 = arith.index_cast %get3A_22 : i32 to index
      %get3A_25 = arith.constant 0 : index
      %get3A_26 = tpu.vector_load %arg6[%get3A_23, %get3A_24, %get3A_25] {strides = array<i32>} : memref<32x2x16xf32, #tpu.memory_space<vmem>>, vector<1x1x16xf32>,
      %get3A_27 = vector.shape_cast %get3A_26 : vector<1x1x16xf32> to vector<16xf32>
      %add3A_28 = arith.addf %add3A_20, %get3A_27 : vector<16xf32>
      %get3A_29 = arith.constant 3 : i32
      %get3A_30 = arith.constant 0 : i32
      %get3A_31 = arith.index_cast %get3A_29 : i32 to index
      %get3A_32 = arith.index_cast %get3A_30 : i32 to index
      %get3A_33 = arith.constant 0 : index
      %get3A_34 = tpu.vector_load %arg6[%get3A_31, %get3A_32, %get3A_33] {strides = array<i32>} : memref<32x2x16xf32, #tpu.memory_space<vmem>>, vector<1x1x16xf32>,
      %get3A_35 = vector.shape_cast %get3A_34 : vector<1x1x16xf32> to vector<16xf32>
      %add3A_36 = arith.addf %add3A_28, %get3A_35 : vector<16xf32>
      %get3A_37 = arith.constant 4 : i32
      %get3A_38 = arith.constant 0 : i32
      %get3A_39 = arith.index_cast %get3A_37 : i32 to index
      %get3A_40 = arith.index_cast %get3A_38 : i32 to index
      %get3A_41 = arith.constant 0 : index
      %get3A_42 = tpu.vector_load %arg6[%get3A_39, %get3A_40, %get3A_41] {strides = array<i32>} : memref<32x2x16xf32, #tpu.memory_space<vmem>>, vector<1x1x16xf32>,
      %get3A_43 = vector.shape_cast %get3A_42 : vector<1x1x16xf32> to vector<16xf32>
      %add3A_44 = arith.addf %add3A_36, %get3A_43 : vector<16xf32>
      %get3A_45 = arith.constant 5 : i32
      %get3A_46 = arith.constant 0 : i32
      %get3A_47 = arith.index_cast %get3A_45 : i32 to index
      %get3A_48 = arith.index_cast %get3A_46 : i32 to index
      %get3A_49 = arith.constant 0 : index
      %get3A_50 = tpu.vector_load %arg6[%get3A_47, %get3A_48, %get3A_49] {strides = array<i32>} : memref<32x2x16xf32, #tpu.memory_space<vmem>>, vector<1x1x16xf32>,
      %get3A_51 = vector.shape_cast %get3A_50 : vector<1x1x16xf32> to vector<16xf32>
      %add3A_52 = arith.addf %add3A_44, %get3A_51 : vector<16xf32>
      %get3A_53 = arith.constant 6 : i32
      %get3A_54 = arith.constant 0 : i32
      %get3A_55 = arith.index_cast %get3A_53 : i32 to index
      %get3A_56 = arith.index_cast %get3A_54 : i32 to index
      %get3A_57 = arith.constant 0 : index
      %get3A_58 = tpu.vector_load %arg6[%get3A_55, %get3A_56, %get3A_57] {strides = array<i32>} : memref<32x2x16xf32, #tpu.memory_space<vmem>>, vector<1x1x16xf32>,
      %get3A_59 = vector.shape_cast %get3A_58 : vector<1x1x16xf32> to vector<16xf32>
      %add3A_60 = arith.addf %add3A_52, %get3A_59 : vector<16xf32>
      %get3A_61 = arith.constant 7 : i32
      %get3A_62 = arith.constant 0 : i32
      %get3A_63 = arith.index_cast %get3A_61 : i32 to index
      %get3A_64 = arith.index_cast %get3A_62 : i32 to index
      %get3A_65 = arith.constant 0 : index
      %get3A_66 = tpu.vector_load %arg6[%get3A_63, %get3A_64, %get3A_65] {strides = array<i32>} : memref<32x2x16xf32, #tpu.memory_space<vmem>>, vector<1x1x16xf32>,
      %get3A_67 = vector.shape_cast %get3A_66 : vector<1x1x16xf32> to vector<16xf32>
      %add3A_68 = arith.addf %add3A_60, %get3A_67 : vector<16xf32>
      %get3A_69 = arith.constant 8 : i32
      %get3A_70 = arith.constant 0 : i32
      %get3A_71 = arith.index_cast %get3A_69 : i32 to index
      %get3A_72 = arith.index_cast %get3A_70 : i32 to index
      %get3A_73 = arith.constant 0 : index
      %get3A_74 = tpu.vector_load %arg6[%get3A_71, %get3A_72, %get3A_73] {strides = array<i32>} : memref<32x2x16xf32, #tpu.memory_space<vmem>>, vector<1x1x16xf32>,
      %get3A_75 = vector.shape_cast %get3A_74 : vector<1x1x16xf32> to vector<16xf32>
      %add3A_76 = arith.addf %add3A_68, %get3A_75 : vector<16xf32>
      %get3A_77 = arith.constant 9 : i32
      %get3A_78 = arith.constant 0 : i32
      %get3A_79 = arith.index_cast %get3A_77 : i32 to index
      %get3A_80 = arith.index_cast %get3A_78 : i32 to index
      %get3A_81 = arith.constant 0 : index
      %get3A_82 = tpu.vector_load %arg6[%get3A_79, %get3A_80, %get3A_81] {strides = array<i32>} : memref<32x2x16xf32, #tpu.memory_space<vmem>>, vector<1x1x16xf32>,
      %get3A_83 = vector.shape_cast %get3A_82 : vector<1x1x16xf32> to vector<16xf32>
      %add3A_84 = arith.addf %add3A_76, %get3A_83 : vector<16xf32>
      %get3A_85 = arith.constant 10 : i32
      %get3A_86 = arith.constant 0 : i32
      %get3A_87 = arith.index_cast %get3A_85 : i32 to index
      %get3A_88 = arith.index_cast %get3A_86 : i32 to index
      %get3A_89 = arith.constant 0 : index
      %get3A_90 = tpu.vector_load %arg6[%get3A_87, %get3A_88, %get3A_89] {strides = array<i32>} : memref<32x2x16xf32, #tpu.memory_space<vmem>>, vector<1x1x16xf32>,
      %get3A_91 = vector.shape_cast %get3A_90 : vector<1x1x16xf32> to vector<16xf32>
      %add3A_92 = arith.addf %add3A_84, %get3A_91 : vector<16xf32>
      %get3A_93 = arith.constant 11 : i32
      %get3A_94 = arith.constant 0 : i32
      %get3A_95 = arith.index_cast %get3A_93 : i32 to index
      %get3A_96 = arith.index_cast %get3A_94 : i32 to index
      %get3A_97 = arith.constant 0 : index
      %get3A_98 = tpu.vector_load %arg6[%get3A_95, %get3A_96, %get3A_97] {strides = array<i32>} : memref<32x2x16xf32, #tpu.memory_space<vmem>>, vector<1x1x16xf32>,
      %get3A_99 = vector.shape_cast %get3A_98 : vector<1x1x16xf32> to vector<16xf32>
      %add3A_100 = arith.addf %add3A_92, %get3A_99 : vector<16xf32>
      %get3A_101 = arith.constant 12 : i32
      %get3A_102 = arith.constant 0 : i32
      %get3A_103 = arith.index_cast %get3A_101 : i32 to index
      %get3A_104 = arith.index_cast %get3A_102 : i32 to index
      %get3A_105 = arith.constant 0 : index
      %get3A_106 = tpu.vector_load %arg6[%get3A_103, %get3A_104, %get3A_105] {strides = array<i32>} : memref<32x2x16xf32, #tpu.memory_space<vmem>>, vector<1x1x16xf32>,
      %get3A_107 = vector.shape_cast %get3A_106 : vector<1x1x16xf32> to vector<16xf32>
      %add3A_108 = arith.addf %add3A_100, %get3A_107 : vector<16xf32>
      %get3A_109 = arith.constant 13 : i32
      %get3A_110 = arith.constant 0 : i32
      %get3A_111 = arith.index_cast %get3A_109 : i32 to index
      %get3A_112 = arith.index_cast %get3A_110 : i32 to index
      %get3A_113 = arith.constant 0 : index
      %get3A_114 = tpu.vector_load %arg6[%get3A_111, %get3A_112, %get3A_113] {strides = array<i32>} : memref<32x2x16xf32, #tpu.memory_space<vmem>>, vector<1x1x16xf32>,
      %get3A_115 = vector.shape_cast %get3A_114 : vector<1x1x16xf32> to vector<16xf32>
      %add3A_116 = arith.addf %add3A_108, %get3A_115 : vector<16xf32>
      %get3A_117 = arith.constant 14 : i32
      %get3A_118 = arith.constant 0 : i32
      %get3A_119 = arith.index_cast %get3A_117 : i32 to index
      %get3A_120 = arith.index_cast %get3A_118 : i32 to index
      %get3A_121 = arith.constant 0 : index
      %get3A_122 = tpu.vector_load %arg6[%get3A_119, %get3A_120, %get3A_121] {strides = array<i32>} : memref<32x2x16xf32, #tpu.memory_space<vmem>>, vector<1x1x16xf32>,
      %get3A_123 = vector.shape_cast %get3A_122 : vector<1x1x16xf32> to vector<16xf32>
      %add3A_124 = arith.addf %add3A_116, %get3A_123 : vector<16xf32>
      %get3A_125 = arith.constant 15 : i32
      %get3A_126 = arith.constant 0 : i32
      %get3A_127 = arith.index_cast %get3A_125 : i32 to index
      %get3A_128 = arith.index_cast %get3A_126 : i32 to index
      %get3A_129 = arith.constant 0 : index
      %get3A_130 = tpu.vector_load %arg6[%get3A_127, %get3A_128, %get3A_129] {strides = array<i32>} : memref<32x2x16xf32, #tpu.memory_space<vmem>>, vector<1x1x16xf32>,
      %get3A_131 = vector.shape_cast %get3A_130 : vector<1x1x16xf32> to vector<16xf32>
      %add3A_132 = arith.addf %add3A_124, %get3A_131 : vector<16xf32>
      %get3A_133 = arith.constant 16 : i32
      %get3A_134 = arith.constant 0 : i32
      %get3A_135 = arith.index_cast %get3A_133 : i32 to index
      %get3A_136 = arith.index_cast %get3A_134 : i32 to index
      %get3A_137 = arith.constant 0 : index
      %get3A_138 = tpu.vector_load %arg6[%get3A_135, %get3A_136, %get3A_137] {strides = array<i32>} : memref<32x2x16xf32, #tpu.memory_space<vmem>>, vector<1x1x16xf32>,
      %get3A_139 = vector.shape_cast %get3A_138 : vector<1x1x16xf32> to vector<16xf32>
      %add3A_140 = arith.addf %add3A_132, %get3A_139 : vector<16xf32>
      %get3A_141 = arith.constant 17 : i32
      %get3A_142 = arith.constant 0 : i32
      %get3A_143 = arith.index_cast %get3A_141 : i32 to index
      %get3A_144 = arith.index_cast %get3A_142 : i32 to index
      %get3A_145 = arith.constant 0 : index
      %get3A_146 = tpu.vector_load %arg6[%get3A_143, %get3A_144, %get3A_145] {strides = array<i32>} : memref<32x2x16xf32, #tpu.memory_space<vmem>>, vector<1x1x16xf32>,
      %get3A_147 = vector.shape_cast %get3A_146 : vector<1x1x16xf32> to vector<16xf32>
      %add3A_148 = arith.addf %add3A_140, %get3A_147 : vector<16xf32>
      %get3A_149 = arith.constant 18 : i32
      %get3A_150 = arith.constant 0 : i32
      %get3A_151 = arith.index_cast %get3A_149 : i32 to index
      %get3A_152 = arith.index_cast %get3A_150 : i32 to index
      %get3A_153 = arith.constant 0 : index
      %get3A_154 = tpu.vector_load %arg6[%get3A_151, %get3A_152, %get3A_153] {strides = array<i32>} : memref<32x2x16xf32, #tpu.memory_space<vmem>>, vector<1x1x16xf32>,
      %get3A_155 = vector.shape_cast %get3A_154 : vector<1x1x16xf32> to vector<16xf32>
      %add3A_156 = arith.addf %add3A_148, %get3A_155 : vector<16xf32>
      %get3A_157 = arith.constant 19 : i32
      %get3A_158 = arith.constant 0 : i32
      %get3A_159 = arith.index_cast %get3A_157 : i32 to index
      %get3A_160 = arith.index_cast %get3A_158 : i32 to index
      %get3A_161 = arith.constant 0 : index
      %get3A_162 = tpu.vector_load %arg6[%get3A_159, %get3A_160, %get3A_161] {strides = array<i32>} : memref<32x2x16xf32, #tpu.memory_space<vmem>>, vector<1x1x16xf32>,
      %get3A_163 = vector.shape_cast %get3A_162 : vector<1x1x16xf32> to vector<16xf32>
      %add3A_164 = arith.addf %add3A_156, %get3A_163 : vector<16xf32>
      %get3A_165 = arith.constant 20 : i32
      %get3A_166 = arith.constant 0 : i32
      %get3A_167 = arith.index_cast %get3A_165 : i32 to index
      %get3A_168 = arith.index_cast %get3A_166 : i32 to index
      %get3A_169 = arith.constant 0 : index
      %get3A_170 = tpu.vector_load %arg6[%get3A_167, %get3A_168, %get3A_169] {strides = array<i32>} : memref<32x2x16xf32, #tpu.memory_space<vmem>>, vector<1x1x16xf32>,
      %get3A_171 = vector.shape_cast %get3A_170 : vector<1x1x16xf32> to vector<16xf32>
      %add3A_172 = arith.addf %add3A_164, %get3A_171 : vector<16xf32>
      %get3A_173 = arith.constant 21 : i32
      %get3A_174 = arith.constant 0 : i32
      %get3A_175 = arith.index_cast %get3A_173 : i32 to index
      %get3A_176 = arith.index_cast %get3A_174 : i32 to index
      %get3A_177 = arith.constant 0 : index
      %get3A_178 = tpu.vector_load %arg6[%get3A_175, %get3A_176, %get3A_177] {strides = array<i32>} : memref<32x2x16xf32, #tpu.memory_space<vmem>>, vector<1x1x16xf32>,
      %get3A_179 = vector.shape_cast %get3A_178 : vector<1x1x16xf32> to vector<16xf32>
      %add3A_180 = arith.addf %add3A_172, %get3A_179 : vector<16xf32>
      %get3A_181 = arith.constant 22 : i32
      %get3A_182 = arith.constant 0 : i32
      %get3A_183 = arith.index_cast %get3A_181 : i32 to index
      %get3A_184 = arith.index_cast %get3A_182 : i32 to index
      %get3A_185 = arith.constant 0 : index
      %get3A_186 = tpu.vector_load %arg6[%get3A_183, %get3A_184, %get3A_185] {strides = array<i32>} : memref<32x2x16xf32, #tpu.memory_space<vmem>>, vector<1x1x16xf32>,
      %get3A_187 = vector.shape_cast %get3A_186 : vector<1x1x16xf32> to vector<16xf32>
      %add3A_188 = arith.addf %add3A_180, %get3A_187 : vector<16xf32>
      %get3A_189 = arith.constant 23 : i32
      %get3A_190 = arith.constant 0 : i32
      %get3A_191 = arith.index_cast %get3A_189 : i32 to index
      %get3A_192 = arith.index_cast %get3A_190 : i32 to index
      %get3A_193 = arith.constant 0 : index
      %get3A_194 = tpu.vector_load %arg6[%get3A_191, %get3A_192, %get3A_193] {strides = array<i32>} : memref<32x2x16xf32, #tpu.memory_space<vmem>>, vector<1x1x16xf32>,
      %get3A_195 = vector.shape_cast %get3A_194 : vector<1x1x16xf32> to vector<16xf32>
      %add3A_196 = arith.addf %add3A_188, %get3A_195 : vector<16xf32>
      %get3A_197 = arith.constant 24 : i32
      %get3A_198 = arith.constant 0 : i32
      %get3A_199 = arith.index_cast %get3A_197 : i32 to index
      %get3A_200 = arith.index_cast %get3A_198 : i32 to index
      %get3A_201 = arith.constant 0 : index
      %get3A_202 = tpu.vector_load %arg6[%get3A_199, %get3A_200, %get3A_201] {strides = array<i32>} : memref<32x2x16xf32, #tpu.memory_space<vmem>>, vector<1x1x16xf32>,
      %get3A_203 = vector.shape_cast %get3A_202 : vector<1x1x16xf32> to vector<16xf32>
      %add3A_204 = arith.addf %add3A_196, %get3A_203 : vector<16xf32>
      %get3A_205 = arith.constant 25 : i32
      %get3A_206 = arith.constant 0 : i32
      %get3A_207 = arith.index_cast %get3A_205 : i32 to index
      %get3A_208 = arith.index_cast %get3A_206 : i32 to index
      %get3A_209 = arith.constant 0 : index
      %get3A_210 = tpu.vector_load %arg6[%get3A_207, %get3A_208, %get3A_209] {strides = array<i32>} : memref<32x2x16xf32, #tpu.memory_space<vmem>>, vector<1x1x16xf32>,
      %get3A_211 = vector.shape_cast %get3A_210 : vector<1x1x16xf32> to vector<16xf32>
      %add3A_212 = arith.addf %add3A_204, %get3A_211 : vector<16xf32>
      %get3A_213 = arith.constant 26 : i32
      %get3A_214 = arith.constant 0 : i32
      %get3A_215 = arith.index_cast %get3A_213 : i32 to index
      %get3A_216 = arith.index_cast %get3A_214 : i32 to index
      %get3A_217 = arith.constant 0 : index
      %get3A_218 = tpu.vector_load %arg6[%get3A_215, %get3A_216, %get3A_217] {strides = array<i32>} : memref<32x2x16xf32, #tpu.memory_space<vmem>>, vector<1x1x16xf32>,
      %get3A_219 = vector.shape_cast %get3A_218 : vector<1x1x16xf32> to vector<16xf32>
      %add3A_220 = arith.addf %add3A_212, %get3A_219 : vector<16xf32>
      %get3A_221 = arith.constant 27 : i32
      %get3A_222 = arith.constant 0 : i32
      %get3A_223 = arith.index_cast %get3A_221 : i32 to index
      %get3A_224 = arith.index_cast %get3A_222 : i32 to index
      %get3A_225 = arith.constant 0 : index
      %get3A_226 = tpu.vector_load %arg6[%get3A_223, %get3A_224, %get3A_225] {strides = array<i32>} : memref<32x2x16xf32, #tpu.memory_space<vmem>>, vector<1x1x16xf32>,
      %get3A_227 = vector.shape_cast %get3A_226 : vector<1x1x16xf32> to vector<16xf32>
      %add3A_228 = arith.addf %add3A_220, %get3A_227 : vector<16xf32>
      %get3A_229 = arith.constant 28 : i32
      %get3A_230 = arith.constant 0 : i32
      %get3A_231 = arith.index_cast %get3A_229 : i32 to index
      %get3A_232 = arith.index_cast %get3A_230 : i32 to index
      %get3A_233 = arith.constant 0 : index
      %get3A_234 = tpu.vector_load %arg6[%get3A_231, %get3A_232, %get3A_233] {strides = array<i32>} : memref<32x2x16xf32, #tpu.memory_space<vmem>>, vector<1x1x16xf32>,
      %get3A_235 = vector.shape_cast %get3A_234 : vector<1x1x16xf32> to vector<16xf32>
      %add3A_236 = arith.addf %add3A_228, %get3A_235 : vector<16xf32>
      %get3A_237 = arith.constant 29 : i32
      %get3A_238 = arith.constant 0 : i32
      %get3A_239 = arith.index_cast %get3A_237 : i32 to index
      %get3A_240 = arith.index_cast %get3A_238 : i32 to index
      %get3A_241 = arith.constant 0 : index
      %get3A_242 = tpu.vector_load %arg6[%get3A_239, %get3A_240, %get3A_241] {strides = array<i32>} : memref<32x2x16xf32, #tpu.memory_space<vmem>>, vector<1x1x16xf32>,
      %get3A_243 = vector.shape_cast %get3A_242 : vector<1x1x16xf32> to vector<16xf32>
      %add3A_244 = arith.addf %add3A_236, %get3A_243 : vector<16xf32>
      %get3A_245 = arith.constant 30 : i32
      %get3A_246 = arith.constant 0 : i32
      %get3A_247 = arith.index_cast %get3A_245 : i32 to index
      %get3A_248 = arith.index_cast %get3A_246 : i32 to index
      %get3A_249 = arith.constant 0 : index
      %get3A_250 = tpu.vector_load %arg6[%get3A_247, %get3A_248, %get3A_249] {strides = array<i32>} : memref<32x2x16xf32, #tpu.memory_space<vmem>>, vector<1x1x16xf32>,
      %get3A_251 = vector.shape_cast %get3A_250 : vector<1x1x16xf32> to vector<16xf32>
      %add3A_252 = arith.addf %add3A_244, %get3A_251 : vector<16xf32>
      %get3A_253 = arith.constant 31 : i32
      %get3A_254 = arith.constant 0 : i32
      %get3A_255 = arith.index_cast %get3A_253 : i32 to index
      %get3A_256 = arith.index_cast %get3A_254 : i32 to index
      %get3A_257 = arith.constant 0 : index
      %get3A_258 = tpu.vector_load %arg6[%get3A_255, %get3A_256, %get3A_257] {strides = array<i32>} : memref<32x2x16xf32, #tpu.memory_space<vmem>>, vector<1x1x16xf32>,
      %get3A_259 = vector.shape_cast %get3A_258 : vector<1x1x16xf32> to vector<16xf32>
      %add3A_260 = arith.addf %add3A_252, %get3A_259 : vector<16xf32>
      %lt3A = arith.constant 8 : i32
      %lt3A_261 = vector.broadcast %lt3A : i32 to vector<16xi32>
      %lt3A_262 = arith.cmpi slt, %iota3A, %lt3A_261 : vector<16xi32>
      %jit3A = arith.constant -3.400000e+38 : f32
      %broadcast_in_dim3A = vector.broadcast %jit3A : f32 to vector<16xf32>
      %select_n3A = arith.select %lt3A_262, %add3A_260, %broadcast_in_dim3A : vector<16xi1>, vector<16xf32>
      %xor3A = arith.constant 1 : i32
      %xor3A_263 = vector.broadcast %xor3A : i32 to vector<16xi32>
      %xor3A_264 = arith.xori %iota3A, %xor3A_263 : vector<16xi32>
      %broadcast_in_dim3A_265 = vector.shape_cast %xor3A_264 : vector<16xi32> to vector<16x1xi32>
      %gather3A = vector.shape_cast %broadcast_in_dim3A_265 : vector<16x1xi32> to vector<16xi32>
      %gather3A_266 = tpu.dynamic_gather %select_n3A[%gather3A] in [0] : vector<16xf32>, vector<16xi32> -> vector<16xf32>
      %max3A = arith.maximumf %select_n3A, %gather3A_266 : vector<16xf32>
      %xor3A_267 = arith.constant 2 : i32
      %xor3A_268 = vector.broadcast %xor3A_267 : i32 to vector<16xi32>
      %xor3A_269 = arith.xori %iota3A, %xor3A_268 : vector<16xi32>
      %broadcast_in_dim3A_270 = vector.shape_cast %xor3A_269 : vector<16xi32> to vector<16x1xi32>
      %gather3A_271 = vector.shape_cast %broadcast_in_dim3A_270 : vector<16x1xi32> to vector<16xi32>
      %gather3A_272 = tpu.dynamic_gather %max3A[%gather3A_271] in [0] : vector<16xf32>, vector<16xi32> -> vector<16xf32>
      %max3A_273 = arith.maximumf %max3A, %gather3A_272 : vector<16xf32>
      %xor3A_274 = arith.constant 4 : i32
      %xor3A_275 = vector.broadcast %xor3A_274 : i32 to vector<16xi32>
      %xor3A_276 = arith.xori %iota3A, %xor3A_275 : vector<16xi32>
      %broadcast_in_dim3A_277 = vector.shape_cast %xor3A_276 : vector<16xi32> to vector<16x1xi32>
      %gather3A_278 = vector.shape_cast %broadcast_in_dim3A_277 : vector<16x1xi32> to vector<16xi32>
      %gather3A_279 = tpu.dynamic_gather %max3A_273[%gather3A_278] in [0] : vector<16xf32>, vector<16xi32> -> vector<16xf32>
      %max3A_280 = arith.maximumf %max3A_273, %gather3A_279 : vector<16xf32>
      %xor3A_281 = arith.constant 8 : i32
      %xor3A_282 = vector.broadcast %xor3A_281 : i32 to vector<16xi32>
      %xor3A_283 = arith.xori %iota3A, %xor3A_282 : vector<16xi32>
      %broadcast_in_dim3A_284 = vector.shape_cast %xor3A_283 : vector<16xi32> to vector<16x1xi32>
      %gather3A_285 = vector.shape_cast %broadcast_in_dim3A_284 : vector<16x1xi32> to vector<16xi32>
      %gather3A_286 = tpu.dynamic_gather %max3A_280[%gather3A_285] in [0] : vector<16xf32>, vector<16xi32> -> vector<16xf32>
      %max3A_287 = arith.maximumf %max3A_280, %gather3A_286 : vector<16xf32>
      %sub3A = arith.subf %select_n3A, %max3A_287 : vector<16xf32>
      %exp3A = math.exp %sub3A : vector<16xf32>
      %xor3A_288 = arith.constant 1 : i32
      %xor3A_289 = vector.broadcast %xor3A_288 : i32 to vector<16xi32>
      %xor3A_290 = arith.xori %iota3A, %xor3A_289 : vector<16xi32>
      %broadcast_in_dim3A_291 = vector.shape_cast %xor3A_290 : vector<16xi32> to vector<16x1xi32>
      %gather3A_292 = vector.shape_cast %broadcast_in_dim3A_291 : vector<16x1xi32> to vector<16xi32>
      %gather3A_293 = tpu.dynamic_gather %exp3A[%gather3A_292] in [0] : vector<16xf32>, vector<16xi32> -> vector<16xf32>
      %add3A_294 = arith.addf %exp3A, %gather3A_293 : vector<16xf32>
      %xor3A_295 = arith.constant 2 : i32
      %xor3A_296 = vector.broadcast %xor3A_295 : i32 to vector<16xi32>
      %xor3A_297 = arith.xori %iota3A, %xor3A_296 : vector<16xi32>
      %broadcast_in_dim3A_298 = vector.shape_cast %xor3A_297 : vector<16xi32> to vector<16x1xi32>
      %gather3A_299 = vector.shape_cast %broadcast_in_dim3A_298 : vector<16x1xi32> to vector<16xi32>
      %gather3A_300 = tpu.dynamic_gather %add3A_294[%gather3A_299] in [0] : vector<16xf32>, vector<16xi32> -> vector<16xf32>
      %add3A_301 = arith.addf %add3A_294, %gather3A_300 : vector<16xf32>
      %xor3A_302 = arith.constant 4 : i32
      %xor3A_303 = vector.broadcast %xor3A_302 : i32 to vector<16xi32>
      %xor3A_304 = arith.xori %iota3A, %xor3A_303 : vector<16xi32>
      %broadcast_in_dim3A_305 = vector.shape_cast %xor3A_304 : vector<16xi32> to vector<16x1xi32>
      %gather3A_306 = vector.shape_cast %broadcast_in_dim3A_305 : vector<16x1xi32> to vector<16xi32>
      %gather3A_307 = tpu.dynamic_gather %add3A_301[%gather3A_306] in [0] : vector<16xf32>, vector<16xi32> -> vector<16xf32>
      %add3A_308 = arith.addf %add3A_301, %gather3A_307 : vector<16xf32>
      %xor3A_309 = arith.constant 8 : i32
      %xor3A_310 = vector.broadcast %xor3A_309 : i32 to vector<16xi32>
      %xor3A_311 = arith.xori %iota3A, %xor3A_310 : vector<16xi32>
      %broadcast_in_dim3A_312 = vector.shape_cast %xor3A_311 : vector<16xi32> to vector<16x1xi32>
      %gather3A_313 = vector.shape_cast %broadcast_in_dim3A_312 : vector<16x1xi32> to vector<16xi32>
      %gather3A_314 = tpu.dynamic_gather %add3A_308[%gather3A_313] in [0] : vector<16xf32>, vector<16xi32> -> vector<16xf32>
      %add3A_315 = arith.addf %add3A_308, %gather3A_314 : vector<16xf32>
      %div3A = arith.divf %exp3A, %add3A_315 : vector<16xf32>
      %xor3A_316 = arith.constant 1 : i32
      %xor3A_317 = vector.broadcast %xor3A_316 : i32 to vector<16xi32>
      %xor3A_318 = arith.xori %iota3A, %xor3A_317 : vector<16xi32>
      %broadcast_in_dim3A_319 = vector.shape_cast %xor3A_318 : vector<16xi32> to vector<16x1xi32>
      %gather3A_320 = vector.shape_cast %broadcast_in_dim3A_319 : vector<16x1xi32> to vector<16xi32>
      %gather3A_321 = tpu.dynamic_gather %div3A[%gather3A_320] in [0] : vector<16xf32>, vector<16xi32> -> vector<16xf32>
      %max3A_322 = arith.maximumf %div3A, %gather3A_321 : vector<16xf32>
      %xor3A_323 = arith.constant 2 : i32
      %xor3A_324 = vector.broadcast %xor3A_323 : i32 to vector<16xi32>
      %xor3A_325 = arith.xori %iota3A, %xor3A_324 : vector<16xi32>
      %broadcast_in_dim3A_326 = vector.shape_cast %xor3A_325 : vector<16xi32> to vector<16x1xi32>
      %gather3A_327 = vector.shape_cast %broadcast_in_dim3A_326 : vector<16x1xi32> to vector<16xi32>
      %gather3A_328 = tpu.dynamic_gather %max3A_322[%gather3A_327] in [0] : vector<16xf32>, vector<16xi32> -> vector<16xf32>
      %max3A_329 = arith.maximumf %max3A_322, %gather3A_328 : vector<16xf32>
      %xor3A_330 = arith.constant 4 : i32
      %xor3A_331 = vector.broadcast %xor3A_330 : i32 to vector<16xi32>
      %xor3A_332 = arith.xori %iota3A, %xor3A_331 : vector<16xi32>
      %broadcast_in_dim3A_333 = vector.shape_cast %xor3A_332 : vector<16xi32> to vector<16x1xi32>
      %gather3A_334 = vector.shape_cast %broadcast_in_dim3A_333 : vector<16x1xi32> to vector<16xi32>
      %gather3A_335 = tpu.dynamic_gather %max3A_329[%gather3A_334] in [0] : vector<16xf32>, vector<16xi32> -> vector<16xf32>
      %max3A_336 = arith.maximumf %max3A_329, %gather3A_335 : vector<16xf32>
      %xor3A_337 = arith.constant 8 : i32
      %xor3A_338 = vector.broadcast %xor3A_337 : i32 to vector<16xi32>
      %xor3A_339 = arith.xori %iota3A, %xor3A_338 : vector<16xi32>
      %broadcast_in_dim3A_340 = vector.shape_cast %xor3A_339 : vector<16xi32> to vector<16x1xi32>
      %gather3A_341 = vector.shape_cast %broadcast_in_dim3A_340 : vector<16x1xi32> to vector<16xi32>
      %gather3A_342 = tpu.dynamic_gather %max3A_336[%gather3A_341] in [0] : vector<16xf32>, vector<16xi32> -> vector<16xf32>
      %max3A_343 = arith.maximumf %max3A_336, %gather3A_342 : vector<16xf32>
      %eq3A_344 = arith.cmpf oeq, %div3A, %max3A_343 : vector<16xf32>
      %jit3A_345 = arith.constant 16 : i32
      %broadcast_in_dim3A_346 = vector.broadcast %jit3A_345 : i32 to vector<16xi32>
      %select_n3A_347 = arith.select %eq3A_344, %iota3A, %broadcast_in_dim3A_346 : vector<16xi1>, vector<16xi32>
      %xor3A_348 = arith.constant 1 : i32
      %xor3A_349 = vector.broadcast %xor3A_348 : i32 to vector<16xi32>
      %xor3A_350 = arith.xori %iota3A, %xor3A_349 : vector<16xi32>
      %broadcast_in_dim3A_351 = vector.shape_cast %xor3A_350 : vector<16xi32> to vector<16x1xi32>
      %gather3A_352 = vector.shape_cast %broadcast_in_dim3A_351 : vector<16x1xi32> to vector<16xi32>
      %gather3A_353 = tpu.dynamic_gather %select_n3A_347[%gather3A_352] in [0] : vector<16xi32>, vector<16xi32> -> vector<16xi32>
      %min3A = arith.minsi %select_n3A_347, %gather3A_353 : vector<16xi32>
      %xor3A_354 = arith.constant 2 : i32
      %xor3A_355 = vector.broadcast %xor3A_354 : i32 to vector<16xi32>
      %xor3A_356 = arith.xori %iota3A, %xor3A_355 : vector<16xi32>
      %broadcast_in_dim3A_357 = vector.shape_cast %xor3A_356 : vector<16xi32> to vector<16x1xi32>
      %gather3A_358 = vector.shape_cast %broadcast_in_dim3A_357 : vector<16x1xi32> to vector<16xi32>
      %gather3A_359 = tpu.dynamic_gather %min3A[%gather3A_358] in [0] : vector<16xi32>, vector<16xi32> -> vector<16xi32>
      %min3A_360 = arith.minsi %min3A, %gather3A_359 : vector<16xi32>
      %xor3A_361 = arith.constant 4 : i32
      %xor3A_362 = vector.broadcast %xor3A_361 : i32 to vector<16xi32>
      %xor3A_363 = arith.xori %iota3A, %xor3A_362 : vector<16xi32>
      %broadcast_in_dim3A_364 = vector.shape_cast %xor3A_363 : vector<16xi32> to vector<16x1xi32>
      %gather3A_365 = vector.shape_cast %broadcast_in_dim3A_364 : vector<16x1xi32> to vector<16xi32>
      %gather3A_366 = tpu.dynamic_gather %min3A_360[%gather3A_365] in [0] : vector<16xi32>, vector<16xi32> -> vector<16xi32>
      %min3A_367 = arith.minsi %min3A_360, %gather3A_366 : vector<16xi32>
      %xor3A_368 = arith.constant 8 : i32
      %xor3A_369 = vector.broadcast %xor3A_368 : i32 to vector<16xi32>
      %xor3A_370 = arith.xori %iota3A, %xor3A_369 : vector<16xi32>
      %broadcast_in_dim3A_371 = vector.shape_cast %xor3A_370 : vector<16xi32> to vector<16x1xi32>
      %gather3A_372 = vector.shape_cast %broadcast_in_dim3A_371 : vector<16x1xi32> to vector<16xi32>
      %gather3A_373 = tpu.dynamic_gather %min3A_367[%gather3A_372] in [0] : vector<16xi32>, vector<16xi32> -> vector<16xi32>
      %min3A_374 = arith.minsi %min3A_367, %gather3A_373 : vector<16xi32>
      %eq3A_375 = arith.cmpi eq, %iota3A, %min3A_374 : vector<16xi32>
      %jit3A_376 = arith.constant -1.000000e+00 : f32
      %broadcast_in_dim3A_377 = vector.broadcast %jit3A_376 : f32 to vector<16xf32>
      %select_n3A_378 = arith.select %eq3A_375, %broadcast_in_dim3A_377, %div3A : vector<16xi1>, vector<16xf32>
      %xor3A_379 = arith.constant 1 : i32
      %xor3A_380 = vector.broadcast %xor3A_379 : i32 to vector<16xi32>
      %xor3A_381 = arith.xori %iota3A, %xor3A_380 : vector<16xi32>
      %broadcast_in_dim3A_382 = vector.shape_cast %xor3A_381 : vector<16xi32> to vector<16x1xi32>
      %gather3A_383 = vector.shape_cast %broadcast_in_dim3A_382 : vector<16x1xi32> to vector<16xi32>
      %gather3A_384 = tpu.dynamic_gather %select_n3A_378[%gather3A_383] in [0] : vector<16xf32>, vector<16xi32> -> vector<16xf32>
      %max3A_385 = arith.maximumf %select_n3A_378, %gather3A_384 : vector<16xf32>
      %xor3A_386 = arith.constant 2 : i32
      %xor3A_387 = vector.broadcast %xor3A_386 : i32 to vector<16xi32>
      %xor3A_388 = arith.xori %iota3A, %xor3A_387 : vector<16xi32>
      %broadcast_in_dim3A_389 = vector.shape_cast %xor3A_388 : vector<16xi32> to vector<16x1xi32>
      %gather3A_390 = vector.shape_cast %broadcast_in_dim3A_389 : vector<16x1xi32> to vector<16xi32>
      %gather3A_391 = tpu.dynamic_gather %max3A_385[%gather3A_390] in [0] : vector<16xf32>, vector<16xi32> -> vector<16xf32>
      %max3A_392 = arith.maximumf %max3A_385, %gather3A_391 : vector<16xf32>
      %xor3A_393 = arith.constant 4 : i32
      %xor3A_394 = vector.broadcast %xor3A_393 : i32 to vector<16xi32>
      %xor3A_395 = arith.xori %iota3A, %xor3A_394 : vector<16xi32>
      %broadcast_in_dim3A_396 = vector.shape_cast %xor3A_395 : vector<16xi32> to vector<16x1xi32>
      %gather3A_397 = vector.shape_cast %broadcast_in_dim3A_396 : vector<16x1xi32> to vector<16xi32>
      %gather3A_398 = tpu.dynamic_gather %max3A_392[%gather3A_397] in [0] : vector<16xf32>, vector<16xi32> -> vector<16xf32>
      %max3A_399 = arith.maximumf %max3A_392, %gather3A_398 : vector<16xf32>
      %xor3A_400 = arith.constant 8 : i32
      %xor3A_401 = vector.broadcast %xor3A_400 : i32 to vector<16xi32>
      %xor3A_402 = arith.xori %iota3A, %xor3A_401 : vector<16xi32>
      %broadcast_in_dim3A_403 = vector.shape_cast %xor3A_402 : vector<16xi32> to vector<16x1xi32>
      %gather3A_404 = vector.shape_cast %broadcast_in_dim3A_403 : vector<16x1xi32> to vector<16xi32>
      %gather3A_405 = tpu.dynamic_gather %max3A_399[%gather3A_404] in [0] : vector<16xf32>, vector<16xi32> -> vector<16xf32>
      %max3A_406 = arith.maximumf %max3A_399, %gather3A_405 : vector<16xf32>
      %eq3A_407 = arith.cmpf oeq, %select_n3A_378, %max3A_406 : vector<16xf32>
      %jit3A_408 = arith.constant 16 : i32
      %broadcast_in_dim3A_409 = vector.broadcast %jit3A_408 : i32 to vector<16xi32>
      %select_n3A_410 = arith.select %eq3A_407, %iota3A, %broadcast_in_dim3A_409 : vector<16xi1>, vector<16xi32>
      %xor3A_411 = arith.constant 1 : i32
      %xor3A_412 = vector.broadcast %xor3A_411 : i32 to vector<16xi32>
      %xor3A_413 = arith.xori %iota3A, %xor3A_412 : vector<16xi32>
      %broadcast_in_dim3A_414 = vector.shape_cast %xor3A_413 : vector<16xi32> to vector<16x1xi32>
      %gather3A_415 = vector.shape_cast %broadcast_in_dim3A_414 : vector<16x1xi32> to vector<16xi32>
      %gather3A_416 = tpu.dynamic_gather %select_n3A_410[%gather3A_415] in [0] : vector<16xi32>, vector<16xi32> -> vector<16xi32>
      %min3A_417 = arith.minsi %select_n3A_410, %gather3A_416 : vector<16xi32>
      %xor3A_418 = arith.constant 2 : i32
      %xor3A_419 = vector.broadcast %xor3A_418 : i32 to vector<16xi32>
      %xor3A_420 = arith.xori %iota3A, %xor3A_419 : vector<16xi32>
      %broadcast_in_dim3A_421 = vector.shape_cast %xor3A_420 : vector<16xi32> to vector<16x1xi32>
      %gather3A_422 = vector.shape_cast %broadcast_in_dim3A_421 : vector<16x1xi32> to vector<16xi32>
      %gather3A_423 = tpu.dynamic_gather %min3A_417[%gather3A_422] in [0] : vector<16xi32>, vector<16xi32> -> vector<16xi32>
      %min3A_424 = arith.minsi %min3A_417, %gather3A_423 : vector<16xi32>
      %xor3A_425 = arith.constant 4 : i32
      %xor3A_426 = vector.broadcast %xor3A_425 : i32 to vector<16xi32>
      %xor3A_427 = arith.xori %iota3A, %xor3A_426 : vector<16xi32>
      %broadcast_in_dim3A_428 = vector.shape_cast %xor3A_427 : vector<16xi32> to vector<16x1xi32>
      %gather3A_429 = vector.shape_cast %broadcast_in_dim3A_428 : vector<16x1xi32> to vector<16xi32>
      %gather3A_430 = tpu.dynamic_gather %min3A_424[%gather3A_429] in [0] : vector<16xi32>, vector<16xi32> -> vector<16xi32>
      %min3A_431 = arith.minsi %min3A_424, %gather3A_430 : vector<16xi32>
      %xor3A_432 = arith.constant 8 : i32
      %xor3A_433 = vector.broadcast %xor3A_432 : i32 to vector<16xi32>
      %xor3A_434 = arith.xori %iota3A, %xor3A_433 : vector<16xi32>
      %broadcast_in_dim3A_435 = vector.shape_cast %xor3A_434 : vector<16xi32> to vector<16x1xi32>
      %gather3A_436 = vector.shape_cast %broadcast_in_dim3A_435 : vector<16x1xi32> to vector<16xi32>
      %gather3A_437 = tpu.dynamic_gather %min3A_431[%gather3A_436] in [0] : vector<16xi32>, vector<16xi32> -> vector<16xi32>
      %min3A_438 = arith.minsi %min3A_431, %gather3A_437 : vector<16xi32>
      %eq3A_439 = arith.constant 0 : i32
      %eq3A_440 = vector.broadcast %eq3A_439 : i32 to vector<16xi32>
      %eq3A_441 = arith.cmpi eq, %iota3A, %eq3A_440 : vector<16xi32>
      %eq3A_442 = arith.constant 1 : i32
      %eq3A_443 = vector.broadcast %eq3A_442 : i32 to vector<16xi32>
      %eq3A_444 = arith.cmpi eq, %iota3A, %eq3A_443 : vector<16xi32>
      %jit3A_445 = arith.constant 0.000000e+00 : f32
      %broadcast_in_dim3A_446 = vector.broadcast %jit3A_445 : f32 to vector<16xf32>
      %select_n3A_447 = arith.select %eq3A_444, %max3A_406, %broadcast_in_dim3A_446 : vector<16xi1>, vector<16xf32>
      %select_n3A_448 = arith.select %eq3A_441, %max3A_343, %select_n3A_447 : vector<16xi1>, vector<16xf32>
      %swap3A = arith.constant 0 : i32
      %swap3A_449 = arith.index_cast %swap3A : i32 to index
      %swap3A_450 = arith.constant 0 : index
      %swap3A_451 = tpu.vector_load %arg8[%swap3A_449, %swap3A_450] {strides = array<i32>} : memref<2x16xf32, #tpu.memory_space<vmem>>, vector<1x16xf32>,
      %swap3A_452 = vector.shape_cast %swap3A_451 : vector<1x16xf32> to vector<16xf32>
      %swap3A_453 = vector.shape_cast %select_n3A_448 : vector<16xf32> to vector<1x16xf32>
      tpu.vector_store %arg8[%swap3A_449, %swap3A_450], %swap3A_453 {strides = array<i32>} : memref<2x16xf32, #tpu.memory_space<vmem>>, vector<1x16xf32>,
      %eq3A_454 = arith.constant 0 : i32
      %eq3A_455 = vector.broadcast %eq3A_454 : i32 to vector<16xi32>
      %eq3A_456 = arith.cmpi eq, %iota3A, %eq3A_455 : vector<16xi32>
      %eq3A_457 = arith.constant 1 : i32
      %eq3A_458 = vector.broadcast %eq3A_457 : i32 to vector<16xi32>
      %eq3A_459 = arith.cmpi eq, %iota3A, %eq3A_458 : vector<16xi32>
      %jit3A_460 = arith.constant 0 : i32
      %broadcast_in_dim3A_461 = vector.broadcast %jit3A_460 : i32 to vector<16xi32>
      %select_n3A_462 = arith.select %eq3A_459, %min3A_438, %broadcast_in_dim3A_461 : vector<16xi1>, vector<16xi32>
      %select_n3A_463 = arith.select %eq3A_456, %min3A_374, %select_n3A_462 : vector<16xi1>, vector<16xi32>
      %swap3A_464 = arith.constant 0 : i32
      %swap3A_465 = arith.index_cast %swap3A_464 : i32 to index
      %swap3A_466 = arith.constant 0 : index
      %swap3A_467 = tpu.vector_load %arg9[%swap3A_465, %swap3A_466] {strides = array<i32>} : memref<2x16xi32, #tpu.memory_space<vmem>>, vector<1x16xi32>,
      %swap3A_468 = vector.shape_cast %swap3A_467 : vector<1x16xi32> to vector<16xi32>
      %swap3A_469 = vector.shape_cast %select_n3A_463 : vector<16xi32> to vector<1x16xi32>
      tpu.vector_store %arg9[%swap3A_465, %swap3A_466], %swap3A_469 {strides = array<i32>} : memref<2x16xi32, #tpu.memory_space<vmem>>, vector<1x16xi32>,
      %get3A_470 = arith.constant 0 : i32
      %get3A_471 = arith.constant 1 : i32
      %get3A_472 = arith.index_cast %get3A_470 : i32 to index
      %get3A_473 = arith.index_cast %get3A_471 : i32 to index
      %get3A_474 = arith.constant 0 : index
      %get3A_475 = tpu.vector_load %arg6[%get3A_472, %get3A_473, %get3A_474] {strides = array<i32>} : memref<32x2x16xf32, #tpu.memory_space<vmem>>, vector<1x1x16xf32>,
      %get3A_476 = vector.shape_cast %get3A_475 : vector<1x1x16xf32> to vector<16xf32>
      %add3A_477 = arith.addf %get3A_476, %get3A_5 : vector<16xf32>
      %get3A_478 = arith.constant 1 : i32
      %get3A_479 = arith.constant 1 : i32
      %get3A_480 = arith.index_cast %get3A_478 : i32 to index
      %get3A_481 = arith.index_cast %get3A_479 : i32 to index
      %get3A_482 = arith.constant 0 : index
      %get3A_483 = tpu.vector_load %arg6[%get3A_480, %get3A_481, %get3A_482] {strides = array<i32>} : memref<32x2x16xf32, #tpu.memory_space<vmem>>, vector<1x1x16xf32>,
      %get3A_484 = vector.shape_cast %get3A_483 : vector<1x1x16xf32> to vector<16xf32>
      %add3A_485 = arith.addf %add3A_477, %get3A_484 : vector<16xf32>
      %get3A_486 = arith.constant 2 : i32
      %get3A_487 = arith.constant 1 : i32
      %get3A_488 = arith.index_cast %get3A_486 : i32 to index
      %get3A_489 = arith.index_cast %get3A_487 : i32 to index
      %get3A_490 = arith.constant 0 : index
      %get3A_491 = tpu.vector_load %arg6[%get3A_488, %get3A_489, %get3A_490] {strides = array<i32>} : memref<32x2x16xf32, #tpu.memory_space<vmem>>, vector<1x1x16xf32>,
      %get3A_492 = vector.shape_cast %get3A_491 : vector<1x1x16xf32> to vector<16xf32>
      %add3A_493 = arith.addf %add3A_485, %get3A_492 : vector<16xf32>
      %get3A_494 = arith.constant 3 : i32
      %get3A_495 = arith.constant 1 : i32
      %get3A_496 = arith.index_cast %get3A_494 : i32 to index
      %get3A_497 = arith.index_cast %get3A_495 : i32 to index
      %get3A_498 = arith.constant 0 : index
      %get3A_499 = tpu.vector_load %arg6[%get3A_496, %get3A_497, %get3A_498] {strides = array<i32>} : memref<32x2x16xf32, #tpu.memory_space<vmem>>, vector<1x1x16xf32>,
      %get3A_500 = vector.shape_cast %get3A_499 : vector<1x1x16xf32> to vector<16xf32>
      %add3A_501 = arith.addf %add3A_493, %get3A_500 : vector<16xf32>
      %get3A_502 = arith.constant 4 : i32
      %get3A_503 = arith.constant 1 : i32
      %get3A_504 = arith.index_cast %get3A_502 : i32 to index
      %get3A_505 = arith.index_cast %get3A_503 : i32 to index
      %get3A_506 = arith.constant 0 : index
      %get3A_507 = tpu.vector_load %arg6[%get3A_504, %get3A_505, %get3A_506] {strides = array<i32>} : memref<32x2x16xf32, #tpu.memory_space<vmem>>, vector<1x1x16xf32>,
      %get3A_508 = vector.shape_cast %get3A_507 : vector<1x1x16xf32> to vector<16xf32>
      %add3A_509 = arith.addf %add3A_501, %get3A_508 : vector<16xf32>
      %get3A_510 = arith.constant 5 : i32
      %get3A_511 = arith.constant 1 : i32
      %get3A_512 = arith.index_cast %get3A_510 : i32 to index
      %get3A_513 = arith.index_cast %get3A_511 : i32 to index
      %get3A_514 = arith.constant 0 : index
      %get3A_515 = tpu.vector_load %arg6[%get3A_512, %get3A_513, %get3A_514] {strides = array<i32>} : memref<32x2x16xf32, #tpu.memory_space<vmem>>, vector<1x1x16xf32>,
      %get3A_516 = vector.shape_cast %get3A_515 : vector<1x1x16xf32> to vector<16xf32>
      %add3A_517 = arith.addf %add3A_509, %get3A_516 : vector<16xf32>
      %get3A_518 = arith.constant 6 : i32
      %get3A_519 = arith.constant 1 : i32
      %get3A_520 = arith.index_cast %get3A_518 : i32 to index
      %get3A_521 = arith.index_cast %get3A_519 : i32 to index
      %get3A_522 = arith.constant 0 : index
      %get3A_523 = tpu.vector_load %arg6[%get3A_520, %get3A_521, %get3A_522] {strides = array<i32>} : memref<32x2x16xf32, #tpu.memory_space<vmem>>, vector<1x1x16xf32>,
      %get3A_524 = vector.shape_cast %get3A_523 : vector<1x1x16xf32> to vector<16xf32>
      %add3A_525 = arith.addf %add3A_517, %get3A_524 : vector<16xf32>
      %get3A_526 = arith.constant 7 : i32
      %get3A_527 = arith.constant 1 : i32
      %get3A_528 = arith.index_cast %get3A_526 : i32 to index
      %get3A_529 = arith.index_cast %get3A_527 : i32 to index
      %get3A_530 = arith.constant 0 : index
      %get3A_531 = tpu.vector_load %arg6[%get3A_528, %get3A_529, %get3A_530] {strides = array<i32>} : memref<32x2x16xf32, #tpu.memory_space<vmem>>, vector<1x1x16xf32>,
      %get3A_532 = vector.shape_cast %get3A_531 : vector<1x1x16xf32> to vector<16xf32>
      %add3A_533 = arith.addf %add3A_525, %get3A_532 : vector<16xf32>
      %get3A_534 = arith.constant 8 : i32
      %get3A_535 = arith.constant 1 : i32
      %get3A_536 = arith.index_cast %get3A_534 : i32 to index
      %get3A_537 = arith.index_cast %get3A_535 : i32 to index
      %get3A_538 = arith.constant 0 : index
      %get3A_539 = tpu.vector_load %arg6[%get3A_536, %get3A_537, %get3A_538] {strides = array<i32>} : memref<32x2x16xf32, #tpu.memory_space<vmem>>, vector<1x1x16xf32>,
      %get3A_540 = vector.shape_cast %get3A_539 : vector<1x1x16xf32> to vector<16xf32>
      %add3A_541 = arith.addf %add3A_533, %get3A_540 : vector<16xf32>
      %get3A_542 = arith.constant 9 : i32
      %get3A_543 = arith.constant 1 : i32
      %get3A_544 = arith.index_cast %get3A_542 : i32 to index
      %get3A_545 = arith.index_cast %get3A_543 : i32 to index
      %get3A_546 = arith.constant 0 : index
      %get3A_547 = tpu.vector_load %arg6[%get3A_544, %get3A_545, %get3A_546] {strides = array<i32>} : memref<32x2x16xf32, #tpu.memory_space<vmem>>, vector<1x1x16xf32>,
      %get3A_548 = vector.shape_cast %get3A_547 : vector<1x1x16xf32> to vector<16xf32>
      %add3A_549 = arith.addf %add3A_541, %get3A_548 : vector<16xf32>
      %get3A_550 = arith.constant 10 : i32
      %get3A_551 = arith.constant 1 : i32
      %get3A_552 = arith.index_cast %get3A_550 : i32 to index
      %get3A_553 = arith.index_cast %get3A_551 : i32 to index
      %get3A_554 = arith.constant 0 : index
      %get3A_555 = tpu.vector_load %arg6[%get3A_552, %get3A_553, %get3A_554] {strides = array<i32>} : memref<32x2x16xf32, #tpu.memory_space<vmem>>, vector<1x1x16xf32>,
      %get3A_556 = vector.shape_cast %get3A_555 : vector<1x1x16xf32> to vector<16xf32>
      %add3A_557 = arith.addf %add3A_549, %get3A_556 : vector<16xf32>
      %get3A_558 = arith.constant 11 : i32
      %get3A_559 = arith.constant 1 : i32
      %get3A_560 = arith.index_cast %get3A_558 : i32 to index
      %get3A_561 = arith.index_cast %get3A_559 : i32 to index
      %get3A_562 = arith.constant 0 : index
      %get3A_563 = tpu.vector_load %arg6[%get3A_560, %get3A_561, %get3A_562] {strides = array<i32>} : memref<32x2x16xf32, #tpu.memory_space<vmem>>, vector<1x1x16xf32>,
      %get3A_564 = vector.shape_cast %get3A_563 : vector<1x1x16xf32> to vector<16xf32>
      %add3A_565 = arith.addf %add3A_557, %get3A_564 : vector<16xf32>
      %get3A_566 = arith.constant 12 : i32
      %get3A_567 = arith.constant 1 : i32
      %get3A_568 = arith.index_cast %get3A_566 : i32 to index
      %get3A_569 = arith.index_cast %get3A_567 : i32 to index
      %get3A_570 = arith.constant 0 : index
      %get3A_571 = tpu.vector_load %arg6[%get3A_568, %get3A_569, %get3A_570] {strides = array<i32>} : memref<32x2x16xf32, #tpu.memory_space<vmem>>, vector<1x1x16xf32>,
      %get3A_572 = vector.shape_cast %get3A_571 : vector<1x1x16xf32> to vector<16xf32>
      %add3A_573 = arith.addf %add3A_565, %get3A_572 : vector<16xf32>
      %get3A_574 = arith.constant 13 : i32
      %get3A_575 = arith.constant 1 : i32
      %get3A_576 = arith.index_cast %get3A_574 : i32 to index
      %get3A_577 = arith.index_cast %get3A_575 : i32 to index
      %get3A_578 = arith.constant 0 : index
      %get3A_579 = tpu.vector_load %arg6[%get3A_576, %get3A_577, %get3A_578] {strides = array<i32>} : memref<32x2x16xf32, #tpu.memory_space<vmem>>, vector<1x1x16xf32>,
      %get3A_580 = vector.shape_cast %get3A_579 : vector<1x1x16xf32> to vector<16xf32>
      %add3A_581 = arith.addf %add3A_573, %get3A_580 : vector<16xf32>
      %get3A_582 = arith.constant 14 : i32
      %get3A_583 = arith.constant 1 : i32
      %get3A_584 = arith.index_cast %get3A_582 : i32 to index
      %get3A_585 = arith.index_cast %get3A_583 : i32 to index
      %get3A_586 = arith.constant 0 : index
      %get3A_587 = tpu.vector_load %arg6[%get3A_584, %get3A_585, %get3A_586] {strides = array<i32>} : memref<32x2x16xf32, #tpu.memory_space<vmem>>, vector<1x1x16xf32>,
      %get3A_588 = vector.shape_cast %get3A_587 : vector<1x1x16xf32> to vector<16xf32>
      %add3A_589 = arith.addf %add3A_581, %get3A_588 : vector<16xf32>
      %get3A_590 = arith.constant 15 : i32
      %get3A_591 = arith.constant 1 : i32
      %get3A_592 = arith.index_cast %get3A_590 : i32 to index
      %get3A_593 = arith.index_cast %get3A_591 : i32 to index
      %get3A_594 = arith.constant 0 : index
      %get3A_595 = tpu.vector_load %arg6[%get3A_592, %get3A_593, %get3A_594] {strides = array<i32>} : memref<32x2x16xf32, #tpu.memory_space<vmem>>, vector<1x1x16xf32>,
      %get3A_596 = vector.shape_cast %get3A_595 : vector<1x1x16xf32> to vector<16xf32>
      %add3A_597 = arith.addf %add3A_589, %get3A_596 : vector<16xf32>
      %get3A_598 = arith.constant 16 : i32
      %get3A_599 = arith.constant 1 : i32
      %get3A_600 = arith.index_cast %get3A_598 : i32 to index
      %get3A_601 = arith.index_cast %get3A_599 : i32 to index
      %get3A_602 = arith.constant 0 : index
      %get3A_603 = tpu.vector_load %arg6[%get3A_600, %get3A_601, %get3A_602] {strides = array<i32>} : memref<32x2x16xf32, #tpu.memory_space<vmem>>, vector<1x1x16xf32>,
      %get3A_604 = vector.shape_cast %get3A_603 : vector<1x1x16xf32> to vector<16xf32>
      %add3A_605 = arith.addf %add3A_597, %get3A_604 : vector<16xf32>
      %get3A_606 = arith.constant 17 : i32
      %get3A_607 = arith.constant 1 : i32
      %get3A_608 = arith.index_cast %get3A_606 : i32 to index
      %get3A_609 = arith.index_cast %get3A_607 : i32 to index
      %get3A_610 = arith.constant 0 : index
      %get3A_611 = tpu.vector_load %arg6[%get3A_608, %get3A_609, %get3A_610] {strides = array<i32>} : memref<32x2x16xf32, #tpu.memory_space<vmem>>, vector<1x1x16xf32>,
      %get3A_612 = vector.shape_cast %get3A_611 : vector<1x1x16xf32> to vector<16xf32>
      %add3A_613 = arith.addf %add3A_605, %get3A_612 : vector<16xf32>
      %get3A_614 = arith.constant 18 : i32
      %get3A_615 = arith.constant 1 : i32
      %get3A_616 = arith.index_cast %get3A_614 : i32 to index
      %get3A_617 = arith.index_cast %get3A_615 : i32 to index
      %get3A_618 = arith.constant 0 : index
      %get3A_619 = tpu.vector_load %arg6[%get3A_616, %get3A_617, %get3A_618] {strides = array<i32>} : memref<32x2x16xf32, #tpu.memory_space<vmem>>, vector<1x1x16xf32>,
      %get3A_620 = vector.shape_cast %get3A_619 : vector<1x1x16xf32> to vector<16xf32>
      %add3A_621 = arith.addf %add3A_613, %get3A_620 : vector<16xf32>
      %get3A_622 = arith.constant 19 : i32
      %get3A_623 = arith.constant 1 : i32
      %get3A_624 = arith.index_cast %get3A_622 : i32 to index
      %get3A_625 = arith.index_cast %get3A_623 : i32 to index
      %get3A_626 = arith.constant 0 : index
      %get3A_627 = tpu.vector_load %arg6[%get3A_624, %get3A_625, %get3A_626] {strides = array<i32>} : memref<32x2x16xf32, #tpu.memory_space<vmem>>, vector<1x1x16xf32>,
      %get3A_628 = vector.shape_cast %get3A_627 : vector<1x1x16xf32> to vector<16xf32>
      %add3A_629 = arith.addf %add3A_621, %get3A_628 : vector<16xf32>
      %get3A_630 = arith.constant 20 : i32
      %get3A_631 = arith.constant 1 : i32
      %get3A_632 = arith.index_cast %get3A_630 : i32 to index
      %get3A_633 = arith.index_cast %get3A_631 : i32 to index
      %get3A_634 = arith.constant 0 : index
      %get3A_635 = tpu.vector_load %arg6[%get3A_632, %get3A_633, %get3A_634] {strides = array<i32>} : memref<32x2x16xf32, #tpu.memory_space<vmem>>, vector<1x1x16xf32>,
      %get3A_636 = vector.shape_cast %get3A_635 : vector<1x1x16xf32> to vector<16xf32>
      %add3A_637 = arith.addf %add3A_629, %get3A_636 : vector<16xf32>
      %get3A_638 = arith.constant 21 : i32
      %get3A_639 = arith.constant 1 : i32
      %get3A_640 = arith.index_cast %get3A_638 : i32 to index
      %get3A_641 = arith.index_cast %get3A_639 : i32 to index
      %get3A_642 = arith.constant 0 : index
      %get3A_643 = tpu.vector_load %arg6[%get3A_640, %get3A_641, %get3A_642] {strides = array<i32>} : memref<32x2x16xf32, #tpu.memory_space<vmem>>, vector<1x1x16xf32>,
      %get3A_644 = vector.shape_cast %get3A_643 : vector<1x1x16xf32> to vector<16xf32>
      %add3A_645 = arith.addf %add3A_637, %get3A_644 : vector<16xf32>
      %get3A_646 = arith.constant 22 : i32
      %get3A_647 = arith.constant 1 : i32
      %get3A_648 = arith.index_cast %get3A_646 : i32 to index
      %get3A_649 = arith.index_cast %get3A_647 : i32 to index
      %get3A_650 = arith.constant 0 : index
      %get3A_651 = tpu.vector_load %arg6[%get3A_648, %get3A_649, %get3A_650] {strides = array<i32>} : memref<32x2x16xf32, #tpu.memory_space<vmem>>, vector<1x1x16xf32>,
      %get3A_652 = vector.shape_cast %get3A_651 : vector<1x1x16xf32> to vector<16xf32>
      %add3A_653 = arith.addf %add3A_645, %get3A_652 : vector<16xf32>
      %get3A_654 = arith.constant 23 : i32
      %get3A_655 = arith.constant 1 : i32
      %get3A_656 = arith.index_cast %get3A_654 : i32 to index
      %get3A_657 = arith.index_cast %get3A_655 : i32 to index
      %get3A_658 = arith.constant 0 : index
      %get3A_659 = tpu.vector_load %arg6[%get3A_656, %get3A_657, %get3A_658] {strides = array<i32>} : memref<32x2x16xf32, #tpu.memory_space<vmem>>, vector<1x1x16xf32>,
      %get3A_660 = vector.shape_cast %get3A_659 : vector<1x1x16xf32> to vector<16xf32>
      %add3A_661 = arith.addf %add3A_653, %get3A_660 : vector<16xf32>
      %get3A_662 = arith.constant 24 : i32
      %get3A_663 = arith.constant 1 : i32
      %get3A_664 = arith.index_cast %get3A_662 : i32 to index
      %get3A_665 = arith.index_cast %get3A_663 : i32 to index
      %get3A_666 = arith.constant 0 : index
      %get3A_667 = tpu.vector_load %arg6[%get3A_664, %get3A_665, %get3A_666] {strides = array<i32>} : memref<32x2x16xf32, #tpu.memory_space<vmem>>, vector<1x1x16xf32>,
      %get3A_668 = vector.shape_cast %get3A_667 : vector<1x1x16xf32> to vector<16xf32>
      %add3A_669 = arith.addf %add3A_661, %get3A_668 : vector<16xf32>
      %get3A_670 = arith.constant 25 : i32
      %get3A_671 = arith.constant 1 : i32
      %get3A_672 = arith.index_cast %get3A_670 : i32 to index
      %get3A_673 = arith.index_cast %get3A_671 : i32 to index
      %get3A_674 = arith.constant 0 : index
      %get3A_675 = tpu.vector_load %arg6[%get3A_672, %get3A_673, %get3A_674] {strides = array<i32>} : memref<32x2x16xf32, #tpu.memory_space<vmem>>, vector<1x1x16xf32>,
      %get3A_676 = vector.shape_cast %get3A_675 : vector<1x1x16xf32> to vector<16xf32>
      %add3A_677 = arith.addf %add3A_669, %get3A_676 : vector<16xf32>
      %get3A_678 = arith.constant 26 : i32
      %get3A_679 = arith.constant 1 : i32
      %get3A_680 = arith.index_cast %get3A_678 : i32 to index
      %get3A_681 = arith.index_cast %get3A_679 : i32 to index
      %get3A_682 = arith.constant 0 : index
      %get3A_683 = tpu.vector_load %arg6[%get3A_680, %get3A_681, %get3A_682] {strides = array<i32>} : memref<32x2x16xf32, #tpu.memory_space<vmem>>, vector<1x1x16xf32>,
      %get3A_684 = vector.shape_cast %get3A_683 : vector<1x1x16xf32> to vector<16xf32>
      %add3A_685 = arith.addf %add3A_677, %get3A_684 : vector<16xf32>
      %get3A_686 = arith.constant 27 : i32
      %get3A_687 = arith.constant 1 : i32
      %get3A_688 = arith.index_cast %get3A_686 : i32 to index
      %get3A_689 = arith.index_cast %get3A_687 : i32 to index
      %get3A_690 = arith.constant 0 : index
      %get3A_691 = tpu.vector_load %arg6[%get3A_688, %get3A_689, %get3A_690] {strides = array<i32>} : memref<32x2x16xf32, #tpu.memory_space<vmem>>, vector<1x1x16xf32>,
      %get3A_692 = vector.shape_cast %get3A_691 : vector<1x1x16xf32> to vector<16xf32>
      %add3A_693 = arith.addf %add3A_685, %get3A_692 : vector<16xf32>
      %get3A_694 = arith.constant 28 : i32
      %get3A_695 = arith.constant 1 : i32
      %get3A_696 = arith.index_cast %get3A_694 : i32 to index
      %get3A_697 = arith.index_cast %get3A_695 : i32 to index
      %get3A_698 = arith.constant 0 : index
      %get3A_699 = tpu.vector_load %arg6[%get3A_696, %get3A_697, %get3A_698] {strides = array<i32>} : memref<32x2x16xf32, #tpu.memory_space<vmem>>, vector<1x1x16xf32>,
      %get3A_700 = vector.shape_cast %get3A_699 : vector<1x1x16xf32> to vector<16xf32>
      %add3A_701 = arith.addf %add3A_693, %get3A_700 : vector<16xf32>
      %get3A_702 = arith.constant 29 : i32
      %get3A_703 = arith.constant 1 : i32
      %get3A_704 = arith.index_cast %get3A_702 : i32 to index
      %get3A_705 = arith.index_cast %get3A_703 : i32 to index
      %get3A_706 = arith.constant 0 : index
      %get3A_707 = tpu.vector_load %arg6[%get3A_704, %get3A_705, %get3A_706] {strides = array<i32>} : memref<32x2x16xf32, #tpu.memory_space<vmem>>, vector<1x1x16xf32>,
      %get3A_708 = vector.shape_cast %get3A_707 : vector<1x1x16xf32> to vector<16xf32>
      %add3A_709 = arith.addf %add3A_701, %get3A_708 : vector<16xf32>
      %get3A_710 = arith.constant 30 : i32
      %get3A_711 = arith.constant 1 : i32
      %get3A_712 = arith.index_cast %get3A_710 : i32 to index
      %get3A_713 = arith.index_cast %get3A_711 : i32 to index
      %get3A_714 = arith.constant 0 : index
      %get3A_715 = tpu.vector_load %arg6[%get3A_712, %get3A_713, %get3A_714] {strides = array<i32>} : memref<32x2x16xf32, #tpu.memory_space<vmem>>, vector<1x1x16xf32>,
      %get3A_716 = vector.shape_cast %get3A_715 : vector<1x1x16xf32> to vector<16xf32>
      %add3A_717 = arith.addf %add3A_709, %get3A_716 : vector<16xf32>
      %get3A_718 = arith.constant 31 : i32
      %get3A_719 = arith.constant 1 : i32
      %get3A_720 = arith.index_cast %get3A_718 : i32 to index
      %get3A_721 = arith.index_cast %get3A_719 : i32 to index
      %get3A_722 = arith.constant 0 : index
      %get3A_723 = tpu.vector_load %arg6[%get3A_720, %get3A_721, %get3A_722] {strides = array<i32>} : memref<32x2x16xf32, #tpu.memory_space<vmem>>, vector<1x1x16xf32>,
      %get3A_724 = vector.shape_cast %get3A_723 : vector<1x1x16xf32> to vector<16xf32>
      %add3A_725 = arith.addf %add3A_717, %get3A_724 : vector<16xf32>
      %lt3A_726 = arith.constant 8 : i32
      %lt3A_727 = vector.broadcast %lt3A_726 : i32 to vector<16xi32>
      %lt3A_728 = arith.cmpi slt, %iota3A, %lt3A_727 : vector<16xi32>
      %jit3A_729 = arith.constant -3.400000e+38 : f32
      %broadcast_in_dim3A_730 = vector.broadcast %jit3A_729 : f32 to vector<16xf32>
      %select_n3A_731 = arith.select %lt3A_728, %add3A_725, %broadcast_in_dim3A_730 : vector<16xi1>, vector<16xf32>
      %xor3A_732 = arith.constant 1 : i32
      %xor3A_733 = vector.broadcast %xor3A_732 : i32 to vector<16xi32>
      %xor3A_734 = arith.xori %iota3A, %xor3A_733 : vector<16xi32>
      %broadcast_in_dim3A_735 = vector.shape_cast %xor3A_734 : vector<16xi32> to vector<16x1xi32>
      %gather3A_736 = vector.shape_cast %broadcast_in_dim3A_735 : vector<16x1xi32> to vector<16xi32>
      %gather3A_737 = tpu.dynamic_gather %select_n3A_731[%gather3A_736] in [0] : vector<16xf32>, vector<16xi32> -> vector<16xf32>
      %max3A_738 = arith.maximumf %select_n3A_731, %gather3A_737 : vector<16xf32>
      %xor3A_739 = arith.constant 2 : i32
      %xor3A_740 = vector.broadcast %xor3A_739 : i32 to vector<16xi32>
      %xor3A_741 = arith.xori %iota3A, %xor3A_740 : vector<16xi32>
      %broadcast_in_dim3A_742 = vector.shape_cast %xor3A_741 : vector<16xi32> to vector<16x1xi32>
      %gather3A_743 = vector.shape_cast %broadcast_in_dim3A_742 : vector<16x1xi32> to vector<16xi32>
      %gather3A_744 = tpu.dynamic_gather %max3A_738[%gather3A_743] in [0] : vector<16xf32>, vector<16xi32> -> vector<16xf32>
      %max3A_745 = arith.maximumf %max3A_738, %gather3A_744 : vector<16xf32>
      %xor3A_746 = arith.constant 4 : i32
      %xor3A_747 = vector.broadcast %xor3A_746 : i32 to vector<16xi32>
      %xor3A_748 = arith.xori %iota3A, %xor3A_747 : vector<16xi32>
      %broadcast_in_dim3A_749 = vector.shape_cast %xor3A_748 : vector<16xi32> to vector<16x1xi32>
      %gather3A_750 = vector.shape_cast %broadcast_in_dim3A_749 : vector<16x1xi32> to vector<16xi32>
      %gather3A_751 = tpu.dynamic_gather %max3A_745[%gather3A_750] in [0] : vector<16xf32>, vector<16xi32> -> vector<16xf32>
      %max3A_752 = arith.maximumf %max3A_745, %gather3A_751 : vector<16xf32>
      %xor3A_753 = arith.constant 8 : i32
      %xor3A_754 = vector.broadcast %xor3A_753 : i32 to vector<16xi32>
      %xor3A_755 = arith.xori %iota3A, %xor3A_754 : vector<16xi32>
      %broadcast_in_dim3A_756 = vector.shape_cast %xor3A_755 : vector<16xi32> to vector<16x1xi32>
      %gather3A_757 = vector.shape_cast %broadcast_in_dim3A_756 : vector<16x1xi32> to vector<16xi32>
      %gather3A_758 = tpu.dynamic_gather %max3A_752[%gather3A_757] in [0] : vector<16xf32>, vector<16xi32> -> vector<16xf32>
      %max3A_759 = arith.maximumf %max3A_752, %gather3A_758 : vector<16xf32>
      %sub3A_760 = arith.subf %select_n3A_731, %max3A_759 : vector<16xf32>
      %exp3A_761 = math.exp %sub3A_760 : vector<16xf32>
      %xor3A_762 = arith.constant 1 : i32
      %xor3A_763 = vector.broadcast %xor3A_762 : i32 to vector<16xi32>
      %xor3A_764 = arith.xori %iota3A, %xor3A_763 : vector<16xi32>
      %broadcast_in_dim3A_765 = vector.shape_cast %xor3A_764 : vector<16xi32> to vector<16x1xi32>
      %gather3A_766 = vector.shape_cast %broadcast_in_dim3A_765 : vector<16x1xi32> to vector<16xi32>
      %gather3A_767 = tpu.dynamic_gather %exp3A_761[%gather3A_766] in [0] : vector<16xf32>, vector<16xi32> -> vector<16xf32>
      %add3A_768 = arith.addf %exp3A_761, %gather3A_767 : vector<16xf32>
      %xor3A_769 = arith.constant 2 : i32
      %xor3A_770 = vector.broadcast %xor3A_769 : i32 to vector<16xi32>
      %xor3A_771 = arith.xori %iota3A, %xor3A_770 : vector<16xi32>
      %broadcast_in_dim3A_772 = vector.shape_cast %xor3A_771 : vector<16xi32> to vector<16x1xi32>
      %gather3A_773 = vector.shape_cast %broadcast_in_dim3A_772 : vector<16x1xi32> to vector<16xi32>
      %gather3A_774 = tpu.dynamic_gather %add3A_768[%gather3A_773] in [0] : vector<16xf32>, vector<16xi32> -> vector<16xf32>
      %add3A_775 = arith.addf %add3A_768, %gather3A_774 : vector<16xf32>
      %xor3A_776 = arith.constant 4 : i32
      %xor3A_777 = vector.broadcast %xor3A_776 : i32 to vector<16xi32>
      %xor3A_778 = arith.xori %iota3A, %xor3A_777 : vector<16xi32>
      %broadcast_in_dim3A_779 = vector.shape_cast %xor3A_778 : vector<16xi32> to vector<16x1xi32>
      %gather3A_780 = vector.shape_cast %broadcast_in_dim3A_779 : vector<16x1xi32> to vector<16xi32>
      %gather3A_781 = tpu.dynamic_gather %add3A_775[%gather3A_780] in [0] : vector<16xf32>, vector<16xi32> -> vector<16xf32>
      %add3A_782 = arith.addf %add3A_775, %gather3A_781 : vector<16xf32>
      %xor3A_783 = arith.constant 8 : i32
      %xor3A_784 = vector.broadcast %xor3A_783 : i32 to vector<16xi32>
      %xor3A_785 = arith.xori %iota3A, %xor3A_784 : vector<16xi32>
      %broadcast_in_dim3A_786 = vector.shape_cast %xor3A_785 : vector<16xi32> to vector<16x1xi32>
      %gather3A_787 = vector.shape_cast %broadcast_in_dim3A_786 : vector<16x1xi32> to vector<16xi32>
      %gather3A_788 = tpu.dynamic_gather %add3A_782[%gather3A_787] in [0] : vector<16xf32>, vector<16xi32> -> vector<16xf32>
      %add3A_789 = arith.addf %add3A_782, %gather3A_788 : vector<16xf32>
      %div3A_790 = arith.divf %exp3A_761, %add3A_789 : vector<16xf32>
      %xor3A_791 = arith.constant 1 : i32
      %xor3A_792 = vector.broadcast %xor3A_791 : i32 to vector<16xi32>
      %xor3A_793 = arith.xori %iota3A, %xor3A_792 : vector<16xi32>
      %broadcast_in_dim3A_794 = vector.shape_cast %xor3A_793 : vector<16xi32> to vector<16x1xi32>
      %gather3A_795 = vector.shape_cast %broadcast_in_dim3A_794 : vector<16x1xi32> to vector<16xi32>
      %gather3A_796 = tpu.dynamic_gather %div3A_790[%gather3A_795] in [0] : vector<16xf32>, vector<16xi32> -> vector<16xf32>
      %max3A_797 = arith.maximumf %div3A_790, %gather3A_796 : vector<16xf32>
      %xor3A_798 = arith.constant 2 : i32
      %xor3A_799 = vector.broadcast %xor3A_798 : i32 to vector<16xi32>
      %xor3A_800 = arith.xori %iota3A, %xor3A_799 : vector<16xi32>
      %broadcast_in_dim3A_801 = vector.shape_cast %xor3A_800 : vector<16xi32> to vector<16x1xi32>
      %gather3A_802 = vector.shape_cast %broadcast_in_dim3A_801 : vector<16x1xi32> to vector<16xi32>
      %gather3A_803 = tpu.dynamic_gather %max3A_797[%gather3A_802] in [0] : vector<16xf32>, vector<16xi32> -> vector<16xf32>
      %max3A_804 = arith.maximumf %max3A_797, %gather3A_803 : vector<16xf32>
      %xor3A_805 = arith.constant 4 : i32
      %xor3A_806 = vector.broadcast %xor3A_805 : i32 to vector<16xi32>
      %xor3A_807 = arith.xori %iota3A, %xor3A_806 : vector<16xi32>
      %broadcast_in_dim3A_808 = vector.shape_cast %xor3A_807 : vector<16xi32> to vector<16x1xi32>
      %gather3A_809 = vector.shape_cast %broadcast_in_dim3A_808 : vector<16x1xi32> to vector<16xi32>
      %gather3A_810 = tpu.dynamic_gather %max3A_804[%gather3A_809] in [0] : vector<16xf32>, vector<16xi32> -> vector<16xf32>
      %max3A_811 = arith.maximumf %max3A_804, %gather3A_810 : vector<16xf32>
      %xor3A_812 = arith.constant 8 : i32
      %xor3A_813 = vector.broadcast %xor3A_812 : i32 to vector<16xi32>
      %xor3A_814 = arith.xori %iota3A, %xor3A_813 : vector<16xi32>
      %broadcast_in_dim3A_815 = vector.shape_cast %xor3A_814 : vector<16xi32> to vector<16x1xi32>
      %gather3A_816 = vector.shape_cast %broadcast_in_dim3A_815 : vector<16x1xi32> to vector<16xi32>
      %gather3A_817 = tpu.dynamic_gather %max3A_811[%gather3A_816] in [0] : vector<16xf32>, vector<16xi32> -> vector<16xf32>
      %max3A_818 = arith.maximumf %max3A_811, %gather3A_817 : vector<16xf32>
      %eq3A_819 = arith.cmpf oeq, %div3A_790, %max3A_818 : vector<16xf32>
      %jit3A_820 = arith.constant 16 : i32
      %broadcast_in_dim3A_821 = vector.broadcast %jit3A_820 : i32 to vector<16xi32>
      %select_n3A_822 = arith.select %eq3A_819, %iota3A, %broadcast_in_dim3A_821 : vector<16xi1>, vector<16xi32>
      %xor3A_823 = arith.constant 1 : i32
      %xor3A_824 = vector.broadcast %xor3A_823 : i32 to vector<16xi32>
      %xor3A_825 = arith.xori %iota3A, %xor3A_824 : vector<16xi32>
      %broadcast_in_dim3A_826 = vector.shape_cast %xor3A_825 : vector<16xi32> to vector<16x1xi32>
      %gather3A_827 = vector.shape_cast %broadcast_in_dim3A_826 : vector<16x1xi32> to vector<16xi32>
      %gather3A_828 = tpu.dynamic_gather %select_n3A_822[%gather3A_827] in [0] : vector<16xi32>, vector<16xi32> -> vector<16xi32>
      %min3A_829 = arith.minsi %select_n3A_822, %gather3A_828 : vector<16xi32>
      %xor3A_830 = arith.constant 2 : i32
      %xor3A_831 = vector.broadcast %xor3A_830 : i32 to vector<16xi32>
      %xor3A_832 = arith.xori %iota3A, %xor3A_831 : vector<16xi32>
      %broadcast_in_dim3A_833 = vector.shape_cast %xor3A_832 : vector<16xi32> to vector<16x1xi32>
      %gather3A_834 = vector.shape_cast %broadcast_in_dim3A_833 : vector<16x1xi32> to vector<16xi32>
      %gather3A_835 = tpu.dynamic_gather %min3A_829[%gather3A_834] in [0] : vector<16xi32>, vector<16xi32> -> vector<16xi32>
      %min3A_836 = arith.minsi %min3A_829, %gather3A_835 : vector<16xi32>
      %xor3A_837 = arith.constant 4 : i32
      %xor3A_838 = vector.broadcast %xor3A_837 : i32 to vector<16xi32>
      %xor3A_839 = arith.xori %iota3A, %xor3A_838 : vector<16xi32>
      %broadcast_in_dim3A_840 = vector.shape_cast %xor3A_839 : vector<16xi32> to vector<16x1xi32>
      %gather3A_841 = vector.shape_cast %broadcast_in_dim3A_840 : vector<16x1xi32> to vector<16xi32>
      %gather3A_842 = tpu.dynamic_gather %min3A_836[%gather3A_841] in [0] : vector<16xi32>, vector<16xi32> -> vector<16xi32>
      %min3A_843 = arith.minsi %min3A_836, %gather3A_842 : vector<16xi32>
      %xor3A_844 = arith.constant 8 : i32
      %xor3A_845 = vector.broadcast %xor3A_844 : i32 to vector<16xi32>
      %xor3A_846 = arith.xori %iota3A, %xor3A_845 : vector<16xi32>
      %broadcast_in_dim3A_847 = vector.shape_cast %xor3A_846 : vector<16xi32> to vector<16x1xi32>
      %gather3A_848 = vector.shape_cast %broadcast_in_dim3A_847 : vector<16x1xi32> to vector<16xi32>
      %gather3A_849 = tpu.dynamic_gather %min3A_843[%gather3A_848] in [0] : vector<16xi32>, vector<16xi32> -> vector<16xi32>
      %min3A_850 = arith.minsi %min3A_843, %gather3A_849 : vector<16xi32>
      %eq3A_851 = arith.cmpi eq, %iota3A, %min3A_850 : vector<16xi32>
      %jit3A_852 = arith.constant -1.000000e+00 : f32
      %broadcast_in_dim3A_853 = vector.broadcast %jit3A_852 : f32 to vector<16xf32>
      %select_n3A_854 = arith.select %eq3A_851, %broadcast_in_dim3A_853, %div3A_790 : vector<16xi1>, vector<16xf32>
      %xor3A_855 = arith.constant 1 : i32
      %xor3A_856 = vector.broadcast %xor3A_855 : i32 to vector<16xi32>
      %xor3A_857 = arith.xori %iota3A, %xor3A_856 : vector<16xi32>
      %broadcast_in_dim3A_858 = vector.shape_cast %xor3A_857 : vector<16xi32> to vector<16x1xi32>
      %gather3A_859 = vector.shape_cast %broadcast_in_dim3A_858 : vector<16x1xi32> to vector<16xi32>
      %gather3A_860 = tpu.dynamic_gather %select_n3A_854[%gather3A_859] in [0] : vector<16xf32>, vector<16xi32> -> vector<16xf32>
      %max3A_861 = arith.maximumf %select_n3A_854, %gather3A_860 : vector<16xf32>
      %xor3A_862 = arith.constant 2 : i32
      %xor3A_863 = vector.broadcast %xor3A_862 : i32 to vector<16xi32>
      %xor3A_864 = arith.xori %iota3A, %xor3A_863 : vector<16xi32>
      %broadcast_in_dim3A_865 = vector.shape_cast %xor3A_864 : vector<16xi32> to vector<16x1xi32>
      %gather3A_866 = vector.shape_cast %broadcast_in_dim3A_865 : vector<16x1xi32> to vector<16xi32>
      %gather3A_867 = tpu.dynamic_gather %max3A_861[%gather3A_866] in [0] : vector<16xf32>, vector<16xi32> -> vector<16xf32>
      %max3A_868 = arith.maximumf %max3A_861, %gather3A_867 : vector<16xf32>
      %xor3A_869 = arith.constant 4 : i32
      %xor3A_870 = vector.broadcast %xor3A_869 : i32 to vector<16xi32>
      %xor3A_871 = arith.xori %iota3A, %xor3A_870 : vector<16xi32>
      %broadcast_in_dim3A_872 = vector.shape_cast %xor3A_871 : vector<16xi32> to vector<16x1xi32>
      %gather3A_873 = vector.shape_cast %broadcast_in_dim3A_872 : vector<16x1xi32> to vector<16xi32>
      %gather3A_874 = tpu.dynamic_gather %max3A_868[%gather3A_873] in [0] : vector<16xf32>, vector<16xi32> -> vector<16xf32>
      %max3A_875 = arith.maximumf %max3A_868, %gather3A_874 : vector<16xf32>
      %xor3A_876 = arith.constant 8 : i32
      %xor3A_877 = vector.broadcast %xor3A_876 : i32 to vector<16xi32>
      %xor3A_878 = arith.xori %iota3A, %xor3A_877 : vector<16xi32>
      %broadcast_in_dim3A_879 = vector.shape_cast %xor3A_878 : vector<16xi32> to vector<16x1xi32>
      %gather3A_880 = vector.shape_cast %broadcast_in_dim3A_879 : vector<16x1xi32> to vector<16xi32>
      %gather3A_881 = tpu.dynamic_gather %max3A_875[%gather3A_880] in [0] : vector<16xf32>, vector<16xi32> -> vector<16xf32>
      %max3A_882 = arith.maximumf %max3A_875, %gather3A_881 : vector<16xf32>
      %eq3A_883 = arith.cmpf oeq, %select_n3A_854, %max3A_882 : vector<16xf32>
      %jit3A_884 = arith.constant 16 : i32
      %broadcast_in_dim3A_885 = vector.broadcast %jit3A_884 : i32 to vector<16xi32>
      %select_n3A_886 = arith.select %eq3A_883, %iota3A, %broadcast_in_dim3A_885 : vector<16xi1>, vector<16xi32>
      %xor3A_887 = arith.constant 1 : i32
      %xor3A_888 = vector.broadcast %xor3A_887 : i32 to vector<16xi32>
      %xor3A_889 = arith.xori %iota3A, %xor3A_888 : vector<16xi32>
      %broadcast_in_dim3A_890 = vector.shape_cast %xor3A_889 : vector<16xi32> to vector<16x1xi32>
      %gather3A_891 = vector.shape_cast %broadcast_in_dim3A_890 : vector<16x1xi32> to vector<16xi32>
      %gather3A_892 = tpu.dynamic_gather %select_n3A_886[%gather3A_891] in [0] : vector<16xi32>, vector<16xi32> -> vector<16xi32>
      %min3A_893 = arith.minsi %select_n3A_886, %gather3A_892 : vector<16xi32>
      %xor3A_894 = arith.constant 2 : i32
      %xor3A_895 = vector.broadcast %xor3A_894 : i32 to vector<16xi32>
      %xor3A_896 = arith.xori %iota3A, %xor3A_895 : vector<16xi32>
      %broadcast_in_dim3A_897 = vector.shape_cast %xor3A_896 : vector<16xi32> to vector<16x1xi32>
      %gather3A_898 = vector.shape_cast %broadcast_in_dim3A_897 : vector<16x1xi32> to vector<16xi32>
      %gather3A_899 = tpu.dynamic_gather %min3A_893[%gather3A_898] in [0] : vector<16xi32>, vector<16xi32> -> vector<16xi32>
      %min3A_900 = arith.minsi %min3A_893, %gather3A_899 : vector<16xi32>
      %xor3A_901 = arith.constant 4 : i32
      %xor3A_902 = vector.broadcast %xor3A_901 : i32 to vector<16xi32>
      %xor3A_903 = arith.xori %iota3A, %xor3A_902 : vector<16xi32>
      %broadcast_in_dim3A_904 = vector.shape_cast %xor3A_903 : vector<16xi32> to vector<16x1xi32>
      %gather3A_905 = vector.shape_cast %broadcast_in_dim3A_904 : vector<16x1xi32> to vector<16xi32>
      %gather3A_906 = tpu.dynamic_gather %min3A_900[%gather3A_905] in [0] : vector<16xi32>, vector<16xi32> -> vector<16xi32>
      %min3A_907 = arith.minsi %min3A_900, %gather3A_906 : vector<16xi32>
      %xor3A_908 = arith.constant 8 : i32
      %xor3A_909 = vector.broadcast %xor3A_908 : i32 to vector<16xi32>
      %xor3A_910 = arith.xori %iota3A, %xor3A_909 : vector<16xi32>
      %broadcast_in_dim3A_911 = vector.shape_cast %xor3A_910 : vector<16xi32> to vector<16x1xi32>
      %gather3A_912 = vector.shape_cast %broadcast_in_dim3A_911 : vector<16x1xi32> to vector<16xi32>
      %gather3A_913 = tpu.dynamic_gather %min3A_907[%gather3A_912] in [0] : vector<16xi32>, vector<16xi32> -> vector<16xi32>
      %min3A_914 = arith.minsi %min3A_907, %gather3A_913 : vector<16xi32>
      %eq3A_915 = arith.constant 0 : i32
      %eq3A_916 = vector.broadcast %eq3A_915 : i32 to vector<16xi32>
      %eq3A_917 = arith.cmpi eq, %iota3A, %eq3A_916 : vector<16xi32>
      %eq3A_918 = arith.constant 1 : i32
      %eq3A_919 = vector.broadcast %eq3A_918 : i32 to vector<16xi32>
      %eq3A_920 = arith.cmpi eq, %iota3A, %eq3A_919 : vector<16xi32>
      %jit3A_921 = arith.constant 0.000000e+00 : f32
      %broadcast_in_dim3A_922 = vector.broadcast %jit3A_921 : f32 to vector<16xf32>
      %select_n3A_923 = arith.select %eq3A_920, %max3A_882, %broadcast_in_dim3A_922 : vector<16xi1>, vector<16xf32>
      %select_n3A_924 = arith.select %eq3A_917, %max3A_818, %select_n3A_923 : vector<16xi1>, vector<16xf32>
      %swap3A_925 = arith.constant 1 : i32
      %swap3A_926 = arith.index_cast %swap3A_925 : i32 to index
      %swap3A_927 = arith.constant 0 : index
      %swap3A_928 = tpu.vector_load %arg8[%swap3A_926, %swap3A_927] {strides = array<i32>} : memref<2x16xf32, #tpu.memory_space<vmem>>, vector<1x16xf32>,
      %swap3A_929 = vector.shape_cast %swap3A_928 : vector<1x16xf32> to vector<16xf32>
      %swap3A_930 = vector.shape_cast %select_n3A_924 : vector<16xf32> to vector<1x16xf32>
      tpu.vector_store %arg8[%swap3A_926, %swap3A_927], %swap3A_930 {strides = array<i32>} : memref<2x16xf32, #tpu.memory_space<vmem>>, vector<1x16xf32>,
      %eq3A_931 = arith.constant 0 : i32
      %eq3A_932 = vector.broadcast %eq3A_931 : i32 to vector<16xi32>
      %eq3A_933 = arith.cmpi eq, %iota3A, %eq3A_932 : vector<16xi32>
      %eq3A_934 = arith.constant 1 : i32
      %eq3A_935 = vector.broadcast %eq3A_934 : i32 to vector<16xi32>
      %eq3A_936 = arith.cmpi eq, %iota3A, %eq3A_935 : vector<16xi32>
      %jit3A_937 = arith.constant 0 : i32
      %broadcast_in_dim3A_938 = vector.broadcast %jit3A_937 : i32 to vector<16xi32>
      %select_n3A_939 = arith.select %eq3A_936, %min3A_914, %broadcast_in_dim3A_938 : vector<16xi1>, vector<16xi32>
      %select_n3A_940 = arith.select %eq3A_933, %min3A_850, %select_n3A_939 : vector<16xi1>, vector<16xi32>
      %swap3A_941 = arith.constant 1 : i32
      %swap3A_942 = arith.index_cast %swap3A_941 : i32 to index
      %swap3A_943 = arith.constant 0 : index
      %swap3A_944 = tpu.vector_load %arg9[%swap3A_942, %swap3A_943] {strides = array<i32>} : memref<2x16xi32, #tpu.memory_space<vmem>>, vector<1x16xi32>,
      %swap3A_945 = vector.shape_cast %swap3A_944 : vector<1x16xi32> to vector<16xi32>
      %swap3A_946 = vector.shape_cast %select_n3A_940 : vector<16xi32> to vector<1x16xi32>
      tpu.vector_store %arg9[%swap3A_942, %swap3A_943], %swap3A_946 {strides = array<i32>} : memref<2x16xi32, #tpu.memory_space<vmem>>, vector<1x16xi32>,
      "tpu.region"() ({
        %run_scoped3A = tpu.sem_alloc : memref<!tpu.dma_semaphore, #tpu.memory_space<semaphore_mem>>
        tpu.enqueue_dma source(%arg8 : memref<2x16xf32, #tpu.memory_space<vmem>>) target(%arg4 : memref<2x16xf32, #tpu.memory_space<hbm>>) target_semaphore(%run_scoped3A : memref<!tpu.dma_semaphore, #tpu.memory_space<semaphore_mem>>)
        tpu.wait_dma2 semaphore(%run_scoped3A : memref<!tpu.dma_semaphore, #tpu.memory_space<semaphore_mem>>) src(%arg8 : memref<2x16xf32, #tpu.memory_space<vmem>>) dst(%arg4 : memref<2x16xf32, #tpu.memory_space<hbm>>)
        tpu.yield
      }) : () -> ()
      "tpu.region"() ({
        %run_scoped3A = tpu.sem_alloc : memref<!tpu.dma_semaphore, #tpu.memory_space<semaphore_mem>>
        tpu.enqueue_dma source(%arg9 : memref<2x16xi32, #tpu.memory_space<vmem>>) target(%arg5 : memref<2x16xi32, #tpu.memory_space<hbm>>) target_semaphore(%run_scoped3A : memref<!tpu.dma_semaphore, #tpu.memory_space<semaphore_mem>>)
        tpu.wait_dma2 semaphore(%run_scoped3A : memref<!tpu.dma_semaphore, #tpu.memory_space<semaphore_mem>>) src(%arg9 : memref<2x16xi32, #tpu.memory_space<vmem>>) dst(%arg5 : memref<2x16xi32, #tpu.memory_space<hbm>>)
        tpu.yield
      }) : () -> ()
    } else {
    }
    return
  }
}

#map = affine_map<(d0, d1) -> (0, 0, 0)>
#map1 = affine_map<(d0, d1) -> (0, 0)>
module attributes {stable_mosaic.version = 14 : i64} {
  func.func @body(%arg0: i32, %arg1: i32, %arg2: memref<2x2048x1024xf32, #tpu.memory_space<hbm>>, %arg3: memref<8x2097152xf32, #tpu.memory_space<hbm>>, %arg4: memref<32x2x16xf32, #tpu.memory_space<hbm>>, %arg5: memref<2x8x4096xf32, #tpu.memory_space<vmem>>, %arg6: memref<2x4x1024xf32, #tpu.memory_space<vmem>>, %arg7: memref<2x4x1024xf32, #tpu.memory_space<vmem>>, %arg8: memref<2x16xf32, #tpu.memory_space<vmem>>, %arg9: memref<16x16xf32, #tpu.memory_space<vmem>>, %arg10: memref<!tpu.dma_semaphore, #tpu.memory_space<semaphore_mem>>, %arg11: memref<!tpu.dma_semaphore, #tpu.memory_space<semaphore_mem>>, %arg12: memref<!tpu.dma_semaphore, #tpu.memory_space<semaphore_mem>>, %arg13: memref<!tpu.dma_semaphore, #tpu.memory_space<semaphore_mem>>) attributes {dimension_semantics = [#tpu.dimension_semantics<core_parallel>, #tpu.dimension_semantics<subcore_parallel>], iteration_bounds = array<i64: 2, 16>, scalar_prefetch = 0 : i64, scratch_operands = 9 : i64, tpu.core_type = #tpu.core_type<sc_vector_subcore>, window_params = [{transform_indices = #map}, {transform_indices = #map1}, {transform_indices = #map}]} {
    %mul3A = arith.constant 16 : i32
    %mul3A_0 = arith.muli %arg0, %mul3A : i32
    %add3A = arith.addi %mul3A_0, %arg1 : i32
    %iota3A = tpu.iota {dimensions = array<i32: 0>} : vector<16xi32>
    %broadcast_in_dim3A = arith.constant 0.000000e+00 : f32
    %broadcast_in_dim3A_1 = vector.broadcast %broadcast_in_dim3A : f32 to vector<16xf32>
    %swap3A = arith.constant 0 : i32
    %swap3A_2 = arith.index_cast %swap3A : i32 to index
    %swap3A_3 = arith.constant 0 : index
    %swap3A_4 = tpu.vector_load %arg9[%swap3A_2, %swap3A_3] {strides = array<i32>} : memref<16x16xf32, #tpu.memory_space<vmem>>, vector<1x16xf32>,
    %swap3A_5 = vector.shape_cast %swap3A_4 : vector<1x16xf32> to vector<16xf32>
    %swap3A_6 = vector.shape_cast %broadcast_in_dim3A_1 : vector<16xf32> to vector<1x16xf32>
    tpu.vector_store %arg9[%swap3A_2, %swap3A_3], %swap3A_6 {strides = array<i32>} : memref<16x16xf32, #tpu.memory_space<vmem>>, vector<1x16xf32>,
    %swap3A_7 = arith.constant 1 : i32
    %swap3A_8 = arith.index_cast %swap3A_7 : i32 to index
    %swap3A_9 = arith.constant 0 : index
    %swap3A_10 = tpu.vector_load %arg9[%swap3A_8, %swap3A_9] {strides = array<i32>} : memref<16x16xf32, #tpu.memory_space<vmem>>, vector<1x16xf32>,
    %swap3A_11 = vector.shape_cast %swap3A_10 : vector<1x16xf32> to vector<16xf32>
    %swap3A_12 = vector.shape_cast %broadcast_in_dim3A_1 : vector<16xf32> to vector<1x16xf32>
    tpu.vector_store %arg9[%swap3A_8, %swap3A_9], %swap3A_12 {strides = array<i32>} : memref<16x16xf32, #tpu.memory_space<vmem>>, vector<1x16xf32>,
    %swap3A_13 = arith.constant 2 : i32
    %swap3A_14 = arith.index_cast %swap3A_13 : i32 to index
    %swap3A_15 = arith.constant 0 : index
    %swap3A_16 = tpu.vector_load %arg9[%swap3A_14, %swap3A_15] {strides = array<i32>} : memref<16x16xf32, #tpu.memory_space<vmem>>, vector<1x16xf32>,
    %swap3A_17 = vector.shape_cast %swap3A_16 : vector<1x16xf32> to vector<16xf32>
    %swap3A_18 = vector.shape_cast %broadcast_in_dim3A_1 : vector<16xf32> to vector<1x16xf32>
    tpu.vector_store %arg9[%swap3A_14, %swap3A_15], %swap3A_18 {strides = array<i32>} : memref<16x16xf32, #tpu.memory_space<vmem>>, vector<1x16xf32>,
    %swap3A_19 = arith.constant 3 : i32
    %swap3A_20 = arith.index_cast %swap3A_19 : i32 to index
    %swap3A_21 = arith.constant 0 : index
    %swap3A_22 = tpu.vector_load %arg9[%swap3A_20, %swap3A_21] {strides = array<i32>} : memref<16x16xf32, #tpu.memory_space<vmem>>, vector<1x16xf32>,
    %swap3A_23 = vector.shape_cast %swap3A_22 : vector<1x16xf32> to vector<16xf32>
    %swap3A_24 = vector.shape_cast %broadcast_in_dim3A_1 : vector<16xf32> to vector<1x16xf32>
    tpu.vector_store %arg9[%swap3A_20, %swap3A_21], %swap3A_24 {strides = array<i32>} : memref<16x16xf32, #tpu.memory_space<vmem>>, vector<1x16xf32>,
    %swap3A_25 = arith.constant 4 : i32
    %swap3A_26 = arith.index_cast %swap3A_25 : i32 to index
    %swap3A_27 = arith.constant 0 : index
    %swap3A_28 = tpu.vector_load %arg9[%swap3A_26, %swap3A_27] {strides = array<i32>} : memref<16x16xf32, #tpu.memory_space<vmem>>, vector<1x16xf32>,
    %swap3A_29 = vector.shape_cast %swap3A_28 : vector<1x16xf32> to vector<16xf32>
    %swap3A_30 = vector.shape_cast %broadcast_in_dim3A_1 : vector<16xf32> to vector<1x16xf32>
    tpu.vector_store %arg9[%swap3A_26, %swap3A_27], %swap3A_30 {strides = array<i32>} : memref<16x16xf32, #tpu.memory_space<vmem>>, vector<1x16xf32>,
    %swap3A_31 = arith.constant 5 : i32
    %swap3A_32 = arith.index_cast %swap3A_31 : i32 to index
    %swap3A_33 = arith.constant 0 : index
    %swap3A_34 = tpu.vector_load %arg9[%swap3A_32, %swap3A_33] {strides = array<i32>} : memref<16x16xf32, #tpu.memory_space<vmem>>, vector<1x16xf32>,
    %swap3A_35 = vector.shape_cast %swap3A_34 : vector<1x16xf32> to vector<16xf32>
    %swap3A_36 = vector.shape_cast %broadcast_in_dim3A_1 : vector<16xf32> to vector<1x16xf32>
    tpu.vector_store %arg9[%swap3A_32, %swap3A_33], %swap3A_36 {strides = array<i32>} : memref<16x16xf32, #tpu.memory_space<vmem>>, vector<1x16xf32>,
    %swap3A_37 = arith.constant 6 : i32
    %swap3A_38 = arith.index_cast %swap3A_37 : i32 to index
    %swap3A_39 = arith.constant 0 : index
    %swap3A_40 = tpu.vector_load %arg9[%swap3A_38, %swap3A_39] {strides = array<i32>} : memref<16x16xf32, #tpu.memory_space<vmem>>, vector<1x16xf32>,
    %swap3A_41 = vector.shape_cast %swap3A_40 : vector<1x16xf32> to vector<16xf32>
    %swap3A_42 = vector.shape_cast %broadcast_in_dim3A_1 : vector<16xf32> to vector<1x16xf32>
    tpu.vector_store %arg9[%swap3A_38, %swap3A_39], %swap3A_42 {strides = array<i32>} : memref<16x16xf32, #tpu.memory_space<vmem>>, vector<1x16xf32>,
    %swap3A_43 = arith.constant 7 : i32
    %swap3A_44 = arith.index_cast %swap3A_43 : i32 to index
    %swap3A_45 = arith.constant 0 : index
    %swap3A_46 = tpu.vector_load %arg9[%swap3A_44, %swap3A_45] {strides = array<i32>} : memref<16x16xf32, #tpu.memory_space<vmem>>, vector<1x16xf32>,
    %swap3A_47 = vector.shape_cast %swap3A_46 : vector<1x16xf32> to vector<16xf32>
    %swap3A_48 = vector.shape_cast %broadcast_in_dim3A_1 : vector<16xf32> to vector<1x16xf32>
    tpu.vector_store %arg9[%swap3A_44, %swap3A_45], %swap3A_48 {strides = array<i32>} : memref<16x16xf32, #tpu.memory_space<vmem>>, vector<1x16xf32>,
    %swap3A_49 = arith.constant 8 : i32
    %swap3A_50 = arith.index_cast %swap3A_49 : i32 to index
    %swap3A_51 = arith.constant 0 : index
    %swap3A_52 = tpu.vector_load %arg9[%swap3A_50, %swap3A_51] {strides = array<i32>} : memref<16x16xf32, #tpu.memory_space<vmem>>, vector<1x16xf32>,
    %swap3A_53 = vector.shape_cast %swap3A_52 : vector<1x16xf32> to vector<16xf32>
    %swap3A_54 = vector.shape_cast %broadcast_in_dim3A_1 : vector<16xf32> to vector<1x16xf32>
    tpu.vector_store %arg9[%swap3A_50, %swap3A_51], %swap3A_54 {strides = array<i32>} : memref<16x16xf32, #tpu.memory_space<vmem>>, vector<1x16xf32>,
    %swap3A_55 = arith.constant 9 : i32
    %swap3A_56 = arith.index_cast %swap3A_55 : i32 to index
    %swap3A_57 = arith.constant 0 : index
    %swap3A_58 = tpu.vector_load %arg9[%swap3A_56, %swap3A_57] {strides = array<i32>} : memref<16x16xf32, #tpu.memory_space<vmem>>, vector<1x16xf32>,
    %swap3A_59 = vector.shape_cast %swap3A_58 : vector<1x16xf32> to vector<16xf32>
    %swap3A_60 = vector.shape_cast %broadcast_in_dim3A_1 : vector<16xf32> to vector<1x16xf32>
    tpu.vector_store %arg9[%swap3A_56, %swap3A_57], %swap3A_60 {strides = array<i32>} : memref<16x16xf32, #tpu.memory_space<vmem>>, vector<1x16xf32>,
    %swap3A_61 = arith.constant 10 : i32
    %swap3A_62 = arith.index_cast %swap3A_61 : i32 to index
    %swap3A_63 = arith.constant 0 : index
    %swap3A_64 = tpu.vector_load %arg9[%swap3A_62, %swap3A_63] {strides = array<i32>} : memref<16x16xf32, #tpu.memory_space<vmem>>, vector<1x16xf32>,
    %swap3A_65 = vector.shape_cast %swap3A_64 : vector<1x16xf32> to vector<16xf32>
    %swap3A_66 = vector.shape_cast %broadcast_in_dim3A_1 : vector<16xf32> to vector<1x16xf32>
    tpu.vector_store %arg9[%swap3A_62, %swap3A_63], %swap3A_66 {strides = array<i32>} : memref<16x16xf32, #tpu.memory_space<vmem>>, vector<1x16xf32>,
    %swap3A_67 = arith.constant 11 : i32
    %swap3A_68 = arith.index_cast %swap3A_67 : i32 to index
    %swap3A_69 = arith.constant 0 : index
    %swap3A_70 = tpu.vector_load %arg9[%swap3A_68, %swap3A_69] {strides = array<i32>} : memref<16x16xf32, #tpu.memory_space<vmem>>, vector<1x16xf32>,
    %swap3A_71 = vector.shape_cast %swap3A_70 : vector<1x16xf32> to vector<16xf32>
    %swap3A_72 = vector.shape_cast %broadcast_in_dim3A_1 : vector<16xf32> to vector<1x16xf32>
    tpu.vector_store %arg9[%swap3A_68, %swap3A_69], %swap3A_72 {strides = array<i32>} : memref<16x16xf32, #tpu.memory_space<vmem>>, vector<1x16xf32>,
    %swap3A_73 = arith.constant 12 : i32
    %swap3A_74 = arith.index_cast %swap3A_73 : i32 to index
    %swap3A_75 = arith.constant 0 : index
    %swap3A_76 = tpu.vector_load %arg9[%swap3A_74, %swap3A_75] {strides = array<i32>} : memref<16x16xf32, #tpu.memory_space<vmem>>, vector<1x16xf32>,
    %swap3A_77 = vector.shape_cast %swap3A_76 : vector<1x16xf32> to vector<16xf32>
    %swap3A_78 = vector.shape_cast %broadcast_in_dim3A_1 : vector<16xf32> to vector<1x16xf32>
    tpu.vector_store %arg9[%swap3A_74, %swap3A_75], %swap3A_78 {strides = array<i32>} : memref<16x16xf32, #tpu.memory_space<vmem>>, vector<1x16xf32>,
    %swap3A_79 = arith.constant 13 : i32
    %swap3A_80 = arith.index_cast %swap3A_79 : i32 to index
    %swap3A_81 = arith.constant 0 : index
    %swap3A_82 = tpu.vector_load %arg9[%swap3A_80, %swap3A_81] {strides = array<i32>} : memref<16x16xf32, #tpu.memory_space<vmem>>, vector<1x16xf32>,
    %swap3A_83 = vector.shape_cast %swap3A_82 : vector<1x16xf32> to vector<16xf32>
    %swap3A_84 = vector.shape_cast %broadcast_in_dim3A_1 : vector<16xf32> to vector<1x16xf32>
    tpu.vector_store %arg9[%swap3A_80, %swap3A_81], %swap3A_84 {strides = array<i32>} : memref<16x16xf32, #tpu.memory_space<vmem>>, vector<1x16xf32>,
    %swap3A_85 = arith.constant 14 : i32
    %swap3A_86 = arith.index_cast %swap3A_85 : i32 to index
    %swap3A_87 = arith.constant 0 : index
    %swap3A_88 = tpu.vector_load %arg9[%swap3A_86, %swap3A_87] {strides = array<i32>} : memref<16x16xf32, #tpu.memory_space<vmem>>, vector<1x16xf32>,
    %swap3A_89 = vector.shape_cast %swap3A_88 : vector<1x16xf32> to vector<16xf32>
    %swap3A_90 = vector.shape_cast %broadcast_in_dim3A_1 : vector<16xf32> to vector<1x16xf32>
    tpu.vector_store %arg9[%swap3A_86, %swap3A_87], %swap3A_90 {strides = array<i32>} : memref<16x16xf32, #tpu.memory_space<vmem>>, vector<1x16xf32>,
    %swap3A_91 = arith.constant 15 : i32
    %swap3A_92 = arith.index_cast %swap3A_91 : i32 to index
    %swap3A_93 = arith.constant 0 : index
    %swap3A_94 = tpu.vector_load %arg9[%swap3A_92, %swap3A_93] {strides = array<i32>} : memref<16x16xf32, #tpu.memory_space<vmem>>, vector<1x16xf32>,
    %swap3A_95 = vector.shape_cast %swap3A_94 : vector<1x16xf32> to vector<16xf32>
    %swap3A_96 = vector.shape_cast %broadcast_in_dim3A_1 : vector<16xf32> to vector<1x16xf32>
    tpu.vector_store %arg9[%swap3A_92, %swap3A_93], %swap3A_96 {strides = array<i32>} : memref<16x16xf32, #tpu.memory_space<vmem>>, vector<1x16xf32>,
    %mul3A_97 = arith.constant 16 : i32
    %mul3A_98 = arith.muli %add3A, %mul3A_97 : i32
    %add3A_99 = arith.constant 0 : i32
    %add3A_100 = arith.addi %mul3A_98, %add3A_99 : i32
    %mul3A_101 = arith.constant 4096 : i32
    %mul3A_102 = arith.muli %add3A_100, %mul3A_101 : i32
    %mul3A_103 = arith.constant 16 : i32
    %mul3A_104 = arith.muli %add3A, %mul3A_103 : i32
    %add3A_105 = arith.constant 0 : i32
    %add3A_106 = arith.addi %mul3A_104, %add3A_105 : i32
    %mul3A_107 = arith.constant 4 : i32
    %mul3A_108 = arith.muli %add3A_106, %mul3A_107 : i32
    %dma_start3A = arith.constant 0 : i32
    %dma_start3A_109 = arith.constant 0 : i32
    %dma_start3A_110 = arith.constant 0 : i32
    %dma_start3A_111 = tpu.memref_slice %arg5[%dma_start3A, %dma_start3A_109, %dma_start3A_110] : memref<2x8x4096xf32, #tpu.memory_space<vmem>> -> memref<1x8x4096xf32, #tpu.memory_space<vmem>>
    %dma_start3A_112 = tpu.memref_squeeze %dma_start3A_111 : memref<1x8x4096xf32, #tpu.memory_space<vmem>> -> memref<8x4096xf32, #tpu.memory_space<vmem>>
    %dma_start3A_113 = arith.constant 0 : i32
    %dma_start3A_114 = tpu.memref_slice %arg3[%dma_start3A_113, %mul3A_102] : memref<8x2097152xf32, #tpu.memory_space<hbm>> -> memref<8x4096xf32, #tpu.memory_space<hbm>>
    %dma_start3A_115 = arith.constant 0 : i32
    %dma_start3A_116 = arith.constant 0 : i32
    %dma_start3A_117 = tpu.memref_slice %arg5[%dma_start3A, %dma_start3A_115, %dma_start3A_116] : memref<2x8x4096xf32, #tpu.memory_space<vmem>> -> memref<1x8x4096xf32, #tpu.memory_space<vmem>>
    %dma_start3A_118 = tpu.memref_squeeze %dma_start3A_117 : memref<1x8x4096xf32, #tpu.memory_space<vmem>> -> memref<8x4096xf32, #tpu.memory_space<vmem>>
    %dma_start3A_119 = arith.constant 0 : i32
    %dma_start3A_120 = tpu.memref_slice %arg3[%dma_start3A_119, %mul3A_102] : memref<8x2097152xf32, #tpu.memory_space<hbm>> -> memref<8x4096xf32, #tpu.memory_space<hbm>>
    tpu.enqueue_dma source(%dma_start3A_120 : memref<8x4096xf32, #tpu.memory_space<hbm>>) target(%dma_start3A_118 : memref<8x4096xf32, #tpu.memory_space<vmem>>) target_semaphore(%arg10 : memref<!tpu.dma_semaphore, #tpu.memory_space<semaphore_mem>>)
    %dma_start3A_121 = arith.constant 0 : i32
    %dma_start3A_122 = arith.constant 0 : i32
    %dma_start3A_123 = arith.constant 0 : i32
    %dma_start3A_124 = arith.constant 0 : i32
    %dma_start3A_125 = tpu.memref_slice %arg6[%dma_start3A_122, %dma_start3A_123, %dma_start3A_124] : memref<2x4x1024xf32, #tpu.memory_space<vmem>> -> memref<1x4x1024xf32, #tpu.memory_space<vmem>>
    %dma_start3A_126 = tpu.memref_squeeze %dma_start3A_125 : memref<1x4x1024xf32, #tpu.memory_space<vmem>> -> memref<4x1024xf32, #tpu.memory_space<vmem>>
    %dma_start3A_127 = arith.constant 0 : i32
    %dma_start3A_128 = tpu.memref_slice %arg2[%dma_start3A_121, %mul3A_108, %dma_start3A_127] : memref<2x2048x1024xf32, #tpu.memory_space<hbm>> -> memref<1x4x1024xf32, #tpu.memory_space<hbm>>
    %dma_start3A_129 = tpu.memref_squeeze %dma_start3A_128 : memref<1x4x1024xf32, #tpu.memory_space<hbm>> -> memref<4x1024xf32, #tpu.memory_space<hbm>>
    %dma_start3A_130 = arith.constant 0 : i32
    %dma_start3A_131 = arith.constant 0 : i32
    %dma_start3A_132 = tpu.memref_slice %arg6[%dma_start3A_122, %dma_start3A_130, %dma_start3A_131] : memref<2x4x1024xf32, #tpu.memory_space<vmem>> -> memref<1x4x1024xf32, #tpu.memory_space<vmem>>
    %dma_start3A_133 = tpu.memref_squeeze %dma_start3A_132 : memref<1x4x1024xf32, #tpu.memory_space<vmem>> -> memref<4x1024xf32, #tpu.memory_space<vmem>>
    %dma_start3A_134 = arith.constant 0 : i32
    %dma_start3A_135 = tpu.memref_slice %arg2[%dma_start3A_121, %mul3A_108, %dma_start3A_134] : memref<2x2048x1024xf32, #tpu.memory_space<hbm>> -> memref<1x4x1024xf32, #tpu.memory_space<hbm>>
    %dma_start3A_136 = tpu.memref_squeeze %dma_start3A_135 : memref<1x4x1024xf32, #tpu.memory_space<hbm>> -> memref<4x1024xf32, #tpu.memory_space<hbm>>
    tpu.enqueue_dma source(%dma_start3A_136 : memref<4x1024xf32, #tpu.memory_space<hbm>>) target(%dma_start3A_133 : memref<4x1024xf32, #tpu.memory_space<vmem>>) target_semaphore(%arg10 : memref<!tpu.dma_semaphore, #tpu.memory_space<semaphore_mem>>)
    %dma_start3A_137 = arith.constant 1 : i32
    %dma_start3A_138 = arith.constant 0 : i32
    %dma_start3A_139 = arith.constant 0 : i32
    %dma_start3A_140 = arith.constant 0 : i32
    %dma_start3A_141 = tpu.memref_slice %arg7[%dma_start3A_138, %dma_start3A_139, %dma_start3A_140] : memref<2x4x1024xf32, #tpu.memory_space<vmem>> -> memref<1x4x1024xf32, #tpu.memory_space<vmem>>
    %dma_start3A_142 = tpu.memref_squeeze %dma_start3A_141 : memref<1x4x1024xf32, #tpu.memory_space<vmem>> -> memref<4x1024xf32, #tpu.memory_space<vmem>>
    %dma_start3A_143 = arith.constant 0 : i32
    %dma_start3A_144 = tpu.memref_slice %arg2[%dma_start3A_137, %mul3A_108, %dma_start3A_143] : memref<2x2048x1024xf32, #tpu.memory_space<hbm>> -> memref<1x4x1024xf32, #tpu.memory_space<hbm>>
    %dma_start3A_145 = tpu.memref_squeeze %dma_start3A_144 : memref<1x4x1024xf32, #tpu.memory_space<hbm>> -> memref<4x1024xf32, #tpu.memory_space<hbm>>
    %dma_start3A_146 = arith.constant 0 : i32
    %dma_start3A_147 = arith.constant 0 : i32
    %dma_start3A_148 = tpu.memref_slice %arg7[%dma_start3A_138, %dma_start3A_146, %dma_start3A_147] : memref<2x4x1024xf32, #tpu.memory_space<vmem>> -> memref<1x4x1024xf32, #tpu.memory_space<vmem>>
    %dma_start3A_149 = tpu.memref_squeeze %dma_start3A_148 : memref<1x4x1024xf32, #tpu.memory_space<vmem>> -> memref<4x1024xf32, #tpu.memory_space<vmem>>
    %dma_start3A_150 = arith.constant 0 : i32
    %dma_start3A_151 = tpu.memref_slice %arg2[%dma_start3A_137, %mul3A_108, %dma_start3A_150] : memref<2x2048x1024xf32, #tpu.memory_space<hbm>> -> memref<1x4x1024xf32, #tpu.memory_space<hbm>>
    %dma_start3A_152 = tpu.memref_squeeze %dma_start3A_151 : memref<1x4x1024xf32, #tpu.memory_space<hbm>> -> memref<4x1024xf32, #tpu.memory_space<hbm>>
    tpu.enqueue_dma source(%dma_start3A_152 : memref<4x1024xf32, #tpu.memory_space<hbm>>) target(%dma_start3A_149 : memref<4x1024xf32, #tpu.memory_space<vmem>>) target_semaphore(%arg10 : memref<!tpu.dma_semaphore, #tpu.memory_space<semaphore_mem>>)
    %scan3A = arith.constant 0 : i32
    %scan3A_153 = arith.constant 0 : i32
    %scan3A_154 = arith.constant 8 : i32
    %scan3A_155 = arith.addi %scan3A_153, %scan3A_154 : i32
    %scan3A_156 = arith.constant 1 : i32
    scf.for %scan3A_761 = %scan3A_153 to %scan3A_155 step %scan3A_156  : i32 {
      %mul3A_762 = arith.constant 2 : i32
      %mul3A_763 = arith.muli %scan3A_761, %mul3A_762 : i32
      %add3A_764 = arith.constant 0 : i32
      %add3A_765 = arith.addi %mul3A_763, %add3A_764 : i32
      %add3A_766 = arith.constant 2 : i32
      %add3A_767 = arith.addi %add3A_765, %add3A_766 : i32
      %sub3A = arith.constant 1 : i32
      %sub3A_768 = arith.subi %add3A_767, %sub3A : i32
      %lt3A = arith.constant 16 : i32
      %lt3A_769 = arith.cmpi slt, %sub3A_768, %lt3A : i32
      %convert_element_type3A = arith.extui %lt3A_769 : i1 to i32
      %cond3A = arith.constant 0 : i32
      %cond3A_770 = arith.cmpi ne, %convert_element_type3A, %cond3A : i32
      scf.if %cond3A_770 {
        %mul3A_941 = arith.constant 16 : i32
        %mul3A_942 = arith.muli %add3A, %mul3A_941 : i32
        %add3A_943 = arith.addi %mul3A_942, %sub3A_768 : i32
        %mul3A_944 = arith.constant 4096 : i32
        %mul3A_945 = arith.muli %add3A_943, %mul3A_944 : i32
        %mul3A_946 = arith.constant 16 : i32
        %mul3A_947 = arith.muli %add3A, %mul3A_946 : i32
        %add3A_948 = arith.addi %mul3A_947, %sub3A_768 : i32
        %mul3A_949 = arith.constant 4 : i32
        %mul3A_950 = arith.muli %add3A_948, %mul3A_949 : i32
        %dma_start3A_951 = arith.constant 1 : i32
        %dma_start3A_952 = arith.constant 0 : i32
        %dma_start3A_953 = arith.constant 0 : i32
        %dma_start3A_954 = tpu.memref_slice %arg5[%dma_start3A_951, %dma_start3A_952, %dma_start3A_953] : memref<2x8x4096xf32, #tpu.memory_space<vmem>> -> memref<1x8x4096xf32, #tpu.memory_space<vmem>>
        %dma_start3A_955 = tpu.memref_squeeze %dma_start3A_954 : memref<1x8x4096xf32, #tpu.memory_space<vmem>> -> memref<8x4096xf32, #tpu.memory_space<vmem>>
        %dma_start3A_956 = arith.constant 0 : i32
        %dma_start3A_957 = tpu.memref_slice %arg3[%dma_start3A_956, %mul3A_945] : memref<8x2097152xf32, #tpu.memory_space<hbm>> -> memref<8x4096xf32, #tpu.memory_space<hbm>>
        %dma_start3A_958 = arith.constant 0 : i32
        %dma_start3A_959 = arith.constant 0 : i32
        %dma_start3A_960 = tpu.memref_slice %arg5[%dma_start3A_951, %dma_start3A_958, %dma_start3A_959] : memref<2x8x4096xf32, #tpu.memory_space<vmem>> -> memref<1x8x4096xf32, #tpu.memory_space<vmem>>
        %dma_start3A_961 = tpu.memref_squeeze %dma_start3A_960 : memref<1x8x4096xf32, #tpu.memory_space<vmem>> -> memref<8x4096xf32, #tpu.memory_space<vmem>>
        %dma_start3A_962 = arith.constant 0 : i32
        %dma_start3A_963 = tpu.memref_slice %arg3[%dma_start3A_962, %mul3A_945] : memref<8x2097152xf32, #tpu.memory_space<hbm>> -> memref<8x4096xf32, #tpu.memory_space<hbm>>
        tpu.enqueue_dma source(%dma_start3A_963 : memref<8x4096xf32, #tpu.memory_space<hbm>>) target(%dma_start3A_961 : memref<8x4096xf32, #tpu.memory_space<vmem>>) target_semaphore(%arg11 : memref<!tpu.dma_semaphore, #tpu.memory_space<semaphore_mem>>)
        %dma_start3A_964 = arith.constant 0 : i32
        %dma_start3A_965 = arith.constant 1 : i32
        %dma_start3A_966 = arith.constant 0 : i32
        %dma_start3A_967 = arith.constant 0 : i32
        %dma_start3A_968 = tpu.memref_slice %arg6[%dma_start3A_965, %dma_start3A_966, %dma_start3A_967] : memref<2x4x1024xf32, #tpu.memory_space<vmem>> -> memref<1x4x1024xf32, #tpu.memory_space<vmem>>
        %dma_start3A_969 = tpu.memref_squeeze %dma_start3A_968 : memref<1x4x1024xf32, #tpu.memory_space<vmem>> -> memref<4x1024xf32, #tpu.memory_space<vmem>>
        %dma_start3A_970 = arith.constant 0 : i32
        %dma_start3A_971 = tpu.memref_slice %arg2[%dma_start3A_964, %mul3A_950, %dma_start3A_970] : memref<2x2048x1024xf32, #tpu.memory_space<hbm>> -> memref<1x4x1024xf32, #tpu.memory_space<hbm>>
        %dma_start3A_972 = tpu.memref_squeeze %dma_start3A_971 : memref<1x4x1024xf32, #tpu.memory_space<hbm>> -> memref<4x1024xf32, #tpu.memory_space<hbm>>
        %dma_start3A_973 = arith.constant 0 : i32
        %dma_start3A_974 = arith.constant 0 : i32
        %dma_start3A_975 = tpu.memref_slice %arg6[%dma_start3A_965, %dma_start3A_973, %dma_start3A_974] : memref<2x4x1024xf32, #tpu.memory_space<vmem>> -> memref<1x4x1024xf32, #tpu.memory_space<vmem>>
        %dma_start3A_976 = tpu.memref_squeeze %dma_start3A_975 : memref<1x4x1024xf32, #tpu.memory_space<vmem>> -> memref<4x1024xf32, #tpu.memory_space<vmem>>
        %dma_start3A_977 = arith.constant 0 : i32
        %dma_start3A_978 = tpu.memref_slice %arg2[%dma_start3A_964, %mul3A_950, %dma_start3A_977] : memref<2x2048x1024xf32, #tpu.memory_space<hbm>> -> memref<1x4x1024xf32, #tpu.memory_space<hbm>>
        %dma_start3A_979 = tpu.memref_squeeze %dma_start3A_978 : memref<1x4x1024xf32, #tpu.memory_space<hbm>> -> memref<4x1024xf32, #tpu.memory_space<hbm>>
        tpu.enqueue_dma source(%dma_start3A_979 : memref<4x1024xf32, #tpu.memory_space<hbm>>) target(%dma_start3A_976 : memref<4x1024xf32, #tpu.memory_space<vmem>>) target_semaphore(%arg11 : memref<!tpu.dma_semaphore, #tpu.memory_space<semaphore_mem>>)
        %dma_start3A_980 = arith.constant 1 : i32
        %dma_start3A_981 = arith.constant 1 : i32
        %dma_start3A_982 = arith.constant 0 : i32
        %dma_start3A_983 = arith.constant 0 : i32
        %dma_start3A_984 = tpu.memref_slice %arg7[%dma_start3A_981, %dma_start3A_982, %dma_start3A_983] : memref<2x4x1024xf32, #tpu.memory_space<vmem>> -> memref<1x4x1024xf32, #tpu.memory_space<vmem>>
        %dma_start3A_985 = tpu.memref_squeeze %dma_start3A_984 : memref<1x4x1024xf32, #tpu.memory_space<vmem>> -> memref<4x1024xf32, #tpu.memory_space<vmem>>
        %dma_start3A_986 = arith.constant 0 : i32
        %dma_start3A_987 = tpu.memref_slice %arg2[%dma_start3A_980, %mul3A_950, %dma_start3A_986] : memref<2x2048x1024xf32, #tpu.memory_space<hbm>> -> memref<1x4x1024xf32, #tpu.memory_space<hbm>>
        %dma_start3A_988 = tpu.memref_squeeze %dma_start3A_987 : memref<1x4x1024xf32, #tpu.memory_space<hbm>> -> memref<4x1024xf32, #tpu.memory_space<hbm>>
        %dma_start3A_989 = arith.constant 0 : i32
        %dma_start3A_990 = arith.constant 0 : i32
        %dma_start3A_991 = tpu.memref_slice %arg7[%dma_start3A_981, %dma_start3A_989, %dma_start3A_990] : memref<2x4x1024xf32, #tpu.memory_space<vmem>> -> memref<1x4x1024xf32, #tpu.memory_space<vmem>>
        %dma_start3A_992 = tpu.memref_squeeze %dma_start3A_991 : memref<1x4x1024xf32, #tpu.memory_space<vmem>> -> memref<4x1024xf32, #tpu.memory_space<vmem>>
        %dma_start3A_993 = arith.constant 0 : i32
        %dma_start3A_994 = tpu.memref_slice %arg2[%dma_start3A_980, %mul3A_950, %dma_start3A_993] : memref<2x2048x1024xf32, #tpu.memory_space<hbm>> -> memref<1x4x1024xf32, #tpu.memory_space<hbm>>
        %dma_start3A_995 = tpu.memref_squeeze %dma_start3A_994 : memref<1x4x1024xf32, #tpu.memory_space<hbm>> -> memref<4x1024xf32, #tpu.memory_space<hbm>>
        tpu.enqueue_dma source(%dma_start3A_995 : memref<4x1024xf32, #tpu.memory_space<hbm>>) target(%dma_start3A_992 : memref<4x1024xf32, #tpu.memory_space<vmem>>) target_semaphore(%arg11 : memref<!tpu.dma_semaphore, #tpu.memory_space<semaphore_mem>>)
      } else {
      }
      %mul3A_771 = arith.constant 16 : i32
      %mul3A_772 = arith.muli %add3A, %mul3A_771 : i32
      %add3A_773 = arith.addi %mul3A_772, %add3A_765 : i32
      %mul3A_774 = arith.constant 4096 : i32
      %mul3A_775 = arith.muli %add3A_773, %mul3A_774 : i32
      %mul3A_776 = arith.constant 16 : i32
      %mul3A_777 = arith.muli %add3A, %mul3A_776 : i32
      %add3A_778 = arith.addi %mul3A_777, %add3A_765 : i32
      %mul3A_779 = arith.constant 4 : i32
      %mul3A_780 = arith.muli %add3A_778, %mul3A_779 : i32
      %dma_wait3A = arith.constant 0 : i32
      %dma_wait3A_781 = arith.constant 0 : i32
      %dma_wait3A_782 = arith.constant 0 : i32
      %dma_wait3A_783 = tpu.memref_slice %arg5[%dma_wait3A, %dma_wait3A_781, %dma_wait3A_782] : memref<2x8x4096xf32, #tpu.memory_space<vmem>> -> memref<1x8x4096xf32, #tpu.memory_space<vmem>>
      %dma_wait3A_784 = tpu.memref_squeeze %dma_wait3A_783 : memref<1x8x4096xf32, #tpu.memory_space<vmem>> -> memref<8x4096xf32, #tpu.memory_space<vmem>>
      %dma_wait3A_785 = arith.constant 0 : i32
      %dma_wait3A_786 = tpu.memref_slice %arg3[%dma_wait3A_785, %mul3A_775] : memref<8x2097152xf32, #tpu.memory_space<hbm>> -> memref<8x4096xf32, #tpu.memory_space<hbm>>
      %dma_wait3A_787 = arith.constant 0 : i32
      %dma_wait3A_788 = arith.constant 0 : i32
      %dma_wait3A_789 = tpu.memref_slice %arg5[%dma_wait3A, %dma_wait3A_787, %dma_wait3A_788] : memref<2x8x4096xf32, #tpu.memory_space<vmem>> -> memref<1x8x4096xf32, #tpu.memory_space<vmem>>
      %dma_wait3A_790 = tpu.memref_squeeze %dma_wait3A_789 : memref<1x8x4096xf32, #tpu.memory_space<vmem>> -> memref<8x4096xf32, #tpu.memory_space<vmem>>
      %dma_wait3A_791 = arith.constant 0 : i32
      %dma_wait3A_792 = tpu.memref_slice %arg3[%dma_wait3A_791, %mul3A_775] : memref<8x2097152xf32, #tpu.memory_space<hbm>> -> memref<8x4096xf32, #tpu.memory_space<hbm>>
      tpu.wait_dma2 semaphore(%arg10 : memref<!tpu.dma_semaphore, #tpu.memory_space<semaphore_mem>>) src(%dma_wait3A_792 : memref<8x4096xf32, #tpu.memory_space<hbm>>) dst(%dma_wait3A_790 : memref<8x4096xf32, #tpu.memory_space<vmem>>)
      %dma_wait3A_793 = arith.constant 0 : i32
      %dma_wait3A_794 = arith.constant 0 : i32
      %dma_wait3A_795 = arith.constant 0 : i32
      %dma_wait3A_796 = arith.constant 0 : i32
      %dma_wait3A_797 = tpu.memref_slice %arg6[%dma_wait3A_794, %dma_wait3A_795, %dma_wait3A_796] : memref<2x4x1024xf32, #tpu.memory_space<vmem>> -> memref<1x4x1024xf32, #tpu.memory_space<vmem>>
      %dma_wait3A_798 = tpu.memref_squeeze %dma_wait3A_797 : memref<1x4x1024xf32, #tpu.memory_space<vmem>> -> memref<4x1024xf32, #tpu.memory_space<vmem>>
      %dma_wait3A_799 = arith.constant 0 : i32
      %dma_wait3A_800 = tpu.memref_slice %arg2[%dma_wait3A_793, %mul3A_780, %dma_wait3A_799] : memref<2x2048x1024xf32, #tpu.memory_space<hbm>> -> memref<1x4x1024xf32, #tpu.memory_space<hbm>>
      %dma_wait3A_801 = tpu.memref_squeeze %dma_wait3A_800 : memref<1x4x1024xf32, #tpu.memory_space<hbm>> -> memref<4x1024xf32, #tpu.memory_space<hbm>>
      %dma_wait3A_802 = arith.constant 0 : i32
      %dma_wait3A_803 = arith.constant 0 : i32
      %dma_wait3A_804 = tpu.memref_slice %arg6[%dma_wait3A_794, %dma_wait3A_802, %dma_wait3A_803] : memref<2x4x1024xf32, #tpu.memory_space<vmem>> -> memref<1x4x1024xf32, #tpu.memory_space<vmem>>
      %dma_wait3A_805 = tpu.memref_squeeze %dma_wait3A_804 : memref<1x4x1024xf32, #tpu.memory_space<vmem>> -> memref<4x1024xf32, #tpu.memory_space<vmem>>
      %dma_wait3A_806 = arith.constant 0 : i32
      %dma_wait3A_807 = tpu.memref_slice %arg2[%dma_wait3A_793, %mul3A_780, %dma_wait3A_806] : memref<2x2048x1024xf32, #tpu.memory_space<hbm>> -> memref<1x4x1024xf32, #tpu.memory_space<hbm>>
      %dma_wait3A_808 = tpu.memref_squeeze %dma_wait3A_807 : memref<1x4x1024xf32, #tpu.memory_space<hbm>> -> memref<4x1024xf32, #tpu.memory_space<hbm>>
      tpu.wait_dma2 semaphore(%arg10 : memref<!tpu.dma_semaphore, #tpu.memory_space<semaphore_mem>>) src(%dma_wait3A_808 : memref<4x1024xf32, #tpu.memory_space<hbm>>) dst(%dma_wait3A_805 : memref<4x1024xf32, #tpu.memory_space<vmem>>)
      %dma_wait3A_809 = arith.constant 1 : i32
      %dma_wait3A_810 = arith.constant 0 : i32
      %dma_wait3A_811 = arith.constant 0 : i32
      %dma_wait3A_812 = arith.constant 0 : i32
      %dma_wait3A_813 = tpu.memref_slice %arg7[%dma_wait3A_810, %dma_wait3A_811, %dma_wait3A_812] : memref<2x4x1024xf32, #tpu.memory_space<vmem>> -> memref<1x4x1024xf32, #tpu.memory_space<vmem>>
      %dma_wait3A_814 = tpu.memref_squeeze %dma_wait3A_813 : memref<1x4x1024xf32, #tpu.memory_space<vmem>> -> memref<4x1024xf32, #tpu.memory_space<vmem>>
      %dma_wait3A_815 = arith.constant 0 : i32
      %dma_wait3A_816 = tpu.memref_slice %arg2[%dma_wait3A_809, %mul3A_780, %dma_wait3A_815] : memref<2x2048x1024xf32, #tpu.memory_space<hbm>> -> memref<1x4x1024xf32, #tpu.memory_space<hbm>>
      %dma_wait3A_817 = tpu.memref_squeeze %dma_wait3A_816 : memref<1x4x1024xf32, #tpu.memory_space<hbm>> -> memref<4x1024xf32, #tpu.memory_space<hbm>>
      %dma_wait3A_818 = arith.constant 0 : i32
      %dma_wait3A_819 = arith.constant 0 : i32
      %dma_wait3A_820 = tpu.memref_slice %arg7[%dma_wait3A_810, %dma_wait3A_818, %dma_wait3A_819] : memref<2x4x1024xf32, #tpu.memory_space<vmem>> -> memref<1x4x1024xf32, #tpu.memory_space<vmem>>
      %dma_wait3A_821 = tpu.memref_squeeze %dma_wait3A_820 : memref<1x4x1024xf32, #tpu.memory_space<vmem>> -> memref<4x1024xf32, #tpu.memory_space<vmem>>
      %dma_wait3A_822 = arith.constant 0 : i32
      %dma_wait3A_823 = tpu.memref_slice %arg2[%dma_wait3A_809, %mul3A_780, %dma_wait3A_822] : memref<2x2048x1024xf32, #tpu.memory_space<hbm>> -> memref<1x4x1024xf32, #tpu.memory_space<hbm>>
      %dma_wait3A_824 = tpu.memref_squeeze %dma_wait3A_823 : memref<1x4x1024xf32, #tpu.memory_space<hbm>> -> memref<4x1024xf32, #tpu.memory_space<hbm>>
      tpu.wait_dma2 semaphore(%arg10 : memref<!tpu.dma_semaphore, #tpu.memory_space<semaphore_mem>>) src(%dma_wait3A_824 : memref<4x1024xf32, #tpu.memory_space<hbm>>) dst(%dma_wait3A_821 : memref<4x1024xf32, #tpu.memory_space<vmem>>)
      %scan3A_825 = arith.constant 0 : i32
      %scan3A_826 = arith.constant 0 : i32
      %scan3A_827 = arith.constant 64 : i32
      %scan3A_828 = arith.addi %scan3A_826, %scan3A_827 : i32
      %scan3A_829 = arith.constant 1 : i32
      scf.for %scan3A_941 = %scan3A_826 to %scan3A_828 step %scan3A_829  : i32 {
        %mul3A_942 = arith.constant 16 : i32
        %mul3A_943 = arith.muli %scan3A_941, %mul3A_942 : i32
        %add3A_944 = arith.constant 0 : i32
        %add3A_945 = arith.addi %add3A_944, %mul3A_943 : i32
        %mul3A_946 = arith.constant 16 : i32
        %mul3A_947 = arith.muli %scan3A_941, %mul3A_946 : i32
        %get3A_948 = arith.constant 0 : i32
        %get3A_949 = arith.constant 0 : i32
        %get3A_950 = arith.index_cast %get3A_948 : i32 to index
        %get3A_951 = arith.index_cast %get3A_949 : i32 to index
        %get3A_952 = arith.index_cast %mul3A_947 : i32 to index
        %get3A_953 = tpu.vector_load %arg6[%get3A_950, %get3A_951, %get3A_952] {strides = array<i32>} : memref<2x4x1024xf32, #tpu.memory_space<vmem>>, vector<1x1x16xf32>,
        %get3A_954 = vector.shape_cast %get3A_953 : vector<1x1x16xf32> to vector<16xf32>
        %mul3A_955 = arith.constant 16 : i32
        %mul3A_956 = arith.muli %scan3A_941, %mul3A_955 : i32
        %get3A_957 = arith.constant 0 : i32
        %get3A_958 = arith.constant 0 : i32
        %get3A_959 = arith.index_cast %get3A_957 : i32 to index
        %get3A_960 = arith.index_cast %get3A_958 : i32 to index
        %get3A_961 = arith.index_cast %mul3A_956 : i32 to index
        %get3A_962 = tpu.vector_load %arg7[%get3A_959, %get3A_960, %get3A_961] {strides = array<i32>} : memref<2x4x1024xf32, #tpu.memory_space<vmem>>, vector<1x1x16xf32>,
        %get3A_963 = vector.shape_cast %get3A_962 : vector<1x1x16xf32> to vector<16xf32>
        %get3A_964 = arith.constant 0 : i32
        %get3A_965 = arith.constant 0 : i32
        %get3A_966 = arith.index_cast %get3A_964 : i32 to index
        %get3A_967 = arith.index_cast %get3A_965 : i32 to index
        %get3A_968 = arith.index_cast %add3A_945 : i32 to index
        %get3A_969 = tpu.vector_load %arg5[%get3A_966, %get3A_967, %get3A_968] {strides = array<i32>} : memref<2x8x4096xf32, #tpu.memory_space<vmem>>, vector<1x1x16xf32>,
        %get3A_970 = vector.shape_cast %get3A_969 : vector<1x1x16xf32> to vector<16xf32>
        %mul3A_971 = arith.mulf %get3A_970, %get3A_954 : vector<16xf32>
        %swap3A_972 = arith.constant 0 : i32
        %swap3A_973 = arith.index_cast %swap3A_972 : i32 to index
        %swap3A_974 = arith.constant 0 : index
        %swap3A_975 = tpu.vector_load %arg9[%swap3A_973, %swap3A_974] {strides = array<i32>} : memref<16x16xf32, #tpu.memory_space<vmem>>, vector<1x16xf32>,
        %swap3A_976 = vector.shape_cast %swap3A_975 : vector<1x16xf32> to vector<16xf32>
        %swap3A_977 = vector.shape_cast %mul3A_971 : vector<16xf32> to vector<1x16xf32>
        tpu.vector_store %arg9[%swap3A_973, %swap3A_974], %swap3A_977 {add = true, strides = array<i32>} : memref<16x16xf32, #tpu.memory_space<vmem>>, vector<1x16xf32>,
        %mul3A_978 = arith.mulf %get3A_970, %get3A_963 : vector<16xf32>
        %swap3A_979 = arith.constant 1 : i32
        %swap3A_980 = arith.index_cast %swap3A_979 : i32 to index
        %swap3A_981 = arith.constant 0 : index
        %swap3A_982 = tpu.vector_load %arg9[%swap3A_980, %swap3A_981] {strides = array<i32>} : memref<16x16xf32, #tpu.memory_space<vmem>>, vector<1x16xf32>,
        %swap3A_983 = vector.shape_cast %swap3A_982 : vector<1x16xf32> to vector<16xf32>
        %swap3A_984 = vector.shape_cast %mul3A_978 : vector<16xf32> to vector<1x16xf32>
        tpu.vector_store %arg9[%swap3A_980, %swap3A_981], %swap3A_984 {add = true, strides = array<i32>} : memref<16x16xf32, #tpu.memory_space<vmem>>, vector<1x16xf32>,
        %get3A_985 = arith.constant 0 : i32
        %get3A_986 = arith.constant 1 : i32
        %get3A_987 = arith.index_cast %get3A_985 : i32 to index
        %get3A_988 = arith.index_cast %get3A_986 : i32 to index
        %get3A_989 = arith.index_cast %add3A_945 : i32 to index
        %get3A_990 = tpu.vector_load %arg5[%get3A_987, %get3A_988, %get3A_989] {strides = array<i32>} : memref<2x8x4096xf32, #tpu.memory_space<vmem>>, vector<1x1x16xf32>,
        %get3A_991 = vector.shape_cast %get3A_990 : vector<1x1x16xf32> to vector<16xf32>
        %mul3A_992 = arith.mulf %get3A_991, %get3A_954 : vector<16xf32>
        %swap3A_993 = arith.constant 2 : i32
        %swap3A_994 = arith.index_cast %swap3A_993 : i32 to index
        %swap3A_995 = arith.constant 0 : index
        %swap3A_996 = tpu.vector_load %arg9[%swap3A_994, %swap3A_995] {strides = array<i32>} : memref<16x16xf32, #tpu.memory_space<vmem>>, vector<1x16xf32>,
        %swap3A_997 = vector.shape_cast %swap3A_996 : vector<1x16xf32> to vector<16xf32>
        %swap3A_998 = vector.shape_cast %mul3A_992 : vector<16xf32> to vector<1x16xf32>
        tpu.vector_store %arg9[%swap3A_994, %swap3A_995], %swap3A_998 {add = true, strides = array<i32>} : memref<16x16xf32, #tpu.memory_space<vmem>>, vector<1x16xf32>,
        %mul3A_999 = arith.mulf %get3A_991, %get3A_963 : vector<16xf32>
        %swap3A_1000 = arith.constant 3 : i32
        %swap3A_1001 = arith.index_cast %swap3A_1000 : i32 to index
        %swap3A_1002 = arith.constant 0 : index
        %swap3A_1003 = tpu.vector_load %arg9[%swap3A_1001, %swap3A_1002] {strides = array<i32>} : memref<16x16xf32, #tpu.memory_space<vmem>>, vector<1x16xf32>,
        %swap3A_1004 = vector.shape_cast %swap3A_1003 : vector<1x16xf32> to vector<16xf32>
        %swap3A_1005 = vector.shape_cast %mul3A_999 : vector<16xf32> to vector<1x16xf32>
        tpu.vector_store %arg9[%swap3A_1001, %swap3A_1002], %swap3A_1005 {add = true, strides = array<i32>} : memref<16x16xf32, #tpu.memory_space<vmem>>, vector<1x16xf32>,
        %get3A_1006 = arith.constant 0 : i32
        %get3A_1007 = arith.constant 2 : i32
        %get3A_1008 = arith.index_cast %get3A_1006 : i32 to index
        %get3A_1009 = arith.index_cast %get3A_1007 : i32 to index
        %get3A_1010 = arith.index_cast %add3A_945 : i32 to index
        %get3A_1011 = tpu.vector_load %arg5[%get3A_1008, %get3A_1009, %get3A_1010] {strides = array<i32>} : memref<2x8x4096xf32, #tpu.memory_space<vmem>>, vector<1x1x16xf32>,
        %get3A_1012 = vector.shape_cast %get3A_1011 : vector<1x1x16xf32> to vector<16xf32>
        %mul3A_1013 = arith.mulf %get3A_1012, %get3A_954 : vector<16xf32>
        %swap3A_1014 = arith.constant 4 : i32
        %swap3A_1015 = arith.index_cast %swap3A_1014 : i32 to index
        %swap3A_1016 = arith.constant 0 : index
        %swap3A_1017 = tpu.vector_load %arg9[%swap3A_1015, %swap3A_1016] {strides = array<i32>} : memref<16x16xf32, #tpu.memory_space<vmem>>, vector<1x16xf32>,
        %swap3A_1018 = vector.shape_cast %swap3A_1017 : vector<1x16xf32> to vector<16xf32>
        %swap3A_1019 = vector.shape_cast %mul3A_1013 : vector<16xf32> to vector<1x16xf32>
        tpu.vector_store %arg9[%swap3A_1015, %swap3A_1016], %swap3A_1019 {add = true, strides = array<i32>} : memref<16x16xf32, #tpu.memory_space<vmem>>, vector<1x16xf32>,
        %mul3A_1020 = arith.mulf %get3A_1012, %get3A_963 : vector<16xf32>
        %swap3A_1021 = arith.constant 5 : i32
        %swap3A_1022 = arith.index_cast %swap3A_1021 : i32 to index
        %swap3A_1023 = arith.constant 0 : index
        %swap3A_1024 = tpu.vector_load %arg9[%swap3A_1022, %swap3A_1023] {strides = array<i32>} : memref<16x16xf32, #tpu.memory_space<vmem>>, vector<1x16xf32>,
        %swap3A_1025 = vector.shape_cast %swap3A_1024 : vector<1x16xf32> to vector<16xf32>
        %swap3A_1026 = vector.shape_cast %mul3A_1020 : vector<16xf32> to vector<1x16xf32>
        tpu.vector_store %arg9[%swap3A_1022, %swap3A_1023], %swap3A_1026 {add = true, strides = array<i32>} : memref<16x16xf32, #tpu.memory_space<vmem>>, vector<1x16xf32>,
        %get3A_1027 = arith.constant 0 : i32
        %get3A_1028 = arith.constant 3 : i32
        %get3A_1029 = arith.index_cast %get3A_1027 : i32 to index
        %get3A_1030 = arith.index_cast %get3A_1028 : i32 to index
        %get3A_1031 = arith.index_cast %add3A_945 : i32 to index
        %get3A_1032 = tpu.vector_load %arg5[%get3A_1029, %get3A_1030, %get3A_1031] {strides = array<i32>} : memref<2x8x4096xf32, #tpu.memory_space<vmem>>, vector<1x1x16xf32>,
        %get3A_1033 = vector.shape_cast %get3A_1032 : vector<1x1x16xf32> to vector<16xf32>
        %mul3A_1034 = arith.mulf %get3A_1033, %get3A_954 : vector<16xf32>
        %swap3A_1035 = arith.constant 6 : i32
        %swap3A_1036 = arith.index_cast %swap3A_1035 : i32 to index
        %swap3A_1037 = arith.constant 0 : index
        %swap3A_1038 = tpu.vector_load %arg9[%swap3A_1036, %swap3A_1037] {strides = array<i32>} : memref<16x16xf32, #tpu.memory_space<vmem>>, vector<1x16xf32>,
        %swap3A_1039 = vector.shape_cast %swap3A_1038 : vector<1x16xf32> to vector<16xf32>
        %swap3A_1040 = vector.shape_cast %mul3A_1034 : vector<16xf32> to vector<1x16xf32>
        tpu.vector_store %arg9[%swap3A_1036, %swap3A_1037], %swap3A_1040 {add = true, strides = array<i32>} : memref<16x16xf32, #tpu.memory_space<vmem>>, vector<1x16xf32>,
        %mul3A_1041 = arith.mulf %get3A_1033, %get3A_963 : vector<16xf32>
        %swap3A_1042 = arith.constant 7 : i32
        %swap3A_1043 = arith.index_cast %swap3A_1042 : i32 to index
        %swap3A_1044 = arith.constant 0 : index
        %swap3A_1045 = tpu.vector_load %arg9[%swap3A_1043, %swap3A_1044] {strides = array<i32>} : memref<16x16xf32, #tpu.memory_space<vmem>>, vector<1x16xf32>,
        %swap3A_1046 = vector.shape_cast %swap3A_1045 : vector<1x16xf32> to vector<16xf32>
        %swap3A_1047 = vector.shape_cast %mul3A_1041 : vector<16xf32> to vector<1x16xf32>
        tpu.vector_store %arg9[%swap3A_1043, %swap3A_1044], %swap3A_1047 {add = true, strides = array<i32>} : memref<16x16xf32, #tpu.memory_space<vmem>>, vector<1x16xf32>,
        %get3A_1048 = arith.constant 0 : i32
        %get3A_1049 = arith.constant 4 : i32
        %get3A_1050 = arith.index_cast %get3A_1048 : i32 to index
        %get3A_1051 = arith.index_cast %get3A_1049 : i32 to index
        %get3A_1052 = arith.index_cast %add3A_945 : i32 to index
        %get3A_1053 = tpu.vector_load %arg5[%get3A_1050, %get3A_1051, %get3A_1052] {strides = array<i32>} : memref<2x8x4096xf32, #tpu.memory_space<vmem>>, vector<1x1x16xf32>,
        %get3A_1054 = vector.shape_cast %get3A_1053 : vector<1x1x16xf32> to vector<16xf32>
        %mul3A_1055 = arith.mulf %get3A_1054, %get3A_954 : vector<16xf32>
        %swap3A_1056 = arith.constant 8 : i32
        %swap3A_1057 = arith.index_cast %swap3A_1056 : i32 to index
        %swap3A_1058 = arith.constant 0 : index
        %swap3A_1059 = tpu.vector_load %arg9[%swap3A_1057, %swap3A_1058] {strides = array<i32>} : memref<16x16xf32, #tpu.memory_space<vmem>>, vector<1x16xf32>,
        %swap3A_1060 = vector.shape_cast %swap3A_1059 : vector<1x16xf32> to vector<16xf32>
        %swap3A_1061 = vector.shape_cast %mul3A_1055 : vector<16xf32> to vector<1x16xf32>
        tpu.vector_store %arg9[%swap3A_1057, %swap3A_1058], %swap3A_1061 {add = true, strides = array<i32>} : memref<16x16xf32, #tpu.memory_space<vmem>>, vector<1x16xf32>,
        %mul3A_1062 = arith.mulf %get3A_1054, %get3A_963 : vector<16xf32>
        %swap3A_1063 = arith.constant 9 : i32
        %swap3A_1064 = arith.index_cast %swap3A_1063 : i32 to index
        %swap3A_1065 = arith.constant 0 : index
        %swap3A_1066 = tpu.vector_load %arg9[%swap3A_1064, %swap3A_1065] {strides = array<i32>} : memref<16x16xf32, #tpu.memory_space<vmem>>, vector<1x16xf32>,
        %swap3A_1067 = vector.shape_cast %swap3A_1066 : vector<1x16xf32> to vector<16xf32>
        %swap3A_1068 = vector.shape_cast %mul3A_1062 : vector<16xf32> to vector<1x16xf32>
        tpu.vector_store %arg9[%swap3A_1064, %swap3A_1065], %swap3A_1068 {add = true, strides = array<i32>} : memref<16x16xf32, #tpu.memory_space<vmem>>, vector<1x16xf32>,
        %get3A_1069 = arith.constant 0 : i32
        %get3A_1070 = arith.constant 5 : i32
        %get3A_1071 = arith.index_cast %get3A_1069 : i32 to index
        %get3A_1072 = arith.index_cast %get3A_1070 : i32 to index
        %get3A_1073 = arith.index_cast %add3A_945 : i32 to index
        %get3A_1074 = tpu.vector_load %arg5[%get3A_1071, %get3A_1072, %get3A_1073] {strides = array<i32>} : memref<2x8x4096xf32, #tpu.memory_space<vmem>>, vector<1x1x16xf32>,
        %get3A_1075 = vector.shape_cast %get3A_1074 : vector<1x1x16xf32> to vector<16xf32>
        %mul3A_1076 = arith.mulf %get3A_1075, %get3A_954 : vector<16xf32>
        %swap3A_1077 = arith.constant 10 : i32
        %swap3A_1078 = arith.index_cast %swap3A_1077 : i32 to index
        %swap3A_1079 = arith.constant 0 : index
        %swap3A_1080 = tpu.vector_load %arg9[%swap3A_1078, %swap3A_1079] {strides = array<i32>} : memref<16x16xf32, #tpu.memory_space<vmem>>, vector<1x16xf32>,
        %swap3A_1081 = vector.shape_cast %swap3A_1080 : vector<1x16xf32> to vector<16xf32>
        %swap3A_1082 = vector.shape_cast %mul3A_1076 : vector<16xf32> to vector<1x16xf32>
        tpu.vector_store %arg9[%swap3A_1078, %swap3A_1079], %swap3A_1082 {add = true, strides = array<i32>} : memref<16x16xf32, #tpu.memory_space<vmem>>, vector<1x16xf32>,
        %mul3A_1083 = arith.mulf %get3A_1075, %get3A_963 : vector<16xf32>
        %swap3A_1084 = arith.constant 11 : i32
        %swap3A_1085 = arith.index_cast %swap3A_1084 : i32 to index
        %swap3A_1086 = arith.constant 0 : index
        %swap3A_1087 = tpu.vector_load %arg9[%swap3A_1085, %swap3A_1086] {strides = array<i32>} : memref<16x16xf32, #tpu.memory_space<vmem>>, vector<1x16xf32>,
        %swap3A_1088 = vector.shape_cast %swap3A_1087 : vector<1x16xf32> to vector<16xf32>
        %swap3A_1089 = vector.shape_cast %mul3A_1083 : vector<16xf32> to vector<1x16xf32>
        tpu.vector_store %arg9[%swap3A_1085, %swap3A_1086], %swap3A_1089 {add = true, strides = array<i32>} : memref<16x16xf32, #tpu.memory_space<vmem>>, vector<1x16xf32>,
        %get3A_1090 = arith.constant 0 : i32
        %get3A_1091 = arith.constant 6 : i32
        %get3A_1092 = arith.index_cast %get3A_1090 : i32 to index
        %get3A_1093 = arith.index_cast %get3A_1091 : i32 to index
        %get3A_1094 = arith.index_cast %add3A_945 : i32 to index
        %get3A_1095 = tpu.vector_load %arg5[%get3A_1092, %get3A_1093, %get3A_1094] {strides = array<i32>} : memref<2x8x4096xf32, #tpu.memory_space<vmem>>, vector<1x1x16xf32>,
        %get3A_1096 = vector.shape_cast %get3A_1095 : vector<1x1x16xf32> to vector<16xf32>
        %mul3A_1097 = arith.mulf %get3A_1096, %get3A_954 : vector<16xf32>
        %swap3A_1098 = arith.constant 12 : i32
        %swap3A_1099 = arith.index_cast %swap3A_1098 : i32 to index
        %swap3A_1100 = arith.constant 0 : index
        %swap3A_1101 = tpu.vector_load %arg9[%swap3A_1099, %swap3A_1100] {strides = array<i32>} : memref<16x16xf32, #tpu.memory_space<vmem>>, vector<1x16xf32>,
        %swap3A_1102 = vector.shape_cast %swap3A_1101 : vector<1x16xf32> to vector<16xf32>
        %swap3A_1103 = vector.shape_cast %mul3A_1097 : vector<16xf32> to vector<1x16xf32>
        tpu.vector_store %arg9[%swap3A_1099, %swap3A_1100], %swap3A_1103 {add = true, strides = array<i32>} : memref<16x16xf32, #tpu.memory_space<vmem>>, vector<1x16xf32>,
        %mul3A_1104 = arith.mulf %get3A_1096, %get3A_963 : vector<16xf32>
        %swap3A_1105 = arith.constant 13 : i32
        %swap3A_1106 = arith.index_cast %swap3A_1105 : i32 to index
        %swap3A_1107 = arith.constant 0 : index
        %swap3A_1108 = tpu.vector_load %arg9[%swap3A_1106, %swap3A_1107] {strides = array<i32>} : memref<16x16xf32, #tpu.memory_space<vmem>>, vector<1x16xf32>,
        %swap3A_1109 = vector.shape_cast %swap3A_1108 : vector<1x16xf32> to vector<16xf32>
        %swap3A_1110 = vector.shape_cast %mul3A_1104 : vector<16xf32> to vector<1x16xf32>
        tpu.vector_store %arg9[%swap3A_1106, %swap3A_1107], %swap3A_1110 {add = true, strides = array<i32>} : memref<16x16xf32, #tpu.memory_space<vmem>>, vector<1x16xf32>,
        %get3A_1111 = arith.constant 0 : i32
        %get3A_1112 = arith.constant 7 : i32
        %get3A_1113 = arith.index_cast %get3A_1111 : i32 to index
        %get3A_1114 = arith.index_cast %get3A_1112 : i32 to index
        %get3A_1115 = arith.index_cast %add3A_945 : i32 to index
        %get3A_1116 = tpu.vector_load %arg5[%get3A_1113, %get3A_1114, %get3A_1115] {strides = array<i32>} : memref<2x8x4096xf32, #tpu.memory_space<vmem>>, vector<1x1x16xf32>,
        %get3A_1117 = vector.shape_cast %get3A_1116 : vector<1x1x16xf32> to vector<16xf32>
        %mul3A_1118 = arith.mulf %get3A_1117, %get3A_954 : vector<16xf32>
        %swap3A_1119 = arith.constant 14 : i32
        %swap3A_1120 = arith.index_cast %swap3A_1119 : i32 to index
        %swap3A_1121 = arith.constant 0 : index
        %swap3A_1122 = tpu.vector_load %arg9[%swap3A_1120, %swap3A_1121] {strides = array<i32>} : memref<16x16xf32, #tpu.memory_space<vmem>>, vector<1x16xf32>,
        %swap3A_1123 = vector.shape_cast %swap3A_1122 : vector<1x16xf32> to vector<16xf32>
        %swap3A_1124 = vector.shape_cast %mul3A_1118 : vector<16xf32> to vector<1x16xf32>
        tpu.vector_store %arg9[%swap3A_1120, %swap3A_1121], %swap3A_1124 {add = true, strides = array<i32>} : memref<16x16xf32, #tpu.memory_space<vmem>>, vector<1x16xf32>,
        %mul3A_1125 = arith.mulf %get3A_1117, %get3A_963 : vector<16xf32>
        %swap3A_1126 = arith.constant 15 : i32
        %swap3A_1127 = arith.index_cast %swap3A_1126 : i32 to index
        %swap3A_1128 = arith.constant 0 : index
        %swap3A_1129 = tpu.vector_load %arg9[%swap3A_1127, %swap3A_1128] {strides = array<i32>} : memref<16x16xf32, #tpu.memory_space<vmem>>, vector<1x16xf32>,
        %swap3A_1130 = vector.shape_cast %swap3A_1129 : vector<1x16xf32> to vector<16xf32>
        %swap3A_1131 = vector.shape_cast %mul3A_1125 : vector<16xf32> to vector<1x16xf32>
        tpu.vector_store %arg9[%swap3A_1127, %swap3A_1128], %swap3A_1131 {add = true, strides = array<i32>} : memref<16x16xf32, #tpu.memory_space<vmem>>, vector<1x16xf32>,
      }
      %scan3A_830 = arith.constant 64 : i32
      %scan3A_831 = arith.constant 0 : i32
      %scan3A_832 = arith.constant 0 : i32
      %scan3A_833 = arith.constant 64 : i32
      %scan3A_834 = arith.addi %scan3A_832, %scan3A_833 : i32
      %scan3A_835 = arith.constant 1 : i32
      scf.for %scan3A_941 = %scan3A_832 to %scan3A_834 step %scan3A_835  : i32 {
        %mul3A_942 = arith.constant 16 : i32
        %mul3A_943 = arith.muli %scan3A_941, %mul3A_942 : i32
        %add3A_944 = arith.constant 1024 : i32
        %add3A_945 = arith.addi %add3A_944, %mul3A_943 : i32
        %mul3A_946 = arith.constant 16 : i32
        %mul3A_947 = arith.muli %scan3A_941, %mul3A_946 : i32
        %get3A_948 = arith.constant 0 : i32
        %get3A_949 = arith.constant 1 : i32
        %get3A_950 = arith.index_cast %get3A_948 : i32 to index
        %get3A_951 = arith.index_cast %get3A_949 : i32 to index
        %get3A_952 = arith.index_cast %mul3A_947 : i32 to index
        %get3A_953 = tpu.vector_load %arg6[%get3A_950, %get3A_951, %get3A_952] {strides = array<i32>} : memref<2x4x1024xf32, #tpu.memory_space<vmem>>, vector<1x1x16xf32>,
        %get3A_954 = vector.shape_cast %get3A_953 : vector<1x1x16xf32> to vector<16xf32>
        %mul3A_955 = arith.constant 16 : i32
        %mul3A_956 = arith.muli %scan3A_941, %mul3A_955 : i32
        %get3A_957 = arith.constant 0 : i32
        %get3A_958 = arith.constant 1 : i32
        %get3A_959 = arith.index_cast %get3A_957 : i32 to index
        %get3A_960 = arith.index_cast %get3A_958 : i32 to index
        %get3A_961 = arith.index_cast %mul3A_956 : i32 to index
        %get3A_962 = tpu.vector_load %arg7[%get3A_959, %get3A_960, %get3A_961] {strides = array<i32>} : memref<2x4x1024xf32, #tpu.memory_space<vmem>>, vector<1x1x16xf32>,
        %get3A_963 = vector.shape_cast %get3A_962 : vector<1x1x16xf32> to vector<16xf32>
        %get3A_964 = arith.constant 0 : i32
        %get3A_965 = arith.constant 0 : i32
        %get3A_966 = arith.index_cast %get3A_964 : i32 to index
        %get3A_967 = arith.index_cast %get3A_965 : i32 to index
        %get3A_968 = arith.index_cast %add3A_945 : i32 to index
        %get3A_969 = tpu.vector_load %arg5[%get3A_966, %get3A_967, %get3A_968] {strides = array<i32>} : memref<2x8x4096xf32, #tpu.memory_space<vmem>>, vector<1x1x16xf32>,
        %get3A_970 = vector.shape_cast %get3A_969 : vector<1x1x16xf32> to vector<16xf32>
        %mul3A_971 = arith.mulf %get3A_970, %get3A_954 : vector<16xf32>
        %swap3A_972 = arith.constant 0 : i32
        %swap3A_973 = arith.index_cast %swap3A_972 : i32 to index
        %swap3A_974 = arith.constant 0 : index
        %swap3A_975 = tpu.vector_load %arg9[%swap3A_973, %swap3A_974] {strides = array<i32>} : memref<16x16xf32, #tpu.memory_space<vmem>>, vector<1x16xf32>,
        %swap3A_976 = vector.shape_cast %swap3A_975 : vector<1x16xf32> to vector<16xf32>
        %swap3A_977 = vector.shape_cast %mul3A_971 : vector<16xf32> to vector<1x16xf32>
        tpu.vector_store %arg9[%swap3A_973, %swap3A_974], %swap3A_977 {add = true, strides = array<i32>} : memref<16x16xf32, #tpu.memory_space<vmem>>, vector<1x16xf32>,
        %mul3A_978 = arith.mulf %get3A_970, %get3A_963 : vector<16xf32>
        %swap3A_979 = arith.constant 1 : i32
        %swap3A_980 = arith.index_cast %swap3A_979 : i32 to index
        %swap3A_981 = arith.constant 0 : index
        %swap3A_982 = tpu.vector_load %arg9[%swap3A_980, %swap3A_981] {strides = array<i32>} : memref<16x16xf32, #tpu.memory_space<vmem>>, vector<1x16xf32>,
        %swap3A_983 = vector.shape_cast %swap3A_982 : vector<1x16xf32> to vector<16xf32>
        %swap3A_984 = vector.shape_cast %mul3A_978 : vector<16xf32> to vector<1x16xf32>
        tpu.vector_store %arg9[%swap3A_980, %swap3A_981], %swap3A_984 {add = true, strides = array<i32>} : memref<16x16xf32, #tpu.memory_space<vmem>>, vector<1x16xf32>,
        %get3A_985 = arith.constant 0 : i32
        %get3A_986 = arith.constant 1 : i32
        %get3A_987 = arith.index_cast %get3A_985 : i32 to index
        %get3A_988 = arith.index_cast %get3A_986 : i32 to index
        %get3A_989 = arith.index_cast %add3A_945 : i32 to index
        %get3A_990 = tpu.vector_load %arg5[%get3A_987, %get3A_988, %get3A_989] {strides = array<i32>} : memref<2x8x4096xf32, #tpu.memory_space<vmem>>, vector<1x1x16xf32>,
        %get3A_991 = vector.shape_cast %get3A_990 : vector<1x1x16xf32> to vector<16xf32>
        %mul3A_992 = arith.mulf %get3A_991, %get3A_954 : vector<16xf32>
        %swap3A_993 = arith.constant 2 : i32
        %swap3A_994 = arith.index_cast %swap3A_993 : i32 to index
        %swap3A_995 = arith.constant 0 : index
        %swap3A_996 = tpu.vector_load %arg9[%swap3A_994, %swap3A_995] {strides = array<i32>} : memref<16x16xf32, #tpu.memory_space<vmem>>, vector<1x16xf32>,
        %swap3A_997 = vector.shape_cast %swap3A_996 : vector<1x16xf32> to vector<16xf32>
        %swap3A_998 = vector.shape_cast %mul3A_992 : vector<16xf32> to vector<1x16xf32>
        tpu.vector_store %arg9[%swap3A_994, %swap3A_995], %swap3A_998 {add = true, strides = array<i32>} : memref<16x16xf32, #tpu.memory_space<vmem>>, vector<1x16xf32>,
        %mul3A_999 = arith.mulf %get3A_991, %get3A_963 : vector<16xf32>
        %swap3A_1000 = arith.constant 3 : i32
        %swap3A_1001 = arith.index_cast %swap3A_1000 : i32 to index
        %swap3A_1002 = arith.constant 0 : index
        %swap3A_1003 = tpu.vector_load %arg9[%swap3A_1001, %swap3A_1002] {strides = array<i32>} : memref<16x16xf32, #tpu.memory_space<vmem>>, vector<1x16xf32>,
        %swap3A_1004 = vector.shape_cast %swap3A_1003 : vector<1x16xf32> to vector<16xf32>
        %swap3A_1005 = vector.shape_cast %mul3A_999 : vector<16xf32> to vector<1x16xf32>
        tpu.vector_store %arg9[%swap3A_1001, %swap3A_1002], %swap3A_1005 {add = true, strides = array<i32>} : memref<16x16xf32, #tpu.memory_space<vmem>>, vector<1x16xf32>,
        %get3A_1006 = arith.constant 0 : i32
        %get3A_1007 = arith.constant 2 : i32
        %get3A_1008 = arith.index_cast %get3A_1006 : i32 to index
        %get3A_1009 = arith.index_cast %get3A_1007 : i32 to index
        %get3A_1010 = arith.index_cast %add3A_945 : i32 to index
        %get3A_1011 = tpu.vector_load %arg5[%get3A_1008, %get3A_1009, %get3A_1010] {strides = array<i32>} : memref<2x8x4096xf32, #tpu.memory_space<vmem>>, vector<1x1x16xf32>,
        %get3A_1012 = vector.shape_cast %get3A_1011 : vector<1x1x16xf32> to vector<16xf32>
        %mul3A_1013 = arith.mulf %get3A_1012, %get3A_954 : vector<16xf32>
        %swap3A_1014 = arith.constant 4 : i32
        %swap3A_1015 = arith.index_cast %swap3A_1014 : i32 to index
        %swap3A_1016 = arith.constant 0 : index
        %swap3A_1017 = tpu.vector_load %arg9[%swap3A_1015, %swap3A_1016] {strides = array<i32>} : memref<16x16xf32, #tpu.memory_space<vmem>>, vector<1x16xf32>,
        %swap3A_1018 = vector.shape_cast %swap3A_1017 : vector<1x16xf32> to vector<16xf32>
        %swap3A_1019 = vector.shape_cast %mul3A_1013 : vector<16xf32> to vector<1x16xf32>
        tpu.vector_store %arg9[%swap3A_1015, %swap3A_1016], %swap3A_1019 {add = true, strides = array<i32>} : memref<16x16xf32, #tpu.memory_space<vmem>>, vector<1x16xf32>,
        %mul3A_1020 = arith.mulf %get3A_1012, %get3A_963 : vector<16xf32>
        %swap3A_1021 = arith.constant 5 : i32
        %swap3A_1022 = arith.index_cast %swap3A_1021 : i32 to index
        %swap3A_1023 = arith.constant 0 : index
        %swap3A_1024 = tpu.vector_load %arg9[%swap3A_1022, %swap3A_1023] {strides = array<i32>} : memref<16x16xf32, #tpu.memory_space<vmem>>, vector<1x16xf32>,
        %swap3A_1025 = vector.shape_cast %swap3A_1024 : vector<1x16xf32> to vector<16xf32>
        %swap3A_1026 = vector.shape_cast %mul3A_1020 : vector<16xf32> to vector<1x16xf32>
        tpu.vector_store %arg9[%swap3A_1022, %swap3A_1023], %swap3A_1026 {add = true, strides = array<i32>} : memref<16x16xf32, #tpu.memory_space<vmem>>, vector<1x16xf32>,
        %get3A_1027 = arith.constant 0 : i32
        %get3A_1028 = arith.constant 3 : i32
        %get3A_1029 = arith.index_cast %get3A_1027 : i32 to index
        %get3A_1030 = arith.index_cast %get3A_1028 : i32 to index
        %get3A_1031 = arith.index_cast %add3A_945 : i32 to index
        %get3A_1032 = tpu.vector_load %arg5[%get3A_1029, %get3A_1030, %get3A_1031] {strides = array<i32>} : memref<2x8x4096xf32, #tpu.memory_space<vmem>>, vector<1x1x16xf32>,
        %get3A_1033 = vector.shape_cast %get3A_1032 : vector<1x1x16xf32> to vector<16xf32>
        %mul3A_1034 = arith.mulf %get3A_1033, %get3A_954 : vector<16xf32>
        %swap3A_1035 = arith.constant 6 : i32
        %swap3A_1036 = arith.index_cast %swap3A_1035 : i32 to index
        %swap3A_1037 = arith.constant 0 : index
        %swap3A_1038 = tpu.vector_load %arg9[%swap3A_1036, %swap3A_1037] {strides = array<i32>} : memref<16x16xf32, #tpu.memory_space<vmem>>, vector<1x16xf32>,
        %swap3A_1039 = vector.shape_cast %swap3A_1038 : vector<1x16xf32> to vector<16xf32>
        %swap3A_1040 = vector.shape_cast %mul3A_1034 : vector<16xf32> to vector<1x16xf32>
        tpu.vector_store %arg9[%swap3A_1036, %swap3A_1037], %swap3A_1040 {add = true, strides = array<i32>} : memref<16x16xf32, #tpu.memory_space<vmem>>, vector<1x16xf32>,
        %mul3A_1041 = arith.mulf %get3A_1033, %get3A_963 : vector<16xf32>
        %swap3A_1042 = arith.constant 7 : i32
        %swap3A_1043 = arith.index_cast %swap3A_1042 : i32 to index
        %swap3A_1044 = arith.constant 0 : index
        %swap3A_1045 = tpu.vector_load %arg9[%swap3A_1043, %swap3A_1044] {strides = array<i32>} : memref<16x16xf32, #tpu.memory_space<vmem>>, vector<1x16xf32>,
        %swap3A_1046 = vector.shape_cast %swap3A_1045 : vector<1x16xf32> to vector<16xf32>
        %swap3A_1047 = vector.shape_cast %mul3A_1041 : vector<16xf32> to vector<1x16xf32>
        tpu.vector_store %arg9[%swap3A_1043, %swap3A_1044], %swap3A_1047 {add = true, strides = array<i32>} : memref<16x16xf32, #tpu.memory_space<vmem>>, vector<1x16xf32>,
        %get3A_1048 = arith.constant 0 : i32
        %get3A_1049 = arith.constant 4 : i32
        %get3A_1050 = arith.index_cast %get3A_1048 : i32 to index
        %get3A_1051 = arith.index_cast %get3A_1049 : i32 to index
        %get3A_1052 = arith.index_cast %add3A_945 : i32 to index
        %get3A_1053 = tpu.vector_load %arg5[%get3A_1050, %get3A_1051, %get3A_1052] {strides = array<i32>} : memref<2x8x4096xf32, #tpu.memory_space<vmem>>, vector<1x1x16xf32>,
        %get3A_1054 = vector.shape_cast %get3A_1053 : vector<1x1x16xf32> to vector<16xf32>
        %mul3A_1055 = arith.mulf %get3A_1054, %get3A_954 : vector<16xf32>
        %swap3A_1056 = arith.constant 8 : i32
        %swap3A_1057 = arith.index_cast %swap3A_1056 : i32 to index
        %swap3A_1058 = arith.constant 0 : index
        %swap3A_1059 = tpu.vector_load %arg9[%swap3A_1057, %swap3A_1058] {strides = array<i32>} : memref<16x16xf32, #tpu.memory_space<vmem>>, vector<1x16xf32>,
        %swap3A_1060 = vector.shape_cast %swap3A_1059 : vector<1x16xf32> to vector<16xf32>
        %swap3A_1061 = vector.shape_cast %mul3A_1055 : vector<16xf32> to vector<1x16xf32>
        tpu.vector_store %arg9[%swap3A_1057, %swap3A_1058], %swap3A_1061 {add = true, strides = array<i32>} : memref<16x16xf32, #tpu.memory_space<vmem>>, vector<1x16xf32>,
        %mul3A_1062 = arith.mulf %get3A_1054, %get3A_963 : vector<16xf32>
        %swap3A_1063 = arith.constant 9 : i32
        %swap3A_1064 = arith.index_cast %swap3A_1063 : i32 to index
        %swap3A_1065 = arith.constant 0 : index
        %swap3A_1066 = tpu.vector_load %arg9[%swap3A_1064, %swap3A_1065] {strides = array<i32>} : memref<16x16xf32, #tpu.memory_space<vmem>>, vector<1x16xf32>,
        %swap3A_1067 = vector.shape_cast %swap3A_1066 : vector<1x16xf32> to vector<16xf32>
        %swap3A_1068 = vector.shape_cast %mul3A_1062 : vector<16xf32> to vector<1x16xf32>
        tpu.vector_store %arg9[%swap3A_1064, %swap3A_1065], %swap3A_1068 {add = true, strides = array<i32>} : memref<16x16xf32, #tpu.memory_space<vmem>>, vector<1x16xf32>,
        %get3A_1069 = arith.constant 0 : i32
        %get3A_1070 = arith.constant 5 : i32
        %get3A_1071 = arith.index_cast %get3A_1069 : i32 to index
        %get3A_1072 = arith.index_cast %get3A_1070 : i32 to index
        %get3A_1073 = arith.index_cast %add3A_945 : i32 to index
        %get3A_1074 = tpu.vector_load %arg5[%get3A_1071, %get3A_1072, %get3A_1073] {strides = array<i32>} : memref<2x8x4096xf32, #tpu.memory_space<vmem>>, vector<1x1x16xf32>,
        %get3A_1075 = vector.shape_cast %get3A_1074 : vector<1x1x16xf32> to vector<16xf32>
        %mul3A_1076 = arith.mulf %get3A_1075, %get3A_954 : vector<16xf32>
        %swap3A_1077 = arith.constant 10 : i32
        %swap3A_1078 = arith.index_cast %swap3A_1077 : i32 to index
        %swap3A_1079 = arith.constant 0 : index
        %swap3A_1080 = tpu.vector_load %arg9[%swap3A_1078, %swap3A_1079] {strides = array<i32>} : memref<16x16xf32, #tpu.memory_space<vmem>>, vector<1x16xf32>,
        %swap3A_1081 = vector.shape_cast %swap3A_1080 : vector<1x16xf32> to vector<16xf32>
        %swap3A_1082 = vector.shape_cast %mul3A_1076 : vector<16xf32> to vector<1x16xf32>
        tpu.vector_store %arg9[%swap3A_1078, %swap3A_1079], %swap3A_1082 {add = true, strides = array<i32>} : memref<16x16xf32, #tpu.memory_space<vmem>>, vector<1x16xf32>,
        %mul3A_1083 = arith.mulf %get3A_1075, %get3A_963 : vector<16xf32>
        %swap3A_1084 = arith.constant 11 : i32
        %swap3A_1085 = arith.index_cast %swap3A_1084 : i32 to index
        %swap3A_1086 = arith.constant 0 : index
        %swap3A_1087 = tpu.vector_load %arg9[%swap3A_1085, %swap3A_1086] {strides = array<i32>} : memref<16x16xf32, #tpu.memory_space<vmem>>, vector<1x16xf32>,
        %swap3A_1088 = vector.shape_cast %swap3A_1087 : vector<1x16xf32> to vector<16xf32>
        %swap3A_1089 = vector.shape_cast %mul3A_1083 : vector<16xf32> to vector<1x16xf32>
        tpu.vector_store %arg9[%swap3A_1085, %swap3A_1086], %swap3A_1089 {add = true, strides = array<i32>} : memref<16x16xf32, #tpu.memory_space<vmem>>, vector<1x16xf32>,
        %get3A_1090 = arith.constant 0 : i32
        %get3A_1091 = arith.constant 6 : i32
        %get3A_1092 = arith.index_cast %get3A_1090 : i32 to index
        %get3A_1093 = arith.index_cast %get3A_1091 : i32 to index
        %get3A_1094 = arith.index_cast %add3A_945 : i32 to index
        %get3A_1095 = tpu.vector_load %arg5[%get3A_1092, %get3A_1093, %get3A_1094] {strides = array<i32>} : memref<2x8x4096xf32, #tpu.memory_space<vmem>>, vector<1x1x16xf32>,
        %get3A_1096 = vector.shape_cast %get3A_1095 : vector<1x1x16xf32> to vector<16xf32>
        %mul3A_1097 = arith.mulf %get3A_1096, %get3A_954 : vector<16xf32>
        %swap3A_1098 = arith.constant 12 : i32
        %swap3A_1099 = arith.index_cast %swap3A_1098 : i32 to index
        %swap3A_1100 = arith.constant 0 : index
        %swap3A_1101 = tpu.vector_load %arg9[%swap3A_1099, %swap3A_1100] {strides = array<i32>} : memref<16x16xf32, #tpu.memory_space<vmem>>, vector<1x16xf32>,
        %swap3A_1102 = vector.shape_cast %swap3A_1101 : vector<1x16xf32> to vector<16xf32>
        %swap3A_1103 = vector.shape_cast %mul3A_1097 : vector<16xf32> to vector<1x16xf32>
        tpu.vector_store %arg9[%swap3A_1099, %swap3A_1100], %swap3A_1103 {add = true, strides = array<i32>} : memref<16x16xf32, #tpu.memory_space<vmem>>, vector<1x16xf32>,
        %mul3A_1104 = arith.mulf %get3A_1096, %get3A_963 : vector<16xf32>
        %swap3A_1105 = arith.constant 13 : i32
        %swap3A_1106 = arith.index_cast %swap3A_1105 : i32 to index
        %swap3A_1107 = arith.constant 0 : index
        %swap3A_1108 = tpu.vector_load %arg9[%swap3A_1106, %swap3A_1107] {strides = array<i32>} : memref<16x16xf32, #tpu.memory_space<vmem>>, vector<1x16xf32>,
        %swap3A_1109 = vector.shape_cast %swap3A_1108 : vector<1x16xf32> to vector<16xf32>
        %swap3A_1110 = vector.shape_cast %mul3A_1104 : vector<16xf32> to vector<1x16xf32>
        tpu.vector_store %arg9[%swap3A_1106, %swap3A_1107], %swap3A_1110 {add = true, strides = array<i32>} : memref<16x16xf32, #tpu.memory_space<vmem>>, vector<1x16xf32>,
        %get3A_1111 = arith.constant 0 : i32
        %get3A_1112 = arith.constant 7 : i32
        %get3A_1113 = arith.index_cast %get3A_1111 : i32 to index
        %get3A_1114 = arith.index_cast %get3A_1112 : i32 to index
        %get3A_1115 = arith.index_cast %add3A_945 : i32 to index
        %get3A_1116 = tpu.vector_load %arg5[%get3A_1113, %get3A_1114, %get3A_1115] {strides = array<i32>} : memref<2x8x4096xf32, #tpu.memory_space<vmem>>, vector<1x1x16xf32>,
        %get3A_1117 = vector.shape_cast %get3A_1116 : vector<1x1x16xf32> to vector<16xf32>
        %mul3A_1118 = arith.mulf %get3A_1117, %get3A_954 : vector<16xf32>
        %swap3A_1119 = arith.constant 14 : i32
        %swap3A_1120 = arith.index_cast %swap3A_1119 : i32 to index
        %swap3A_1121 = arith.constant 0 : index
        %swap3A_1122 = tpu.vector_load %arg9[%swap3A_1120, %swap3A_1121] {strides = array<i32>} : memref<16x16xf32, #tpu.memory_space<vmem>>, vector<1x16xf32>,
        %swap3A_1123 = vector.shape_cast %swap3A_1122 : vector<1x16xf32> to vector<16xf32>
        %swap3A_1124 = vector.shape_cast %mul3A_1118 : vector<16xf32> to vector<1x16xf32>
        tpu.vector_store %arg9[%swap3A_1120, %swap3A_1121], %swap3A_1124 {add = true, strides = array<i32>} : memref<16x16xf32, #tpu.memory_space<vmem>>, vector<1x16xf32>,
        %mul3A_1125 = arith.mulf %get3A_1117, %get3A_963 : vector<16xf32>
        %swap3A_1126 = arith.constant 15 : i32
        %swap3A_1127 = arith.index_cast %swap3A_1126 : i32 to index
        %swap3A_1128 = arith.constant 0 : index
        %swap3A_1129 = tpu.vector_load %arg9[%swap3A_1127, %swap3A_1128] {strides = array<i32>} : memref<16x16xf32, #tpu.memory_space<vmem>>, vector<1x16xf32>,
        %swap3A_1130 = vector.shape_cast %swap3A_1129 : vector<1x16xf32> to vector<16xf32>
        %swap3A_1131 = vector.shape_cast %mul3A_1125 : vector<16xf32> to vector<1x16xf32>
        tpu.vector_store %arg9[%swap3A_1127, %swap3A_1128], %swap3A_1131 {add = true, strides = array<i32>} : memref<16x16xf32, #tpu.memory_space<vmem>>, vector<1x16xf32>,
      }
      %scan3A_836 = arith.constant 64 : i32
      %scan3A_837 = arith.constant 0 : i32
      %scan3A_838 = arith.constant 0 : i32
      %scan3A_839 = arith.constant 64 : i32
      %scan3A_840 = arith.addi %scan3A_838, %scan3A_839 : i32
      %scan3A_841 = arith.constant 1 : i32
      scf.for %scan3A_941 = %scan3A_838 to %scan3A_840 step %scan3A_841  : i32 {
        %mul3A_942 = arith.constant 16 : i32
        %mul3A_943 = arith.muli %scan3A_941, %mul3A_942 : i32
        %add3A_944 = arith.constant 2048 : i32
        %add3A_945 = arith.addi %add3A_944, %mul3A_943 : i32
        %mul3A_946 = arith.constant 16 : i32
        %mul3A_947 = arith.muli %scan3A_941, %mul3A_946 : i32
        %get3A_948 = arith.constant 0 : i32
        %get3A_949 = arith.constant 2 : i32
        %get3A_950 = arith.index_cast %get3A_948 : i32 to index
        %get3A_951 = arith.index_cast %get3A_949 : i32 to index
        %get3A_952 = arith.index_cast %mul3A_947 : i32 to index
        %get3A_953 = tpu.vector_load %arg6[%get3A_950, %get3A_951, %get3A_952] {strides = array<i32>} : memref<2x4x1024xf32, #tpu.memory_space<vmem>>, vector<1x1x16xf32>,
        %get3A_954 = vector.shape_cast %get3A_953 : vector<1x1x16xf32> to vector<16xf32>
        %mul3A_955 = arith.constant 16 : i32
        %mul3A_956 = arith.muli %scan3A_941, %mul3A_955 : i32
        %get3A_957 = arith.constant 0 : i32
        %get3A_958 = arith.constant 2 : i32
        %get3A_959 = arith.index_cast %get3A_957 : i32 to index
        %get3A_960 = arith.index_cast %get3A_958 : i32 to index
        %get3A_961 = arith.index_cast %mul3A_956 : i32 to index
        %get3A_962 = tpu.vector_load %arg7[%get3A_959, %get3A_960, %get3A_961] {strides = array<i32>} : memref<2x4x1024xf32, #tpu.memory_space<vmem>>, vector<1x1x16xf32>,
        %get3A_963 = vector.shape_cast %get3A_962 : vector<1x1x16xf32> to vector<16xf32>
        %get3A_964 = arith.constant 0 : i32
        %get3A_965 = arith.constant 0 : i32
        %get3A_966 = arith.index_cast %get3A_964 : i32 to index
        %get3A_967 = arith.index_cast %get3A_965 : i32 to index
        %get3A_968 = arith.index_cast %add3A_945 : i32 to index
        %get3A_969 = tpu.vector_load %arg5[%get3A_966, %get3A_967, %get3A_968] {strides = array<i32>} : memref<2x8x4096xf32, #tpu.memory_space<vmem>>, vector<1x1x16xf32>,
        %get3A_970 = vector.shape_cast %get3A_969 : vector<1x1x16xf32> to vector<16xf32>
        %mul3A_971 = arith.mulf %get3A_970, %get3A_954 : vector<16xf32>
        %swap3A_972 = arith.constant 0 : i32
        %swap3A_973 = arith.index_cast %swap3A_972 : i32 to index
        %swap3A_974 = arith.constant 0 : index
        %swap3A_975 = tpu.vector_load %arg9[%swap3A_973, %swap3A_974] {strides = array<i32>} : memref<16x16xf32, #tpu.memory_space<vmem>>, vector<1x16xf32>,
        %swap3A_976 = vector.shape_cast %swap3A_975 : vector<1x16xf32> to vector<16xf32>
        %swap3A_977 = vector.shape_cast %mul3A_971 : vector<16xf32> to vector<1x16xf32>
        tpu.vector_store %arg9[%swap3A_973, %swap3A_974], %swap3A_977 {add = true, strides = array<i32>} : memref<16x16xf32, #tpu.memory_space<vmem>>, vector<1x16xf32>,
        %mul3A_978 = arith.mulf %get3A_970, %get3A_963 : vector<16xf32>
        %swap3A_979 = arith.constant 1 : i32
        %swap3A_980 = arith.index_cast %swap3A_979 : i32 to index
        %swap3A_981 = arith.constant 0 : index
        %swap3A_982 = tpu.vector_load %arg9[%swap3A_980, %swap3A_981] {strides = array<i32>} : memref<16x16xf32, #tpu.memory_space<vmem>>, vector<1x16xf32>,
        %swap3A_983 = vector.shape_cast %swap3A_982 : vector<1x16xf32> to vector<16xf32>
        %swap3A_984 = vector.shape_cast %mul3A_978 : vector<16xf32> to vector<1x16xf32>
        tpu.vector_store %arg9[%swap3A_980, %swap3A_981], %swap3A_984 {add = true, strides = array<i32>} : memref<16x16xf32, #tpu.memory_space<vmem>>, vector<1x16xf32>,
        %get3A_985 = arith.constant 0 : i32
        %get3A_986 = arith.constant 1 : i32
        %get3A_987 = arith.index_cast %get3A_985 : i32 to index
        %get3A_988 = arith.index_cast %get3A_986 : i32 to index
        %get3A_989 = arith.index_cast %add3A_945 : i32 to index
        %get3A_990 = tpu.vector_load %arg5[%get3A_987, %get3A_988, %get3A_989] {strides = array<i32>} : memref<2x8x4096xf32, #tpu.memory_space<vmem>>, vector<1x1x16xf32>,
        %get3A_991 = vector.shape_cast %get3A_990 : vector<1x1x16xf32> to vector<16xf32>
        %mul3A_992 = arith.mulf %get3A_991, %get3A_954 : vector<16xf32>
        %swap3A_993 = arith.constant 2 : i32
        %swap3A_994 = arith.index_cast %swap3A_993 : i32 to index
        %swap3A_995 = arith.constant 0 : index
        %swap3A_996 = tpu.vector_load %arg9[%swap3A_994, %swap3A_995] {strides = array<i32>} : memref<16x16xf32, #tpu.memory_space<vmem>>, vector<1x16xf32>,
        %swap3A_997 = vector.shape_cast %swap3A_996 : vector<1x16xf32> to vector<16xf32>
        %swap3A_998 = vector.shape_cast %mul3A_992 : vector<16xf32> to vector<1x16xf32>
        tpu.vector_store %arg9[%swap3A_994, %swap3A_995], %swap3A_998 {add = true, strides = array<i32>} : memref<16x16xf32, #tpu.memory_space<vmem>>, vector<1x16xf32>,
        %mul3A_999 = arith.mulf %get3A_991, %get3A_963 : vector<16xf32>
        %swap3A_1000 = arith.constant 3 : i32
        %swap3A_1001 = arith.index_cast %swap3A_1000 : i32 to index
        %swap3A_1002 = arith.constant 0 : index
        %swap3A_1003 = tpu.vector_load %arg9[%swap3A_1001, %swap3A_1002] {strides = array<i32>} : memref<16x16xf32, #tpu.memory_space<vmem>>, vector<1x16xf32>,
        %swap3A_1004 = vector.shape_cast %swap3A_1003 : vector<1x16xf32> to vector<16xf32>
        %swap3A_1005 = vector.shape_cast %mul3A_999 : vector<16xf32> to vector<1x16xf32>
        tpu.vector_store %arg9[%swap3A_1001, %swap3A_1002], %swap3A_1005 {add = true, strides = array<i32>} : memref<16x16xf32, #tpu.memory_space<vmem>>, vector<1x16xf32>,
        %get3A_1006 = arith.constant 0 : i32
        %get3A_1007 = arith.constant 2 : i32
        %get3A_1008 = arith.index_cast %get3A_1006 : i32 to index
        %get3A_1009 = arith.index_cast %get3A_1007 : i32 to index
        %get3A_1010 = arith.index_cast %add3A_945 : i32 to index
        %get3A_1011 = tpu.vector_load %arg5[%get3A_1008, %get3A_1009, %get3A_1010] {strides = array<i32>} : memref<2x8x4096xf32, #tpu.memory_space<vmem>>, vector<1x1x16xf32>,
        %get3A_1012 = vector.shape_cast %get3A_1011 : vector<1x1x16xf32> to vector<16xf32>
        %mul3A_1013 = arith.mulf %get3A_1012, %get3A_954 : vector<16xf32>
        %swap3A_1014 = arith.constant 4 : i32
        %swap3A_1015 = arith.index_cast %swap3A_1014 : i32 to index
        %swap3A_1016 = arith.constant 0 : index
        %swap3A_1017 = tpu.vector_load %arg9[%swap3A_1015, %swap3A_1016] {strides = array<i32>} : memref<16x16xf32, #tpu.memory_space<vmem>>, vector<1x16xf32>,
        %swap3A_1018 = vector.shape_cast %swap3A_1017 : vector<1x16xf32> to vector<16xf32>
        %swap3A_1019 = vector.shape_cast %mul3A_1013 : vector<16xf32> to vector<1x16xf32>
        tpu.vector_store %arg9[%swap3A_1015, %swap3A_1016], %swap3A_1019 {add = true, strides = array<i32>} : memref<16x16xf32, #tpu.memory_space<vmem>>, vector<1x16xf32>,
        %mul3A_1020 = arith.mulf %get3A_1012, %get3A_963 : vector<16xf32>
        %swap3A_1021 = arith.constant 5 : i32
        %swap3A_1022 = arith.index_cast %swap3A_1021 : i32 to index
        %swap3A_1023 = arith.constant 0 : index
        %swap3A_1024 = tpu.vector_load %arg9[%swap3A_1022, %swap3A_1023] {strides = array<i32>} : memref<16x16xf32, #tpu.memory_space<vmem>>, vector<1x16xf32>,
        %swap3A_1025 = vector.shape_cast %swap3A_1024 : vector<1x16xf32> to vector<16xf32>
        %swap3A_1026 = vector.shape_cast %mul3A_1020 : vector<16xf32> to vector<1x16xf32>
        tpu.vector_store %arg9[%swap3A_1022, %swap3A_1023], %swap3A_1026 {add = true, strides = array<i32>} : memref<16x16xf32, #tpu.memory_space<vmem>>, vector<1x16xf32>,
        %get3A_1027 = arith.constant 0 : i32
        %get3A_1028 = arith.constant 3 : i32
        %get3A_1029 = arith.index_cast %get3A_1027 : i32 to index
        %get3A_1030 = arith.index_cast %get3A_1028 : i32 to index
        %get3A_1031 = arith.index_cast %add3A_945 : i32 to index
        %get3A_1032 = tpu.vector_load %arg5[%get3A_1029, %get3A_1030, %get3A_1031] {strides = array<i32>} : memref<2x8x4096xf32, #tpu.memory_space<vmem>>, vector<1x1x16xf32>,
        %get3A_1033 = vector.shape_cast %get3A_1032 : vector<1x1x16xf32> to vector<16xf32>
        %mul3A_1034 = arith.mulf %get3A_1033, %get3A_954 : vector<16xf32>
        %swap3A_1035 = arith.constant 6 : i32
        %swap3A_1036 = arith.index_cast %swap3A_1035 : i32 to index
        %swap3A_1037 = arith.constant 0 : index
        %swap3A_1038 = tpu.vector_load %arg9[%swap3A_1036, %swap3A_1037] {strides = array<i32>} : memref<16x16xf32, #tpu.memory_space<vmem>>, vector<1x16xf32>,
        %swap3A_1039 = vector.shape_cast %swap3A_1038 : vector<1x16xf32> to vector<16xf32>
        %swap3A_1040 = vector.shape_cast %mul3A_1034 : vector<16xf32> to vector<1x16xf32>
        tpu.vector_store %arg9[%swap3A_1036, %swap3A_1037], %swap3A_1040 {add = true, strides = array<i32>} : memref<16x16xf32, #tpu.memory_space<vmem>>, vector<1x16xf32>,
        %mul3A_1041 = arith.mulf %get3A_1033, %get3A_963 : vector<16xf32>
        %swap3A_1042 = arith.constant 7 : i32
        %swap3A_1043 = arith.index_cast %swap3A_1042 : i32 to index
        %swap3A_1044 = arith.constant 0 : index
        %swap3A_1045 = tpu.vector_load %arg9[%swap3A_1043, %swap3A_1044] {strides = array<i32>} : memref<16x16xf32, #tpu.memory_space<vmem>>, vector<1x16xf32>,
        %swap3A_1046 = vector.shape_cast %swap3A_1045 : vector<1x16xf32> to vector<16xf32>
        %swap3A_1047 = vector.shape_cast %mul3A_1041 : vector<16xf32> to vector<1x16xf32>
        tpu.vector_store %arg9[%swap3A_1043, %swap3A_1044], %swap3A_1047 {add = true, strides = array<i32>} : memref<16x16xf32, #tpu.memory_space<vmem>>, vector<1x16xf32>,
        %get3A_1048 = arith.constant 0 : i32
        %get3A_1049 = arith.constant 4 : i32
        %get3A_1050 = arith.index_cast %get3A_1048 : i32 to index
        %get3A_1051 = arith.index_cast %get3A_1049 : i32 to index
        %get3A_1052 = arith.index_cast %add3A_945 : i32 to index
        %get3A_1053 = tpu.vector_load %arg5[%get3A_1050, %get3A_1051, %get3A_1052] {strides = array<i32>} : memref<2x8x4096xf32, #tpu.memory_space<vmem>>, vector<1x1x16xf32>,
        %get3A_1054 = vector.shape_cast %get3A_1053 : vector<1x1x16xf32> to vector<16xf32>
        %mul3A_1055 = arith.mulf %get3A_1054, %get3A_954 : vector<16xf32>
        %swap3A_1056 = arith.constant 8 : i32
        %swap3A_1057 = arith.index_cast %swap3A_1056 : i32 to index
        %swap3A_1058 = arith.constant 0 : index
        %swap3A_1059 = tpu.vector_load %arg9[%swap3A_1057, %swap3A_1058] {strides = array<i32>} : memref<16x16xf32, #tpu.memory_space<vmem>>, vector<1x16xf32>,
        %swap3A_1060 = vector.shape_cast %swap3A_1059 : vector<1x16xf32> to vector<16xf32>
        %swap3A_1061 = vector.shape_cast %mul3A_1055 : vector<16xf32> to vector<1x16xf32>
        tpu.vector_store %arg9[%swap3A_1057, %swap3A_1058], %swap3A_1061 {add = true, strides = array<i32>} : memref<16x16xf32, #tpu.memory_space<vmem>>, vector<1x16xf32>,
        %mul3A_1062 = arith.mulf %get3A_1054, %get3A_963 : vector<16xf32>
        %swap3A_1063 = arith.constant 9 : i32
        %swap3A_1064 = arith.index_cast %swap3A_1063 : i32 to index
        %swap3A_1065 = arith.constant 0 : index
        %swap3A_1066 = tpu.vector_load %arg9[%swap3A_1064, %swap3A_1065] {strides = array<i32>} : memref<16x16xf32, #tpu.memory_space<vmem>>, vector<1x16xf32>,
        %swap3A_1067 = vector.shape_cast %swap3A_1066 : vector<1x16xf32> to vector<16xf32>
        %swap3A_1068 = vector.shape_cast %mul3A_1062 : vector<16xf32> to vector<1x16xf32>
        tpu.vector_store %arg9[%swap3A_1064, %swap3A_1065], %swap3A_1068 {add = true, strides = array<i32>} : memref<16x16xf32, #tpu.memory_space<vmem>>, vector<1x16xf32>,
        %get3A_1069 = arith.constant 0 : i32
        %get3A_1070 = arith.constant 5 : i32
        %get3A_1071 = arith.index_cast %get3A_1069 : i32 to index
        %get3A_1072 = arith.index_cast %get3A_1070 : i32 to index
        %get3A_1073 = arith.index_cast %add3A_945 : i32 to index
        %get3A_1074 = tpu.vector_load %arg5[%get3A_1071, %get3A_1072, %get3A_1073] {strides = array<i32>} : memref<2x8x4096xf32, #tpu.memory_space<vmem>>, vector<1x1x16xf32>,
        %get3A_1075 = vector.shape_cast %get3A_1074 : vector<1x1x16xf32> to vector<16xf32>
        %mul3A_1076 = arith.mulf %get3A_1075, %get3A_954 : vector<16xf32>
        %swap3A_1077 = arith.constant 10 : i32
        %swap3A_1078 = arith.index_cast %swap3A_1077 : i32 to index
        %swap3A_1079 = arith.constant 0 : index
        %swap3A_1080 = tpu.vector_load %arg9[%swap3A_1078, %swap3A_1079] {strides = array<i32>} : memref<16x16xf32, #tpu.memory_space<vmem>>, vector<1x16xf32>,
        %swap3A_1081 = vector.shape_cast %swap3A_1080 : vector<1x16xf32> to vector<16xf32>
        %swap3A_1082 = vector.shape_cast %mul3A_1076 : vector<16xf32> to vector<1x16xf32>
        tpu.vector_store %arg9[%swap3A_1078, %swap3A_1079], %swap3A_1082 {add = true, strides = array<i32>} : memref<16x16xf32, #tpu.memory_space<vmem>>, vector<1x16xf32>,
        %mul3A_1083 = arith.mulf %get3A_1075, %get3A_963 : vector<16xf32>
        %swap3A_1084 = arith.constant 11 : i32
        %swap3A_1085 = arith.index_cast %swap3A_1084 : i32 to index
        %swap3A_1086 = arith.constant 0 : index
        %swap3A_1087 = tpu.vector_load %arg9[%swap3A_1085, %swap3A_1086] {strides = array<i32>} : memref<16x16xf32, #tpu.memory_space<vmem>>, vector<1x16xf32>,
        %swap3A_1088 = vector.shape_cast %swap3A_1087 : vector<1x16xf32> to vector<16xf32>
        %swap3A_1089 = vector.shape_cast %mul3A_1083 : vector<16xf32> to vector<1x16xf32>
        tpu.vector_store %arg9[%swap3A_1085, %swap3A_1086], %swap3A_1089 {add = true, strides = array<i32>} : memref<16x16xf32, #tpu.memory_space<vmem>>, vector<1x16xf32>,
        %get3A_1090 = arith.constant 0 : i32
        %get3A_1091 = arith.constant 6 : i32
        %get3A_1092 = arith.index_cast %get3A_1090 : i32 to index
        %get3A_1093 = arith.index_cast %get3A_1091 : i32 to index
        %get3A_1094 = arith.index_cast %add3A_945 : i32 to index
        %get3A_1095 = tpu.vector_load %arg5[%get3A_1092, %get3A_1093, %get3A_1094] {strides = array<i32>} : memref<2x8x4096xf32, #tpu.memory_space<vmem>>, vector<1x1x16xf32>,
        %get3A_1096 = vector.shape_cast %get3A_1095 : vector<1x1x16xf32> to vector<16xf32>
        %mul3A_1097 = arith.mulf %get3A_1096, %get3A_954 : vector<16xf32>
        %swap3A_1098 = arith.constant 12 : i32
        %swap3A_1099 = arith.index_cast %swap3A_1098 : i32 to index
        %swap3A_1100 = arith.constant 0 : index
        %swap3A_1101 = tpu.vector_load %arg9[%swap3A_1099, %swap3A_1100] {strides = array<i32>} : memref<16x16xf32, #tpu.memory_space<vmem>>, vector<1x16xf32>,
        %swap3A_1102 = vector.shape_cast %swap3A_1101 : vector<1x16xf32> to vector<16xf32>
        %swap3A_1103 = vector.shape_cast %mul3A_1097 : vector<16xf32> to vector<1x16xf32>
        tpu.vector_store %arg9[%swap3A_1099, %swap3A_1100], %swap3A_1103 {add = true, strides = array<i32>} : memref<16x16xf32, #tpu.memory_space<vmem>>, vector<1x16xf32>,
        %mul3A_1104 = arith.mulf %get3A_1096, %get3A_963 : vector<16xf32>
        %swap3A_1105 = arith.constant 13 : i32
        %swap3A_1106 = arith.index_cast %swap3A_1105 : i32 to index
        %swap3A_1107 = arith.constant 0 : index
        %swap3A_1108 = tpu.vector_load %arg9[%swap3A_1106, %swap3A_1107] {strides = array<i32>} : memref<16x16xf32, #tpu.memory_space<vmem>>, vector<1x16xf32>,
        %swap3A_1109 = vector.shape_cast %swap3A_1108 : vector<1x16xf32> to vector<16xf32>
        %swap3A_1110 = vector.shape_cast %mul3A_1104 : vector<16xf32> to vector<1x16xf32>
        tpu.vector_store %arg9[%swap3A_1106, %swap3A_1107], %swap3A_1110 {add = true, strides = array<i32>} : memref<16x16xf32, #tpu.memory_space<vmem>>, vector<1x16xf32>,
        %get3A_1111 = arith.constant 0 : i32
        %get3A_1112 = arith.constant 7 : i32
        %get3A_1113 = arith.index_cast %get3A_1111 : i32 to index
        %get3A_1114 = arith.index_cast %get3A_1112 : i32 to index
        %get3A_1115 = arith.index_cast %add3A_945 : i32 to index
        %get3A_1116 = tpu.vector_load %arg5[%get3A_1113, %get3A_1114, %get3A_1115] {strides = array<i32>} : memref<2x8x4096xf32, #tpu.memory_space<vmem>>, vector<1x1x16xf32>,
        %get3A_1117 = vector.shape_cast %get3A_1116 : vector<1x1x16xf32> to vector<16xf32>
        %mul3A_1118 = arith.mulf %get3A_1117, %get3A_954 : vector<16xf32>
        %swap3A_1119 = arith.constant 14 : i32
        %swap3A_1120 = arith.index_cast %swap3A_1119 : i32 to index
        %swap3A_1121 = arith.constant 0 : index
        %swap3A_1122 = tpu.vector_load %arg9[%swap3A_1120, %swap3A_1121] {strides = array<i32>} : memref<16x16xf32, #tpu.memory_space<vmem>>, vector<1x16xf32>,
        %swap3A_1123 = vector.shape_cast %swap3A_1122 : vector<1x16xf32> to vector<16xf32>
        %swap3A_1124 = vector.shape_cast %mul3A_1118 : vector<16xf32> to vector<1x16xf32>
        tpu.vector_store %arg9[%swap3A_1120, %swap3A_1121], %swap3A_1124 {add = true, strides = array<i32>} : memref<16x16xf32, #tpu.memory_space<vmem>>, vector<1x16xf32>,
        %mul3A_1125 = arith.mulf %get3A_1117, %get3A_963 : vector<16xf32>
        %swap3A_1126 = arith.constant 15 : i32
        %swap3A_1127 = arith.index_cast %swap3A_1126 : i32 to index
        %swap3A_1128 = arith.constant 0 : index
        %swap3A_1129 = tpu.vector_load %arg9[%swap3A_1127, %swap3A_1128] {strides = array<i32>} : memref<16x16xf32, #tpu.memory_space<vmem>>, vector<1x16xf32>,
        %swap3A_1130 = vector.shape_cast %swap3A_1129 : vector<1x16xf32> to vector<16xf32>
        %swap3A_1131 = vector.shape_cast %mul3A_1125 : vector<16xf32> to vector<1x16xf32>
        tpu.vector_store %arg9[%swap3A_1127, %swap3A_1128], %swap3A_1131 {add = true, strides = array<i32>} : memref<16x16xf32, #tpu.memory_space<vmem>>, vector<1x16xf32>,
      }
      %scan3A_842 = arith.constant 64 : i32
      %scan3A_843 = arith.constant 0 : i32
      %scan3A_844 = arith.constant 0 : i32
      %scan3A_845 = arith.constant 64 : i32
      %scan3A_846 = arith.addi %scan3A_844, %scan3A_845 : i32
      %scan3A_847 = arith.constant 1 : i32
      scf.for %scan3A_941 = %scan3A_844 to %scan3A_846 step %scan3A_847  : i32 {
        %mul3A_942 = arith.constant 16 : i32
        %mul3A_943 = arith.muli %scan3A_941, %mul3A_942 : i32
        %add3A_944 = arith.constant 3072 : i32
        %add3A_945 = arith.addi %add3A_944, %mul3A_943 : i32
        %mul3A_946 = arith.constant 16 : i32
        %mul3A_947 = arith.muli %scan3A_941, %mul3A_946 : i32
        %get3A_948 = arith.constant 0 : i32
        %get3A_949 = arith.constant 3 : i32
        %get3A_950 = arith.index_cast %get3A_948 : i32 to index
        %get3A_951 = arith.index_cast %get3A_949 : i32 to index
        %get3A_952 = arith.index_cast %mul3A_947 : i32 to index
        %get3A_953 = tpu.vector_load %arg6[%get3A_950, %get3A_951, %get3A_952] {strides = array<i32>} : memref<2x4x1024xf32, #tpu.memory_space<vmem>>, vector<1x1x16xf32>,
        %get3A_954 = vector.shape_cast %get3A_953 : vector<1x1x16xf32> to vector<16xf32>
        %mul3A_955 = arith.constant 16 : i32
        %mul3A_956 = arith.muli %scan3A_941, %mul3A_955 : i32
        %get3A_957 = arith.constant 0 : i32
        %get3A_958 = arith.constant 3 : i32
        %get3A_959 = arith.index_cast %get3A_957 : i32 to index
        %get3A_960 = arith.index_cast %get3A_958 : i32 to index
        %get3A_961 = arith.index_cast %mul3A_956 : i32 to index
        %get3A_962 = tpu.vector_load %arg7[%get3A_959, %get3A_960, %get3A_961] {strides = array<i32>} : memref<2x4x1024xf32, #tpu.memory_space<vmem>>, vector<1x1x16xf32>,
        %get3A_963 = vector.shape_cast %get3A_962 : vector<1x1x16xf32> to vector<16xf32>
        %get3A_964 = arith.constant 0 : i32
        %get3A_965 = arith.constant 0 : i32
        %get3A_966 = arith.index_cast %get3A_964 : i32 to index
        %get3A_967 = arith.index_cast %get3A_965 : i32 to index
        %get3A_968 = arith.index_cast %add3A_945 : i32 to index
        %get3A_969 = tpu.vector_load %arg5[%get3A_966, %get3A_967, %get3A_968] {strides = array<i32>} : memref<2x8x4096xf32, #tpu.memory_space<vmem>>, vector<1x1x16xf32>,
        %get3A_970 = vector.shape_cast %get3A_969 : vector<1x1x16xf32> to vector<16xf32>
        %mul3A_971 = arith.mulf %get3A_970, %get3A_954 : vector<16xf32>
        %swap3A_972 = arith.constant 0 : i32
        %swap3A_973 = arith.index_cast %swap3A_972 : i32 to index
        %swap3A_974 = arith.constant 0 : index
        %swap3A_975 = tpu.vector_load %arg9[%swap3A_973, %swap3A_974] {strides = array<i32>} : memref<16x16xf32, #tpu.memory_space<vmem>>, vector<1x16xf32>,
        %swap3A_976 = vector.shape_cast %swap3A_975 : vector<1x16xf32> to vector<16xf32>
        %swap3A_977 = vector.shape_cast %mul3A_971 : vector<16xf32> to vector<1x16xf32>
        tpu.vector_store %arg9[%swap3A_973, %swap3A_974], %swap3A_977 {add = true, strides = array<i32>} : memref<16x16xf32, #tpu.memory_space<vmem>>, vector<1x16xf32>,
        %mul3A_978 = arith.mulf %get3A_970, %get3A_963 : vector<16xf32>
        %swap3A_979 = arith.constant 1 : i32
        %swap3A_980 = arith.index_cast %swap3A_979 : i32 to index
        %swap3A_981 = arith.constant 0 : index
        %swap3A_982 = tpu.vector_load %arg9[%swap3A_980, %swap3A_981] {strides = array<i32>} : memref<16x16xf32, #tpu.memory_space<vmem>>, vector<1x16xf32>,
        %swap3A_983 = vector.shape_cast %swap3A_982 : vector<1x16xf32> to vector<16xf32>
        %swap3A_984 = vector.shape_cast %mul3A_978 : vector<16xf32> to vector<1x16xf32>
        tpu.vector_store %arg9[%swap3A_980, %swap3A_981], %swap3A_984 {add = true, strides = array<i32>} : memref<16x16xf32, #tpu.memory_space<vmem>>, vector<1x16xf32>,
        %get3A_985 = arith.constant 0 : i32
        %get3A_986 = arith.constant 1 : i32
        %get3A_987 = arith.index_cast %get3A_985 : i32 to index
        %get3A_988 = arith.index_cast %get3A_986 : i32 to index
        %get3A_989 = arith.index_cast %add3A_945 : i32 to index
        %get3A_990 = tpu.vector_load %arg5[%get3A_987, %get3A_988, %get3A_989] {strides = array<i32>} : memref<2x8x4096xf32, #tpu.memory_space<vmem>>, vector<1x1x16xf32>,
        %get3A_991 = vector.shape_cast %get3A_990 : vector<1x1x16xf32> to vector<16xf32>
        %mul3A_992 = arith.mulf %get3A_991, %get3A_954 : vector<16xf32>
        %swap3A_993 = arith.constant 2 : i32
        %swap3A_994 = arith.index_cast %swap3A_993 : i32 to index
        %swap3A_995 = arith.constant 0 : index
        %swap3A_996 = tpu.vector_load %arg9[%swap3A_994, %swap3A_995] {strides = array<i32>} : memref<16x16xf32, #tpu.memory_space<vmem>>, vector<1x16xf32>,
        %swap3A_997 = vector.shape_cast %swap3A_996 : vector<1x16xf32> to vector<16xf32>
        %swap3A_998 = vector.shape_cast %mul3A_992 : vector<16xf32> to vector<1x16xf32>
        tpu.vector_store %arg9[%swap3A_994, %swap3A_995], %swap3A_998 {add = true, strides = array<i32>} : memref<16x16xf32, #tpu.memory_space<vmem>>, vector<1x16xf32>,
        %mul3A_999 = arith.mulf %get3A_991, %get3A_963 : vector<16xf32>
        %swap3A_1000 = arith.constant 3 : i32
        %swap3A_1001 = arith.index_cast %swap3A_1000 : i32 to index
        %swap3A_1002 = arith.constant 0 : index
        %swap3A_1003 = tpu.vector_load %arg9[%swap3A_1001, %swap3A_1002] {strides = array<i32>} : memref<16x16xf32, #tpu.memory_space<vmem>>, vector<1x16xf32>,
        %swap3A_1004 = vector.shape_cast %swap3A_1003 : vector<1x16xf32> to vector<16xf32>
        %swap3A_1005 = vector.shape_cast %mul3A_999 : vector<16xf32> to vector<1x16xf32>
        tpu.vector_store %arg9[%swap3A_1001, %swap3A_1002], %swap3A_1005 {add = true, strides = array<i32>} : memref<16x16xf32, #tpu.memory_space<vmem>>, vector<1x16xf32>,
        %get3A_1006 = arith.constant 0 : i32
        %get3A_1007 = arith.constant 2 : i32
        %get3A_1008 = arith.index_cast %get3A_1006 : i32 to index
        %get3A_1009 = arith.index_cast %get3A_1007 : i32 to index
        %get3A_1010 = arith.index_cast %add3A_945 : i32 to index
        %get3A_1011 = tpu.vector_load %arg5[%get3A_1008, %get3A_1009, %get3A_1010] {strides = array<i32>} : memref<2x8x4096xf32, #tpu.memory_space<vmem>>, vector<1x1x16xf32>,
        %get3A_1012 = vector.shape_cast %get3A_1011 : vector<1x1x16xf32> to vector<16xf32>
        %mul3A_1013 = arith.mulf %get3A_1012, %get3A_954 : vector<16xf32>
        %swap3A_1014 = arith.constant 4 : i32
        %swap3A_1015 = arith.index_cast %swap3A_1014 : i32 to index
        %swap3A_1016 = arith.constant 0 : index
        %swap3A_1017 = tpu.vector_load %arg9[%swap3A_1015, %swap3A_1016] {strides = array<i32>} : memref<16x16xf32, #tpu.memory_space<vmem>>, vector<1x16xf32>,
        %swap3A_1018 = vector.shape_cast %swap3A_1017 : vector<1x16xf32> to vector<16xf32>
        %swap3A_1019 = vector.shape_cast %mul3A_1013 : vector<16xf32> to vector<1x16xf32>
        tpu.vector_store %arg9[%swap3A_1015, %swap3A_1016], %swap3A_1019 {add = true, strides = array<i32>} : memref<16x16xf32, #tpu.memory_space<vmem>>, vector<1x16xf32>,
        %mul3A_1020 = arith.mulf %get3A_1012, %get3A_963 : vector<16xf32>
        %swap3A_1021 = arith.constant 5 : i32
        %swap3A_1022 = arith.index_cast %swap3A_1021 : i32 to index
        %swap3A_1023 = arith.constant 0 : index
        %swap3A_1024 = tpu.vector_load %arg9[%swap3A_1022, %swap3A_1023] {strides = array<i32>} : memref<16x16xf32, #tpu.memory_space<vmem>>, vector<1x16xf32>,
        %swap3A_1025 = vector.shape_cast %swap3A_1024 : vector<1x16xf32> to vector<16xf32>
        %swap3A_1026 = vector.shape_cast %mul3A_1020 : vector<16xf32> to vector<1x16xf32>
        tpu.vector_store %arg9[%swap3A_1022, %swap3A_1023], %swap3A_1026 {add = true, strides = array<i32>} : memref<16x16xf32, #tpu.memory_space<vmem>>, vector<1x16xf32>,
        %get3A_1027 = arith.constant 0 : i32
        %get3A_1028 = arith.constant 3 : i32
        %get3A_1029 = arith.index_cast %get3A_1027 : i32 to index
        %get3A_1030 = arith.index_cast %get3A_1028 : i32 to index
        %get3A_1031 = arith.index_cast %add3A_945 : i32 to index
        %get3A_1032 = tpu.vector_load %arg5[%get3A_1029, %get3A_1030, %get3A_1031] {strides = array<i32>} : memref<2x8x4096xf32, #tpu.memory_space<vmem>>, vector<1x1x16xf32>,
        %get3A_1033 = vector.shape_cast %get3A_1032 : vector<1x1x16xf32> to vector<16xf32>
        %mul3A_1034 = arith.mulf %get3A_1033, %get3A_954 : vector<16xf32>
        %swap3A_1035 = arith.constant 6 : i32
        %swap3A_1036 = arith.index_cast %swap3A_1035 : i32 to index
        %swap3A_1037 = arith.constant 0 : index
        %swap3A_1038 = tpu.vector_load %arg9[%swap3A_1036, %swap3A_1037] {strides = array<i32>} : memref<16x16xf32, #tpu.memory_space<vmem>>, vector<1x16xf32>,
        %swap3A_1039 = vector.shape_cast %swap3A_1038 : vector<1x16xf32> to vector<16xf32>
        %swap3A_1040 = vector.shape_cast %mul3A_1034 : vector<16xf32> to vector<1x16xf32>
        tpu.vector_store %arg9[%swap3A_1036, %swap3A_1037], %swap3A_1040 {add = true, strides = array<i32>} : memref<16x16xf32, #tpu.memory_space<vmem>>, vector<1x16xf32>,
        %mul3A_1041 = arith.mulf %get3A_1033, %get3A_963 : vector<16xf32>
        %swap3A_1042 = arith.constant 7 : i32
        %swap3A_1043 = arith.index_cast %swap3A_1042 : i32 to index
        %swap3A_1044 = arith.constant 0 : index
        %swap3A_1045 = tpu.vector_load %arg9[%swap3A_1043, %swap3A_1044] {strides = array<i32>} : memref<16x16xf32, #tpu.memory_space<vmem>>, vector<1x16xf32>,
        %swap3A_1046 = vector.shape_cast %swap3A_1045 : vector<1x16xf32> to vector<16xf32>
        %swap3A_1047 = vector.shape_cast %mul3A_1041 : vector<16xf32> to vector<1x16xf32>
        tpu.vector_store %arg9[%swap3A_1043, %swap3A_1044], %swap3A_1047 {add = true, strides = array<i32>} : memref<16x16xf32, #tpu.memory_space<vmem>>, vector<1x16xf32>,
        %get3A_1048 = arith.constant 0 : i32
        %get3A_1049 = arith.constant 4 : i32
        %get3A_1050 = arith.index_cast %get3A_1048 : i32 to index
        %get3A_1051 = arith.index_cast %get3A_1049 : i32 to index
        %get3A_1052 = arith.index_cast %add3A_945 : i32 to index
        %get3A_1053 = tpu.vector_load %arg5[%get3A_1050, %get3A_1051, %get3A_1052] {strides = array<i32>} : memref<2x8x4096xf32, #tpu.memory_space<vmem>>, vector<1x1x16xf32>,
        %get3A_1054 = vector.shape_cast %get3A_1053 : vector<1x1x16xf32> to vector<16xf32>
        %mul3A_1055 = arith.mulf %get3A_1054, %get3A_954 : vector<16xf32>
        %swap3A_1056 = arith.constant 8 : i32
        %swap3A_1057 = arith.index_cast %swap3A_1056 : i32 to index
        %swap3A_1058 = arith.constant 0 : index
        %swap3A_1059 = tpu.vector_load %arg9[%swap3A_1057, %swap3A_1058] {strides = array<i32>} : memref<16x16xf32, #tpu.memory_space<vmem>>, vector<1x16xf32>,
        %swap3A_1060 = vector.shape_cast %swap3A_1059 : vector<1x16xf32> to vector<16xf32>
        %swap3A_1061 = vector.shape_cast %mul3A_1055 : vector<16xf32> to vector<1x16xf32>
        tpu.vector_store %arg9[%swap3A_1057, %swap3A_1058], %swap3A_1061 {add = true, strides = array<i32>} : memref<16x16xf32, #tpu.memory_space<vmem>>, vector<1x16xf32>,
        %mul3A_1062 = arith.mulf %get3A_1054, %get3A_963 : vector<16xf32>
        %swap3A_1063 = arith.constant 9 : i32
        %swap3A_1064 = arith.index_cast %swap3A_1063 : i32 to index
        %swap3A_1065 = arith.constant 0 : index
        %swap3A_1066 = tpu.vector_load %arg9[%swap3A_1064, %swap3A_1065] {strides = array<i32>} : memref<16x16xf32, #tpu.memory_space<vmem>>, vector<1x16xf32>,
        %swap3A_1067 = vector.shape_cast %swap3A_1066 : vector<1x16xf32> to vector<16xf32>
        %swap3A_1068 = vector.shape_cast %mul3A_1062 : vector<16xf32> to vector<1x16xf32>
        tpu.vector_store %arg9[%swap3A_1064, %swap3A_1065], %swap3A_1068 {add = true, strides = array<i32>} : memref<16x16xf32, #tpu.memory_space<vmem>>, vector<1x16xf32>,
        %get3A_1069 = arith.constant 0 : i32
        %get3A_1070 = arith.constant 5 : i32
        %get3A_1071 = arith.index_cast %get3A_1069 : i32 to index
        %get3A_1072 = arith.index_cast %get3A_1070 : i32 to index
        %get3A_1073 = arith.index_cast %add3A_945 : i32 to index
        %get3A_1074 = tpu.vector_load %arg5[%get3A_1071, %get3A_1072, %get3A_1073] {strides = array<i32>} : memref<2x8x4096xf32, #tpu.memory_space<vmem>>, vector<1x1x16xf32>,
        %get3A_1075 = vector.shape_cast %get3A_1074 : vector<1x1x16xf32> to vector<16xf32>
        %mul3A_1076 = arith.mulf %get3A_1075, %get3A_954 : vector<16xf32>
        %swap3A_1077 = arith.constant 10 : i32
        %swap3A_1078 = arith.index_cast %swap3A_1077 : i32 to index
        %swap3A_1079 = arith.constant 0 : index
        %swap3A_1080 = tpu.vector_load %arg9[%swap3A_1078, %swap3A_1079] {strides = array<i32>} : memref<16x16xf32, #tpu.memory_space<vmem>>, vector<1x16xf32>,
        %swap3A_1081 = vector.shape_cast %swap3A_1080 : vector<1x16xf32> to vector<16xf32>
        %swap3A_1082 = vector.shape_cast %mul3A_1076 : vector<16xf32> to vector<1x16xf32>
        tpu.vector_store %arg9[%swap3A_1078, %swap3A_1079], %swap3A_1082 {add = true, strides = array<i32>} : memref<16x16xf32, #tpu.memory_space<vmem>>, vector<1x16xf32>,
        %mul3A_1083 = arith.mulf %get3A_1075, %get3A_963 : vector<16xf32>
        %swap3A_1084 = arith.constant 11 : i32
        %swap3A_1085 = arith.index_cast %swap3A_1084 : i32 to index
        %swap3A_1086 = arith.constant 0 : index
        %swap3A_1087 = tpu.vector_load %arg9[%swap3A_1085, %swap3A_1086] {strides = array<i32>} : memref<16x16xf32, #tpu.memory_space<vmem>>, vector<1x16xf32>,
        %swap3A_1088 = vector.shape_cast %swap3A_1087 : vector<1x16xf32> to vector<16xf32>
        %swap3A_1089 = vector.shape_cast %mul3A_1083 : vector<16xf32> to vector<1x16xf32>
        tpu.vector_store %arg9[%swap3A_1085, %swap3A_1086], %swap3A_1089 {add = true, strides = array<i32>} : memref<16x16xf32, #tpu.memory_space<vmem>>, vector<1x16xf32>,
        %get3A_1090 = arith.constant 0 : i32
        %get3A_1091 = arith.constant 6 : i32
        %get3A_1092 = arith.index_cast %get3A_1090 : i32 to index
        %get3A_1093 = arith.index_cast %get3A_1091 : i32 to index
        %get3A_1094 = arith.index_cast %add3A_945 : i32 to index
        %get3A_1095 = tpu.vector_load %arg5[%get3A_1092, %get3A_1093, %get3A_1094] {strides = array<i32>} : memref<2x8x4096xf32, #tpu.memory_space<vmem>>, vector<1x1x16xf32>,
        %get3A_1096 = vector.shape_cast %get3A_1095 : vector<1x1x16xf32> to vector<16xf32>
        %mul3A_1097 = arith.mulf %get3A_1096, %get3A_954 : vector<16xf32>
        %swap3A_1098 = arith.constant 12 : i32
        %swap3A_1099 = arith.index_cast %swap3A_1098 : i32 to index
        %swap3A_1100 = arith.constant 0 : index
        %swap3A_1101 = tpu.vector_load %arg9[%swap3A_1099, %swap3A_1100] {strides = array<i32>} : memref<16x16xf32, #tpu.memory_space<vmem>>, vector<1x16xf32>,
        %swap3A_1102 = vector.shape_cast %swap3A_1101 : vector<1x16xf32> to vector<16xf32>
        %swap3A_1103 = vector.shape_cast %mul3A_1097 : vector<16xf32> to vector<1x16xf32>
        tpu.vector_store %arg9[%swap3A_1099, %swap3A_1100], %swap3A_1103 {add = true, strides = array<i32>} : memref<16x16xf32, #tpu.memory_space<vmem>>, vector<1x16xf32>,
        %mul3A_1104 = arith.mulf %get3A_1096, %get3A_963 : vector<16xf32>
        %swap3A_1105 = arith.constant 13 : i32
        %swap3A_1106 = arith.index_cast %swap3A_1105 : i32 to index
        %swap3A_1107 = arith.constant 0 : index
        %swap3A_1108 = tpu.vector_load %arg9[%swap3A_1106, %swap3A_1107] {strides = array<i32>} : memref<16x16xf32, #tpu.memory_space<vmem>>, vector<1x16xf32>,
        %swap3A_1109 = vector.shape_cast %swap3A_1108 : vector<1x16xf32> to vector<16xf32>
        %swap3A_1110 = vector.shape_cast %mul3A_1104 : vector<16xf32> to vector<1x16xf32>
        tpu.vector_store %arg9[%swap3A_1106, %swap3A_1107], %swap3A_1110 {add = true, strides = array<i32>} : memref<16x16xf32, #tpu.memory_space<vmem>>, vector<1x16xf32>,
        %get3A_1111 = arith.constant 0 : i32
        %get3A_1112 = arith.constant 7 : i32
        %get3A_1113 = arith.index_cast %get3A_1111 : i32 to index
        %get3A_1114 = arith.index_cast %get3A_1112 : i32 to index
        %get3A_1115 = arith.index_cast %add3A_945 : i32 to index
        %get3A_1116 = tpu.vector_load %arg5[%get3A_1113, %get3A_1114, %get3A_1115] {strides = array<i32>} : memref<2x8x4096xf32, #tpu.memory_space<vmem>>, vector<1x1x16xf32>,
        %get3A_1117 = vector.shape_cast %get3A_1116 : vector<1x1x16xf32> to vector<16xf32>
        %mul3A_1118 = arith.mulf %get3A_1117, %get3A_954 : vector<16xf32>
        %swap3A_1119 = arith.constant 14 : i32
        %swap3A_1120 = arith.index_cast %swap3A_1119 : i32 to index
        %swap3A_1121 = arith.constant 0 : index
        %swap3A_1122 = tpu.vector_load %arg9[%swap3A_1120, %swap3A_1121] {strides = array<i32>} : memref<16x16xf32, #tpu.memory_space<vmem>>, vector<1x16xf32>,
        %swap3A_1123 = vector.shape_cast %swap3A_1122 : vector<1x16xf32> to vector<16xf32>
        %swap3A_1124 = vector.shape_cast %mul3A_1118 : vector<16xf32> to vector<1x16xf32>
        tpu.vector_store %arg9[%swap3A_1120, %swap3A_1121], %swap3A_1124 {add = true, strides = array<i32>} : memref<16x16xf32, #tpu.memory_space<vmem>>, vector<1x16xf32>,
        %mul3A_1125 = arith.mulf %get3A_1117, %get3A_963 : vector<16xf32>
        %swap3A_1126 = arith.constant 15 : i32
        %swap3A_1127 = arith.index_cast %swap3A_1126 : i32 to index
        %swap3A_1128 = arith.constant 0 : index
        %swap3A_1129 = tpu.vector_load %arg9[%swap3A_1127, %swap3A_1128] {strides = array<i32>} : memref<16x16xf32, #tpu.memory_space<vmem>>, vector<1x16xf32>,
        %swap3A_1130 = vector.shape_cast %swap3A_1129 : vector<1x16xf32> to vector<16xf32>
        %swap3A_1131 = vector.shape_cast %mul3A_1125 : vector<16xf32> to vector<1x16xf32>
        tpu.vector_store %arg9[%swap3A_1127, %swap3A_1128], %swap3A_1131 {add = true, strides = array<i32>} : memref<16x16xf32, #tpu.memory_space<vmem>>, vector<1x16xf32>,
      }
      %scan3A_848 = arith.constant 64 : i32
      %mul3A_849 = arith.constant 2 : i32
      %mul3A_850 = arith.muli %scan3A_761, %mul3A_849 : i32
      %add3A_851 = arith.constant 1 : i32
      %add3A_852 = arith.addi %mul3A_850, %add3A_851 : i32
      %add3A_853 = arith.constant 2 : i32
      %add3A_854 = arith.addi %add3A_852, %add3A_853 : i32
      %sub3A_855 = arith.constant 1 : i32
      %sub3A_856 = arith.subi %add3A_854, %sub3A_855 : i32
      %lt3A_857 = arith.constant 16 : i32
      %lt3A_858 = arith.cmpi slt, %sub3A_856, %lt3A_857 : i32
      %convert_element_type3A_859 = arith.extui %lt3A_858 : i1 to i32
      %cond3A_860 = arith.constant 0 : i32
      %cond3A_861 = arith.cmpi ne, %convert_element_type3A_859, %cond3A_860 : i32
      scf.if %cond3A_861 {
        %mul3A_941 = arith.constant 16 : i32
        %mul3A_942 = arith.muli %add3A, %mul3A_941 : i32
        %add3A_943 = arith.addi %mul3A_942, %sub3A_856 : i32
        %mul3A_944 = arith.constant 4096 : i32
        %mul3A_945 = arith.muli %add3A_943, %mul3A_944 : i32
        %mul3A_946 = arith.constant 16 : i32
        %mul3A_947 = arith.muli %add3A, %mul3A_946 : i32
        %add3A_948 = arith.addi %mul3A_947, %sub3A_856 : i32
        %mul3A_949 = arith.constant 4 : i32
        %mul3A_950 = arith.muli %add3A_948, %mul3A_949 : i32
        %dma_start3A_951 = arith.constant 0 : i32
        %dma_start3A_952 = arith.constant 0 : i32
        %dma_start3A_953 = arith.constant 0 : i32
        %dma_start3A_954 = tpu.memref_slice %arg5[%dma_start3A_951, %dma_start3A_952, %dma_start3A_953] : memref<2x8x4096xf32, #tpu.memory_space<vmem>> -> memref<1x8x4096xf32, #tpu.memory_space<vmem>>
        %dma_start3A_955 = tpu.memref_squeeze %dma_start3A_954 : memref<1x8x4096xf32, #tpu.memory_space<vmem>> -> memref<8x4096xf32, #tpu.memory_space<vmem>>
        %dma_start3A_956 = arith.constant 0 : i32
        %dma_start3A_957 = tpu.memref_slice %arg3[%dma_start3A_956, %mul3A_945] : memref<8x2097152xf32, #tpu.memory_space<hbm>> -> memref<8x4096xf32, #tpu.memory_space<hbm>>
        %dma_start3A_958 = arith.constant 0 : i32
        %dma_start3A_959 = arith.constant 0 : i32
        %dma_start3A_960 = tpu.memref_slice %arg5[%dma_start3A_951, %dma_start3A_958, %dma_start3A_959] : memref<2x8x4096xf32, #tpu.memory_space<vmem>> -> memref<1x8x4096xf32, #tpu.memory_space<vmem>>
        %dma_start3A_961 = tpu.memref_squeeze %dma_start3A_960 : memref<1x8x4096xf32, #tpu.memory_space<vmem>> -> memref<8x4096xf32, #tpu.memory_space<vmem>>
        %dma_start3A_962 = arith.constant 0 : i32
        %dma_start3A_963 = tpu.memref_slice %arg3[%dma_start3A_962, %mul3A_945] : memref<8x2097152xf32, #tpu.memory_space<hbm>> -> memref<8x4096xf32, #tpu.memory_space<hbm>>
        tpu.enqueue_dma source(%dma_start3A_963 : memref<8x4096xf32, #tpu.memory_space<hbm>>) target(%dma_start3A_961 : memref<8x4096xf32, #tpu.memory_space<vmem>>) target_semaphore(%arg10 : memref<!tpu.dma_semaphore, #tpu.memory_space<semaphore_mem>>)
        %dma_start3A_964 = arith.constant 0 : i32
        %dma_start3A_965 = arith.constant 0 : i32
        %dma_start3A_966 = arith.constant 0 : i32
        %dma_start3A_967 = arith.constant 0 : i32
        %dma_start3A_968 = tpu.memref_slice %arg6[%dma_start3A_965, %dma_start3A_966, %dma_start3A_967] : memref<2x4x1024xf32, #tpu.memory_space<vmem>> -> memref<1x4x1024xf32, #tpu.memory_space<vmem>>
        %dma_start3A_969 = tpu.memref_squeeze %dma_start3A_968 : memref<1x4x1024xf32, #tpu.memory_space<vmem>> -> memref<4x1024xf32, #tpu.memory_space<vmem>>
        %dma_start3A_970 = arith.constant 0 : i32
        %dma_start3A_971 = tpu.memref_slice %arg2[%dma_start3A_964, %mul3A_950, %dma_start3A_970] : memref<2x2048x1024xf32, #tpu.memory_space<hbm>> -> memref<1x4x1024xf32, #tpu.memory_space<hbm>>
        %dma_start3A_972 = tpu.memref_squeeze %dma_start3A_971 : memref<1x4x1024xf32, #tpu.memory_space<hbm>> -> memref<4x1024xf32, #tpu.memory_space<hbm>>
        %dma_start3A_973 = arith.constant 0 : i32
        %dma_start3A_974 = arith.constant 0 : i32
        %dma_start3A_975 = tpu.memref_slice %arg6[%dma_start3A_965, %dma_start3A_973, %dma_start3A_974] : memref<2x4x1024xf32, #tpu.memory_space<vmem>> -> memref<1x4x1024xf32, #tpu.memory_space<vmem>>
        %dma_start3A_976 = tpu.memref_squeeze %dma_start3A_975 : memref<1x4x1024xf32, #tpu.memory_space<vmem>> -> memref<4x1024xf32, #tpu.memory_space<vmem>>
        %dma_start3A_977 = arith.constant 0 : i32
        %dma_start3A_978 = tpu.memref_slice %arg2[%dma_start3A_964, %mul3A_950, %dma_start3A_977] : memref<2x2048x1024xf32, #tpu.memory_space<hbm>> -> memref<1x4x1024xf32, #tpu.memory_space<hbm>>
        %dma_start3A_979 = tpu.memref_squeeze %dma_start3A_978 : memref<1x4x1024xf32, #tpu.memory_space<hbm>> -> memref<4x1024xf32, #tpu.memory_space<hbm>>
        tpu.enqueue_dma source(%dma_start3A_979 : memref<4x1024xf32, #tpu.memory_space<hbm>>) target(%dma_start3A_976 : memref<4x1024xf32, #tpu.memory_space<vmem>>) target_semaphore(%arg10 : memref<!tpu.dma_semaphore, #tpu.memory_space<semaphore_mem>>)
        %dma_start3A_980 = arith.constant 1 : i32
        %dma_start3A_981 = arith.constant 0 : i32
        %dma_start3A_982 = arith.constant 0 : i32
        %dma_start3A_983 = arith.constant 0 : i32
        %dma_start3A_984 = tpu.memref_slice %arg7[%dma_start3A_981, %dma_start3A_982, %dma_start3A_983] : memref<2x4x1024xf32, #tpu.memory_space<vmem>> -> memref<1x4x1024xf32, #tpu.memory_space<vmem>>
        %dma_start3A_985 = tpu.memref_squeeze %dma_start3A_984 : memref<1x4x1024xf32, #tpu.memory_space<vmem>> -> memref<4x1024xf32, #tpu.memory_space<vmem>>
        %dma_start3A_986 = arith.constant 0 : i32
        %dma_start3A_987 = tpu.memref_slice %arg2[%dma_start3A_980, %mul3A_950, %dma_start3A_986] : memref<2x2048x1024xf32, #tpu.memory_space<hbm>> -> memref<1x4x1024xf32, #tpu.memory_space<hbm>>
        %dma_start3A_988 = tpu.memref_squeeze %dma_start3A_987 : memref<1x4x1024xf32, #tpu.memory_space<hbm>> -> memref<4x1024xf32, #tpu.memory_space<hbm>>
        %dma_start3A_989 = arith.constant 0 : i32
        %dma_start3A_990 = arith.constant 0 : i32
        %dma_start3A_991 = tpu.memref_slice %arg7[%dma_start3A_981, %dma_start3A_989, %dma_start3A_990] : memref<2x4x1024xf32, #tpu.memory_space<vmem>> -> memref<1x4x1024xf32, #tpu.memory_space<vmem>>
        %dma_start3A_992 = tpu.memref_squeeze %dma_start3A_991 : memref<1x4x1024xf32, #tpu.memory_space<vmem>> -> memref<4x1024xf32, #tpu.memory_space<vmem>>
        %dma_start3A_993 = arith.constant 0 : i32
        %dma_start3A_994 = tpu.memref_slice %arg2[%dma_start3A_980, %mul3A_950, %dma_start3A_993] : memref<2x2048x1024xf32, #tpu.memory_space<hbm>> -> memref<1x4x1024xf32, #tpu.memory_space<hbm>>
        %dma_start3A_995 = tpu.memref_squeeze %dma_start3A_994 : memref<1x4x1024xf32, #tpu.memory_space<hbm>> -> memref<4x1024xf32, #tpu.memory_space<hbm>>
        tpu.enqueue_dma source(%dma_start3A_995 : memref<4x1024xf32, #tpu.memory_space<hbm>>) target(%dma_start3A_992 : memref<4x1024xf32, #tpu.memory_space<vmem>>) target_semaphore(%arg10 : memref<!tpu.dma_semaphore, #tpu.memory_space<semaphore_mem>>)
      } else {
      }
      %mul3A_862 = arith.constant 16 : i32
      %mul3A_863 = arith.muli %add3A, %mul3A_862 : i32
      %add3A_864 = arith.addi %mul3A_863, %add3A_852 : i32
      %mul3A_865 = arith.constant 4096 : i32
      %mul3A_866 = arith.muli %add3A_864, %mul3A_865 : i32
      %mul3A_867 = arith.constant 16 : i32
      %mul3A_868 = arith.muli %add3A, %mul3A_867 : i32
      %add3A_869 = arith.addi %mul3A_868, %add3A_852 : i32
      %mul3A_870 = arith.constant 4 : i32
      %mul3A_871 = arith.muli %add3A_869, %mul3A_870 : i32
      %dma_wait3A_872 = arith.constant 1 : i32
      %dma_wait3A_873 = arith.constant 0 : i32
      %dma_wait3A_874 = arith.constant 0 : i32
      %dma_wait3A_875 = tpu.memref_slice %arg5[%dma_wait3A_872, %dma_wait3A_873, %dma_wait3A_874] : memref<2x8x4096xf32, #tpu.memory_space<vmem>> -> memref<1x8x4096xf32, #tpu.memory_space<vmem>>
      %dma_wait3A_876 = tpu.memref_squeeze %dma_wait3A_875 : memref<1x8x4096xf32, #tpu.memory_space<vmem>> -> memref<8x4096xf32, #tpu.memory_space<vmem>>
      %dma_wait3A_877 = arith.constant 0 : i32
      %dma_wait3A_878 = tpu.memref_slice %arg3[%dma_wait3A_877, %mul3A_866] : memref<8x2097152xf32, #tpu.memory_space<hbm>> -> memref<8x4096xf32, #tpu.memory_space<hbm>>
      %dma_wait3A_879 = arith.constant 0 : i32
      %dma_wait3A_880 = arith.constant 0 : i32
      %dma_wait3A_881 = tpu.memref_slice %arg5[%dma_wait3A_872, %dma_wait3A_879, %dma_wait3A_880] : memref<2x8x4096xf32, #tpu.memory_space<vmem>> -> memref<1x8x4096xf32, #tpu.memory_space<vmem>>
      %dma_wait3A_882 = tpu.memref_squeeze %dma_wait3A_881 : memref<1x8x4096xf32, #tpu.memory_space<vmem>> -> memref<8x4096xf32, #tpu.memory_space<vmem>>
      %dma_wait3A_883 = arith.constant 0 : i32
      %dma_wait3A_884 = tpu.memref_slice %arg3[%dma_wait3A_883, %mul3A_866] : memref<8x2097152xf32, #tpu.memory_space<hbm>> -> memref<8x4096xf32, #tpu.memory_space<hbm>>
      tpu.wait_dma2 semaphore(%arg11 : memref<!tpu.dma_semaphore, #tpu.memory_space<semaphore_mem>>) src(%dma_wait3A_884 : memref<8x4096xf32, #tpu.memory_space<hbm>>) dst(%dma_wait3A_882 : memref<8x4096xf32, #tpu.memory_space<vmem>>)
      %dma_wait3A_885 = arith.constant 0 : i32
      %dma_wait3A_886 = arith.constant 1 : i32
      %dma_wait3A_887 = arith.constant 0 : i32
      %dma_wait3A_888 = arith.constant 0 : i32
      %dma_wait3A_889 = tpu.memref_slice %arg6[%dma_wait3A_886, %dma_wait3A_887, %dma_wait3A_888] : memref<2x4x1024xf32, #tpu.memory_space<vmem>> -> memref<1x4x1024xf32, #tpu.memory_space<vmem>>
      %dma_wait3A_890 = tpu.memref_squeeze %dma_wait3A_889 : memref<1x4x1024xf32, #tpu.memory_space<vmem>> -> memref<4x1024xf32, #tpu.memory_space<vmem>>
      %dma_wait3A_891 = arith.constant 0 : i32
      %dma_wait3A_892 = tpu.memref_slice %arg2[%dma_wait3A_885, %mul3A_871, %dma_wait3A_891] : memref<2x2048x1024xf32, #tpu.memory_space<hbm>> -> memref<1x4x1024xf32, #tpu.memory_space<hbm>>
      %dma_wait3A_893 = tpu.memref_squeeze %dma_wait3A_892 : memref<1x4x1024xf32, #tpu.memory_space<hbm>> -> memref<4x1024xf32, #tpu.memory_space<hbm>>
      %dma_wait3A_894 = arith.constant 0 : i32
      %dma_wait3A_895 = arith.constant 0 : i32
      %dma_wait3A_896 = tpu.memref_slice %arg6[%dma_wait3A_886, %dma_wait3A_894, %dma_wait3A_895] : memref<2x4x1024xf32, #tpu.memory_space<vmem>> -> memref<1x4x1024xf32, #tpu.memory_space<vmem>>
      %dma_wait3A_897 = tpu.memref_squeeze %dma_wait3A_896 : memref<1x4x1024xf32, #tpu.memory_space<vmem>> -> memref<4x1024xf32, #tpu.memory_space<vmem>>
      %dma_wait3A_898 = arith.constant 0 : i32
      %dma_wait3A_899 = tpu.memref_slice %arg2[%dma_wait3A_885, %mul3A_871, %dma_wait3A_898] : memref<2x2048x1024xf32, #tpu.memory_space<hbm>> -> memref<1x4x1024xf32, #tpu.memory_space<hbm>>
      %dma_wait3A_900 = tpu.memref_squeeze %dma_wait3A_899 : memref<1x4x1024xf32, #tpu.memory_space<hbm>> -> memref<4x1024xf32, #tpu.memory_space<hbm>>
      tpu.wait_dma2 semaphore(%arg11 : memref<!tpu.dma_semaphore, #tpu.memory_space<semaphore_mem>>) src(%dma_wait3A_900 : memref<4x1024xf32, #tpu.memory_space<hbm>>) dst(%dma_wait3A_897 : memref<4x1024xf32, #tpu.memory_space<vmem>>)
      %dma_wait3A_901 = arith.constant 1 : i32
      %dma_wait3A_902 = arith.constant 1 : i32
      %dma_wait3A_903 = arith.constant 0 : i32
      %dma_wait3A_904 = arith.constant 0 : i32
      %dma_wait3A_905 = tpu.memref_slice %arg7[%dma_wait3A_902, %dma_wait3A_903, %dma_wait3A_904] : memref<2x4x1024xf32, #tpu.memory_space<vmem>> -> memref<1x4x1024xf32, #tpu.memory_space<vmem>>
      %dma_wait3A_906 = tpu.memref_squeeze %dma_wait3A_905 : memref<1x4x1024xf32, #tpu.memory_space<vmem>> -> memref<4x1024xf32, #tpu.memory_space<vmem>>
      %dma_wait3A_907 = arith.constant 0 : i32
      %dma_wait3A_908 = tpu.memref_slice %arg2[%dma_wait3A_901, %mul3A_871, %dma_wait3A_907] : memref<2x2048x1024xf32, #tpu.memory_space<hbm>> -> memref<1x4x1024xf32, #tpu.memory_space<hbm>>
      %dma_wait3A_909 = tpu.memref_squeeze %dma_wait3A_908 : memref<1x4x1024xf32, #tpu.memory_space<hbm>> -> memref<4x1024xf32, #tpu.memory_space<hbm>>
      %dma_wait3A_910 = arith.constant 0 : i32
      %dma_wait3A_911 = arith.constant 0 : i32
      %dma_wait3A_912 = tpu.memref_slice %arg7[%dma_wait3A_902, %dma_wait3A_910, %dma_wait3A_911] : memref<2x4x1024xf32, #tpu.memory_space<vmem>> -> memref<1x4x1024xf32, #tpu.memory_space<vmem>>
      %dma_wait3A_913 = tpu.memref_squeeze %dma_wait3A_912 : memref<1x4x1024xf32, #tpu.memory_space<vmem>> -> memref<4x1024xf32, #tpu.memory_space<vmem>>
      %dma_wait3A_914 = arith.constant 0 : i32
      %dma_wait3A_915 = tpu.memref_slice %arg2[%dma_wait3A_901, %mul3A_871, %dma_wait3A_914] : memref<2x2048x1024xf32, #tpu.memory_space<hbm>> -> memref<1x4x1024xf32, #tpu.memory_space<hbm>>
      %dma_wait3A_916 = tpu.memref_squeeze %dma_wait3A_915 : memref<1x4x1024xf32, #tpu.memory_space<hbm>> -> memref<4x1024xf32, #tpu.memory_space<hbm>>
      tpu.wait_dma2 semaphore(%arg11 : memref<!tpu.dma_semaphore, #tpu.memory_space<semaphore_mem>>) src(%dma_wait3A_916 : memref<4x1024xf32, #tpu.memory_space<hbm>>) dst(%dma_wait3A_913 : memref<4x1024xf32, #tpu.memory_space<vmem>>)
      %scan3A_917 = arith.constant 0 : i32
      %scan3A_918 = arith.constant 0 : i32
      %scan3A_919 = arith.constant 64 : i32
      %scan3A_920 = arith.addi %scan3A_918, %scan3A_919 : i32
      %scan3A_921 = arith.constant 1 : i32
      scf.for %scan3A_941 = %scan3A_918 to %scan3A_920 step %scan3A_921  : i32 {
        %mul3A_942 = arith.constant 16 : i32
        %mul3A_943 = arith.muli %scan3A_941, %mul3A_942 : i32
        %add3A_944 = arith.constant 0 : i32
        %add3A_945 = arith.addi %add3A_944, %mul3A_943 : i32
        %mul3A_946 = arith.constant 16 : i32
        %mul3A_947 = arith.muli %scan3A_941, %mul3A_946 : i32
        %get3A_948 = arith.constant 1 : i32
        %get3A_949 = arith.constant 0 : i32
        %get3A_950 = arith.index_cast %get3A_948 : i32 to index
        %get3A_951 = arith.index_cast %get3A_949 : i32 to index
        %get3A_952 = arith.index_cast %mul3A_947 : i32 to index
        %get3A_953 = tpu.vector_load %arg6[%get3A_950, %get3A_951, %get3A_952] {strides = array<i32>} : memref<2x4x1024xf32, #tpu.memory_space<vmem>>, vector<1x1x16xf32>,
        %get3A_954 = vector.shape_cast %get3A_953 : vector<1x1x16xf32> to vector<16xf32>
        %mul3A_955 = arith.constant 16 : i32
        %mul3A_956 = arith.muli %scan3A_941, %mul3A_955 : i32
        %get3A_957 = arith.constant 1 : i32
        %get3A_958 = arith.constant 0 : i32
        %get3A_959 = arith.index_cast %get3A_957 : i32 to index
        %get3A_960 = arith.index_cast %get3A_958 : i32 to index
        %get3A_961 = arith.index_cast %mul3A_956 : i32 to index
        %get3A_962 = tpu.vector_load %arg7[%get3A_959, %get3A_960, %get3A_961] {strides = array<i32>} : memref<2x4x1024xf32, #tpu.memory_space<vmem>>, vector<1x1x16xf32>,
        %get3A_963 = vector.shape_cast %get3A_962 : vector<1x1x16xf32> to vector<16xf32>
        %get3A_964 = arith.constant 1 : i32
        %get3A_965 = arith.constant 0 : i32
        %get3A_966 = arith.index_cast %get3A_964 : i32 to index
        %get3A_967 = arith.index_cast %get3A_965 : i32 to index
        %get3A_968 = arith.index_cast %add3A_945 : i32 to index
        %get3A_969 = tpu.vector_load %arg5[%get3A_966, %get3A_967, %get3A_968] {strides = array<i32>} : memref<2x8x4096xf32, #tpu.memory_space<vmem>>, vector<1x1x16xf32>,
        %get3A_970 = vector.shape_cast %get3A_969 : vector<1x1x16xf32> to vector<16xf32>
        %mul3A_971 = arith.mulf %get3A_970, %get3A_954 : vector<16xf32>
        %swap3A_972 = arith.constant 0 : i32
        %swap3A_973 = arith.index_cast %swap3A_972 : i32 to index
        %swap3A_974 = arith.constant 0 : index
        %swap3A_975 = tpu.vector_load %arg9[%swap3A_973, %swap3A_974] {strides = array<i32>} : memref<16x16xf32, #tpu.memory_space<vmem>>, vector<1x16xf32>,
        %swap3A_976 = vector.shape_cast %swap3A_975 : vector<1x16xf32> to vector<16xf32>
        %swap3A_977 = vector.shape_cast %mul3A_971 : vector<16xf32> to vector<1x16xf32>
        tpu.vector_store %arg9[%swap3A_973, %swap3A_974], %swap3A_977 {add = true, strides = array<i32>} : memref<16x16xf32, #tpu.memory_space<vmem>>, vector<1x16xf32>,
        %mul3A_978 = arith.mulf %get3A_970, %get3A_963 : vector<16xf32>
        %swap3A_979 = arith.constant 1 : i32
        %swap3A_980 = arith.index_cast %swap3A_979 : i32 to index
        %swap3A_981 = arith.constant 0 : index
        %swap3A_982 = tpu.vector_load %arg9[%swap3A_980, %swap3A_981] {strides = array<i32>} : memref<16x16xf32, #tpu.memory_space<vmem>>, vector<1x16xf32>,
        %swap3A_983 = vector.shape_cast %swap3A_982 : vector<1x16xf32> to vector<16xf32>
        %swap3A_984 = vector.shape_cast %mul3A_978 : vector<16xf32> to vector<1x16xf32>
        tpu.vector_store %arg9[%swap3A_980, %swap3A_981], %swap3A_984 {add = true, strides = array<i32>} : memref<16x16xf32, #tpu.memory_space<vmem>>, vector<1x16xf32>,
        %get3A_985 = arith.constant 1 : i32
        %get3A_986 = arith.constant 1 : i32
        %get3A_987 = arith.index_cast %get3A_985 : i32 to index
        %get3A_988 = arith.index_cast %get3A_986 : i32 to index
        %get3A_989 = arith.index_cast %add3A_945 : i32 to index
        %get3A_990 = tpu.vector_load %arg5[%get3A_987, %get3A_988, %get3A_989] {strides = array<i32>} : memref<2x8x4096xf32, #tpu.memory_space<vmem>>, vector<1x1x16xf32>,
        %get3A_991 = vector.shape_cast %get3A_990 : vector<1x1x16xf32> to vector<16xf32>
        %mul3A_992 = arith.mulf %get3A_991, %get3A_954 : vector<16xf32>
        %swap3A_993 = arith.constant 2 : i32
        %swap3A_994 = arith.index_cast %swap3A_993 : i32 to index
        %swap3A_995 = arith.constant 0 : index
        %swap3A_996 = tpu.vector_load %arg9[%swap3A_994, %swap3A_995] {strides = array<i32>} : memref<16x16xf32, #tpu.memory_space<vmem>>, vector<1x16xf32>,
        %swap3A_997 = vector.shape_cast %swap3A_996 : vector<1x16xf32> to vector<16xf32>
        %swap3A_998 = vector.shape_cast %mul3A_992 : vector<16xf32> to vector<1x16xf32>
        tpu.vector_store %arg9[%swap3A_994, %swap3A_995], %swap3A_998 {add = true, strides = array<i32>} : memref<16x16xf32, #tpu.memory_space<vmem>>, vector<1x16xf32>,
        %mul3A_999 = arith.mulf %get3A_991, %get3A_963 : vector<16xf32>
        %swap3A_1000 = arith.constant 3 : i32
        %swap3A_1001 = arith.index_cast %swap3A_1000 : i32 to index
        %swap3A_1002 = arith.constant 0 : index
        %swap3A_1003 = tpu.vector_load %arg9[%swap3A_1001, %swap3A_1002] {strides = array<i32>} : memref<16x16xf32, #tpu.memory_space<vmem>>, vector<1x16xf32>,
        %swap3A_1004 = vector.shape_cast %swap3A_1003 : vector<1x16xf32> to vector<16xf32>
        %swap3A_1005 = vector.shape_cast %mul3A_999 : vector<16xf32> to vector<1x16xf32>
        tpu.vector_store %arg9[%swap3A_1001, %swap3A_1002], %swap3A_1005 {add = true, strides = array<i32>} : memref<16x16xf32, #tpu.memory_space<vmem>>, vector<1x16xf32>,
        %get3A_1006 = arith.constant 1 : i32
        %get3A_1007 = arith.constant 2 : i32
        %get3A_1008 = arith.index_cast %get3A_1006 : i32 to index
        %get3A_1009 = arith.index_cast %get3A_1007 : i32 to index
        %get3A_1010 = arith.index_cast %add3A_945 : i32 to index
        %get3A_1011 = tpu.vector_load %arg5[%get3A_1008, %get3A_1009, %get3A_1010] {strides = array<i32>} : memref<2x8x4096xf32, #tpu.memory_space<vmem>>, vector<1x1x16xf32>,
        %get3A_1012 = vector.shape_cast %get3A_1011 : vector<1x1x16xf32> to vector<16xf32>
        %mul3A_1013 = arith.mulf %get3A_1012, %get3A_954 : vector<16xf32>
        %swap3A_1014 = arith.constant 4 : i32
        %swap3A_1015 = arith.index_cast %swap3A_1014 : i32 to index
        %swap3A_1016 = arith.constant 0 : index
        %swap3A_1017 = tpu.vector_load %arg9[%swap3A_1015, %swap3A_1016] {strides = array<i32>} : memref<16x16xf32, #tpu.memory_space<vmem>>, vector<1x16xf32>,
        %swap3A_1018 = vector.shape_cast %swap3A_1017 : vector<1x16xf32> to vector<16xf32>
        %swap3A_1019 = vector.shape_cast %mul3A_1013 : vector<16xf32> to vector<1x16xf32>
        tpu.vector_store %arg9[%swap3A_1015, %swap3A_1016], %swap3A_1019 {add = true, strides = array<i32>} : memref<16x16xf32, #tpu.memory_space<vmem>>, vector<1x16xf32>,
        %mul3A_1020 = arith.mulf %get3A_1012, %get3A_963 : vector<16xf32>
        %swap3A_1021 = arith.constant 5 : i32
        %swap3A_1022 = arith.index_cast %swap3A_1021 : i32 to index
        %swap3A_1023 = arith.constant 0 : index
        %swap3A_1024 = tpu.vector_load %arg9[%swap3A_1022, %swap3A_1023] {strides = array<i32>} : memref<16x16xf32, #tpu.memory_space<vmem>>, vector<1x16xf32>,
        %swap3A_1025 = vector.shape_cast %swap3A_1024 : vector<1x16xf32> to vector<16xf32>
        %swap3A_1026 = vector.shape_cast %mul3A_1020 : vector<16xf32> to vector<1x16xf32>
        tpu.vector_store %arg9[%swap3A_1022, %swap3A_1023], %swap3A_1026 {add = true, strides = array<i32>} : memref<16x16xf32, #tpu.memory_space<vmem>>, vector<1x16xf32>,
        %get3A_1027 = arith.constant 1 : i32
        %get3A_1028 = arith.constant 3 : i32
        %get3A_1029 = arith.index_cast %get3A_1027 : i32 to index
        %get3A_1030 = arith.index_cast %get3A_1028 : i32 to index
        %get3A_1031 = arith.index_cast %add3A_945 : i32 to index
        %get3A_1032 = tpu.vector_load %arg5[%get3A_1029, %get3A_1030, %get3A_1031] {strides = array<i32>} : memref<2x8x4096xf32, #tpu.memory_space<vmem>>, vector<1x1x16xf32>,
        %get3A_1033 = vector.shape_cast %get3A_1032 : vector<1x1x16xf32> to vector<16xf32>
        %mul3A_1034 = arith.mulf %get3A_1033, %get3A_954 : vector<16xf32>
        %swap3A_1035 = arith.constant 6 : i32
        %swap3A_1036 = arith.index_cast %swap3A_1035 : i32 to index
        %swap3A_1037 = arith.constant 0 : index
        %swap3A_1038 = tpu.vector_load %arg9[%swap3A_1036, %swap3A_1037] {strides = array<i32>} : memref<16x16xf32, #tpu.memory_space<vmem>>, vector<1x16xf32>,
        %swap3A_1039 = vector.shape_cast %swap3A_1038 : vector<1x16xf32> to vector<16xf32>
        %swap3A_1040 = vector.shape_cast %mul3A_1034 : vector<16xf32> to vector<1x16xf32>
        tpu.vector_store %arg9[%swap3A_1036, %swap3A_1037], %swap3A_1040 {add = true, strides = array<i32>} : memref<16x16xf32, #tpu.memory_space<vmem>>, vector<1x16xf32>,
        %mul3A_1041 = arith.mulf %get3A_1033, %get3A_963 : vector<16xf32>
        %swap3A_1042 = arith.constant 7 : i32
        %swap3A_1043 = arith.index_cast %swap3A_1042 : i32 to index
        %swap3A_1044 = arith.constant 0 : index
        %swap3A_1045 = tpu.vector_load %arg9[%swap3A_1043, %swap3A_1044] {strides = array<i32>} : memref<16x16xf32, #tpu.memory_space<vmem>>, vector<1x16xf32>,
        %swap3A_1046 = vector.shape_cast %swap3A_1045 : vector<1x16xf32> to vector<16xf32>
        %swap3A_1047 = vector.shape_cast %mul3A_1041 : vector<16xf32> to vector<1x16xf32>
        tpu.vector_store %arg9[%swap3A_1043, %swap3A_1044], %swap3A_1047 {add = true, strides = array<i32>} : memref<16x16xf32, #tpu.memory_space<vmem>>, vector<1x16xf32>,
        %get3A_1048 = arith.constant 1 : i32
        %get3A_1049 = arith.constant 4 : i32
        %get3A_1050 = arith.index_cast %get3A_1048 : i32 to index
        %get3A_1051 = arith.index_cast %get3A_1049 : i32 to index
        %get3A_1052 = arith.index_cast %add3A_945 : i32 to index
        %get3A_1053 = tpu.vector_load %arg5[%get3A_1050, %get3A_1051, %get3A_1052] {strides = array<i32>} : memref<2x8x4096xf32, #tpu.memory_space<vmem>>, vector<1x1x16xf32>,
        %get3A_1054 = vector.shape_cast %get3A_1053 : vector<1x1x16xf32> to vector<16xf32>
        %mul3A_1055 = arith.mulf %get3A_1054, %get3A_954 : vector<16xf32>
        %swap3A_1056 = arith.constant 8 : i32
        %swap3A_1057 = arith.index_cast %swap3A_1056 : i32 to index
        %swap3A_1058 = arith.constant 0 : index
        %swap3A_1059 = tpu.vector_load %arg9[%swap3A_1057, %swap3A_1058] {strides = array<i32>} : memref<16x16xf32, #tpu.memory_space<vmem>>, vector<1x16xf32>,
        %swap3A_1060 = vector.shape_cast %swap3A_1059 : vector<1x16xf32> to vector<16xf32>
        %swap3A_1061 = vector.shape_cast %mul3A_1055 : vector<16xf32> to vector<1x16xf32>
        tpu.vector_store %arg9[%swap3A_1057, %swap3A_1058], %swap3A_1061 {add = true, strides = array<i32>} : memref<16x16xf32, #tpu.memory_space<vmem>>, vector<1x16xf32>,
        %mul3A_1062 = arith.mulf %get3A_1054, %get3A_963 : vector<16xf32>
        %swap3A_1063 = arith.constant 9 : i32
        %swap3A_1064 = arith.index_cast %swap3A_1063 : i32 to index
        %swap3A_1065 = arith.constant 0 : index
        %swap3A_1066 = tpu.vector_load %arg9[%swap3A_1064, %swap3A_1065] {strides = array<i32>} : memref<16x16xf32, #tpu.memory_space<vmem>>, vector<1x16xf32>,
        %swap3A_1067 = vector.shape_cast %swap3A_1066 : vector<1x16xf32> to vector<16xf32>
        %swap3A_1068 = vector.shape_cast %mul3A_1062 : vector<16xf32> to vector<1x16xf32>
        tpu.vector_store %arg9[%swap3A_1064, %swap3A_1065], %swap3A_1068 {add = true, strides = array<i32>} : memref<16x16xf32, #tpu.memory_space<vmem>>, vector<1x16xf32>,
        %get3A_1069 = arith.constant 1 : i32
        %get3A_1070 = arith.constant 5 : i32
        %get3A_1071 = arith.index_cast %get3A_1069 : i32 to index
        %get3A_1072 = arith.index_cast %get3A_1070 : i32 to index
        %get3A_1073 = arith.index_cast %add3A_945 : i32 to index
        %get3A_1074 = tpu.vector_load %arg5[%get3A_1071, %get3A_1072, %get3A_1073] {strides = array<i32>} : memref<2x8x4096xf32, #tpu.memory_space<vmem>>, vector<1x1x16xf32>,
        %get3A_1075 = vector.shape_cast %get3A_1074 : vector<1x1x16xf32> to vector<16xf32>
        %mul3A_1076 = arith.mulf %get3A_1075, %get3A_954 : vector<16xf32>
        %swap3A_1077 = arith.constant 10 : i32
        %swap3A_1078 = arith.index_cast %swap3A_1077 : i32 to index
        %swap3A_1079 = arith.constant 0 : index
        %swap3A_1080 = tpu.vector_load %arg9[%swap3A_1078, %swap3A_1079] {strides = array<i32>} : memref<16x16xf32, #tpu.memory_space<vmem>>, vector<1x16xf32>,
        %swap3A_1081 = vector.shape_cast %swap3A_1080 : vector<1x16xf32> to vector<16xf32>
        %swap3A_1082 = vector.shape_cast %mul3A_1076 : vector<16xf32> to vector<1x16xf32>
        tpu.vector_store %arg9[%swap3A_1078, %swap3A_1079], %swap3A_1082 {add = true, strides = array<i32>} : memref<16x16xf32, #tpu.memory_space<vmem>>, vector<1x16xf32>,
        %mul3A_1083 = arith.mulf %get3A_1075, %get3A_963 : vector<16xf32>
        %swap3A_1084 = arith.constant 11 : i32
        %swap3A_1085 = arith.index_cast %swap3A_1084 : i32 to index
        %swap3A_1086 = arith.constant 0 : index
        %swap3A_1087 = tpu.vector_load %arg9[%swap3A_1085, %swap3A_1086] {strides = array<i32>} : memref<16x16xf32, #tpu.memory_space<vmem>>, vector<1x16xf32>,
        %swap3A_1088 = vector.shape_cast %swap3A_1087 : vector<1x16xf32> to vector<16xf32>
        %swap3A_1089 = vector.shape_cast %mul3A_1083 : vector<16xf32> to vector<1x16xf32>
        tpu.vector_store %arg9[%swap3A_1085, %swap3A_1086], %swap3A_1089 {add = true, strides = array<i32>} : memref<16x16xf32, #tpu.memory_space<vmem>>, vector<1x16xf32>,
        %get3A_1090 = arith.constant 1 : i32
        %get3A_1091 = arith.constant 6 : i32
        %get3A_1092 = arith.index_cast %get3A_1090 : i32 to index
        %get3A_1093 = arith.index_cast %get3A_1091 : i32 to index
        %get3A_1094 = arith.index_cast %add3A_945 : i32 to index
        %get3A_1095 = tpu.vector_load %arg5[%get3A_1092, %get3A_1093, %get3A_1094] {strides = array<i32>} : memref<2x8x4096xf32, #tpu.memory_space<vmem>>, vector<1x1x16xf32>,
        %get3A_1096 = vector.shape_cast %get3A_1095 : vector<1x1x16xf32> to vector<16xf32>
        %mul3A_1097 = arith.mulf %get3A_1096, %get3A_954 : vector<16xf32>
        %swap3A_1098 = arith.constant 12 : i32
        %swap3A_1099 = arith.index_cast %swap3A_1098 : i32 to index
        %swap3A_1100 = arith.constant 0 : index
        %swap3A_1101 = tpu.vector_load %arg9[%swap3A_1099, %swap3A_1100] {strides = array<i32>} : memref<16x16xf32, #tpu.memory_space<vmem>>, vector<1x16xf32>,
        %swap3A_1102 = vector.shape_cast %swap3A_1101 : vector<1x16xf32> to vector<16xf32>
        %swap3A_1103 = vector.shape_cast %mul3A_1097 : vector<16xf32> to vector<1x16xf32>
        tpu.vector_store %arg9[%swap3A_1099, %swap3A_1100], %swap3A_1103 {add = true, strides = array<i32>} : memref<16x16xf32, #tpu.memory_space<vmem>>, vector<1x16xf32>,
        %mul3A_1104 = arith.mulf %get3A_1096, %get3A_963 : vector<16xf32>
        %swap3A_1105 = arith.constant 13 : i32
        %swap3A_1106 = arith.index_cast %swap3A_1105 : i32 to index
        %swap3A_1107 = arith.constant 0 : index
        %swap3A_1108 = tpu.vector_load %arg9[%swap3A_1106, %swap3A_1107] {strides = array<i32>} : memref<16x16xf32, #tpu.memory_space<vmem>>, vector<1x16xf32>,
        %swap3A_1109 = vector.shape_cast %swap3A_1108 : vector<1x16xf32> to vector<16xf32>
        %swap3A_1110 = vector.shape_cast %mul3A_1104 : vector<16xf32> to vector<1x16xf32>
        tpu.vector_store %arg9[%swap3A_1106, %swap3A_1107], %swap3A_1110 {add = true, strides = array<i32>} : memref<16x16xf32, #tpu.memory_space<vmem>>, vector<1x16xf32>,
        %get3A_1111 = arith.constant 1 : i32
        %get3A_1112 = arith.constant 7 : i32
        %get3A_1113 = arith.index_cast %get3A_1111 : i32 to index
        %get3A_1114 = arith.index_cast %get3A_1112 : i32 to index
        %get3A_1115 = arith.index_cast %add3A_945 : i32 to index
        %get3A_1116 = tpu.vector_load %arg5[%get3A_1113, %get3A_1114, %get3A_1115] {strides = array<i32>} : memref<2x8x4096xf32, #tpu.memory_space<vmem>>, vector<1x1x16xf32>,
        %get3A_1117 = vector.shape_cast %get3A_1116 : vector<1x1x16xf32> to vector<16xf32>
        %mul3A_1118 = arith.mulf %get3A_1117, %get3A_954 : vector<16xf32>
        %swap3A_1119 = arith.constant 14 : i32
        %swap3A_1120 = arith.index_cast %swap3A_1119 : i32 to index
        %swap3A_1121 = arith.constant 0 : index
        %swap3A_1122 = tpu.vector_load %arg9[%swap3A_1120, %swap3A_1121] {strides = array<i32>} : memref<16x16xf32, #tpu.memory_space<vmem>>, vector<1x16xf32>,
        %swap3A_1123 = vector.shape_cast %swap3A_1122 : vector<1x16xf32> to vector<16xf32>
        %swap3A_1124 = vector.shape_cast %mul3A_1118 : vector<16xf32> to vector<1x16xf32>
        tpu.vector_store %arg9[%swap3A_1120, %swap3A_1121], %swap3A_1124 {add = true, strides = array<i32>} : memref<16x16xf32, #tpu.memory_space<vmem>>, vector<1x16xf32>,
        %mul3A_1125 = arith.mulf %get3A_1117, %get3A_963 : vector<16xf32>
        %swap3A_1126 = arith.constant 15 : i32
        %swap3A_1127 = arith.index_cast %swap3A_1126 : i32 to index
        %swap3A_1128 = arith.constant 0 : index
        %swap3A_1129 = tpu.vector_load %arg9[%swap3A_1127, %swap3A_1128] {strides = array<i32>} : memref<16x16xf32, #tpu.memory_space<vmem>>, vector<1x16xf32>,
        %swap3A_1130 = vector.shape_cast %swap3A_1129 : vector<1x16xf32> to vector<16xf32>
        %swap3A_1131 = vector.shape_cast %mul3A_1125 : vector<16xf32> to vector<1x16xf32>
        tpu.vector_store %arg9[%swap3A_1127, %swap3A_1128], %swap3A_1131 {add = true, strides = array<i32>} : memref<16x16xf32, #tpu.memory_space<vmem>>, vector<1x16xf32>,
      }
      %scan3A_922 = arith.constant 64 : i32
      %scan3A_923 = arith.constant 0 : i32
      %scan3A_924 = arith.constant 0 : i32
      %scan3A_925 = arith.constant 64 : i32
      %scan3A_926 = arith.addi %scan3A_924, %scan3A_925 : i32
      %scan3A_927 = arith.constant 1 : i32
      scf.for %scan3A_941 = %scan3A_924 to %scan3A_926 step %scan3A_927  : i32 {
        %mul3A_942 = arith.constant 16 : i32
        %mul3A_943 = arith.muli %scan3A_941, %mul3A_942 : i32
        %add3A_944 = arith.constant 1024 : i32
        %add3A_945 = arith.addi %add3A_944, %mul3A_943 : i32
        %mul3A_946 = arith.constant 16 : i32
        %mul3A_947 = arith.muli %scan3A_941, %mul3A_946 : i32
        %get3A_948 = arith.constant 1 : i32
        %get3A_949 = arith.constant 1 : i32
        %get3A_950 = arith.index_cast %get3A_948 : i32 to index
        %get3A_951 = arith.index_cast %get3A_949 : i32 to index
        %get3A_952 = arith.index_cast %mul3A_947 : i32 to index
        %get3A_953 = tpu.vector_load %arg6[%get3A_950, %get3A_951, %get3A_952] {strides = array<i32>} : memref<2x4x1024xf32, #tpu.memory_space<vmem>>, vector<1x1x16xf32>,
        %get3A_954 = vector.shape_cast %get3A_953 : vector<1x1x16xf32> to vector<16xf32>
        %mul3A_955 = arith.constant 16 : i32
        %mul3A_956 = arith.muli %scan3A_941, %mul3A_955 : i32
        %get3A_957 = arith.constant 1 : i32
        %get3A_958 = arith.constant 1 : i32
        %get3A_959 = arith.index_cast %get3A_957 : i32 to index
        %get3A_960 = arith.index_cast %get3A_958 : i32 to index
        %get3A_961 = arith.index_cast %mul3A_956 : i32 to index
        %get3A_962 = tpu.vector_load %arg7[%get3A_959, %get3A_960, %get3A_961] {strides = array<i32>} : memref<2x4x1024xf32, #tpu.memory_space<vmem>>, vector<1x1x16xf32>,
        %get3A_963 = vector.shape_cast %get3A_962 : vector<1x1x16xf32> to vector<16xf32>
        %get3A_964 = arith.constant 1 : i32
        %get3A_965 = arith.constant 0 : i32
        %get3A_966 = arith.index_cast %get3A_964 : i32 to index
        %get3A_967 = arith.index_cast %get3A_965 : i32 to index
        %get3A_968 = arith.index_cast %add3A_945 : i32 to index
        %get3A_969 = tpu.vector_load %arg5[%get3A_966, %get3A_967, %get3A_968] {strides = array<i32>} : memref<2x8x4096xf32, #tpu.memory_space<vmem>>, vector<1x1x16xf32>,
        %get3A_970 = vector.shape_cast %get3A_969 : vector<1x1x16xf32> to vector<16xf32>
        %mul3A_971 = arith.mulf %get3A_970, %get3A_954 : vector<16xf32>
        %swap3A_972 = arith.constant 0 : i32
        %swap3A_973 = arith.index_cast %swap3A_972 : i32 to index
        %swap3A_974 = arith.constant 0 : index
        %swap3A_975 = tpu.vector_load %arg9[%swap3A_973, %swap3A_974] {strides = array<i32>} : memref<16x16xf32, #tpu.memory_space<vmem>>, vector<1x16xf32>,
        %swap3A_976 = vector.shape_cast %swap3A_975 : vector<1x16xf32> to vector<16xf32>
        %swap3A_977 = vector.shape_cast %mul3A_971 : vector<16xf32> to vector<1x16xf32>
        tpu.vector_store %arg9[%swap3A_973, %swap3A_974], %swap3A_977 {add = true, strides = array<i32>} : memref<16x16xf32, #tpu.memory_space<vmem>>, vector<1x16xf32>,
        %mul3A_978 = arith.mulf %get3A_970, %get3A_963 : vector<16xf32>
        %swap3A_979 = arith.constant 1 : i32
        %swap3A_980 = arith.index_cast %swap3A_979 : i32 to index
        %swap3A_981 = arith.constant 0 : index
        %swap3A_982 = tpu.vector_load %arg9[%swap3A_980, %swap3A_981] {strides = array<i32>} : memref<16x16xf32, #tpu.memory_space<vmem>>, vector<1x16xf32>,
        %swap3A_983 = vector.shape_cast %swap3A_982 : vector<1x16xf32> to vector<16xf32>
        %swap3A_984 = vector.shape_cast %mul3A_978 : vector<16xf32> to vector<1x16xf32>
        tpu.vector_store %arg9[%swap3A_980, %swap3A_981], %swap3A_984 {add = true, strides = array<i32>} : memref<16x16xf32, #tpu.memory_space<vmem>>, vector<1x16xf32>,
        %get3A_985 = arith.constant 1 : i32
        %get3A_986 = arith.constant 1 : i32
        %get3A_987 = arith.index_cast %get3A_985 : i32 to index
        %get3A_988 = arith.index_cast %get3A_986 : i32 to index
        %get3A_989 = arith.index_cast %add3A_945 : i32 to index
        %get3A_990 = tpu.vector_load %arg5[%get3A_987, %get3A_988, %get3A_989] {strides = array<i32>} : memref<2x8x4096xf32, #tpu.memory_space<vmem>>, vector<1x1x16xf32>,
        %get3A_991 = vector.shape_cast %get3A_990 : vector<1x1x16xf32> to vector<16xf32>
        %mul3A_992 = arith.mulf %get3A_991, %get3A_954 : vector<16xf32>
        %swap3A_993 = arith.constant 2 : i32
        %swap3A_994 = arith.index_cast %swap3A_993 : i32 to index
        %swap3A_995 = arith.constant 0 : index
        %swap3A_996 = tpu.vector_load %arg9[%swap3A_994, %swap3A_995] {strides = array<i32>} : memref<16x16xf32, #tpu.memory_space<vmem>>, vector<1x16xf32>,
        %swap3A_997 = vector.shape_cast %swap3A_996 : vector<1x16xf32> to vector<16xf32>
        %swap3A_998 = vector.shape_cast %mul3A_992 : vector<16xf32> to vector<1x16xf32>
        tpu.vector_store %arg9[%swap3A_994, %swap3A_995], %swap3A_998 {add = true, strides = array<i32>} : memref<16x16xf32, #tpu.memory_space<vmem>>, vector<1x16xf32>,
        %mul3A_999 = arith.mulf %get3A_991, %get3A_963 : vector<16xf32>
        %swap3A_1000 = arith.constant 3 : i32
        %swap3A_1001 = arith.index_cast %swap3A_1000 : i32 to index
        %swap3A_1002 = arith.constant 0 : index
        %swap3A_1003 = tpu.vector_load %arg9[%swap3A_1001, %swap3A_1002] {strides = array<i32>} : memref<16x16xf32, #tpu.memory_space<vmem>>, vector<1x16xf32>,
        %swap3A_1004 = vector.shape_cast %swap3A_1003 : vector<1x16xf32> to vector<16xf32>
        %swap3A_1005 = vector.shape_cast %mul3A_999 : vector<16xf32> to vector<1x16xf32>
        tpu.vector_store %arg9[%swap3A_1001, %swap3A_1002], %swap3A_1005 {add = true, strides = array<i32>} : memref<16x16xf32, #tpu.memory_space<vmem>>, vector<1x16xf32>,
        %get3A_1006 = arith.constant 1 : i32
        %get3A_1007 = arith.constant 2 : i32
        %get3A_1008 = arith.index_cast %get3A_1006 : i32 to index
        %get3A_1009 = arith.index_cast %get3A_1007 : i32 to index
        %get3A_1010 = arith.index_cast %add3A_945 : i32 to index
        %get3A_1011 = tpu.vector_load %arg5[%get3A_1008, %get3A_1009, %get3A_1010] {strides = array<i32>} : memref<2x8x4096xf32, #tpu.memory_space<vmem>>, vector<1x1x16xf32>,
        %get3A_1012 = vector.shape_cast %get3A_1011 : vector<1x1x16xf32> to vector<16xf32>
        %mul3A_1013 = arith.mulf %get3A_1012, %get3A_954 : vector<16xf32>
        %swap3A_1014 = arith.constant 4 : i32
        %swap3A_1015 = arith.index_cast %swap3A_1014 : i32 to index
        %swap3A_1016 = arith.constant 0 : index
        %swap3A_1017 = tpu.vector_load %arg9[%swap3A_1015, %swap3A_1016] {strides = array<i32>} : memref<16x16xf32, #tpu.memory_space<vmem>>, vector<1x16xf32>,
        %swap3A_1018 = vector.shape_cast %swap3A_1017 : vector<1x16xf32> to vector<16xf32>
        %swap3A_1019 = vector.shape_cast %mul3A_1013 : vector<16xf32> to vector<1x16xf32>
        tpu.vector_store %arg9[%swap3A_1015, %swap3A_1016], %swap3A_1019 {add = true, strides = array<i32>} : memref<16x16xf32, #tpu.memory_space<vmem>>, vector<1x16xf32>,
        %mul3A_1020 = arith.mulf %get3A_1012, %get3A_963 : vector<16xf32>
        %swap3A_1021 = arith.constant 5 : i32
        %swap3A_1022 = arith.index_cast %swap3A_1021 : i32 to index
        %swap3A_1023 = arith.constant 0 : index
        %swap3A_1024 = tpu.vector_load %arg9[%swap3A_1022, %swap3A_1023] {strides = array<i32>} : memref<16x16xf32, #tpu.memory_space<vmem>>, vector<1x16xf32>,
        %swap3A_1025 = vector.shape_cast %swap3A_1024 : vector<1x16xf32> to vector<16xf32>
        %swap3A_1026 = vector.shape_cast %mul3A_1020 : vector<16xf32> to vector<1x16xf32>
        tpu.vector_store %arg9[%swap3A_1022, %swap3A_1023], %swap3A_1026 {add = true, strides = array<i32>} : memref<16x16xf32, #tpu.memory_space<vmem>>, vector<1x16xf32>,
        %get3A_1027 = arith.constant 1 : i32
        %get3A_1028 = arith.constant 3 : i32
        %get3A_1029 = arith.index_cast %get3A_1027 : i32 to index
        %get3A_1030 = arith.index_cast %get3A_1028 : i32 to index
        %get3A_1031 = arith.index_cast %add3A_945 : i32 to index
        %get3A_1032 = tpu.vector_load %arg5[%get3A_1029, %get3A_1030, %get3A_1031] {strides = array<i32>} : memref<2x8x4096xf32, #tpu.memory_space<vmem>>, vector<1x1x16xf32>,
        %get3A_1033 = vector.shape_cast %get3A_1032 : vector<1x1x16xf32> to vector<16xf32>
        %mul3A_1034 = arith.mulf %get3A_1033, %get3A_954 : vector<16xf32>
        %swap3A_1035 = arith.constant 6 : i32
        %swap3A_1036 = arith.index_cast %swap3A_1035 : i32 to index
        %swap3A_1037 = arith.constant 0 : index
        %swap3A_1038 = tpu.vector_load %arg9[%swap3A_1036, %swap3A_1037] {strides = array<i32>} : memref<16x16xf32, #tpu.memory_space<vmem>>, vector<1x16xf32>,
        %swap3A_1039 = vector.shape_cast %swap3A_1038 : vector<1x16xf32> to vector<16xf32>
        %swap3A_1040 = vector.shape_cast %mul3A_1034 : vector<16xf32> to vector<1x16xf32>
        tpu.vector_store %arg9[%swap3A_1036, %swap3A_1037], %swap3A_1040 {add = true, strides = array<i32>} : memref<16x16xf32, #tpu.memory_space<vmem>>, vector<1x16xf32>,
        %mul3A_1041 = arith.mulf %get3A_1033, %get3A_963 : vector<16xf32>
        %swap3A_1042 = arith.constant 7 : i32
        %swap3A_1043 = arith.index_cast %swap3A_1042 : i32 to index
        %swap3A_1044 = arith.constant 0 : index
        %swap3A_1045 = tpu.vector_load %arg9[%swap3A_1043, %swap3A_1044] {strides = array<i32>} : memref<16x16xf32, #tpu.memory_space<vmem>>, vector<1x16xf32>,
        %swap3A_1046 = vector.shape_cast %swap3A_1045 : vector<1x16xf32> to vector<16xf32>
        %swap3A_1047 = vector.shape_cast %mul3A_1041 : vector<16xf32> to vector<1x16xf32>
        tpu.vector_store %arg9[%swap3A_1043, %swap3A_1044], %swap3A_1047 {add = true, strides = array<i32>} : memref<16x16xf32, #tpu.memory_space<vmem>>, vector<1x16xf32>,
        %get3A_1048 = arith.constant 1 : i32
        %get3A_1049 = arith.constant 4 : i32
        %get3A_1050 = arith.index_cast %get3A_1048 : i32 to index
        %get3A_1051 = arith.index_cast %get3A_1049 : i32 to index
        %get3A_1052 = arith.index_cast %add3A_945 : i32 to index
        %get3A_1053 = tpu.vector_load %arg5[%get3A_1050, %get3A_1051, %get3A_1052] {strides = array<i32>} : memref<2x8x4096xf32, #tpu.memory_space<vmem>>, vector<1x1x16xf32>,
        %get3A_1054 = vector.shape_cast %get3A_1053 : vector<1x1x16xf32> to vector<16xf32>
        %mul3A_1055 = arith.mulf %get3A_1054, %get3A_954 : vector<16xf32>
        %swap3A_1056 = arith.constant 8 : i32
        %swap3A_1057 = arith.index_cast %swap3A_1056 : i32 to index
        %swap3A_1058 = arith.constant 0 : index
        %swap3A_1059 = tpu.vector_load %arg9[%swap3A_1057, %swap3A_1058] {strides = array<i32>} : memref<16x16xf32, #tpu.memory_space<vmem>>, vector<1x16xf32>,
        %swap3A_1060 = vector.shape_cast %swap3A_1059 : vector<1x16xf32> to vector<16xf32>
        %swap3A_1061 = vector.shape_cast %mul3A_1055 : vector<16xf32> to vector<1x16xf32>
        tpu.vector_store %arg9[%swap3A_1057, %swap3A_1058], %swap3A_1061 {add = true, strides = array<i32>} : memref<16x16xf32, #tpu.memory_space<vmem>>, vector<1x16xf32>,
        %mul3A_1062 = arith.mulf %get3A_1054, %get3A_963 : vector<16xf32>
        %swap3A_1063 = arith.constant 9 : i32
        %swap3A_1064 = arith.index_cast %swap3A_1063 : i32 to index
        %swap3A_1065 = arith.constant 0 : index
        %swap3A_1066 = tpu.vector_load %arg9[%swap3A_1064, %swap3A_1065] {strides = array<i32>} : memref<16x16xf32, #tpu.memory_space<vmem>>, vector<1x16xf32>,
        %swap3A_1067 = vector.shape_cast %swap3A_1066 : vector<1x16xf32> to vector<16xf32>
        %swap3A_1068 = vector.shape_cast %mul3A_1062 : vector<16xf32> to vector<1x16xf32>
        tpu.vector_store %arg9[%swap3A_1064, %swap3A_1065], %swap3A_1068 {add = true, strides = array<i32>} : memref<16x16xf32, #tpu.memory_space<vmem>>, vector<1x16xf32>,
        %get3A_1069 = arith.constant 1 : i32
        %get3A_1070 = arith.constant 5 : i32
        %get3A_1071 = arith.index_cast %get3A_1069 : i32 to index
        %get3A_1072 = arith.index_cast %get3A_1070 : i32 to index
        %get3A_1073 = arith.index_cast %add3A_945 : i32 to index
        %get3A_1074 = tpu.vector_load %arg5[%get3A_1071, %get3A_1072, %get3A_1073] {strides = array<i32>} : memref<2x8x4096xf32, #tpu.memory_space<vmem>>, vector<1x1x16xf32>,
        %get3A_1075 = vector.shape_cast %get3A_1074 : vector<1x1x16xf32> to vector<16xf32>
        %mul3A_1076 = arith.mulf %get3A_1075, %get3A_954 : vector<16xf32>
        %swap3A_1077 = arith.constant 10 : i32
        %swap3A_1078 = arith.index_cast %swap3A_1077 : i32 to index
        %swap3A_1079 = arith.constant 0 : index
        %swap3A_1080 = tpu.vector_load %arg9[%swap3A_1078, %swap3A_1079] {strides = array<i32>} : memref<16x16xf32, #tpu.memory_space<vmem>>, vector<1x16xf32>,
        %swap3A_1081 = vector.shape_cast %swap3A_1080 : vector<1x16xf32> to vector<16xf32>
        %swap3A_1082 = vector.shape_cast %mul3A_1076 : vector<16xf32> to vector<1x16xf32>
        tpu.vector_store %arg9[%swap3A_1078, %swap3A_1079], %swap3A_1082 {add = true, strides = array<i32>} : memref<16x16xf32, #tpu.memory_space<vmem>>, vector<1x16xf32>,
        %mul3A_1083 = arith.mulf %get3A_1075, %get3A_963 : vector<16xf32>
        %swap3A_1084 = arith.constant 11 : i32
        %swap3A_1085 = arith.index_cast %swap3A_1084 : i32 to index
        %swap3A_1086 = arith.constant 0 : index
        %swap3A_1087 = tpu.vector_load %arg9[%swap3A_1085, %swap3A_1086] {strides = array<i32>} : memref<16x16xf32, #tpu.memory_space<vmem>>, vector<1x16xf32>,
        %swap3A_1088 = vector.shape_cast %swap3A_1087 : vector<1x16xf32> to vector<16xf32>
        %swap3A_1089 = vector.shape_cast %mul3A_1083 : vector<16xf32> to vector<1x16xf32>
        tpu.vector_store %arg9[%swap3A_1085, %swap3A_1086], %swap3A_1089 {add = true, strides = array<i32>} : memref<16x16xf32, #tpu.memory_space<vmem>>, vector<1x16xf32>,
        %get3A_1090 = arith.constant 1 : i32
        %get3A_1091 = arith.constant 6 : i32
        %get3A_1092 = arith.index_cast %get3A_1090 : i32 to index
        %get3A_1093 = arith.index_cast %get3A_1091 : i32 to index
        %get3A_1094 = arith.index_cast %add3A_945 : i32 to index
        %get3A_1095 = tpu.vector_load %arg5[%get3A_1092, %get3A_1093, %get3A_1094] {strides = array<i32>} : memref<2x8x4096xf32, #tpu.memory_space<vmem>>, vector<1x1x16xf32>,
        %get3A_1096 = vector.shape_cast %get3A_1095 : vector<1x1x16xf32> to vector<16xf32>
        %mul3A_1097 = arith.mulf %get3A_1096, %get3A_954 : vector<16xf32>
        %swap3A_1098 = arith.constant 12 : i32
        %swap3A_1099 = arith.index_cast %swap3A_1098 : i32 to index
        %swap3A_1100 = arith.constant 0 : index
        %swap3A_1101 = tpu.vector_load %arg9[%swap3A_1099, %swap3A_1100] {strides = array<i32>} : memref<16x16xf32, #tpu.memory_space<vmem>>, vector<1x16xf32>,
        %swap3A_1102 = vector.shape_cast %swap3A_1101 : vector<1x16xf32> to vector<16xf32>
        %swap3A_1103 = vector.shape_cast %mul3A_1097 : vector<16xf32> to vector<1x16xf32>
        tpu.vector_store %arg9[%swap3A_1099, %swap3A_1100], %swap3A_1103 {add = true, strides = array<i32>} : memref<16x16xf32, #tpu.memory_space<vmem>>, vector<1x16xf32>,
        %mul3A_1104 = arith.mulf %get3A_1096, %get3A_963 : vector<16xf32>
        %swap3A_1105 = arith.constant 13 : i32
        %swap3A_1106 = arith.index_cast %swap3A_1105 : i32 to index
        %swap3A_1107 = arith.constant 0 : index
        %swap3A_1108 = tpu.vector_load %arg9[%swap3A_1106, %swap3A_1107] {strides = array<i32>} : memref<16x16xf32, #tpu.memory_space<vmem>>, vector<1x16xf32>,
        %swap3A_1109 = vector.shape_cast %swap3A_1108 : vector<1x16xf32> to vector<16xf32>
        %swap3A_1110 = vector.shape_cast %mul3A_1104 : vector<16xf32> to vector<1x16xf32>
        tpu.vector_store %arg9[%swap3A_1106, %swap3A_1107], %swap3A_1110 {add = true, strides = array<i32>} : memref<16x16xf32, #tpu.memory_space<vmem>>, vector<1x16xf32>,
        %get3A_1111 = arith.constant 1 : i32
        %get3A_1112 = arith.constant 7 : i32
        %get3A_1113 = arith.index_cast %get3A_1111 : i32 to index
        %get3A_1114 = arith.index_cast %get3A_1112 : i32 to index
        %get3A_1115 = arith.index_cast %add3A_945 : i32 to index
        %get3A_1116 = tpu.vector_load %arg5[%get3A_1113, %get3A_1114, %get3A_1115] {strides = array<i32>} : memref<2x8x4096xf32, #tpu.memory_space<vmem>>, vector<1x1x16xf32>,
        %get3A_1117 = vector.shape_cast %get3A_1116 : vector<1x1x16xf32> to vector<16xf32>
        %mul3A_1118 = arith.mulf %get3A_1117, %get3A_954 : vector<16xf32>
        %swap3A_1119 = arith.constant 14 : i32
        %swap3A_1120 = arith.index_cast %swap3A_1119 : i32 to index
        %swap3A_1121 = arith.constant 0 : index
        %swap3A_1122 = tpu.vector_load %arg9[%swap3A_1120, %swap3A_1121] {strides = array<i32>} : memref<16x16xf32, #tpu.memory_space<vmem>>, vector<1x16xf32>,
        %swap3A_1123 = vector.shape_cast %swap3A_1122 : vector<1x16xf32> to vector<16xf32>
        %swap3A_1124 = vector.shape_cast %mul3A_1118 : vector<16xf32> to vector<1x16xf32>
        tpu.vector_store %arg9[%swap3A_1120, %swap3A_1121], %swap3A_1124 {add = true, strides = array<i32>} : memref<16x16xf32, #tpu.memory_space<vmem>>, vector<1x16xf32>,
        %mul3A_1125 = arith.mulf %get3A_1117, %get3A_963 : vector<16xf32>
        %swap3A_1126 = arith.constant 15 : i32
        %swap3A_1127 = arith.index_cast %swap3A_1126 : i32 to index
        %swap3A_1128 = arith.constant 0 : index
        %swap3A_1129 = tpu.vector_load %arg9[%swap3A_1127, %swap3A_1128] {strides = array<i32>} : memref<16x16xf32, #tpu.memory_space<vmem>>, vector<1x16xf32>,
        %swap3A_1130 = vector.shape_cast %swap3A_1129 : vector<1x16xf32> to vector<16xf32>
        %swap3A_1131 = vector.shape_cast %mul3A_1125 : vector<16xf32> to vector<1x16xf32>
        tpu.vector_store %arg9[%swap3A_1127, %swap3A_1128], %swap3A_1131 {add = true, strides = array<i32>} : memref<16x16xf32, #tpu.memory_space<vmem>>, vector<1x16xf32>,
      }
      %scan3A_928 = arith.constant 64 : i32
      %scan3A_929 = arith.constant 0 : i32
      %scan3A_930 = arith.constant 0 : i32
      %scan3A_931 = arith.constant 64 : i32
      %scan3A_932 = arith.addi %scan3A_930, %scan3A_931 : i32
      %scan3A_933 = arith.constant 1 : i32
      scf.for %scan3A_941 = %scan3A_930 to %scan3A_932 step %scan3A_933  : i32 {
        %mul3A_942 = arith.constant 16 : i32
        %mul3A_943 = arith.muli %scan3A_941, %mul3A_942 : i32
        %add3A_944 = arith.constant 2048 : i32
        %add3A_945 = arith.addi %add3A_944, %mul3A_943 : i32
        %mul3A_946 = arith.constant 16 : i32
        %mul3A_947 = arith.muli %scan3A_941, %mul3A_946 : i32
        %get3A_948 = arith.constant 1 : i32
        %get3A_949 = arith.constant 2 : i32
        %get3A_950 = arith.index_cast %get3A_948 : i32 to index
        %get3A_951 = arith.index_cast %get3A_949 : i32 to index
        %get3A_952 = arith.index_cast %mul3A_947 : i32 to index
        %get3A_953 = tpu.vector_load %arg6[%get3A_950, %get3A_951, %get3A_952] {strides = array<i32>} : memref<2x4x1024xf32, #tpu.memory_space<vmem>>, vector<1x1x16xf32>,
        %get3A_954 = vector.shape_cast %get3A_953 : vector<1x1x16xf32> to vector<16xf32>
        %mul3A_955 = arith.constant 16 : i32
        %mul3A_956 = arith.muli %scan3A_941, %mul3A_955 : i32
        %get3A_957 = arith.constant 1 : i32
        %get3A_958 = arith.constant 2 : i32
        %get3A_959 = arith.index_cast %get3A_957 : i32 to index
        %get3A_960 = arith.index_cast %get3A_958 : i32 to index
        %get3A_961 = arith.index_cast %mul3A_956 : i32 to index
        %get3A_962 = tpu.vector_load %arg7[%get3A_959, %get3A_960, %get3A_961] {strides = array<i32>} : memref<2x4x1024xf32, #tpu.memory_space<vmem>>, vector<1x1x16xf32>,
        %get3A_963 = vector.shape_cast %get3A_962 : vector<1x1x16xf32> to vector<16xf32>
        %get3A_964 = arith.constant 1 : i32
        %get3A_965 = arith.constant 0 : i32
        %get3A_966 = arith.index_cast %get3A_964 : i32 to index
        %get3A_967 = arith.index_cast %get3A_965 : i32 to index
        %get3A_968 = arith.index_cast %add3A_945 : i32 to index
        %get3A_969 = tpu.vector_load %arg5[%get3A_966, %get3A_967, %get3A_968] {strides = array<i32>} : memref<2x8x4096xf32, #tpu.memory_space<vmem>>, vector<1x1x16xf32>,
        %get3A_970 = vector.shape_cast %get3A_969 : vector<1x1x16xf32> to vector<16xf32>
        %mul3A_971 = arith.mulf %get3A_970, %get3A_954 : vector<16xf32>
        %swap3A_972 = arith.constant 0 : i32
        %swap3A_973 = arith.index_cast %swap3A_972 : i32 to index
        %swap3A_974 = arith.constant 0 : index
        %swap3A_975 = tpu.vector_load %arg9[%swap3A_973, %swap3A_974] {strides = array<i32>} : memref<16x16xf32, #tpu.memory_space<vmem>>, vector<1x16xf32>,
        %swap3A_976 = vector.shape_cast %swap3A_975 : vector<1x16xf32> to vector<16xf32>
        %swap3A_977 = vector.shape_cast %mul3A_971 : vector<16xf32> to vector<1x16xf32>
        tpu.vector_store %arg9[%swap3A_973, %swap3A_974], %swap3A_977 {add = true, strides = array<i32>} : memref<16x16xf32, #tpu.memory_space<vmem>>, vector<1x16xf32>,
        %mul3A_978 = arith.mulf %get3A_970, %get3A_963 : vector<16xf32>
        %swap3A_979 = arith.constant 1 : i32
        %swap3A_980 = arith.index_cast %swap3A_979 : i32 to index
        %swap3A_981 = arith.constant 0 : index
        %swap3A_982 = tpu.vector_load %arg9[%swap3A_980, %swap3A_981] {strides = array<i32>} : memref<16x16xf32, #tpu.memory_space<vmem>>, vector<1x16xf32>,
        %swap3A_983 = vector.shape_cast %swap3A_982 : vector<1x16xf32> to vector<16xf32>
        %swap3A_984 = vector.shape_cast %mul3A_978 : vector<16xf32> to vector<1x16xf32>
        tpu.vector_store %arg9[%swap3A_980, %swap3A_981], %swap3A_984 {add = true, strides = array<i32>} : memref<16x16xf32, #tpu.memory_space<vmem>>, vector<1x16xf32>,
        %get3A_985 = arith.constant 1 : i32
        %get3A_986 = arith.constant 1 : i32
        %get3A_987 = arith.index_cast %get3A_985 : i32 to index
        %get3A_988 = arith.index_cast %get3A_986 : i32 to index
        %get3A_989 = arith.index_cast %add3A_945 : i32 to index
        %get3A_990 = tpu.vector_load %arg5[%get3A_987, %get3A_988, %get3A_989] {strides = array<i32>} : memref<2x8x4096xf32, #tpu.memory_space<vmem>>, vector<1x1x16xf32>,
        %get3A_991 = vector.shape_cast %get3A_990 : vector<1x1x16xf32> to vector<16xf32>
        %mul3A_992 = arith.mulf %get3A_991, %get3A_954 : vector<16xf32>
        %swap3A_993 = arith.constant 2 : i32
        %swap3A_994 = arith.index_cast %swap3A_993 : i32 to index
        %swap3A_995 = arith.constant 0 : index
        %swap3A_996 = tpu.vector_load %arg9[%swap3A_994, %swap3A_995] {strides = array<i32>} : memref<16x16xf32, #tpu.memory_space<vmem>>, vector<1x16xf32>,
        %swap3A_997 = vector.shape_cast %swap3A_996 : vector<1x16xf32> to vector<16xf32>
        %swap3A_998 = vector.shape_cast %mul3A_992 : vector<16xf32> to vector<1x16xf32>
        tpu.vector_store %arg9[%swap3A_994, %swap3A_995], %swap3A_998 {add = true, strides = array<i32>} : memref<16x16xf32, #tpu.memory_space<vmem>>, vector<1x16xf32>,
        %mul3A_999 = arith.mulf %get3A_991, %get3A_963 : vector<16xf32>
        %swap3A_1000 = arith.constant 3 : i32
        %swap3A_1001 = arith.index_cast %swap3A_1000 : i32 to index
        %swap3A_1002 = arith.constant 0 : index
        %swap3A_1003 = tpu.vector_load %arg9[%swap3A_1001, %swap3A_1002] {strides = array<i32>} : memref<16x16xf32, #tpu.memory_space<vmem>>, vector<1x16xf32>,
        %swap3A_1004 = vector.shape_cast %swap3A_1003 : vector<1x16xf32> to vector<16xf32>
        %swap3A_1005 = vector.shape_cast %mul3A_999 : vector<16xf32> to vector<1x16xf32>
        tpu.vector_store %arg9[%swap3A_1001, %swap3A_1002], %swap3A_1005 {add = true, strides = array<i32>} : memref<16x16xf32, #tpu.memory_space<vmem>>, vector<1x16xf32>,
        %get3A_1006 = arith.constant 1 : i32
        %get3A_1007 = arith.constant 2 : i32
        %get3A_1008 = arith.index_cast %get3A_1006 : i32 to index
        %get3A_1009 = arith.index_cast %get3A_1007 : i32 to index
        %get3A_1010 = arith.index_cast %add3A_945 : i32 to index
        %get3A_1011 = tpu.vector_load %arg5[%get3A_1008, %get3A_1009, %get3A_1010] {strides = array<i32>} : memref<2x8x4096xf32, #tpu.memory_space<vmem>>, vector<1x1x16xf32>,
        %get3A_1012 = vector.shape_cast %get3A_1011 : vector<1x1x16xf32> to vector<16xf32>
        %mul3A_1013 = arith.mulf %get3A_1012, %get3A_954 : vector<16xf32>
        %swap3A_1014 = arith.constant 4 : i32
        %swap3A_1015 = arith.index_cast %swap3A_1014 : i32 to index
        %swap3A_1016 = arith.constant 0 : index
        %swap3A_1017 = tpu.vector_load %arg9[%swap3A_1015, %swap3A_1016] {strides = array<i32>} : memref<16x16xf32, #tpu.memory_space<vmem>>, vector<1x16xf32>,
        %swap3A_1018 = vector.shape_cast %swap3A_1017 : vector<1x16xf32> to vector<16xf32>
        %swap3A_1019 = vector.shape_cast %mul3A_1013 : vector<16xf32> to vector<1x16xf32>
        tpu.vector_store %arg9[%swap3A_1015, %swap3A_1016], %swap3A_1019 {add = true, strides = array<i32>} : memref<16x16xf32, #tpu.memory_space<vmem>>, vector<1x16xf32>,
        %mul3A_1020 = arith.mulf %get3A_1012, %get3A_963 : vector<16xf32>
        %swap3A_1021 = arith.constant 5 : i32
        %swap3A_1022 = arith.index_cast %swap3A_1021 : i32 to index
        %swap3A_1023 = arith.constant 0 : index
        %swap3A_1024 = tpu.vector_load %arg9[%swap3A_1022, %swap3A_1023] {strides = array<i32>} : memref<16x16xf32, #tpu.memory_space<vmem>>, vector<1x16xf32>,
        %swap3A_1025 = vector.shape_cast %swap3A_1024 : vector<1x16xf32> to vector<16xf32>
        %swap3A_1026 = vector.shape_cast %mul3A_1020 : vector<16xf32> to vector<1x16xf32>
        tpu.vector_store %arg9[%swap3A_1022, %swap3A_1023], %swap3A_1026 {add = true, strides = array<i32>} : memref<16x16xf32, #tpu.memory_space<vmem>>, vector<1x16xf32>,
        %get3A_1027 = arith.constant 1 : i32
        %get3A_1028 = arith.constant 3 : i32
        %get3A_1029 = arith.index_cast %get3A_1027 : i32 to index
        %get3A_1030 = arith.index_cast %get3A_1028 : i32 to index
        %get3A_1031 = arith.index_cast %add3A_945 : i32 to index
        %get3A_1032 = tpu.vector_load %arg5[%get3A_1029, %get3A_1030, %get3A_1031] {strides = array<i32>} : memref<2x8x4096xf32, #tpu.memory_space<vmem>>, vector<1x1x16xf32>,
        %get3A_1033 = vector.shape_cast %get3A_1032 : vector<1x1x16xf32> to vector<16xf32>
        %mul3A_1034 = arith.mulf %get3A_1033, %get3A_954 : vector<16xf32>
        %swap3A_1035 = arith.constant 6 : i32
        %swap3A_1036 = arith.index_cast %swap3A_1035 : i32 to index
        %swap3A_1037 = arith.constant 0 : index
        %swap3A_1038 = tpu.vector_load %arg9[%swap3A_1036, %swap3A_1037] {strides = array<i32>} : memref<16x16xf32, #tpu.memory_space<vmem>>, vector<1x16xf32>,
        %swap3A_1039 = vector.shape_cast %swap3A_1038 : vector<1x16xf32> to vector<16xf32>
        %swap3A_1040 = vector.shape_cast %mul3A_1034 : vector<16xf32> to vector<1x16xf32>
        tpu.vector_store %arg9[%swap3A_1036, %swap3A_1037], %swap3A_1040 {add = true, strides = array<i32>} : memref<16x16xf32, #tpu.memory_space<vmem>>, vector<1x16xf32>,
        %mul3A_1041 = arith.mulf %get3A_1033, %get3A_963 : vector<16xf32>
        %swap3A_1042 = arith.constant 7 : i32
        %swap3A_1043 = arith.index_cast %swap3A_1042 : i32 to index
        %swap3A_1044 = arith.constant 0 : index
        %swap3A_1045 = tpu.vector_load %arg9[%swap3A_1043, %swap3A_1044] {strides = array<i32>} : memref<16x16xf32, #tpu.memory_space<vmem>>, vector<1x16xf32>,
        %swap3A_1046 = vector.shape_cast %swap3A_1045 : vector<1x16xf32> to vector<16xf32>
        %swap3A_1047 = vector.shape_cast %mul3A_1041 : vector<16xf32> to vector<1x16xf32>
        tpu.vector_store %arg9[%swap3A_1043, %swap3A_1044], %swap3A_1047 {add = true, strides = array<i32>} : memref<16x16xf32, #tpu.memory_space<vmem>>, vector<1x16xf32>,
        %get3A_1048 = arith.constant 1 : i32
        %get3A_1049 = arith.constant 4 : i32
        %get3A_1050 = arith.index_cast %get3A_1048 : i32 to index
        %get3A_1051 = arith.index_cast %get3A_1049 : i32 to index
        %get3A_1052 = arith.index_cast %add3A_945 : i32 to index
        %get3A_1053 = tpu.vector_load %arg5[%get3A_1050, %get3A_1051, %get3A_1052] {strides = array<i32>} : memref<2x8x4096xf32, #tpu.memory_space<vmem>>, vector<1x1x16xf32>,
        %get3A_1054 = vector.shape_cast %get3A_1053 : vector<1x1x16xf32> to vector<16xf32>
        %mul3A_1055 = arith.mulf %get3A_1054, %get3A_954 : vector<16xf32>
        %swap3A_1056 = arith.constant 8 : i32
        %swap3A_1057 = arith.index_cast %swap3A_1056 : i32 to index
        %swap3A_1058 = arith.constant 0 : index
        %swap3A_1059 = tpu.vector_load %arg9[%swap3A_1057, %swap3A_1058] {strides = array<i32>} : memref<16x16xf32, #tpu.memory_space<vmem>>, vector<1x16xf32>,
        %swap3A_1060 = vector.shape_cast %swap3A_1059 : vector<1x16xf32> to vector<16xf32>
        %swap3A_1061 = vector.shape_cast %mul3A_1055 : vector<16xf32> to vector<1x16xf32>
        tpu.vector_store %arg9[%swap3A_1057, %swap3A_1058], %swap3A_1061 {add = true, strides = array<i32>} : memref<16x16xf32, #tpu.memory_space<vmem>>, vector<1x16xf32>,
        %mul3A_1062 = arith.mulf %get3A_1054, %get3A_963 : vector<16xf32>
        %swap3A_1063 = arith.constant 9 : i32
        %swap3A_1064 = arith.index_cast %swap3A_1063 : i32 to index
        %swap3A_1065 = arith.constant 0 : index
        %swap3A_1066 = tpu.vector_load %arg9[%swap3A_1064, %swap3A_1065] {strides = array<i32>} : memref<16x16xf32, #tpu.memory_space<vmem>>, vector<1x16xf32>,
        %swap3A_1067 = vector.shape_cast %swap3A_1066 : vector<1x16xf32> to vector<16xf32>
        %swap3A_1068 = vector.shape_cast %mul3A_1062 : vector<16xf32> to vector<1x16xf32>
        tpu.vector_store %arg9[%swap3A_1064, %swap3A_1065], %swap3A_1068 {add = true, strides = array<i32>} : memref<16x16xf32, #tpu.memory_space<vmem>>, vector<1x16xf32>,
        %get3A_1069 = arith.constant 1 : i32
        %get3A_1070 = arith.constant 5 : i32
        %get3A_1071 = arith.index_cast %get3A_1069 : i32 to index
        %get3A_1072 = arith.index_cast %get3A_1070 : i32 to index
        %get3A_1073 = arith.index_cast %add3A_945 : i32 to index
        %get3A_1074 = tpu.vector_load %arg5[%get3A_1071, %get3A_1072, %get3A_1073] {strides = array<i32>} : memref<2x8x4096xf32, #tpu.memory_space<vmem>>, vector<1x1x16xf32>,
        %get3A_1075 = vector.shape_cast %get3A_1074 : vector<1x1x16xf32> to vector<16xf32>
        %mul3A_1076 = arith.mulf %get3A_1075, %get3A_954 : vector<16xf32>
        %swap3A_1077 = arith.constant 10 : i32
        %swap3A_1078 = arith.index_cast %swap3A_1077 : i32 to index
        %swap3A_1079 = arith.constant 0 : index
        %swap3A_1080 = tpu.vector_load %arg9[%swap3A_1078, %swap3A_1079] {strides = array<i32>} : memref<16x16xf32, #tpu.memory_space<vmem>>, vector<1x16xf32>,
        %swap3A_1081 = vector.shape_cast %swap3A_1080 : vector<1x16xf32> to vector<16xf32>
        %swap3A_1082 = vector.shape_cast %mul3A_1076 : vector<16xf32> to vector<1x16xf32>
        tpu.vector_store %arg9[%swap3A_1078, %swap3A_1079], %swap3A_1082 {add = true, strides = array<i32>} : memref<16x16xf32, #tpu.memory_space<vmem>>, vector<1x16xf32>,
        %mul3A_1083 = arith.mulf %get3A_1075, %get3A_963 : vector<16xf32>
        %swap3A_1084 = arith.constant 11 : i32
        %swap3A_1085 = arith.index_cast %swap3A_1084 : i32 to index
        %swap3A_1086 = arith.constant 0 : index
        %swap3A_1087 = tpu.vector_load %arg9[%swap3A_1085, %swap3A_1086] {strides = array<i32>} : memref<16x16xf32, #tpu.memory_space<vmem>>, vector<1x16xf32>,
        %swap3A_1088 = vector.shape_cast %swap3A_1087 : vector<1x16xf32> to vector<16xf32>
        %swap3A_1089 = vector.shape_cast %mul3A_1083 : vector<16xf32> to vector<1x16xf32>
        tpu.vector_store %arg9[%swap3A_1085, %swap3A_1086], %swap3A_1089 {add = true, strides = array<i32>} : memref<16x16xf32, #tpu.memory_space<vmem>>, vector<1x16xf32>,
        %get3A_1090 = arith.constant 1 : i32
        %get3A_1091 = arith.constant 6 : i32
        %get3A_1092 = arith.index_cast %get3A_1090 : i32 to index
        %get3A_1093 = arith.index_cast %get3A_1091 : i32 to index
        %get3A_1094 = arith.index_cast %add3A_945 : i32 to index
        %get3A_1095 = tpu.vector_load %arg5[%get3A_1092, %get3A_1093, %get3A_1094] {strides = array<i32>} : memref<2x8x4096xf32, #tpu.memory_space<vmem>>, vector<1x1x16xf32>,
        %get3A_1096 = vector.shape_cast %get3A_1095 : vector<1x1x16xf32> to vector<16xf32>
        %mul3A_1097 = arith.mulf %get3A_1096, %get3A_954 : vector<16xf32>
        %swap3A_1098 = arith.constant 12 : i32
        %swap3A_1099 = arith.index_cast %swap3A_1098 : i32 to index
        %swap3A_1100 = arith.constant 0 : index
        %swap3A_1101 = tpu.vector_load %arg9[%swap3A_1099, %swap3A_1100] {strides = array<i32>} : memref<16x16xf32, #tpu.memory_space<vmem>>, vector<1x16xf32>,
        %swap3A_1102 = vector.shape_cast %swap3A_1101 : vector<1x16xf32> to vector<16xf32>
        %swap3A_1103 = vector.shape_cast %mul3A_1097 : vector<16xf32> to vector<1x16xf32>
        tpu.vector_store %arg9[%swap3A_1099, %swap3A_1100], %swap3A_1103 {add = true, strides = array<i32>} : memref<16x16xf32, #tpu.memory_space<vmem>>, vector<1x16xf32>,
        %mul3A_1104 = arith.mulf %get3A_1096, %get3A_963 : vector<16xf32>
        %swap3A_1105 = arith.constant 13 : i32
        %swap3A_1106 = arith.index_cast %swap3A_1105 : i32 to index
        %swap3A_1107 = arith.constant 0 : index
        %swap3A_1108 = tpu.vector_load %arg9[%swap3A_1106, %swap3A_1107] {strides = array<i32>} : memref<16x16xf32, #tpu.memory_space<vmem>>, vector<1x16xf32>,
        %swap3A_1109 = vector.shape_cast %swap3A_1108 : vector<1x16xf32> to vector<16xf32>
        %swap3A_1110 = vector.shape_cast %mul3A_1104 : vector<16xf32> to vector<1x16xf32>
        tpu.vector_store %arg9[%swap3A_1106, %swap3A_1107], %swap3A_1110 {add = true, strides = array<i32>} : memref<16x16xf32, #tpu.memory_space<vmem>>, vector<1x16xf32>,
        %get3A_1111 = arith.constant 1 : i32
        %get3A_1112 = arith.constant 7 : i32
        %get3A_1113 = arith.index_cast %get3A_1111 : i32 to index
        %get3A_1114 = arith.index_cast %get3A_1112 : i32 to index
        %get3A_1115 = arith.index_cast %add3A_945 : i32 to index
        %get3A_1116 = tpu.vector_load %arg5[%get3A_1113, %get3A_1114, %get3A_1115] {strides = array<i32>} : memref<2x8x4096xf32, #tpu.memory_space<vmem>>, vector<1x1x16xf32>,
        %get3A_1117 = vector.shape_cast %get3A_1116 : vector<1x1x16xf32> to vector<16xf32>
        %mul3A_1118 = arith.mulf %get3A_1117, %get3A_954 : vector<16xf32>
        %swap3A_1119 = arith.constant 14 : i32
        %swap3A_1120 = arith.index_cast %swap3A_1119 : i32 to index
        %swap3A_1121 = arith.constant 0 : index
        %swap3A_1122 = tpu.vector_load %arg9[%swap3A_1120, %swap3A_1121] {strides = array<i32>} : memref<16x16xf32, #tpu.memory_space<vmem>>, vector<1x16xf32>,
        %swap3A_1123 = vector.shape_cast %swap3A_1122 : vector<1x16xf32> to vector<16xf32>
        %swap3A_1124 = vector.shape_cast %mul3A_1118 : vector<16xf32> to vector<1x16xf32>
        tpu.vector_store %arg9[%swap3A_1120, %swap3A_1121], %swap3A_1124 {add = true, strides = array<i32>} : memref<16x16xf32, #tpu.memory_space<vmem>>, vector<1x16xf32>,
        %mul3A_1125 = arith.mulf %get3A_1117, %get3A_963 : vector<16xf32>
        %swap3A_1126 = arith.constant 15 : i32
        %swap3A_1127 = arith.index_cast %swap3A_1126 : i32 to index
        %swap3A_1128 = arith.constant 0 : index
        %swap3A_1129 = tpu.vector_load %arg9[%swap3A_1127, %swap3A_1128] {strides = array<i32>} : memref<16x16xf32, #tpu.memory_space<vmem>>, vector<1x16xf32>,
        %swap3A_1130 = vector.shape_cast %swap3A_1129 : vector<1x16xf32> to vector<16xf32>
        %swap3A_1131 = vector.shape_cast %mul3A_1125 : vector<16xf32> to vector<1x16xf32>
        tpu.vector_store %arg9[%swap3A_1127, %swap3A_1128], %swap3A_1131 {add = true, strides = array<i32>} : memref<16x16xf32, #tpu.memory_space<vmem>>, vector<1x16xf32>,
      }
      %scan3A_934 = arith.constant 64 : i32
      %scan3A_935 = arith.constant 0 : i32
      %scan3A_936 = arith.constant 0 : i32
      %scan3A_937 = arith.constant 64 : i32
      %scan3A_938 = arith.addi %scan3A_936, %scan3A_937 : i32
      %scan3A_939 = arith.constant 1 : i32
      scf.for %scan3A_941 = %scan3A_936 to %scan3A_938 step %scan3A_939  : i32 {
        %mul3A_942 = arith.constant 16 : i32
        %mul3A_943 = arith.muli %scan3A_941, %mul3A_942 : i32
        %add3A_944 = arith.constant 3072 : i32
        %add3A_945 = arith.addi %add3A_944, %mul3A_943 : i32
        %mul3A_946 = arith.constant 16 : i32
        %mul3A_947 = arith.muli %scan3A_941, %mul3A_946 : i32
        %get3A_948 = arith.constant 1 : i32
        %get3A_949 = arith.constant 3 : i32
        %get3A_950 = arith.index_cast %get3A_948 : i32 to index
        %get3A_951 = arith.index_cast %get3A_949 : i32 to index
        %get3A_952 = arith.index_cast %mul3A_947 : i32 to index
        %get3A_953 = tpu.vector_load %arg6[%get3A_950, %get3A_951, %get3A_952] {strides = array<i32>} : memref<2x4x1024xf32, #tpu.memory_space<vmem>>, vector<1x1x16xf32>,
        %get3A_954 = vector.shape_cast %get3A_953 : vector<1x1x16xf32> to vector<16xf32>
        %mul3A_955 = arith.constant 16 : i32
        %mul3A_956 = arith.muli %scan3A_941, %mul3A_955 : i32
        %get3A_957 = arith.constant 1 : i32
        %get3A_958 = arith.constant 3 : i32
        %get3A_959 = arith.index_cast %get3A_957 : i32 to index
        %get3A_960 = arith.index_cast %get3A_958 : i32 to index
        %get3A_961 = arith.index_cast %mul3A_956 : i32 to index
        %get3A_962 = tpu.vector_load %arg7[%get3A_959, %get3A_960, %get3A_961] {strides = array<i32>} : memref<2x4x1024xf32, #tpu.memory_space<vmem>>, vector<1x1x16xf32>,
        %get3A_963 = vector.shape_cast %get3A_962 : vector<1x1x16xf32> to vector<16xf32>
        %get3A_964 = arith.constant 1 : i32
        %get3A_965 = arith.constant 0 : i32
        %get3A_966 = arith.index_cast %get3A_964 : i32 to index
        %get3A_967 = arith.index_cast %get3A_965 : i32 to index
        %get3A_968 = arith.index_cast %add3A_945 : i32 to index
        %get3A_969 = tpu.vector_load %arg5[%get3A_966, %get3A_967, %get3A_968] {strides = array<i32>} : memref<2x8x4096xf32, #tpu.memory_space<vmem>>, vector<1x1x16xf32>,
        %get3A_970 = vector.shape_cast %get3A_969 : vector<1x1x16xf32> to vector<16xf32>
        %mul3A_971 = arith.mulf %get3A_970, %get3A_954 : vector<16xf32>
        %swap3A_972 = arith.constant 0 : i32
        %swap3A_973 = arith.index_cast %swap3A_972 : i32 to index
        %swap3A_974 = arith.constant 0 : index
        %swap3A_975 = tpu.vector_load %arg9[%swap3A_973, %swap3A_974] {strides = array<i32>} : memref<16x16xf32, #tpu.memory_space<vmem>>, vector<1x16xf32>,
        %swap3A_976 = vector.shape_cast %swap3A_975 : vector<1x16xf32> to vector<16xf32>
        %swap3A_977 = vector.shape_cast %mul3A_971 : vector<16xf32> to vector<1x16xf32>
        tpu.vector_store %arg9[%swap3A_973, %swap3A_974], %swap3A_977 {add = true, strides = array<i32>} : memref<16x16xf32, #tpu.memory_space<vmem>>, vector<1x16xf32>,
        %mul3A_978 = arith.mulf %get3A_970, %get3A_963 : vector<16xf32>
        %swap3A_979 = arith.constant 1 : i32
        %swap3A_980 = arith.index_cast %swap3A_979 : i32 to index
        %swap3A_981 = arith.constant 0 : index
        %swap3A_982 = tpu.vector_load %arg9[%swap3A_980, %swap3A_981] {strides = array<i32>} : memref<16x16xf32, #tpu.memory_space<vmem>>, vector<1x16xf32>,
        %swap3A_983 = vector.shape_cast %swap3A_982 : vector<1x16xf32> to vector<16xf32>
        %swap3A_984 = vector.shape_cast %mul3A_978 : vector<16xf32> to vector<1x16xf32>
        tpu.vector_store %arg9[%swap3A_980, %swap3A_981], %swap3A_984 {add = true, strides = array<i32>} : memref<16x16xf32, #tpu.memory_space<vmem>>, vector<1x16xf32>,
        %get3A_985 = arith.constant 1 : i32
        %get3A_986 = arith.constant 1 : i32
        %get3A_987 = arith.index_cast %get3A_985 : i32 to index
        %get3A_988 = arith.index_cast %get3A_986 : i32 to index
        %get3A_989 = arith.index_cast %add3A_945 : i32 to index
        %get3A_990 = tpu.vector_load %arg5[%get3A_987, %get3A_988, %get3A_989] {strides = array<i32>} : memref<2x8x4096xf32, #tpu.memory_space<vmem>>, vector<1x1x16xf32>,
        %get3A_991 = vector.shape_cast %get3A_990 : vector<1x1x16xf32> to vector<16xf32>
        %mul3A_992 = arith.mulf %get3A_991, %get3A_954 : vector<16xf32>
        %swap3A_993 = arith.constant 2 : i32
        %swap3A_994 = arith.index_cast %swap3A_993 : i32 to index
        %swap3A_995 = arith.constant 0 : index
        %swap3A_996 = tpu.vector_load %arg9[%swap3A_994, %swap3A_995] {strides = array<i32>} : memref<16x16xf32, #tpu.memory_space<vmem>>, vector<1x16xf32>,
        %swap3A_997 = vector.shape_cast %swap3A_996 : vector<1x16xf32> to vector<16xf32>
        %swap3A_998 = vector.shape_cast %mul3A_992 : vector<16xf32> to vector<1x16xf32>
        tpu.vector_store %arg9[%swap3A_994, %swap3A_995], %swap3A_998 {add = true, strides = array<i32>} : memref<16x16xf32, #tpu.memory_space<vmem>>, vector<1x16xf32>,
        %mul3A_999 = arith.mulf %get3A_991, %get3A_963 : vector<16xf32>
        %swap3A_1000 = arith.constant 3 : i32
        %swap3A_1001 = arith.index_cast %swap3A_1000 : i32 to index
        %swap3A_1002 = arith.constant 0 : index
        %swap3A_1003 = tpu.vector_load %arg9[%swap3A_1001, %swap3A_1002] {strides = array<i32>} : memref<16x16xf32, #tpu.memory_space<vmem>>, vector<1x16xf32>,
        %swap3A_1004 = vector.shape_cast %swap3A_1003 : vector<1x16xf32> to vector<16xf32>
        %swap3A_1005 = vector.shape_cast %mul3A_999 : vector<16xf32> to vector<1x16xf32>
        tpu.vector_store %arg9[%swap3A_1001, %swap3A_1002], %swap3A_1005 {add = true, strides = array<i32>} : memref<16x16xf32, #tpu.memory_space<vmem>>, vector<1x16xf32>,
        %get3A_1006 = arith.constant 1 : i32
        %get3A_1007 = arith.constant 2 : i32
        %get3A_1008 = arith.index_cast %get3A_1006 : i32 to index
        %get3A_1009 = arith.index_cast %get3A_1007 : i32 to index
        %get3A_1010 = arith.index_cast %add3A_945 : i32 to index
        %get3A_1011 = tpu.vector_load %arg5[%get3A_1008, %get3A_1009, %get3A_1010] {strides = array<i32>} : memref<2x8x4096xf32, #tpu.memory_space<vmem>>, vector<1x1x16xf32>,
        %get3A_1012 = vector.shape_cast %get3A_1011 : vector<1x1x16xf32> to vector<16xf32>
        %mul3A_1013 = arith.mulf %get3A_1012, %get3A_954 : vector<16xf32>
        %swap3A_1014 = arith.constant 4 : i32
        %swap3A_1015 = arith.index_cast %swap3A_1014 : i32 to index
        %swap3A_1016 = arith.constant 0 : index
        %swap3A_1017 = tpu.vector_load %arg9[%swap3A_1015, %swap3A_1016] {strides = array<i32>} : memref<16x16xf32, #tpu.memory_space<vmem>>, vector<1x16xf32>,
        %swap3A_1018 = vector.shape_cast %swap3A_1017 : vector<1x16xf32> to vector<16xf32>
        %swap3A_1019 = vector.shape_cast %mul3A_1013 : vector<16xf32> to vector<1x16xf32>
        tpu.vector_store %arg9[%swap3A_1015, %swap3A_1016], %swap3A_1019 {add = true, strides = array<i32>} : memref<16x16xf32, #tpu.memory_space<vmem>>, vector<1x16xf32>,
        %mul3A_1020 = arith.mulf %get3A_1012, %get3A_963 : vector<16xf32>
        %swap3A_1021 = arith.constant 5 : i32
        %swap3A_1022 = arith.index_cast %swap3A_1021 : i32 to index
        %swap3A_1023 = arith.constant 0 : index
        %swap3A_1024 = tpu.vector_load %arg9[%swap3A_1022, %swap3A_1023] {strides = array<i32>} : memref<16x16xf32, #tpu.memory_space<vmem>>, vector<1x16xf32>,
        %swap3A_1025 = vector.shape_cast %swap3A_1024 : vector<1x16xf32> to vector<16xf32>
        %swap3A_1026 = vector.shape_cast %mul3A_1020 : vector<16xf32> to vector<1x16xf32>
        tpu.vector_store %arg9[%swap3A_1022, %swap3A_1023], %swap3A_1026 {add = true, strides = array<i32>} : memref<16x16xf32, #tpu.memory_space<vmem>>, vector<1x16xf32>,
        %get3A_1027 = arith.constant 1 : i32
        %get3A_1028 = arith.constant 3 : i32
        %get3A_1029 = arith.index_cast %get3A_1027 : i32 to index
        %get3A_1030 = arith.index_cast %get3A_1028 : i32 to index
        %get3A_1031 = arith.index_cast %add3A_945 : i32 to index
        %get3A_1032 = tpu.vector_load %arg5[%get3A_1029, %get3A_1030, %get3A_1031] {strides = array<i32>} : memref<2x8x4096xf32, #tpu.memory_space<vmem>>, vector<1x1x16xf32>,
        %get3A_1033 = vector.shape_cast %get3A_1032 : vector<1x1x16xf32> to vector<16xf32>
        %mul3A_1034 = arith.mulf %get3A_1033, %get3A_954 : vector<16xf32>
        %swap3A_1035 = arith.constant 6 : i32
        %swap3A_1036 = arith.index_cast %swap3A_1035 : i32 to index
        %swap3A_1037 = arith.constant 0 : index
        %swap3A_1038 = tpu.vector_load %arg9[%swap3A_1036, %swap3A_1037] {strides = array<i32>} : memref<16x16xf32, #tpu.memory_space<vmem>>, vector<1x16xf32>,
        %swap3A_1039 = vector.shape_cast %swap3A_1038 : vector<1x16xf32> to vector<16xf32>
        %swap3A_1040 = vector.shape_cast %mul3A_1034 : vector<16xf32> to vector<1x16xf32>
        tpu.vector_store %arg9[%swap3A_1036, %swap3A_1037], %swap3A_1040 {add = true, strides = array<i32>} : memref<16x16xf32, #tpu.memory_space<vmem>>, vector<1x16xf32>,
        %mul3A_1041 = arith.mulf %get3A_1033, %get3A_963 : vector<16xf32>
        %swap3A_1042 = arith.constant 7 : i32
        %swap3A_1043 = arith.index_cast %swap3A_1042 : i32 to index
        %swap3A_1044 = arith.constant 0 : index
        %swap3A_1045 = tpu.vector_load %arg9[%swap3A_1043, %swap3A_1044] {strides = array<i32>} : memref<16x16xf32, #tpu.memory_space<vmem>>, vector<1x16xf32>,
        %swap3A_1046 = vector.shape_cast %swap3A_1045 : vector<1x16xf32> to vector<16xf32>
        %swap3A_1047 = vector.shape_cast %mul3A_1041 : vector<16xf32> to vector<1x16xf32>
        tpu.vector_store %arg9[%swap3A_1043, %swap3A_1044], %swap3A_1047 {add = true, strides = array<i32>} : memref<16x16xf32, #tpu.memory_space<vmem>>, vector<1x16xf32>,
        %get3A_1048 = arith.constant 1 : i32
        %get3A_1049 = arith.constant 4 : i32
        %get3A_1050 = arith.index_cast %get3A_1048 : i32 to index
        %get3A_1051 = arith.index_cast %get3A_1049 : i32 to index
        %get3A_1052 = arith.index_cast %add3A_945 : i32 to index
        %get3A_1053 = tpu.vector_load %arg5[%get3A_1050, %get3A_1051, %get3A_1052] {strides = array<i32>} : memref<2x8x4096xf32, #tpu.memory_space<vmem>>, vector<1x1x16xf32>,
        %get3A_1054 = vector.shape_cast %get3A_1053 : vector<1x1x16xf32> to vector<16xf32>
        %mul3A_1055 = arith.mulf %get3A_1054, %get3A_954 : vector<16xf32>
        %swap3A_1056 = arith.constant 8 : i32
        %swap3A_1057 = arith.index_cast %swap3A_1056 : i32 to index
        %swap3A_1058 = arith.constant 0 : index
        %swap3A_1059 = tpu.vector_load %arg9[%swap3A_1057, %swap3A_1058] {strides = array<i32>} : memref<16x16xf32, #tpu.memory_space<vmem>>, vector<1x16xf32>,
        %swap3A_1060 = vector.shape_cast %swap3A_1059 : vector<1x16xf32> to vector<16xf32>
        %swap3A_1061 = vector.shape_cast %mul3A_1055 : vector<16xf32> to vector<1x16xf32>
        tpu.vector_store %arg9[%swap3A_1057, %swap3A_1058], %swap3A_1061 {add = true, strides = array<i32>} : memref<16x16xf32, #tpu.memory_space<vmem>>, vector<1x16xf32>,
        %mul3A_1062 = arith.mulf %get3A_1054, %get3A_963 : vector<16xf32>
        %swap3A_1063 = arith.constant 9 : i32
        %swap3A_1064 = arith.index_cast %swap3A_1063 : i32 to index
        %swap3A_1065 = arith.constant 0 : index
        %swap3A_1066 = tpu.vector_load %arg9[%swap3A_1064, %swap3A_1065] {strides = array<i32>} : memref<16x16xf32, #tpu.memory_space<vmem>>, vector<1x16xf32>,
        %swap3A_1067 = vector.shape_cast %swap3A_1066 : vector<1x16xf32> to vector<16xf32>
        %swap3A_1068 = vector.shape_cast %mul3A_1062 : vector<16xf32> to vector<1x16xf32>
        tpu.vector_store %arg9[%swap3A_1064, %swap3A_1065], %swap3A_1068 {add = true, strides = array<i32>} : memref<16x16xf32, #tpu.memory_space<vmem>>, vector<1x16xf32>,
        %get3A_1069 = arith.constant 1 : i32
        %get3A_1070 = arith.constant 5 : i32
        %get3A_1071 = arith.index_cast %get3A_1069 : i32 to index
        %get3A_1072 = arith.index_cast %get3A_1070 : i32 to index
        %get3A_1073 = arith.index_cast %add3A_945 : i32 to index
        %get3A_1074 = tpu.vector_load %arg5[%get3A_1071, %get3A_1072, %get3A_1073] {strides = array<i32>} : memref<2x8x4096xf32, #tpu.memory_space<vmem>>, vector<1x1x16xf32>,
        %get3A_1075 = vector.shape_cast %get3A_1074 : vector<1x1x16xf32> to vector<16xf32>
        %mul3A_1076 = arith.mulf %get3A_1075, %get3A_954 : vector<16xf32>
        %swap3A_1077 = arith.constant 10 : i32
        %swap3A_1078 = arith.index_cast %swap3A_1077 : i32 to index
        %swap3A_1079 = arith.constant 0 : index
        %swap3A_1080 = tpu.vector_load %arg9[%swap3A_1078, %swap3A_1079] {strides = array<i32>} : memref<16x16xf32, #tpu.memory_space<vmem>>, vector<1x16xf32>,
        %swap3A_1081 = vector.shape_cast %swap3A_1080 : vector<1x16xf32> to vector<16xf32>
        %swap3A_1082 = vector.shape_cast %mul3A_1076 : vector<16xf32> to vector<1x16xf32>
        tpu.vector_store %arg9[%swap3A_1078, %swap3A_1079], %swap3A_1082 {add = true, strides = array<i32>} : memref<16x16xf32, #tpu.memory_space<vmem>>, vector<1x16xf32>,
        %mul3A_1083 = arith.mulf %get3A_1075, %get3A_963 : vector<16xf32>
        %swap3A_1084 = arith.constant 11 : i32
        %swap3A_1085 = arith.index_cast %swap3A_1084 : i32 to index
        %swap3A_1086 = arith.constant 0 : index
        %swap3A_1087 = tpu.vector_load %arg9[%swap3A_1085, %swap3A_1086] {strides = array<i32>} : memref<16x16xf32, #tpu.memory_space<vmem>>, vector<1x16xf32>,
        %swap3A_1088 = vector.shape_cast %swap3A_1087 : vector<1x16xf32> to vector<16xf32>
        %swap3A_1089 = vector.shape_cast %mul3A_1083 : vector<16xf32> to vector<1x16xf32>
        tpu.vector_store %arg9[%swap3A_1085, %swap3A_1086], %swap3A_1089 {add = true, strides = array<i32>} : memref<16x16xf32, #tpu.memory_space<vmem>>, vector<1x16xf32>,
        %get3A_1090 = arith.constant 1 : i32
        %get3A_1091 = arith.constant 6 : i32
        %get3A_1092 = arith.index_cast %get3A_1090 : i32 to index
        %get3A_1093 = arith.index_cast %get3A_1091 : i32 to index
        %get3A_1094 = arith.index_cast %add3A_945 : i32 to index
        %get3A_1095 = tpu.vector_load %arg5[%get3A_1092, %get3A_1093, %get3A_1094] {strides = array<i32>} : memref<2x8x4096xf32, #tpu.memory_space<vmem>>, vector<1x1x16xf32>,
        %get3A_1096 = vector.shape_cast %get3A_1095 : vector<1x1x16xf32> to vector<16xf32>
        %mul3A_1097 = arith.mulf %get3A_1096, %get3A_954 : vector<16xf32>
        %swap3A_1098 = arith.constant 12 : i32
        %swap3A_1099 = arith.index_cast %swap3A_1098 : i32 to index
        %swap3A_1100 = arith.constant 0 : index
        %swap3A_1101 = tpu.vector_load %arg9[%swap3A_1099, %swap3A_1100] {strides = array<i32>} : memref<16x16xf32, #tpu.memory_space<vmem>>, vector<1x16xf32>,
        %swap3A_1102 = vector.shape_cast %swap3A_1101 : vector<1x16xf32> to vector<16xf32>
        %swap3A_1103 = vector.shape_cast %mul3A_1097 : vector<16xf32> to vector<1x16xf32>
        tpu.vector_store %arg9[%swap3A_1099, %swap3A_1100], %swap3A_1103 {add = true, strides = array<i32>} : memref<16x16xf32, #tpu.memory_space<vmem>>, vector<1x16xf32>,
        %mul3A_1104 = arith.mulf %get3A_1096, %get3A_963 : vector<16xf32>
        %swap3A_1105 = arith.constant 13 : i32
        %swap3A_1106 = arith.index_cast %swap3A_1105 : i32 to index
        %swap3A_1107 = arith.constant 0 : index
        %swap3A_1108 = tpu.vector_load %arg9[%swap3A_1106, %swap3A_1107] {strides = array<i32>} : memref<16x16xf32, #tpu.memory_space<vmem>>, vector<1x16xf32>,
        %swap3A_1109 = vector.shape_cast %swap3A_1108 : vector<1x16xf32> to vector<16xf32>
        %swap3A_1110 = vector.shape_cast %mul3A_1104 : vector<16xf32> to vector<1x16xf32>
        tpu.vector_store %arg9[%swap3A_1106, %swap3A_1107], %swap3A_1110 {add = true, strides = array<i32>} : memref<16x16xf32, #tpu.memory_space<vmem>>, vector<1x16xf32>,
        %get3A_1111 = arith.constant 1 : i32
        %get3A_1112 = arith.constant 7 : i32
        %get3A_1113 = arith.index_cast %get3A_1111 : i32 to index
        %get3A_1114 = arith.index_cast %get3A_1112 : i32 to index
        %get3A_1115 = arith.index_cast %add3A_945 : i32 to index
        %get3A_1116 = tpu.vector_load %arg5[%get3A_1113, %get3A_1114, %get3A_1115] {strides = array<i32>} : memref<2x8x4096xf32, #tpu.memory_space<vmem>>, vector<1x1x16xf32>,
        %get3A_1117 = vector.shape_cast %get3A_1116 : vector<1x1x16xf32> to vector<16xf32>
        %mul3A_1118 = arith.mulf %get3A_1117, %get3A_954 : vector<16xf32>
        %swap3A_1119 = arith.constant 14 : i32
        %swap3A_1120 = arith.index_cast %swap3A_1119 : i32 to index
        %swap3A_1121 = arith.constant 0 : index
        %swap3A_1122 = tpu.vector_load %arg9[%swap3A_1120, %swap3A_1121] {strides = array<i32>} : memref<16x16xf32, #tpu.memory_space<vmem>>, vector<1x16xf32>,
        %swap3A_1123 = vector.shape_cast %swap3A_1122 : vector<1x16xf32> to vector<16xf32>
        %swap3A_1124 = vector.shape_cast %mul3A_1118 : vector<16xf32> to vector<1x16xf32>
        tpu.vector_store %arg9[%swap3A_1120, %swap3A_1121], %swap3A_1124 {add = true, strides = array<i32>} : memref<16x16xf32, #tpu.memory_space<vmem>>, vector<1x16xf32>,
        %mul3A_1125 = arith.mulf %get3A_1117, %get3A_963 : vector<16xf32>
        %swap3A_1126 = arith.constant 15 : i32
        %swap3A_1127 = arith.index_cast %swap3A_1126 : i32 to index
        %swap3A_1128 = arith.constant 0 : index
        %swap3A_1129 = tpu.vector_load %arg9[%swap3A_1127, %swap3A_1128] {strides = array<i32>} : memref<16x16xf32, #tpu.memory_space<vmem>>, vector<1x16xf32>,
        %swap3A_1130 = vector.shape_cast %swap3A_1129 : vector<1x16xf32> to vector<16xf32>
        %swap3A_1131 = vector.shape_cast %mul3A_1125 : vector<16xf32> to vector<1x16xf32>
        tpu.vector_store %arg9[%swap3A_1127, %swap3A_1128], %swap3A_1131 {add = true, strides = array<i32>} : memref<16x16xf32, #tpu.memory_space<vmem>>, vector<1x16xf32>,
      }
      %scan3A_940 = arith.constant 64 : i32
    }
    %scan3A_157 = arith.constant 8 : i32
    %broadcast_in_dim3A_158 = arith.constant 0.000000e+00 : f32
    %broadcast_in_dim3A_159 = vector.broadcast %broadcast_in_dim3A_158 : f32 to vector<16xf32>
    %broadcast_in_dim3A_160 = arith.constant 0.000000e+00 : f32
    %broadcast_in_dim3A_161 = vector.broadcast %broadcast_in_dim3A_160 : f32 to vector<16xf32>
    %eq3A = arith.constant 0 : i32
    %eq3A_162 = vector.broadcast %eq3A : i32 to vector<16xi32>
    %eq3A_163 = arith.cmpi eq, %iota3A, %eq3A_162 : vector<16xi32>
    %get3A = arith.constant 0 : i32
    %get3A_164 = arith.index_cast %get3A : i32 to index
    %get3A_165 = arith.constant 0 : index
    %get3A_166 = tpu.vector_load %arg9[%get3A_164, %get3A_165] {strides = array<i32>} : memref<16x16xf32, #tpu.memory_space<vmem>>, vector<1x16xf32>,
    %get3A_167 = vector.shape_cast %get3A_166 : vector<1x16xf32> to vector<16xf32>
    %xor3A = arith.constant 1 : i32
    %xor3A_168 = vector.broadcast %xor3A : i32 to vector<16xi32>
    %xor3A_169 = arith.xori %iota3A, %xor3A_168 : vector<16xi32>
    %broadcast_in_dim3A_170 = vector.shape_cast %xor3A_169 : vector<16xi32> to vector<16x1xi32>
    %gather3A = vector.shape_cast %broadcast_in_dim3A_170 : vector<16x1xi32> to vector<16xi32>
    %gather3A_171 = tpu.dynamic_gather %get3A_167[%gather3A] in [0] : vector<16xf32>, vector<16xi32> -> vector<16xf32>
    %add3A_172 = arith.addf %get3A_167, %gather3A_171 : vector<16xf32>
    %xor3A_173 = arith.constant 2 : i32
    %xor3A_174 = vector.broadcast %xor3A_173 : i32 to vector<16xi32>
    %xor3A_175 = arith.xori %iota3A, %xor3A_174 : vector<16xi32>
    %broadcast_in_dim3A_176 = vector.shape_cast %xor3A_175 : vector<16xi32> to vector<16x1xi32>
    %gather3A_177 = vector.shape_cast %broadcast_in_dim3A_176 : vector<16x1xi32> to vector<16xi32>
    %gather3A_178 = tpu.dynamic_gather %add3A_172[%gather3A_177] in [0] : vector<16xf32>, vector<16xi32> -> vector<16xf32>
    %add3A_179 = arith.addf %add3A_172, %gather3A_178 : vector<16xf32>
    %xor3A_180 = arith.constant 4 : i32
    %xor3A_181 = vector.broadcast %xor3A_180 : i32 to vector<16xi32>
    %xor3A_182 = arith.xori %iota3A, %xor3A_181 : vector<16xi32>
    %broadcast_in_dim3A_183 = vector.shape_cast %xor3A_182 : vector<16xi32> to vector<16x1xi32>
    %gather3A_184 = vector.shape_cast %broadcast_in_dim3A_183 : vector<16x1xi32> to vector<16xi32>
    %gather3A_185 = tpu.dynamic_gather %add3A_179[%gather3A_184] in [0] : vector<16xf32>, vector<16xi32> -> vector<16xf32>
    %add3A_186 = arith.addf %add3A_179, %gather3A_185 : vector<16xf32>
    %xor3A_187 = arith.constant 8 : i32
    %xor3A_188 = vector.broadcast %xor3A_187 : i32 to vector<16xi32>
    %xor3A_189 = arith.xori %iota3A, %xor3A_188 : vector<16xi32>
    %broadcast_in_dim3A_190 = vector.shape_cast %xor3A_189 : vector<16xi32> to vector<16x1xi32>
    %gather3A_191 = vector.shape_cast %broadcast_in_dim3A_190 : vector<16x1xi32> to vector<16xi32>
    %gather3A_192 = tpu.dynamic_gather %add3A_186[%gather3A_191] in [0] : vector<16xf32>, vector<16xi32> -> vector<16xf32>
    %add3A_193 = arith.addf %add3A_186, %gather3A_192 : vector<16xf32>
    %select_n3A = arith.select %eq3A_163, %add3A_193, %broadcast_in_dim3A_159 : vector<16xi1>, vector<16xf32>
    %eq3A_194 = arith.constant 0 : i32
    %eq3A_195 = vector.broadcast %eq3A_194 : i32 to vector<16xi32>
    %eq3A_196 = arith.cmpi eq, %iota3A, %eq3A_195 : vector<16xi32>
    %get3A_197 = arith.constant 1 : i32
    %get3A_198 = arith.index_cast %get3A_197 : i32 to index
    %get3A_199 = arith.constant 0 : index
    %get3A_200 = tpu.vector_load %arg9[%get3A_198, %get3A_199] {strides = array<i32>} : memref<16x16xf32, #tpu.memory_space<vmem>>, vector<1x16xf32>,
    %get3A_201 = vector.shape_cast %get3A_200 : vector<1x16xf32> to vector<16xf32>
    %xor3A_202 = arith.constant 1 : i32
    %xor3A_203 = vector.broadcast %xor3A_202 : i32 to vector<16xi32>
    %xor3A_204 = arith.xori %iota3A, %xor3A_203 : vector<16xi32>
    %broadcast_in_dim3A_205 = vector.shape_cast %xor3A_204 : vector<16xi32> to vector<16x1xi32>
    %gather3A_206 = vector.shape_cast %broadcast_in_dim3A_205 : vector<16x1xi32> to vector<16xi32>
    %gather3A_207 = tpu.dynamic_gather %get3A_201[%gather3A_206] in [0] : vector<16xf32>, vector<16xi32> -> vector<16xf32>
    %add3A_208 = arith.addf %get3A_201, %gather3A_207 : vector<16xf32>
    %xor3A_209 = arith.constant 2 : i32
    %xor3A_210 = vector.broadcast %xor3A_209 : i32 to vector<16xi32>
    %xor3A_211 = arith.xori %iota3A, %xor3A_210 : vector<16xi32>
    %broadcast_in_dim3A_212 = vector.shape_cast %xor3A_211 : vector<16xi32> to vector<16x1xi32>
    %gather3A_213 = vector.shape_cast %broadcast_in_dim3A_212 : vector<16x1xi32> to vector<16xi32>
    %gather3A_214 = tpu.dynamic_gather %add3A_208[%gather3A_213] in [0] : vector<16xf32>, vector<16xi32> -> vector<16xf32>
    %add3A_215 = arith.addf %add3A_208, %gather3A_214 : vector<16xf32>
    %xor3A_216 = arith.constant 4 : i32
    %xor3A_217 = vector.broadcast %xor3A_216 : i32 to vector<16xi32>
    %xor3A_218 = arith.xori %iota3A, %xor3A_217 : vector<16xi32>
    %broadcast_in_dim3A_219 = vector.shape_cast %xor3A_218 : vector<16xi32> to vector<16x1xi32>
    %gather3A_220 = vector.shape_cast %broadcast_in_dim3A_219 : vector<16x1xi32> to vector<16xi32>
    %gather3A_221 = tpu.dynamic_gather %add3A_215[%gather3A_220] in [0] : vector<16xf32>, vector<16xi32> -> vector<16xf32>
    %add3A_222 = arith.addf %add3A_215, %gather3A_221 : vector<16xf32>
    %xor3A_223 = arith.constant 8 : i32
    %xor3A_224 = vector.broadcast %xor3A_223 : i32 to vector<16xi32>
    %xor3A_225 = arith.xori %iota3A, %xor3A_224 : vector<16xi32>
    %broadcast_in_dim3A_226 = vector.shape_cast %xor3A_225 : vector<16xi32> to vector<16x1xi32>
    %gather3A_227 = vector.shape_cast %broadcast_in_dim3A_226 : vector<16x1xi32> to vector<16xi32>
    %gather3A_228 = tpu.dynamic_gather %add3A_222[%gather3A_227] in [0] : vector<16xf32>, vector<16xi32> -> vector<16xf32>
    %add3A_229 = arith.addf %add3A_222, %gather3A_228 : vector<16xf32>
    %select_n3A_230 = arith.select %eq3A_196, %add3A_229, %broadcast_in_dim3A_161 : vector<16xi1>, vector<16xf32>
    %eq3A_231 = arith.constant 1 : i32
    %eq3A_232 = vector.broadcast %eq3A_231 : i32 to vector<16xi32>
    %eq3A_233 = arith.cmpi eq, %iota3A, %eq3A_232 : vector<16xi32>
    %get3A_234 = arith.constant 2 : i32
    %get3A_235 = arith.index_cast %get3A_234 : i32 to index
    %get3A_236 = arith.constant 0 : index
    %get3A_237 = tpu.vector_load %arg9[%get3A_235, %get3A_236] {strides = array<i32>} : memref<16x16xf32, #tpu.memory_space<vmem>>, vector<1x16xf32>,
    %get3A_238 = vector.shape_cast %get3A_237 : vector<1x16xf32> to vector<16xf32>
    %xor3A_239 = arith.constant 1 : i32
    %xor3A_240 = vector.broadcast %xor3A_239 : i32 to vector<16xi32>
    %xor3A_241 = arith.xori %iota3A, %xor3A_240 : vector<16xi32>
    %broadcast_in_dim3A_242 = vector.shape_cast %xor3A_241 : vector<16xi32> to vector<16x1xi32>
    %gather3A_243 = vector.shape_cast %broadcast_in_dim3A_242 : vector<16x1xi32> to vector<16xi32>
    %gather3A_244 = tpu.dynamic_gather %get3A_238[%gather3A_243] in [0] : vector<16xf32>, vector<16xi32> -> vector<16xf32>
    %add3A_245 = arith.addf %get3A_238, %gather3A_244 : vector<16xf32>
    %xor3A_246 = arith.constant 2 : i32
    %xor3A_247 = vector.broadcast %xor3A_246 : i32 to vector<16xi32>
    %xor3A_248 = arith.xori %iota3A, %xor3A_247 : vector<16xi32>
    %broadcast_in_dim3A_249 = vector.shape_cast %xor3A_248 : vector<16xi32> to vector<16x1xi32>
    %gather3A_250 = vector.shape_cast %broadcast_in_dim3A_249 : vector<16x1xi32> to vector<16xi32>
    %gather3A_251 = tpu.dynamic_gather %add3A_245[%gather3A_250] in [0] : vector<16xf32>, vector<16xi32> -> vector<16xf32>
    %add3A_252 = arith.addf %add3A_245, %gather3A_251 : vector<16xf32>
    %xor3A_253 = arith.constant 4 : i32
    %xor3A_254 = vector.broadcast %xor3A_253 : i32 to vector<16xi32>
    %xor3A_255 = arith.xori %iota3A, %xor3A_254 : vector<16xi32>
    %broadcast_in_dim3A_256 = vector.shape_cast %xor3A_255 : vector<16xi32> to vector<16x1xi32>
    %gather3A_257 = vector.shape_cast %broadcast_in_dim3A_256 : vector<16x1xi32> to vector<16xi32>
    %gather3A_258 = tpu.dynamic_gather %add3A_252[%gather3A_257] in [0] : vector<16xf32>, vector<16xi32> -> vector<16xf32>
    %add3A_259 = arith.addf %add3A_252, %gather3A_258 : vector<16xf32>
    %xor3A_260 = arith.constant 8 : i32
    %xor3A_261 = vector.broadcast %xor3A_260 : i32 to vector<16xi32>
    %xor3A_262 = arith.xori %iota3A, %xor3A_261 : vector<16xi32>
    %broadcast_in_dim3A_263 = vector.shape_cast %xor3A_262 : vector<16xi32> to vector<16x1xi32>
    %gather3A_264 = vector.shape_cast %broadcast_in_dim3A_263 : vector<16x1xi32> to vector<16xi32>
    %gather3A_265 = tpu.dynamic_gather %add3A_259[%gather3A_264] in [0] : vector<16xf32>, vector<16xi32> -> vector<16xf32>
    %add3A_266 = arith.addf %add3A_259, %gather3A_265 : vector<16xf32>
    %select_n3A_267 = arith.select %eq3A_233, %add3A_266, %select_n3A : vector<16xi1>, vector<16xf32>
    %eq3A_268 = arith.constant 1 : i32
    %eq3A_269 = vector.broadcast %eq3A_268 : i32 to vector<16xi32>
    %eq3A_270 = arith.cmpi eq, %iota3A, %eq3A_269 : vector<16xi32>
    %get3A_271 = arith.constant 3 : i32
    %get3A_272 = arith.index_cast %get3A_271 : i32 to index
    %get3A_273 = arith.constant 0 : index
    %get3A_274 = tpu.vector_load %arg9[%get3A_272, %get3A_273] {strides = array<i32>} : memref<16x16xf32, #tpu.memory_space<vmem>>, vector<1x16xf32>,
    %get3A_275 = vector.shape_cast %get3A_274 : vector<1x16xf32> to vector<16xf32>
    %xor3A_276 = arith.constant 1 : i32
    %xor3A_277 = vector.broadcast %xor3A_276 : i32 to vector<16xi32>
    %xor3A_278 = arith.xori %iota3A, %xor3A_277 : vector<16xi32>
    %broadcast_in_dim3A_279 = vector.shape_cast %xor3A_278 : vector<16xi32> to vector<16x1xi32>
    %gather3A_280 = vector.shape_cast %broadcast_in_dim3A_279 : vector<16x1xi32> to vector<16xi32>
    %gather3A_281 = tpu.dynamic_gather %get3A_275[%gather3A_280] in [0] : vector<16xf32>, vector<16xi32> -> vector<16xf32>
    %add3A_282 = arith.addf %get3A_275, %gather3A_281 : vector<16xf32>
    %xor3A_283 = arith.constant 2 : i32
    %xor3A_284 = vector.broadcast %xor3A_283 : i32 to vector<16xi32>
    %xor3A_285 = arith.xori %iota3A, %xor3A_284 : vector<16xi32>
    %broadcast_in_dim3A_286 = vector.shape_cast %xor3A_285 : vector<16xi32> to vector<16x1xi32>
    %gather3A_287 = vector.shape_cast %broadcast_in_dim3A_286 : vector<16x1xi32> to vector<16xi32>
    %gather3A_288 = tpu.dynamic_gather %add3A_282[%gather3A_287] in [0] : vector<16xf32>, vector<16xi32> -> vector<16xf32>
    %add3A_289 = arith.addf %add3A_282, %gather3A_288 : vector<16xf32>
    %xor3A_290 = arith.constant 4 : i32
    %xor3A_291 = vector.broadcast %xor3A_290 : i32 to vector<16xi32>
    %xor3A_292 = arith.xori %iota3A, %xor3A_291 : vector<16xi32>
    %broadcast_in_dim3A_293 = vector.shape_cast %xor3A_292 : vector<16xi32> to vector<16x1xi32>
    %gather3A_294 = vector.shape_cast %broadcast_in_dim3A_293 : vector<16x1xi32> to vector<16xi32>
    %gather3A_295 = tpu.dynamic_gather %add3A_289[%gather3A_294] in [0] : vector<16xf32>, vector<16xi32> -> vector<16xf32>
    %add3A_296 = arith.addf %add3A_289, %gather3A_295 : vector<16xf32>
    %xor3A_297 = arith.constant 8 : i32
    %xor3A_298 = vector.broadcast %xor3A_297 : i32 to vector<16xi32>
    %xor3A_299 = arith.xori %iota3A, %xor3A_298 : vector<16xi32>
    %broadcast_in_dim3A_300 = vector.shape_cast %xor3A_299 : vector<16xi32> to vector<16x1xi32>
    %gather3A_301 = vector.shape_cast %broadcast_in_dim3A_300 : vector<16x1xi32> to vector<16xi32>
    %gather3A_302 = tpu.dynamic_gather %add3A_296[%gather3A_301] in [0] : vector<16xf32>, vector<16xi32> -> vector<16xf32>
    %add3A_303 = arith.addf %add3A_296, %gather3A_302 : vector<16xf32>
    %select_n3A_304 = arith.select %eq3A_270, %add3A_303, %select_n3A_230 : vector<16xi1>, vector<16xf32>
    %eq3A_305 = arith.constant 2 : i32
    %eq3A_306 = vector.broadcast %eq3A_305 : i32 to vector<16xi32>
    %eq3A_307 = arith.cmpi eq, %iota3A, %eq3A_306 : vector<16xi32>
    %get3A_308 = arith.constant 4 : i32
    %get3A_309 = arith.index_cast %get3A_308 : i32 to index
    %get3A_310 = arith.constant 0 : index
    %get3A_311 = tpu.vector_load %arg9[%get3A_309, %get3A_310] {strides = array<i32>} : memref<16x16xf32, #tpu.memory_space<vmem>>, vector<1x16xf32>,
    %get3A_312 = vector.shape_cast %get3A_311 : vector<1x16xf32> to vector<16xf32>
    %xor3A_313 = arith.constant 1 : i32
    %xor3A_314 = vector.broadcast %xor3A_313 : i32 to vector<16xi32>
    %xor3A_315 = arith.xori %iota3A, %xor3A_314 : vector<16xi32>
    %broadcast_in_dim3A_316 = vector.shape_cast %xor3A_315 : vector<16xi32> to vector<16x1xi32>
    %gather3A_317 = vector.shape_cast %broadcast_in_dim3A_316 : vector<16x1xi32> to vector<16xi32>
    %gather3A_318 = tpu.dynamic_gather %get3A_312[%gather3A_317] in [0] : vector<16xf32>, vector<16xi32> -> vector<16xf32>
    %add3A_319 = arith.addf %get3A_312, %gather3A_318 : vector<16xf32>
    %xor3A_320 = arith.constant 2 : i32
    %xor3A_321 = vector.broadcast %xor3A_320 : i32 to vector<16xi32>
    %xor3A_322 = arith.xori %iota3A, %xor3A_321 : vector<16xi32>
    %broadcast_in_dim3A_323 = vector.shape_cast %xor3A_322 : vector<16xi32> to vector<16x1xi32>
    %gather3A_324 = vector.shape_cast %broadcast_in_dim3A_323 : vector<16x1xi32> to vector<16xi32>
    %gather3A_325 = tpu.dynamic_gather %add3A_319[%gather3A_324] in [0] : vector<16xf32>, vector<16xi32> -> vector<16xf32>
    %add3A_326 = arith.addf %add3A_319, %gather3A_325 : vector<16xf32>
    %xor3A_327 = arith.constant 4 : i32
    %xor3A_328 = vector.broadcast %xor3A_327 : i32 to vector<16xi32>
    %xor3A_329 = arith.xori %iota3A, %xor3A_328 : vector<16xi32>
    %broadcast_in_dim3A_330 = vector.shape_cast %xor3A_329 : vector<16xi32> to vector<16x1xi32>
    %gather3A_331 = vector.shape_cast %broadcast_in_dim3A_330 : vector<16x1xi32> to vector<16xi32>
    %gather3A_332 = tpu.dynamic_gather %add3A_326[%gather3A_331] in [0] : vector<16xf32>, vector<16xi32> -> vector<16xf32>
    %add3A_333 = arith.addf %add3A_326, %gather3A_332 : vector<16xf32>
    %xor3A_334 = arith.constant 8 : i32
    %xor3A_335 = vector.broadcast %xor3A_334 : i32 to vector<16xi32>
    %xor3A_336 = arith.xori %iota3A, %xor3A_335 : vector<16xi32>
    %broadcast_in_dim3A_337 = vector.shape_cast %xor3A_336 : vector<16xi32> to vector<16x1xi32>
    %gather3A_338 = vector.shape_cast %broadcast_in_dim3A_337 : vector<16x1xi32> to vector<16xi32>
    %gather3A_339 = tpu.dynamic_gather %add3A_333[%gather3A_338] in [0] : vector<16xf32>, vector<16xi32> -> vector<16xf32>
    %add3A_340 = arith.addf %add3A_333, %gather3A_339 : vector<16xf32>
    %select_n3A_341 = arith.select %eq3A_307, %add3A_340, %select_n3A_267 : vector<16xi1>, vector<16xf32>
    %eq3A_342 = arith.constant 2 : i32
    %eq3A_343 = vector.broadcast %eq3A_342 : i32 to vector<16xi32>
    %eq3A_344 = arith.cmpi eq, %iota3A, %eq3A_343 : vector<16xi32>
    %get3A_345 = arith.constant 5 : i32
    %get3A_346 = arith.index_cast %get3A_345 : i32 to index
    %get3A_347 = arith.constant 0 : index
    %get3A_348 = tpu.vector_load %arg9[%get3A_346, %get3A_347] {strides = array<i32>} : memref<16x16xf32, #tpu.memory_space<vmem>>, vector<1x16xf32>,
    %get3A_349 = vector.shape_cast %get3A_348 : vector<1x16xf32> to vector<16xf32>
    %xor3A_350 = arith.constant 1 : i32
    %xor3A_351 = vector.broadcast %xor3A_350 : i32 to vector<16xi32>
    %xor3A_352 = arith.xori %iota3A, %xor3A_351 : vector<16xi32>
    %broadcast_in_dim3A_353 = vector.shape_cast %xor3A_352 : vector<16xi32> to vector<16x1xi32>
    %gather3A_354 = vector.shape_cast %broadcast_in_dim3A_353 : vector<16x1xi32> to vector<16xi32>
    %gather3A_355 = tpu.dynamic_gather %get3A_349[%gather3A_354] in [0] : vector<16xf32>, vector<16xi32> -> vector<16xf32>
    %add3A_356 = arith.addf %get3A_349, %gather3A_355 : vector<16xf32>
    %xor3A_357 = arith.constant 2 : i32
    %xor3A_358 = vector.broadcast %xor3A_357 : i32 to vector<16xi32>
    %xor3A_359 = arith.xori %iota3A, %xor3A_358 : vector<16xi32>
    %broadcast_in_dim3A_360 = vector.shape_cast %xor3A_359 : vector<16xi32> to vector<16x1xi32>
    %gather3A_361 = vector.shape_cast %broadcast_in_dim3A_360 : vector<16x1xi32> to vector<16xi32>
    %gather3A_362 = tpu.dynamic_gather %add3A_356[%gather3A_361] in [0] : vector<16xf32>, vector<16xi32> -> vector<16xf32>
    %add3A_363 = arith.addf %add3A_356, %gather3A_362 : vector<16xf32>
    %xor3A_364 = arith.constant 4 : i32
    %xor3A_365 = vector.broadcast %xor3A_364 : i32 to vector<16xi32>
    %xor3A_366 = arith.xori %iota3A, %xor3A_365 : vector<16xi32>
    %broadcast_in_dim3A_367 = vector.shape_cast %xor3A_366 : vector<16xi32> to vector<16x1xi32>
    %gather3A_368 = vector.shape_cast %broadcast_in_dim3A_367 : vector<16x1xi32> to vector<16xi32>
    %gather3A_369 = tpu.dynamic_gather %add3A_363[%gather3A_368] in [0] : vector<16xf32>, vector<16xi32> -> vector<16xf32>
    %add3A_370 = arith.addf %add3A_363, %gather3A_369 : vector<16xf32>
    %xor3A_371 = arith.constant 8 : i32
    %xor3A_372 = vector.broadcast %xor3A_371 : i32 to vector<16xi32>
    %xor3A_373 = arith.xori %iota3A, %xor3A_372 : vector<16xi32>
    %broadcast_in_dim3A_374 = vector.shape_cast %xor3A_373 : vector<16xi32> to vector<16x1xi32>
    %gather3A_375 = vector.shape_cast %broadcast_in_dim3A_374 : vector<16x1xi32> to vector<16xi32>
    %gather3A_376 = tpu.dynamic_gather %add3A_370[%gather3A_375] in [0] : vector<16xf32>, vector<16xi32> -> vector<16xf32>
    %add3A_377 = arith.addf %add3A_370, %gather3A_376 : vector<16xf32>
    %select_n3A_378 = arith.select %eq3A_344, %add3A_377, %select_n3A_304 : vector<16xi1>, vector<16xf32>
    %eq3A_379 = arith.constant 3 : i32
    %eq3A_380 = vector.broadcast %eq3A_379 : i32 to vector<16xi32>
    %eq3A_381 = arith.cmpi eq, %iota3A, %eq3A_380 : vector<16xi32>
    %get3A_382 = arith.constant 6 : i32
    %get3A_383 = arith.index_cast %get3A_382 : i32 to index
    %get3A_384 = arith.constant 0 : index
    %get3A_385 = tpu.vector_load %arg9[%get3A_383, %get3A_384] {strides = array<i32>} : memref<16x16xf32, #tpu.memory_space<vmem>>, vector<1x16xf32>,
    %get3A_386 = vector.shape_cast %get3A_385 : vector<1x16xf32> to vector<16xf32>
    %xor3A_387 = arith.constant 1 : i32
    %xor3A_388 = vector.broadcast %xor3A_387 : i32 to vector<16xi32>
    %xor3A_389 = arith.xori %iota3A, %xor3A_388 : vector<16xi32>
    %broadcast_in_dim3A_390 = vector.shape_cast %xor3A_389 : vector<16xi32> to vector<16x1xi32>
    %gather3A_391 = vector.shape_cast %broadcast_in_dim3A_390 : vector<16x1xi32> to vector<16xi32>
    %gather3A_392 = tpu.dynamic_gather %get3A_386[%gather3A_391] in [0] : vector<16xf32>, vector<16xi32> -> vector<16xf32>
    %add3A_393 = arith.addf %get3A_386, %gather3A_392 : vector<16xf32>
    %xor3A_394 = arith.constant 2 : i32
    %xor3A_395 = vector.broadcast %xor3A_394 : i32 to vector<16xi32>
    %xor3A_396 = arith.xori %iota3A, %xor3A_395 : vector<16xi32>
    %broadcast_in_dim3A_397 = vector.shape_cast %xor3A_396 : vector<16xi32> to vector<16x1xi32>
    %gather3A_398 = vector.shape_cast %broadcast_in_dim3A_397 : vector<16x1xi32> to vector<16xi32>
    %gather3A_399 = tpu.dynamic_gather %add3A_393[%gather3A_398] in [0] : vector<16xf32>, vector<16xi32> -> vector<16xf32>
    %add3A_400 = arith.addf %add3A_393, %gather3A_399 : vector<16xf32>
    %xor3A_401 = arith.constant 4 : i32
    %xor3A_402 = vector.broadcast %xor3A_401 : i32 to vector<16xi32>
    %xor3A_403 = arith.xori %iota3A, %xor3A_402 : vector<16xi32>
    %broadcast_in_dim3A_404 = vector.shape_cast %xor3A_403 : vector<16xi32> to vector<16x1xi32>
    %gather3A_405 = vector.shape_cast %broadcast_in_dim3A_404 : vector<16x1xi32> to vector<16xi32>
    %gather3A_406 = tpu.dynamic_gather %add3A_400[%gather3A_405] in [0] : vector<16xf32>, vector<16xi32> -> vector<16xf32>
    %add3A_407 = arith.addf %add3A_400, %gather3A_406 : vector<16xf32>
    %xor3A_408 = arith.constant 8 : i32
    %xor3A_409 = vector.broadcast %xor3A_408 : i32 to vector<16xi32>
    %xor3A_410 = arith.xori %iota3A, %xor3A_409 : vector<16xi32>
    %broadcast_in_dim3A_411 = vector.shape_cast %xor3A_410 : vector<16xi32> to vector<16x1xi32>
    %gather3A_412 = vector.shape_cast %broadcast_in_dim3A_411 : vector<16x1xi32> to vector<16xi32>
    %gather3A_413 = tpu.dynamic_gather %add3A_407[%gather3A_412] in [0] : vector<16xf32>, vector<16xi32> -> vector<16xf32>
    %add3A_414 = arith.addf %add3A_407, %gather3A_413 : vector<16xf32>
    %select_n3A_415 = arith.select %eq3A_381, %add3A_414, %select_n3A_341 : vector<16xi1>, vector<16xf32>
    %eq3A_416 = arith.constant 3 : i32
    %eq3A_417 = vector.broadcast %eq3A_416 : i32 to vector<16xi32>
    %eq3A_418 = arith.cmpi eq, %iota3A, %eq3A_417 : vector<16xi32>
    %get3A_419 = arith.constant 7 : i32
    %get3A_420 = arith.index_cast %get3A_419 : i32 to index
    %get3A_421 = arith.constant 0 : index
    %get3A_422 = tpu.vector_load %arg9[%get3A_420, %get3A_421] {strides = array<i32>} : memref<16x16xf32, #tpu.memory_space<vmem>>, vector<1x16xf32>,
    %get3A_423 = vector.shape_cast %get3A_422 : vector<1x16xf32> to vector<16xf32>
    %xor3A_424 = arith.constant 1 : i32
    %xor3A_425 = vector.broadcast %xor3A_424 : i32 to vector<16xi32>
    %xor3A_426 = arith.xori %iota3A, %xor3A_425 : vector<16xi32>
    %broadcast_in_dim3A_427 = vector.shape_cast %xor3A_426 : vector<16xi32> to vector<16x1xi32>
    %gather3A_428 = vector.shape_cast %broadcast_in_dim3A_427 : vector<16x1xi32> to vector<16xi32>
    %gather3A_429 = tpu.dynamic_gather %get3A_423[%gather3A_428] in [0] : vector<16xf32>, vector<16xi32> -> vector<16xf32>
    %add3A_430 = arith.addf %get3A_423, %gather3A_429 : vector<16xf32>
    %xor3A_431 = arith.constant 2 : i32
    %xor3A_432 = vector.broadcast %xor3A_431 : i32 to vector<16xi32>
    %xor3A_433 = arith.xori %iota3A, %xor3A_432 : vector<16xi32>
    %broadcast_in_dim3A_434 = vector.shape_cast %xor3A_433 : vector<16xi32> to vector<16x1xi32>
    %gather3A_435 = vector.shape_cast %broadcast_in_dim3A_434 : vector<16x1xi32> to vector<16xi32>
    %gather3A_436 = tpu.dynamic_gather %add3A_430[%gather3A_435] in [0] : vector<16xf32>, vector<16xi32> -> vector<16xf32>
    %add3A_437 = arith.addf %add3A_430, %gather3A_436 : vector<16xf32>
    %xor3A_438 = arith.constant 4 : i32
    %xor3A_439 = vector.broadcast %xor3A_438 : i32 to vector<16xi32>
    %xor3A_440 = arith.xori %iota3A, %xor3A_439 : vector<16xi32>
    %broadcast_in_dim3A_441 = vector.shape_cast %xor3A_440 : vector<16xi32> to vector<16x1xi32>
    %gather3A_442 = vector.shape_cast %broadcast_in_dim3A_441 : vector<16x1xi32> to vector<16xi32>
    %gather3A_443 = tpu.dynamic_gather %add3A_437[%gather3A_442] in [0] : vector<16xf32>, vector<16xi32> -> vector<16xf32>
    %add3A_444 = arith.addf %add3A_437, %gather3A_443 : vector<16xf32>
    %xor3A_445 = arith.constant 8 : i32
    %xor3A_446 = vector.broadcast %xor3A_445 : i32 to vector<16xi32>
    %xor3A_447 = arith.xori %iota3A, %xor3A_446 : vector<16xi32>
    %broadcast_in_dim3A_448 = vector.shape_cast %xor3A_447 : vector<16xi32> to vector<16x1xi32>
    %gather3A_449 = vector.shape_cast %broadcast_in_dim3A_448 : vector<16x1xi32> to vector<16xi32>
    %gather3A_450 = tpu.dynamic_gather %add3A_444[%gather3A_449] in [0] : vector<16xf32>, vector<16xi32> -> vector<16xf32>
    %add3A_451 = arith.addf %add3A_444, %gather3A_450 : vector<16xf32>
    %select_n3A_452 = arith.select %eq3A_418, %add3A_451, %select_n3A_378 : vector<16xi1>, vector<16xf32>
    %eq3A_453 = arith.constant 4 : i32
    %eq3A_454 = vector.broadcast %eq3A_453 : i32 to vector<16xi32>
    %eq3A_455 = arith.cmpi eq, %iota3A, %eq3A_454 : vector<16xi32>
    %get3A_456 = arith.constant 8 : i32
    %get3A_457 = arith.index_cast %get3A_456 : i32 to index
    %get3A_458 = arith.constant 0 : index
    %get3A_459 = tpu.vector_load %arg9[%get3A_457, %get3A_458] {strides = array<i32>} : memref<16x16xf32, #tpu.memory_space<vmem>>, vector<1x16xf32>,
    %get3A_460 = vector.shape_cast %get3A_459 : vector<1x16xf32> to vector<16xf32>
    %xor3A_461 = arith.constant 1 : i32
    %xor3A_462 = vector.broadcast %xor3A_461 : i32 to vector<16xi32>
    %xor3A_463 = arith.xori %iota3A, %xor3A_462 : vector<16xi32>
    %broadcast_in_dim3A_464 = vector.shape_cast %xor3A_463 : vector<16xi32> to vector<16x1xi32>
    %gather3A_465 = vector.shape_cast %broadcast_in_dim3A_464 : vector<16x1xi32> to vector<16xi32>
    %gather3A_466 = tpu.dynamic_gather %get3A_460[%gather3A_465] in [0] : vector<16xf32>, vector<16xi32> -> vector<16xf32>
    %add3A_467 = arith.addf %get3A_460, %gather3A_466 : vector<16xf32>
    %xor3A_468 = arith.constant 2 : i32
    %xor3A_469 = vector.broadcast %xor3A_468 : i32 to vector<16xi32>
    %xor3A_470 = arith.xori %iota3A, %xor3A_469 : vector<16xi32>
    %broadcast_in_dim3A_471 = vector.shape_cast %xor3A_470 : vector<16xi32> to vector<16x1xi32>
    %gather3A_472 = vector.shape_cast %broadcast_in_dim3A_471 : vector<16x1xi32> to vector<16xi32>
    %gather3A_473 = tpu.dynamic_gather %add3A_467[%gather3A_472] in [0] : vector<16xf32>, vector<16xi32> -> vector<16xf32>
    %add3A_474 = arith.addf %add3A_467, %gather3A_473 : vector<16xf32>
    %xor3A_475 = arith.constant 4 : i32
    %xor3A_476 = vector.broadcast %xor3A_475 : i32 to vector<16xi32>
    %xor3A_477 = arith.xori %iota3A, %xor3A_476 : vector<16xi32>
    %broadcast_in_dim3A_478 = vector.shape_cast %xor3A_477 : vector<16xi32> to vector<16x1xi32>
    %gather3A_479 = vector.shape_cast %broadcast_in_dim3A_478 : vector<16x1xi32> to vector<16xi32>
    %gather3A_480 = tpu.dynamic_gather %add3A_474[%gather3A_479] in [0] : vector<16xf32>, vector<16xi32> -> vector<16xf32>
    %add3A_481 = arith.addf %add3A_474, %gather3A_480 : vector<16xf32>
    %xor3A_482 = arith.constant 8 : i32
    %xor3A_483 = vector.broadcast %xor3A_482 : i32 to vector<16xi32>
    %xor3A_484 = arith.xori %iota3A, %xor3A_483 : vector<16xi32>
    %broadcast_in_dim3A_485 = vector.shape_cast %xor3A_484 : vector<16xi32> to vector<16x1xi32>
    %gather3A_486 = vector.shape_cast %broadcast_in_dim3A_485 : vector<16x1xi32> to vector<16xi32>
    %gather3A_487 = tpu.dynamic_gather %add3A_481[%gather3A_486] in [0] : vector<16xf32>, vector<16xi32> -> vector<16xf32>
    %add3A_488 = arith.addf %add3A_481, %gather3A_487 : vector<16xf32>
    %select_n3A_489 = arith.select %eq3A_455, %add3A_488, %select_n3A_415 : vector<16xi1>, vector<16xf32>
    %eq3A_490 = arith.constant 4 : i32
    %eq3A_491 = vector.broadcast %eq3A_490 : i32 to vector<16xi32>
    %eq3A_492 = arith.cmpi eq, %iota3A, %eq3A_491 : vector<16xi32>
    %get3A_493 = arith.constant 9 : i32
    %get3A_494 = arith.index_cast %get3A_493 : i32 to index
    %get3A_495 = arith.constant 0 : index
    %get3A_496 = tpu.vector_load %arg9[%get3A_494, %get3A_495] {strides = array<i32>} : memref<16x16xf32, #tpu.memory_space<vmem>>, vector<1x16xf32>,
    %get3A_497 = vector.shape_cast %get3A_496 : vector<1x16xf32> to vector<16xf32>
    %xor3A_498 = arith.constant 1 : i32
    %xor3A_499 = vector.broadcast %xor3A_498 : i32 to vector<16xi32>
    %xor3A_500 = arith.xori %iota3A, %xor3A_499 : vector<16xi32>
    %broadcast_in_dim3A_501 = vector.shape_cast %xor3A_500 : vector<16xi32> to vector<16x1xi32>
    %gather3A_502 = vector.shape_cast %broadcast_in_dim3A_501 : vector<16x1xi32> to vector<16xi32>
    %gather3A_503 = tpu.dynamic_gather %get3A_497[%gather3A_502] in [0] : vector<16xf32>, vector<16xi32> -> vector<16xf32>
    %add3A_504 = arith.addf %get3A_497, %gather3A_503 : vector<16xf32>
    %xor3A_505 = arith.constant 2 : i32
    %xor3A_506 = vector.broadcast %xor3A_505 : i32 to vector<16xi32>
    %xor3A_507 = arith.xori %iota3A, %xor3A_506 : vector<16xi32>
    %broadcast_in_dim3A_508 = vector.shape_cast %xor3A_507 : vector<16xi32> to vector<16x1xi32>
    %gather3A_509 = vector.shape_cast %broadcast_in_dim3A_508 : vector<16x1xi32> to vector<16xi32>
    %gather3A_510 = tpu.dynamic_gather %add3A_504[%gather3A_509] in [0] : vector<16xf32>, vector<16xi32> -> vector<16xf32>
    %add3A_511 = arith.addf %add3A_504, %gather3A_510 : vector<16xf32>
    %xor3A_512 = arith.constant 4 : i32
    %xor3A_513 = vector.broadcast %xor3A_512 : i32 to vector<16xi32>
    %xor3A_514 = arith.xori %iota3A, %xor3A_513 : vector<16xi32>
    %broadcast_in_dim3A_515 = vector.shape_cast %xor3A_514 : vector<16xi32> to vector<16x1xi32>
    %gather3A_516 = vector.shape_cast %broadcast_in_dim3A_515 : vector<16x1xi32> to vector<16xi32>
    %gather3A_517 = tpu.dynamic_gather %add3A_511[%gather3A_516] in [0] : vector<16xf32>, vector<16xi32> -> vector<16xf32>
    %add3A_518 = arith.addf %add3A_511, %gather3A_517 : vector<16xf32>
    %xor3A_519 = arith.constant 8 : i32
    %xor3A_520 = vector.broadcast %xor3A_519 : i32 to vector<16xi32>
    %xor3A_521 = arith.xori %iota3A, %xor3A_520 : vector<16xi32>
    %broadcast_in_dim3A_522 = vector.shape_cast %xor3A_521 : vector<16xi32> to vector<16x1xi32>
    %gather3A_523 = vector.shape_cast %broadcast_in_dim3A_522 : vector<16x1xi32> to vector<16xi32>
    %gather3A_524 = tpu.dynamic_gather %add3A_518[%gather3A_523] in [0] : vector<16xf32>, vector<16xi32> -> vector<16xf32>
    %add3A_525 = arith.addf %add3A_518, %gather3A_524 : vector<16xf32>
    %select_n3A_526 = arith.select %eq3A_492, %add3A_525, %select_n3A_452 : vector<16xi1>, vector<16xf32>
    %eq3A_527 = arith.constant 5 : i32
    %eq3A_528 = vector.broadcast %eq3A_527 : i32 to vector<16xi32>
    %eq3A_529 = arith.cmpi eq, %iota3A, %eq3A_528 : vector<16xi32>
    %get3A_530 = arith.constant 10 : i32
    %get3A_531 = arith.index_cast %get3A_530 : i32 to index
    %get3A_532 = arith.constant 0 : index
    %get3A_533 = tpu.vector_load %arg9[%get3A_531, %get3A_532] {strides = array<i32>} : memref<16x16xf32, #tpu.memory_space<vmem>>, vector<1x16xf32>,
    %get3A_534 = vector.shape_cast %get3A_533 : vector<1x16xf32> to vector<16xf32>
    %xor3A_535 = arith.constant 1 : i32
    %xor3A_536 = vector.broadcast %xor3A_535 : i32 to vector<16xi32>
    %xor3A_537 = arith.xori %iota3A, %xor3A_536 : vector<16xi32>
    %broadcast_in_dim3A_538 = vector.shape_cast %xor3A_537 : vector<16xi32> to vector<16x1xi32>
    %gather3A_539 = vector.shape_cast %broadcast_in_dim3A_538 : vector<16x1xi32> to vector<16xi32>
    %gather3A_540 = tpu.dynamic_gather %get3A_534[%gather3A_539] in [0] : vector<16xf32>, vector<16xi32> -> vector<16xf32>
    %add3A_541 = arith.addf %get3A_534, %gather3A_540 : vector<16xf32>
    %xor3A_542 = arith.constant 2 : i32
    %xor3A_543 = vector.broadcast %xor3A_542 : i32 to vector<16xi32>
    %xor3A_544 = arith.xori %iota3A, %xor3A_543 : vector<16xi32>
    %broadcast_in_dim3A_545 = vector.shape_cast %xor3A_544 : vector<16xi32> to vector<16x1xi32>
    %gather3A_546 = vector.shape_cast %broadcast_in_dim3A_545 : vector<16x1xi32> to vector<16xi32>
    %gather3A_547 = tpu.dynamic_gather %add3A_541[%gather3A_546] in [0] : vector<16xf32>, vector<16xi32> -> vector<16xf32>
    %add3A_548 = arith.addf %add3A_541, %gather3A_547 : vector<16xf32>
    %xor3A_549 = arith.constant 4 : i32
    %xor3A_550 = vector.broadcast %xor3A_549 : i32 to vector<16xi32>
    %xor3A_551 = arith.xori %iota3A, %xor3A_550 : vector<16xi32>
    %broadcast_in_dim3A_552 = vector.shape_cast %xor3A_551 : vector<16xi32> to vector<16x1xi32>
    %gather3A_553 = vector.shape_cast %broadcast_in_dim3A_552 : vector<16x1xi32> to vector<16xi32>
    %gather3A_554 = tpu.dynamic_gather %add3A_548[%gather3A_553] in [0] : vector<16xf32>, vector<16xi32> -> vector<16xf32>
    %add3A_555 = arith.addf %add3A_548, %gather3A_554 : vector<16xf32>
    %xor3A_556 = arith.constant 8 : i32
    %xor3A_557 = vector.broadcast %xor3A_556 : i32 to vector<16xi32>
    %xor3A_558 = arith.xori %iota3A, %xor3A_557 : vector<16xi32>
    %broadcast_in_dim3A_559 = vector.shape_cast %xor3A_558 : vector<16xi32> to vector<16x1xi32>
    %gather3A_560 = vector.shape_cast %broadcast_in_dim3A_559 : vector<16x1xi32> to vector<16xi32>
    %gather3A_561 = tpu.dynamic_gather %add3A_555[%gather3A_560] in [0] : vector<16xf32>, vector<16xi32> -> vector<16xf32>
    %add3A_562 = arith.addf %add3A_555, %gather3A_561 : vector<16xf32>
    %select_n3A_563 = arith.select %eq3A_529, %add3A_562, %select_n3A_489 : vector<16xi1>, vector<16xf32>
    %eq3A_564 = arith.constant 5 : i32
    %eq3A_565 = vector.broadcast %eq3A_564 : i32 to vector<16xi32>
    %eq3A_566 = arith.cmpi eq, %iota3A, %eq3A_565 : vector<16xi32>
    %get3A_567 = arith.constant 11 : i32
    %get3A_568 = arith.index_cast %get3A_567 : i32 to index
    %get3A_569 = arith.constant 0 : index
    %get3A_570 = tpu.vector_load %arg9[%get3A_568, %get3A_569] {strides = array<i32>} : memref<16x16xf32, #tpu.memory_space<vmem>>, vector<1x16xf32>,
    %get3A_571 = vector.shape_cast %get3A_570 : vector<1x16xf32> to vector<16xf32>
    %xor3A_572 = arith.constant 1 : i32
    %xor3A_573 = vector.broadcast %xor3A_572 : i32 to vector<16xi32>
    %xor3A_574 = arith.xori %iota3A, %xor3A_573 : vector<16xi32>
    %broadcast_in_dim3A_575 = vector.shape_cast %xor3A_574 : vector<16xi32> to vector<16x1xi32>
    %gather3A_576 = vector.shape_cast %broadcast_in_dim3A_575 : vector<16x1xi32> to vector<16xi32>
    %gather3A_577 = tpu.dynamic_gather %get3A_571[%gather3A_576] in [0] : vector<16xf32>, vector<16xi32> -> vector<16xf32>
    %add3A_578 = arith.addf %get3A_571, %gather3A_577 : vector<16xf32>
    %xor3A_579 = arith.constant 2 : i32
    %xor3A_580 = vector.broadcast %xor3A_579 : i32 to vector<16xi32>
    %xor3A_581 = arith.xori %iota3A, %xor3A_580 : vector<16xi32>
    %broadcast_in_dim3A_582 = vector.shape_cast %xor3A_581 : vector<16xi32> to vector<16x1xi32>
    %gather3A_583 = vector.shape_cast %broadcast_in_dim3A_582 : vector<16x1xi32> to vector<16xi32>
    %gather3A_584 = tpu.dynamic_gather %add3A_578[%gather3A_583] in [0] : vector<16xf32>, vector<16xi32> -> vector<16xf32>
    %add3A_585 = arith.addf %add3A_578, %gather3A_584 : vector<16xf32>
    %xor3A_586 = arith.constant 4 : i32
    %xor3A_587 = vector.broadcast %xor3A_586 : i32 to vector<16xi32>
    %xor3A_588 = arith.xori %iota3A, %xor3A_587 : vector<16xi32>
    %broadcast_in_dim3A_589 = vector.shape_cast %xor3A_588 : vector<16xi32> to vector<16x1xi32>
    %gather3A_590 = vector.shape_cast %broadcast_in_dim3A_589 : vector<16x1xi32> to vector<16xi32>
    %gather3A_591 = tpu.dynamic_gather %add3A_585[%gather3A_590] in [0] : vector<16xf32>, vector<16xi32> -> vector<16xf32>
    %add3A_592 = arith.addf %add3A_585, %gather3A_591 : vector<16xf32>
    %xor3A_593 = arith.constant 8 : i32
    %xor3A_594 = vector.broadcast %xor3A_593 : i32 to vector<16xi32>
    %xor3A_595 = arith.xori %iota3A, %xor3A_594 : vector<16xi32>
    %broadcast_in_dim3A_596 = vector.shape_cast %xor3A_595 : vector<16xi32> to vector<16x1xi32>
    %gather3A_597 = vector.shape_cast %broadcast_in_dim3A_596 : vector<16x1xi32> to vector<16xi32>
    %gather3A_598 = tpu.dynamic_gather %add3A_592[%gather3A_597] in [0] : vector<16xf32>, vector<16xi32> -> vector<16xf32>
    %add3A_599 = arith.addf %add3A_592, %gather3A_598 : vector<16xf32>
    %select_n3A_600 = arith.select %eq3A_566, %add3A_599, %select_n3A_526 : vector<16xi1>, vector<16xf32>
    %eq3A_601 = arith.constant 6 : i32
    %eq3A_602 = vector.broadcast %eq3A_601 : i32 to vector<16xi32>
    %eq3A_603 = arith.cmpi eq, %iota3A, %eq3A_602 : vector<16xi32>
    %get3A_604 = arith.constant 12 : i32
    %get3A_605 = arith.index_cast %get3A_604 : i32 to index
    %get3A_606 = arith.constant 0 : index
    %get3A_607 = tpu.vector_load %arg9[%get3A_605, %get3A_606] {strides = array<i32>} : memref<16x16xf32, #tpu.memory_space<vmem>>, vector<1x16xf32>,
    %get3A_608 = vector.shape_cast %get3A_607 : vector<1x16xf32> to vector<16xf32>
    %xor3A_609 = arith.constant 1 : i32
    %xor3A_610 = vector.broadcast %xor3A_609 : i32 to vector<16xi32>
    %xor3A_611 = arith.xori %iota3A, %xor3A_610 : vector<16xi32>
    %broadcast_in_dim3A_612 = vector.shape_cast %xor3A_611 : vector<16xi32> to vector<16x1xi32>
    %gather3A_613 = vector.shape_cast %broadcast_in_dim3A_612 : vector<16x1xi32> to vector<16xi32>
    %gather3A_614 = tpu.dynamic_gather %get3A_608[%gather3A_613] in [0] : vector<16xf32>, vector<16xi32> -> vector<16xf32>
    %add3A_615 = arith.addf %get3A_608, %gather3A_614 : vector<16xf32>
    %xor3A_616 = arith.constant 2 : i32
    %xor3A_617 = vector.broadcast %xor3A_616 : i32 to vector<16xi32>
    %xor3A_618 = arith.xori %iota3A, %xor3A_617 : vector<16xi32>
    %broadcast_in_dim3A_619 = vector.shape_cast %xor3A_618 : vector<16xi32> to vector<16x1xi32>
    %gather3A_620 = vector.shape_cast %broadcast_in_dim3A_619 : vector<16x1xi32> to vector<16xi32>
    %gather3A_621 = tpu.dynamic_gather %add3A_615[%gather3A_620] in [0] : vector<16xf32>, vector<16xi32> -> vector<16xf32>
    %add3A_622 = arith.addf %add3A_615, %gather3A_621 : vector<16xf32>
    %xor3A_623 = arith.constant 4 : i32
    %xor3A_624 = vector.broadcast %xor3A_623 : i32 to vector<16xi32>
    %xor3A_625 = arith.xori %iota3A, %xor3A_624 : vector<16xi32>
    %broadcast_in_dim3A_626 = vector.shape_cast %xor3A_625 : vector<16xi32> to vector<16x1xi32>
    %gather3A_627 = vector.shape_cast %broadcast_in_dim3A_626 : vector<16x1xi32> to vector<16xi32>
    %gather3A_628 = tpu.dynamic_gather %add3A_622[%gather3A_627] in [0] : vector<16xf32>, vector<16xi32> -> vector<16xf32>
    %add3A_629 = arith.addf %add3A_622, %gather3A_628 : vector<16xf32>
    %xor3A_630 = arith.constant 8 : i32
    %xor3A_631 = vector.broadcast %xor3A_630 : i32 to vector<16xi32>
    %xor3A_632 = arith.xori %iota3A, %xor3A_631 : vector<16xi32>
    %broadcast_in_dim3A_633 = vector.shape_cast %xor3A_632 : vector<16xi32> to vector<16x1xi32>
    %gather3A_634 = vector.shape_cast %broadcast_in_dim3A_633 : vector<16x1xi32> to vector<16xi32>
    %gather3A_635 = tpu.dynamic_gather %add3A_629[%gather3A_634] in [0] : vector<16xf32>, vector<16xi32> -> vector<16xf32>
    %add3A_636 = arith.addf %add3A_629, %gather3A_635 : vector<16xf32>
    %select_n3A_637 = arith.select %eq3A_603, %add3A_636, %select_n3A_563 : vector<16xi1>, vector<16xf32>
    %eq3A_638 = arith.constant 6 : i32
    %eq3A_639 = vector.broadcast %eq3A_638 : i32 to vector<16xi32>
    %eq3A_640 = arith.cmpi eq, %iota3A, %eq3A_639 : vector<16xi32>
    %get3A_641 = arith.constant 13 : i32
    %get3A_642 = arith.index_cast %get3A_641 : i32 to index
    %get3A_643 = arith.constant 0 : index
    %get3A_644 = tpu.vector_load %arg9[%get3A_642, %get3A_643] {strides = array<i32>} : memref<16x16xf32, #tpu.memory_space<vmem>>, vector<1x16xf32>,
    %get3A_645 = vector.shape_cast %get3A_644 : vector<1x16xf32> to vector<16xf32>
    %xor3A_646 = arith.constant 1 : i32
    %xor3A_647 = vector.broadcast %xor3A_646 : i32 to vector<16xi32>
    %xor3A_648 = arith.xori %iota3A, %xor3A_647 : vector<16xi32>
    %broadcast_in_dim3A_649 = vector.shape_cast %xor3A_648 : vector<16xi32> to vector<16x1xi32>
    %gather3A_650 = vector.shape_cast %broadcast_in_dim3A_649 : vector<16x1xi32> to vector<16xi32>
    %gather3A_651 = tpu.dynamic_gather %get3A_645[%gather3A_650] in [0] : vector<16xf32>, vector<16xi32> -> vector<16xf32>
    %add3A_652 = arith.addf %get3A_645, %gather3A_651 : vector<16xf32>
    %xor3A_653 = arith.constant 2 : i32
    %xor3A_654 = vector.broadcast %xor3A_653 : i32 to vector<16xi32>
    %xor3A_655 = arith.xori %iota3A, %xor3A_654 : vector<16xi32>
    %broadcast_in_dim3A_656 = vector.shape_cast %xor3A_655 : vector<16xi32> to vector<16x1xi32>
    %gather3A_657 = vector.shape_cast %broadcast_in_dim3A_656 : vector<16x1xi32> to vector<16xi32>
    %gather3A_658 = tpu.dynamic_gather %add3A_652[%gather3A_657] in [0] : vector<16xf32>, vector<16xi32> -> vector<16xf32>
    %add3A_659 = arith.addf %add3A_652, %gather3A_658 : vector<16xf32>
    %xor3A_660 = arith.constant 4 : i32
    %xor3A_661 = vector.broadcast %xor3A_660 : i32 to vector<16xi32>
    %xor3A_662 = arith.xori %iota3A, %xor3A_661 : vector<16xi32>
    %broadcast_in_dim3A_663 = vector.shape_cast %xor3A_662 : vector<16xi32> to vector<16x1xi32>
    %gather3A_664 = vector.shape_cast %broadcast_in_dim3A_663 : vector<16x1xi32> to vector<16xi32>
    %gather3A_665 = tpu.dynamic_gather %add3A_659[%gather3A_664] in [0] : vector<16xf32>, vector<16xi32> -> vector<16xf32>
    %add3A_666 = arith.addf %add3A_659, %gather3A_665 : vector<16xf32>
    %xor3A_667 = arith.constant 8 : i32
    %xor3A_668 = vector.broadcast %xor3A_667 : i32 to vector<16xi32>
    %xor3A_669 = arith.xori %iota3A, %xor3A_668 : vector<16xi32>
    %broadcast_in_dim3A_670 = vector.shape_cast %xor3A_669 : vector<16xi32> to vector<16x1xi32>
    %gather3A_671 = vector.shape_cast %broadcast_in_dim3A_670 : vector<16x1xi32> to vector<16xi32>
    %gather3A_672 = tpu.dynamic_gather %add3A_666[%gather3A_671] in [0] : vector<16xf32>, vector<16xi32> -> vector<16xf32>
    %add3A_673 = arith.addf %add3A_666, %gather3A_672 : vector<16xf32>
    %select_n3A_674 = arith.select %eq3A_640, %add3A_673, %select_n3A_600 : vector<16xi1>, vector<16xf32>
    %eq3A_675 = arith.constant 7 : i32
    %eq3A_676 = vector.broadcast %eq3A_675 : i32 to vector<16xi32>
    %eq3A_677 = arith.cmpi eq, %iota3A, %eq3A_676 : vector<16xi32>
    %get3A_678 = arith.constant 14 : i32
    %get3A_679 = arith.index_cast %get3A_678 : i32 to index
    %get3A_680 = arith.constant 0 : index
    %get3A_681 = tpu.vector_load %arg9[%get3A_679, %get3A_680] {strides = array<i32>} : memref<16x16xf32, #tpu.memory_space<vmem>>, vector<1x16xf32>,
    %get3A_682 = vector.shape_cast %get3A_681 : vector<1x16xf32> to vector<16xf32>
    %xor3A_683 = arith.constant 1 : i32
    %xor3A_684 = vector.broadcast %xor3A_683 : i32 to vector<16xi32>
    %xor3A_685 = arith.xori %iota3A, %xor3A_684 : vector<16xi32>
    %broadcast_in_dim3A_686 = vector.shape_cast %xor3A_685 : vector<16xi32> to vector<16x1xi32>
    %gather3A_687 = vector.shape_cast %broadcast_in_dim3A_686 : vector<16x1xi32> to vector<16xi32>
    %gather3A_688 = tpu.dynamic_gather %get3A_682[%gather3A_687] in [0] : vector<16xf32>, vector<16xi32> -> vector<16xf32>
    %add3A_689 = arith.addf %get3A_682, %gather3A_688 : vector<16xf32>
    %xor3A_690 = arith.constant 2 : i32
    %xor3A_691 = vector.broadcast %xor3A_690 : i32 to vector<16xi32>
    %xor3A_692 = arith.xori %iota3A, %xor3A_691 : vector<16xi32>
    %broadcast_in_dim3A_693 = vector.shape_cast %xor3A_692 : vector<16xi32> to vector<16x1xi32>
    %gather3A_694 = vector.shape_cast %broadcast_in_dim3A_693 : vector<16x1xi32> to vector<16xi32>
    %gather3A_695 = tpu.dynamic_gather %add3A_689[%gather3A_694] in [0] : vector<16xf32>, vector<16xi32> -> vector<16xf32>
    %add3A_696 = arith.addf %add3A_689, %gather3A_695 : vector<16xf32>
    %xor3A_697 = arith.constant 4 : i32
    %xor3A_698 = vector.broadcast %xor3A_697 : i32 to vector<16xi32>
    %xor3A_699 = arith.xori %iota3A, %xor3A_698 : vector<16xi32>
    %broadcast_in_dim3A_700 = vector.shape_cast %xor3A_699 : vector<16xi32> to vector<16x1xi32>
    %gather3A_701 = vector.shape_cast %broadcast_in_dim3A_700 : vector<16x1xi32> to vector<16xi32>
    %gather3A_702 = tpu.dynamic_gather %add3A_696[%gather3A_701] in [0] : vector<16xf32>, vector<16xi32> -> vector<16xf32>
    %add3A_703 = arith.addf %add3A_696, %gather3A_702 : vector<16xf32>
    %xor3A_704 = arith.constant 8 : i32
    %xor3A_705 = vector.broadcast %xor3A_704 : i32 to vector<16xi32>
    %xor3A_706 = arith.xori %iota3A, %xor3A_705 : vector<16xi32>
    %broadcast_in_dim3A_707 = vector.shape_cast %xor3A_706 : vector<16xi32> to vector<16x1xi32>
    %gather3A_708 = vector.shape_cast %broadcast_in_dim3A_707 : vector<16x1xi32> to vector<16xi32>
    %gather3A_709 = tpu.dynamic_gather %add3A_703[%gather3A_708] in [0] : vector<16xf32>, vector<16xi32> -> vector<16xf32>
    %add3A_710 = arith.addf %add3A_703, %gather3A_709 : vector<16xf32>
    %select_n3A_711 = arith.select %eq3A_677, %add3A_710, %select_n3A_637 : vector<16xi1>, vector<16xf32>
    %eq3A_712 = arith.constant 7 : i32
    %eq3A_713 = vector.broadcast %eq3A_712 : i32 to vector<16xi32>
    %eq3A_714 = arith.cmpi eq, %iota3A, %eq3A_713 : vector<16xi32>
    %get3A_715 = arith.constant 15 : i32
    %get3A_716 = arith.index_cast %get3A_715 : i32 to index
    %get3A_717 = arith.constant 0 : index
    %get3A_718 = tpu.vector_load %arg9[%get3A_716, %get3A_717] {strides = array<i32>} : memref<16x16xf32, #tpu.memory_space<vmem>>, vector<1x16xf32>,
    %get3A_719 = vector.shape_cast %get3A_718 : vector<1x16xf32> to vector<16xf32>
    %xor3A_720 = arith.constant 1 : i32
    %xor3A_721 = vector.broadcast %xor3A_720 : i32 to vector<16xi32>
    %xor3A_722 = arith.xori %iota3A, %xor3A_721 : vector<16xi32>
    %broadcast_in_dim3A_723 = vector.shape_cast %xor3A_722 : vector<16xi32> to vector<16x1xi32>
    %gather3A_724 = vector.shape_cast %broadcast_in_dim3A_723 : vector<16x1xi32> to vector<16xi32>
    %gather3A_725 = tpu.dynamic_gather %get3A_719[%gather3A_724] in [0] : vector<16xf32>, vector<16xi32> -> vector<16xf32>
    %add3A_726 = arith.addf %get3A_719, %gather3A_725 : vector<16xf32>
    %xor3A_727 = arith.constant 2 : i32
    %xor3A_728 = vector.broadcast %xor3A_727 : i32 to vector<16xi32>
    %xor3A_729 = arith.xori %iota3A, %xor3A_728 : vector<16xi32>
    %broadcast_in_dim3A_730 = vector.shape_cast %xor3A_729 : vector<16xi32> to vector<16x1xi32>
    %gather3A_731 = vector.shape_cast %broadcast_in_dim3A_730 : vector<16x1xi32> to vector<16xi32>
    %gather3A_732 = tpu.dynamic_gather %add3A_726[%gather3A_731] in [0] : vector<16xf32>, vector<16xi32> -> vector<16xf32>
    %add3A_733 = arith.addf %add3A_726, %gather3A_732 : vector<16xf32>
    %xor3A_734 = arith.constant 4 : i32
    %xor3A_735 = vector.broadcast %xor3A_734 : i32 to vector<16xi32>
    %xor3A_736 = arith.xori %iota3A, %xor3A_735 : vector<16xi32>
    %broadcast_in_dim3A_737 = vector.shape_cast %xor3A_736 : vector<16xi32> to vector<16x1xi32>
    %gather3A_738 = vector.shape_cast %broadcast_in_dim3A_737 : vector<16x1xi32> to vector<16xi32>
    %gather3A_739 = tpu.dynamic_gather %add3A_733[%gather3A_738] in [0] : vector<16xf32>, vector<16xi32> -> vector<16xf32>
    %add3A_740 = arith.addf %add3A_733, %gather3A_739 : vector<16xf32>
    %xor3A_741 = arith.constant 8 : i32
    %xor3A_742 = vector.broadcast %xor3A_741 : i32 to vector<16xi32>
    %xor3A_743 = arith.xori %iota3A, %xor3A_742 : vector<16xi32>
    %broadcast_in_dim3A_744 = vector.shape_cast %xor3A_743 : vector<16xi32> to vector<16x1xi32>
    %gather3A_745 = vector.shape_cast %broadcast_in_dim3A_744 : vector<16x1xi32> to vector<16xi32>
    %gather3A_746 = tpu.dynamic_gather %add3A_740[%gather3A_745] in [0] : vector<16xf32>, vector<16xi32> -> vector<16xf32>
    %add3A_747 = arith.addf %add3A_740, %gather3A_746 : vector<16xf32>
    %select_n3A_748 = arith.select %eq3A_714, %add3A_747, %select_n3A_674 : vector<16xi1>, vector<16xf32>
    %swap3A_749 = arith.constant 0 : i32
    %swap3A_750 = arith.index_cast %swap3A_749 : i32 to index
    %swap3A_751 = arith.constant 0 : index
    %swap3A_752 = tpu.vector_load %arg8[%swap3A_750, %swap3A_751] {strides = array<i32>} : memref<2x16xf32, #tpu.memory_space<vmem>>, vector<1x16xf32>,
    %swap3A_753 = vector.shape_cast %swap3A_752 : vector<1x16xf32> to vector<16xf32>
    %swap3A_754 = vector.shape_cast %select_n3A_711 : vector<16xf32> to vector<1x16xf32>
    tpu.vector_store %arg8[%swap3A_750, %swap3A_751], %swap3A_754 {strides = array<i32>} : memref<2x16xf32, #tpu.memory_space<vmem>>, vector<1x16xf32>,
    %swap3A_755 = arith.constant 1 : i32
    %swap3A_756 = arith.index_cast %swap3A_755 : i32 to index
    %swap3A_757 = arith.constant 0 : index
    %swap3A_758 = tpu.vector_load %arg8[%swap3A_756, %swap3A_757] {strides = array<i32>} : memref<2x16xf32, #tpu.memory_space<vmem>>, vector<1x16xf32>,
    %swap3A_759 = vector.shape_cast %swap3A_758 : vector<1x16xf32> to vector<16xf32>
    %swap3A_760 = vector.shape_cast %select_n3A_748 : vector<16xf32> to vector<1x16xf32>
    tpu.vector_store %arg8[%swap3A_756, %swap3A_757], %swap3A_760 {strides = array<i32>} : memref<2x16xf32, #tpu.memory_space<vmem>>, vector<1x16xf32>,
    "tpu.region"() ({
      %run_scoped3A = tpu.sem_alloc : memref<!tpu.dma_semaphore, #tpu.memory_space<semaphore_mem>>
      %dma_start3A_761 = arith.constant 0 : i32
      %dma_start3A_762 = arith.constant 0 : i32
      %dma_start3A_763 = tpu.memref_slice %arg4[%add3A, %dma_start3A_761, %dma_start3A_762] : memref<32x2x16xf32, #tpu.memory_space<hbm>> -> memref<1x2x16xf32, #tpu.memory_space<hbm>>
      %dma_start3A_764 = tpu.memref_squeeze %dma_start3A_763 : memref<1x2x16xf32, #tpu.memory_space<hbm>> -> memref<2x16xf32, #tpu.memory_space<hbm>>
      %dma_start3A_765 = arith.constant 0 : i32
      %dma_start3A_766 = arith.constant 0 : i32
      %dma_start3A_767 = tpu.memref_slice %arg4[%add3A, %dma_start3A_765, %dma_start3A_766] : memref<32x2x16xf32, #tpu.memory_space<hbm>> -> memref<1x2x16xf32, #tpu.memory_space<hbm>>
      %dma_start3A_768 = tpu.memref_squeeze %dma_start3A_767 : memref<1x2x16xf32, #tpu.memory_space<hbm>> -> memref<2x16xf32, #tpu.memory_space<hbm>>
      tpu.enqueue_dma source(%arg8 : memref<2x16xf32, #tpu.memory_space<vmem>>) target(%dma_start3A_768 : memref<2x16xf32, #tpu.memory_space<hbm>>) target_semaphore(%run_scoped3A : memref<!tpu.dma_semaphore, #tpu.memory_space<semaphore_mem>>)
      %dma_wait3A = arith.constant 0 : i32
      %dma_wait3A_769 = arith.constant 0 : i32
      %dma_wait3A_770 = tpu.memref_slice %arg4[%add3A, %dma_wait3A, %dma_wait3A_769] : memref<32x2x16xf32, #tpu.memory_space<hbm>> -> memref<1x2x16xf32, #tpu.memory_space<hbm>>
      %dma_wait3A_771 = tpu.memref_squeeze %dma_wait3A_770 : memref<1x2x16xf32, #tpu.memory_space<hbm>> -> memref<2x16xf32, #tpu.memory_space<hbm>>
      %dma_wait3A_772 = arith.constant 0 : i32
      %dma_wait3A_773 = arith.constant 0 : i32
      %dma_wait3A_774 = tpu.memref_slice %arg4[%add3A, %dma_wait3A_772, %dma_wait3A_773] : memref<32x2x16xf32, #tpu.memory_space<hbm>> -> memref<1x2x16xf32, #tpu.memory_space<hbm>>
      %dma_wait3A_775 = tpu.memref_squeeze %dma_wait3A_774 : memref<1x2x16xf32, #tpu.memory_space<hbm>> -> memref<2x16xf32, #tpu.memory_space<hbm>>
      tpu.wait_dma2 semaphore(%run_scoped3A : memref<!tpu.dma_semaphore, #tpu.memory_space<semaphore_mem>>) src(%arg8 : memref<2x16xf32, #tpu.memory_space<vmem>>) dst(%dma_wait3A_775 : memref<2x16xf32, #tpu.memory_space<hbm>>)
      tpu.yield
    }) : () -> ()
    return
  }
}

module attributes {stable_mosaic.version = 14 : i64} {
  func.func @_moe_body(%arg0: i32, %arg1: i32, %arg2: memref<1x256x1024xf32, #tpu.memory_space<vmem>>, %arg3: memref<2x16xf32, #tpu.memory_space<smem>>, %arg4: memref<2x16xi32, #tpu.memory_space<smem>>, %arg5: memref<8x64x64xf32, #tpu.memory_space<vmem>>, %arg6: memref<8x64xf32, #tpu.memory_space<vmem>>, %arg7: memref<8x64x64xf32, #tpu.memory_space<vmem>>, %arg8: memref<8x64xf32, #tpu.memory_space<vmem>>, %arg9: memref<1024x1024xbf16, #tpu.memory_space<vmem>>, %arg10: memref<1x1024xf32, #tpu.memory_space<vmem>>, %arg11: memref<1x256x1024xf32, #tpu.memory_space<vmem>>, %arg12: memref<256x512xf32, #tpu.memory_space<vmem>>, %arg13: memref<512x256xf32, #tpu.memory_space<vmem>>, %arg14: memref<1x512xf32, #tpu.memory_space<vmem>>, %arg15: memref<1x256xf32, #tpu.memory_space<vmem>>, %arg16: memref<256x1024xf32, #tpu.memory_space<vmem>>) attributes {dimension_semantics = [#tpu.dimension_semantics<arbitrary>, #tpu.dimension_semantics<arbitrary>], iteration_bounds = array<i64: 2, 8>, scalar_prefetch = 0 : i64, scratch_operands = 5 : i64, tpu.core_type = #tpu.core_type<tc>, window_params = [{transform_indices = @transform_0, window_bounds = array<i64: 1, 256, 1024>}, {transform_indices = @transform_1, window_bounds = array<i64: 2, 16>}, {transform_indices = @transform_2, window_bounds = array<i64: 2, 16>}, {pipeline_mode = #tpu.pipeline_mode<synchronous>, transform_indices = @transform_3, window_bounds = array<i64: 8, 64, 64>}, {pipeline_mode = #tpu.pipeline_mode<synchronous>, transform_indices = @transform_4, window_bounds = array<i64: 8, 64>}, {pipeline_mode = #tpu.pipeline_mode<synchronous>, transform_indices = @transform_5, window_bounds = array<i64: 8, 64, 64>}, {pipeline_mode = #tpu.pipeline_mode<synchronous>, transform_indices = @transform_6, window_bounds = array<i64: 8, 64>}, {pipeline_mode = #tpu.pipeline_mode<synchronous>, transform_indices = @transform_7, window_bounds = array<i64: 1024, 1024>}, {pipeline_mode = #tpu.pipeline_mode<synchronous>, transform_indices = @transform_8, window_bounds = array<i64: 1, 1024>}, {transform_indices = @transform_9, window_bounds = array<i64: 1, 256, 1024>}]} {
    %eq3A = arith.constant 0 : i32
    %eq3A_0 = arith.cmpi eq, %arg1, %eq3A : i32
    %convert_element_type3A = arith.extui %eq3A_0 : i1 to i32
    %cond3A = arith.constant 0 : i32
    %cond3A_1 = arith.cmpi ne, %convert_element_type3A, %cond3A : i32
    scf.if %cond3A_1 {
      %get3A_180 = arith.index_cast %arg0 : i32 to index
      %get3A_181 = arith.constant 0 : index
      %get3A_182 = memref.load %arg4[%get3A_180, %get3A_181] : memref<2x16xi32, #tpu.memory_space<smem>>
      %get3A_183 = arith.index_cast %arg0 : i32 to index
      %get3A_184 = arith.constant 1 : index
      %get3A_185 = memref.load %arg4[%get3A_183, %get3A_184] : memref<2x16xi32, #tpu.memory_space<smem>>
      %get3A_186 = arith.index_cast %arg0 : i32 to index
      %get3A_187 = arith.constant 0 : index
      %get3A_188 = memref.load %arg3[%get3A_186, %get3A_187] : memref<2x16xf32, #tpu.memory_space<smem>>
      %get3A_189 = arith.index_cast %arg0 : i32 to index
      %get3A_190 = arith.constant 1 : index
      %get3A_191 = memref.load %arg3[%get3A_189, %get3A_190] : memref<2x16xf32, #tpu.memory_space<smem>>
      %get3A_192 = arith.index_cast %get3A_182 : i32 to index
      %get3A_193 = arith.constant 0 : index
      %get3A_194 = arith.constant 0 : index
      %get3A_195 = vector.load %arg5[%get3A_192, %get3A_193, %get3A_194] : memref<8x64x64xf32, #tpu.memory_space<vmem>>, vector<1x64x64xf32>
      %get3A_196 = vector.shape_cast %get3A_195 : vector<1x64x64xf32> to vector<64x64xf32>
      %get3A_197 = arith.index_cast %get3A_185 : i32 to index
      %get3A_198 = arith.constant 0 : index
      %get3A_199 = arith.constant 0 : index
      %get3A_200 = vector.load %arg5[%get3A_197, %get3A_198, %get3A_199] : memref<8x64x64xf32, #tpu.memory_space<vmem>>, vector<1x64x64xf32>
      %get3A_201 = vector.shape_cast %get3A_200 : vector<1x64x64xf32> to vector<64x64xf32>
      %get3A_202 = arith.index_cast %get3A_182 : i32 to index
      %get3A_203 = arith.constant 0 : index
      %get3A_204 = arith.constant 0 : index
      %get3A_205 = vector.load %arg7[%get3A_202, %get3A_203, %get3A_204] : memref<8x64x64xf32, #tpu.memory_space<vmem>>, vector<1x64x64xf32>
      %get3A_206 = vector.shape_cast %get3A_205 : vector<1x64x64xf32> to vector<64x64xf32>
      %mul3A_207 = vector.broadcast %get3A_188 : f32 to vector<64x64xf32>
      %mul3A_208 = arith.mulf %get3A_206, %mul3A_207 : vector<64x64xf32>
      %get3A_209 = arith.index_cast %get3A_185 : i32 to index
      %get3A_210 = arith.constant 0 : index
      %get3A_211 = arith.constant 0 : index
      %get3A_212 = vector.load %arg7[%get3A_209, %get3A_210, %get3A_211] : memref<8x64x64xf32, #tpu.memory_space<vmem>>, vector<1x64x64xf32>
      %get3A_213 = vector.shape_cast %get3A_212 : vector<1x64x64xf32> to vector<64x64xf32>
      %mul3A_214 = vector.broadcast %get3A_191 : f32 to vector<64x64xf32>
      %mul3A_215 = arith.mulf %get3A_213, %mul3A_214 : vector<64x64xf32>
      %broadcast_in_dim3A = arith.constant 0.000000e+00 : f32
      %broadcast_in_dim3A_216 = vector.broadcast %broadcast_in_dim3A : f32 to vector<64x512xf32>
      %swap3A_217 = arith.constant 0 : index
      %swap3A_218 = arith.constant 0 : index
      %swap3A_219 = vector.load %arg12[%swap3A_217, %swap3A_218] : memref<256x512xf32, #tpu.memory_space<vmem>>, vector<64x512xf32>
      tpu.vector_store %arg12[%swap3A_217, %swap3A_218], %broadcast_in_dim3A_216 {strides = array<i32>} : memref<256x512xf32, #tpu.memory_space<vmem>>, vector<64x512xf32>,
      %swap3A_220 = arith.constant 0 : index
      %swap3A_221 = arith.constant 0 : index
      %swap3A_222 = vector.load %arg12[%swap3A_220, %swap3A_221] : memref<256x512xf32, #tpu.memory_space<vmem>>, vector<64x64xf32>
      tpu.vector_store %arg12[%swap3A_220, %swap3A_221], %get3A_196 {strides = array<i32>} : memref<256x512xf32, #tpu.memory_space<vmem>>, vector<64x64xf32>,
      %swap3A_223 = arith.constant 0 : index
      %swap3A_224 = arith.constant 256 : index
      %swap3A_225 = vector.load %arg12[%swap3A_223, %swap3A_224] : memref<256x512xf32, #tpu.memory_space<vmem>>, vector<64x64xf32>
      tpu.vector_store %arg12[%swap3A_223, %swap3A_224], %get3A_201 {strides = array<i32>} : memref<256x512xf32, #tpu.memory_space<vmem>>, vector<64x64xf32>,
      %broadcast_in_dim3A_226 = arith.constant 0.000000e+00 : f32
      %broadcast_in_dim3A_227 = vector.broadcast %broadcast_in_dim3A_226 : f32 to vector<64x256xf32>
      %swap3A_228 = arith.constant 0 : index
      %swap3A_229 = arith.constant 0 : index
      %swap3A_230 = vector.load %arg13[%swap3A_228, %swap3A_229] : memref<512x256xf32, #tpu.memory_space<vmem>>, vector<64x256xf32>
      tpu.vector_store %arg13[%swap3A_228, %swap3A_229], %broadcast_in_dim3A_227 {strides = array<i32>} : memref<512x256xf32, #tpu.memory_space<vmem>>, vector<64x256xf32>,
      %broadcast_in_dim3A_231 = arith.constant 0.000000e+00 : f32
      %broadcast_in_dim3A_232 = vector.broadcast %broadcast_in_dim3A_231 : f32 to vector<64x256xf32>
      %swap3A_233 = arith.constant 256 : index
      %swap3A_234 = arith.constant 0 : index
      %swap3A_235 = vector.load %arg13[%swap3A_233, %swap3A_234] : memref<512x256xf32, #tpu.memory_space<vmem>>, vector<64x256xf32>
      tpu.vector_store %arg13[%swap3A_233, %swap3A_234], %broadcast_in_dim3A_232 {strides = array<i32>} : memref<512x256xf32, #tpu.memory_space<vmem>>, vector<64x256xf32>,
      %swap3A_236 = arith.constant 0 : index
      %swap3A_237 = arith.constant 0 : index
      %swap3A_238 = vector.load %arg13[%swap3A_236, %swap3A_237] : memref<512x256xf32, #tpu.memory_space<vmem>>, vector<64x64xf32>
      tpu.vector_store %arg13[%swap3A_236, %swap3A_237], %mul3A_208 {strides = array<i32>} : memref<512x256xf32, #tpu.memory_space<vmem>>, vector<64x64xf32>,
      %swap3A_239 = arith.constant 256 : index
      %swap3A_240 = arith.constant 0 : index
      %swap3A_241 = vector.load %arg13[%swap3A_239, %swap3A_240] : memref<512x256xf32, #tpu.memory_space<vmem>>, vector<64x64xf32>
      tpu.vector_store %arg13[%swap3A_239, %swap3A_240], %mul3A_215 {strides = array<i32>} : memref<512x256xf32, #tpu.memory_space<vmem>>, vector<64x64xf32>,
      %get3A_242 = arith.index_cast %get3A_182 : i32 to index
      %get3A_243 = arith.constant 0 : index
      %get3A_244 = vector.load %arg6[%get3A_242, %get3A_243] : memref<8x64xf32, #tpu.memory_space<vmem>>, vector<1x64xf32>
      %get3A_245 = vector.shape_cast %get3A_244 : vector<1x64xf32> to vector<64xf32>
      %swap3A_246 = arith.constant 0 : index
      %swap3A_247 = arith.constant 0 : index
      %swap3A_248 = vector.load %arg14[%swap3A_246, %swap3A_247] : memref<1x512xf32, #tpu.memory_space<vmem>>, vector<1x64xf32>
      %swap3A_249 = vector.shape_cast %swap3A_248 : vector<1x64xf32> to vector<64xf32>
      %swap3A_250 = vector.shape_cast %get3A_245 : vector<64xf32> to vector<1x64xf32>
      tpu.vector_store %arg14[%swap3A_246, %swap3A_247], %swap3A_250 {strides = array<i32>} : memref<1x512xf32, #tpu.memory_space<vmem>>, vector<1x64xf32>,
      %get3A_251 = arith.index_cast %get3A_185 : i32 to index
      %get3A_252 = arith.constant 0 : index
      %get3A_253 = vector.load %arg6[%get3A_251, %get3A_252] : memref<8x64xf32, #tpu.memory_space<vmem>>, vector<1x64xf32>
      %get3A_254 = vector.shape_cast %get3A_253 : vector<1x64xf32> to vector<64xf32>
      %swap3A_255 = arith.constant 0 : index
      %swap3A_256 = arith.constant 256 : index
      %swap3A_257 = vector.load %arg14[%swap3A_255, %swap3A_256] : memref<1x512xf32, #tpu.memory_space<vmem>>, vector<1x64xf32>
      %swap3A_258 = vector.shape_cast %swap3A_257 : vector<1x64xf32> to vector<64xf32>
      %swap3A_259 = vector.shape_cast %get3A_254 : vector<64xf32> to vector<1x64xf32>
      tpu.vector_store %arg14[%swap3A_255, %swap3A_256], %swap3A_259 {strides = array<i32>} : memref<1x512xf32, #tpu.memory_space<vmem>>, vector<1x64xf32>,
      %get3A_260 = arith.index_cast %get3A_182 : i32 to index
      %get3A_261 = arith.constant 0 : index
      %get3A_262 = vector.load %arg8[%get3A_260, %get3A_261] : memref<8x64xf32, #tpu.memory_space<vmem>>, vector<1x64xf32>
      %get3A_263 = vector.shape_cast %get3A_262 : vector<1x64xf32> to vector<64xf32>
      %mul3A_264 = vector.broadcast %get3A_188 : f32 to vector<64xf32>
      %mul3A_265 = arith.mulf %get3A_263, %mul3A_264 : vector<64xf32>
      %get3A_266 = arith.index_cast %get3A_185 : i32 to index
      %get3A_267 = arith.constant 0 : index
      %get3A_268 = vector.load %arg8[%get3A_266, %get3A_267] : memref<8x64xf32, #tpu.memory_space<vmem>>, vector<1x64xf32>
      %get3A_269 = vector.shape_cast %get3A_268 : vector<1x64xf32> to vector<64xf32>
      %mul3A_270 = vector.broadcast %get3A_191 : f32 to vector<64xf32>
      %mul3A_271 = arith.mulf %get3A_269, %mul3A_270 : vector<64xf32>
      %add3A_272 = arith.addf %mul3A_265, %mul3A_271 : vector<64xf32>
      %swap3A_273 = arith.constant 0 : index
      %swap3A_274 = arith.constant 0 : index
      %swap3A_275 = vector.load %arg15[%swap3A_273, %swap3A_274] : memref<1x256xf32, #tpu.memory_space<vmem>>, vector<1x64xf32>
      %swap3A_276 = vector.shape_cast %swap3A_275 : vector<1x64xf32> to vector<64xf32>
      %swap3A_277 = vector.shape_cast %add3A_272 : vector<64xf32> to vector<1x64xf32>
      tpu.vector_store %arg15[%swap3A_273, %swap3A_274], %swap3A_277 {strides = array<i32>} : memref<1x256xf32, #tpu.memory_space<vmem>>, vector<1x64xf32>,
      %broadcast_in_dim3A_278 = arith.constant 0.000000e+00 : f32
      %broadcast_in_dim3A_279 = vector.broadcast %broadcast_in_dim3A_278 : f32 to vector<64x512xf32>
      %swap3A_280 = arith.constant 64 : index
      %swap3A_281 = arith.constant 0 : index
      %swap3A_282 = vector.load %arg12[%swap3A_280, %swap3A_281] : memref<256x512xf32, #tpu.memory_space<vmem>>, vector<64x512xf32>
      tpu.vector_store %arg12[%swap3A_280, %swap3A_281], %broadcast_in_dim3A_279 {strides = array<i32>} : memref<256x512xf32, #tpu.memory_space<vmem>>, vector<64x512xf32>,
      %swap3A_283 = arith.constant 64 : index
      %swap3A_284 = arith.constant 64 : index
      %swap3A_285 = vector.load %arg12[%swap3A_283, %swap3A_284] : memref<256x512xf32, #tpu.memory_space<vmem>>, vector<64x64xf32>
      tpu.vector_store %arg12[%swap3A_283, %swap3A_284], %get3A_196 {strides = array<i32>} : memref<256x512xf32, #tpu.memory_space<vmem>>, vector<64x64xf32>,
      %swap3A_286 = arith.constant 64 : index
      %swap3A_287 = arith.constant 320 : index
      %swap3A_288 = vector.load %arg12[%swap3A_286, %swap3A_287] : memref<256x512xf32, #tpu.memory_space<vmem>>, vector<64x64xf32>
      tpu.vector_store %arg12[%swap3A_286, %swap3A_287], %get3A_201 {strides = array<i32>} : memref<256x512xf32, #tpu.memory_space<vmem>>, vector<64x64xf32>,
      %broadcast_in_dim3A_289 = arith.constant 0.000000e+00 : f32
      %broadcast_in_dim3A_290 = vector.broadcast %broadcast_in_dim3A_289 : f32 to vector<64x256xf32>
      %swap3A_291 = arith.constant 64 : index
      %swap3A_292 = arith.constant 0 : index
      %swap3A_293 = vector.load %arg13[%swap3A_291, %swap3A_292] : memref<512x256xf32, #tpu.memory_space<vmem>>, vector<64x256xf32>
      tpu.vector_store %arg13[%swap3A_291, %swap3A_292], %broadcast_in_dim3A_290 {strides = array<i32>} : memref<512x256xf32, #tpu.memory_space<vmem>>, vector<64x256xf32>,
      %broadcast_in_dim3A_294 = arith.constant 0.000000e+00 : f32
      %broadcast_in_dim3A_295 = vector.broadcast %broadcast_in_dim3A_294 : f32 to vector<64x256xf32>
      %swap3A_296 = arith.constant 320 : index
      %swap3A_297 = arith.constant 0 : index
      %swap3A_298 = vector.load %arg13[%swap3A_296, %swap3A_297] : memref<512x256xf32, #tpu.memory_space<vmem>>, vector<64x256xf32>
      tpu.vector_store %arg13[%swap3A_296, %swap3A_297], %broadcast_in_dim3A_295 {strides = array<i32>} : memref<512x256xf32, #tpu.memory_space<vmem>>, vector<64x256xf32>,
      %swap3A_299 = arith.constant 64 : index
      %swap3A_300 = arith.constant 64 : index
      %swap3A_301 = vector.load %arg13[%swap3A_299, %swap3A_300] : memref<512x256xf32, #tpu.memory_space<vmem>>, vector<64x64xf32>
      tpu.vector_store %arg13[%swap3A_299, %swap3A_300], %mul3A_208 {strides = array<i32>} : memref<512x256xf32, #tpu.memory_space<vmem>>, vector<64x64xf32>,
      %swap3A_302 = arith.constant 320 : index
      %swap3A_303 = arith.constant 64 : index
      %swap3A_304 = vector.load %arg13[%swap3A_302, %swap3A_303] : memref<512x256xf32, #tpu.memory_space<vmem>>, vector<64x64xf32>
      tpu.vector_store %arg13[%swap3A_302, %swap3A_303], %mul3A_215 {strides = array<i32>} : memref<512x256xf32, #tpu.memory_space<vmem>>, vector<64x64xf32>,
      %get3A_305 = arith.index_cast %get3A_182 : i32 to index
      %get3A_306 = arith.constant 0 : index
      %get3A_307 = vector.load %arg6[%get3A_305, %get3A_306] : memref<8x64xf32, #tpu.memory_space<vmem>>, vector<1x64xf32>
      %get3A_308 = vector.shape_cast %get3A_307 : vector<1x64xf32> to vector<64xf32>
      %swap3A_309 = arith.constant 0 : index
      %swap3A_310 = arith.constant 64 : index
      %swap3A_311 = vector.load %arg14[%swap3A_309, %swap3A_310] : memref<1x512xf32, #tpu.memory_space<vmem>>, vector<1x64xf32>
      %swap3A_312 = vector.shape_cast %swap3A_311 : vector<1x64xf32> to vector<64xf32>
      %swap3A_313 = vector.shape_cast %get3A_308 : vector<64xf32> to vector<1x64xf32>
      tpu.vector_store %arg14[%swap3A_309, %swap3A_310], %swap3A_313 {strides = array<i32>} : memref<1x512xf32, #tpu.memory_space<vmem>>, vector<1x64xf32>,
      %get3A_314 = arith.index_cast %get3A_185 : i32 to index
      %get3A_315 = arith.constant 0 : index
      %get3A_316 = vector.load %arg6[%get3A_314, %get3A_315] : memref<8x64xf32, #tpu.memory_space<vmem>>, vector<1x64xf32>
      %get3A_317 = vector.shape_cast %get3A_316 : vector<1x64xf32> to vector<64xf32>
      %swap3A_318 = arith.constant 0 : index
      %swap3A_319 = arith.constant 320 : index
      %swap3A_320 = vector.load %arg14[%swap3A_318, %swap3A_319] : memref<1x512xf32, #tpu.memory_space<vmem>>, vector<1x64xf32>
      %swap3A_321 = vector.shape_cast %swap3A_320 : vector<1x64xf32> to vector<64xf32>
      %swap3A_322 = vector.shape_cast %get3A_317 : vector<64xf32> to vector<1x64xf32>
      tpu.vector_store %arg14[%swap3A_318, %swap3A_319], %swap3A_322 {strides = array<i32>} : memref<1x512xf32, #tpu.memory_space<vmem>>, vector<1x64xf32>,
      %get3A_323 = arith.index_cast %get3A_182 : i32 to index
      %get3A_324 = arith.constant 0 : index
      %get3A_325 = vector.load %arg8[%get3A_323, %get3A_324] : memref<8x64xf32, #tpu.memory_space<vmem>>, vector<1x64xf32>
      %get3A_326 = vector.shape_cast %get3A_325 : vector<1x64xf32> to vector<64xf32>
      %mul3A_327 = vector.broadcast %get3A_188 : f32 to vector<64xf32>
      %mul3A_328 = arith.mulf %get3A_326, %mul3A_327 : vector<64xf32>
      %get3A_329 = arith.index_cast %get3A_185 : i32 to index
      %get3A_330 = arith.constant 0 : index
      %get3A_331 = vector.load %arg8[%get3A_329, %get3A_330] : memref<8x64xf32, #tpu.memory_space<vmem>>, vector<1x64xf32>
      %get3A_332 = vector.shape_cast %get3A_331 : vector<1x64xf32> to vector<64xf32>
      %mul3A_333 = vector.broadcast %get3A_191 : f32 to vector<64xf32>
      %mul3A_334 = arith.mulf %get3A_332, %mul3A_333 : vector<64xf32>
      %add3A_335 = arith.addf %mul3A_328, %mul3A_334 : vector<64xf32>
      %swap3A_336 = arith.constant 0 : index
      %swap3A_337 = arith.constant 64 : index
      %swap3A_338 = vector.load %arg15[%swap3A_336, %swap3A_337] : memref<1x256xf32, #tpu.memory_space<vmem>>, vector<1x64xf32>
      %swap3A_339 = vector.shape_cast %swap3A_338 : vector<1x64xf32> to vector<64xf32>
      %swap3A_340 = vector.shape_cast %add3A_335 : vector<64xf32> to vector<1x64xf32>
      tpu.vector_store %arg15[%swap3A_336, %swap3A_337], %swap3A_340 {strides = array<i32>} : memref<1x256xf32, #tpu.memory_space<vmem>>, vector<1x64xf32>,
      %broadcast_in_dim3A_341 = arith.constant 0.000000e+00 : f32
      %broadcast_in_dim3A_342 = vector.broadcast %broadcast_in_dim3A_341 : f32 to vector<64x512xf32>
      %swap3A_343 = arith.constant 128 : index
      %swap3A_344 = arith.constant 0 : index
      %swap3A_345 = vector.load %arg12[%swap3A_343, %swap3A_344] : memref<256x512xf32, #tpu.memory_space<vmem>>, vector<64x512xf32>
      tpu.vector_store %arg12[%swap3A_343, %swap3A_344], %broadcast_in_dim3A_342 {strides = array<i32>} : memref<256x512xf32, #tpu.memory_space<vmem>>, vector<64x512xf32>,
      %swap3A_346 = arith.constant 128 : index
      %swap3A_347 = arith.constant 128 : index
      %swap3A_348 = vector.load %arg12[%swap3A_346, %swap3A_347] : memref<256x512xf32, #tpu.memory_space<vmem>>, vector<64x64xf32>
      tpu.vector_store %arg12[%swap3A_346, %swap3A_347], %get3A_196 {strides = array<i32>} : memref<256x512xf32, #tpu.memory_space<vmem>>, vector<64x64xf32>,
      %swap3A_349 = arith.constant 128 : index
      %swap3A_350 = arith.constant 384 : index
      %swap3A_351 = vector.load %arg12[%swap3A_349, %swap3A_350] : memref<256x512xf32, #tpu.memory_space<vmem>>, vector<64x64xf32>
      tpu.vector_store %arg12[%swap3A_349, %swap3A_350], %get3A_201 {strides = array<i32>} : memref<256x512xf32, #tpu.memory_space<vmem>>, vector<64x64xf32>,
      %broadcast_in_dim3A_352 = arith.constant 0.000000e+00 : f32
      %broadcast_in_dim3A_353 = vector.broadcast %broadcast_in_dim3A_352 : f32 to vector<64x256xf32>
      %swap3A_354 = arith.constant 128 : index
      %swap3A_355 = arith.constant 0 : index
      %swap3A_356 = vector.load %arg13[%swap3A_354, %swap3A_355] : memref<512x256xf32, #tpu.memory_space<vmem>>, vector<64x256xf32>
      tpu.vector_store %arg13[%swap3A_354, %swap3A_355], %broadcast_in_dim3A_353 {strides = array<i32>} : memref<512x256xf32, #tpu.memory_space<vmem>>, vector<64x256xf32>,
      %broadcast_in_dim3A_357 = arith.constant 0.000000e+00 : f32
      %broadcast_in_dim3A_358 = vector.broadcast %broadcast_in_dim3A_357 : f32 to vector<64x256xf32>
      %swap3A_359 = arith.constant 384 : index
      %swap3A_360 = arith.constant 0 : index
      %swap3A_361 = vector.load %arg13[%swap3A_359, %swap3A_360] : memref<512x256xf32, #tpu.memory_space<vmem>>, vector<64x256xf32>
      tpu.vector_store %arg13[%swap3A_359, %swap3A_360], %broadcast_in_dim3A_358 {strides = array<i32>} : memref<512x256xf32, #tpu.memory_space<vmem>>, vector<64x256xf32>,
      %swap3A_362 = arith.constant 128 : index
      %swap3A_363 = arith.constant 128 : index
      %swap3A_364 = vector.load %arg13[%swap3A_362, %swap3A_363] : memref<512x256xf32, #tpu.memory_space<vmem>>, vector<64x64xf32>
      tpu.vector_store %arg13[%swap3A_362, %swap3A_363], %mul3A_208 {strides = array<i32>} : memref<512x256xf32, #tpu.memory_space<vmem>>, vector<64x64xf32>,
      %swap3A_365 = arith.constant 384 : index
      %swap3A_366 = arith.constant 128 : index
      %swap3A_367 = vector.load %arg13[%swap3A_365, %swap3A_366] : memref<512x256xf32, #tpu.memory_space<vmem>>, vector<64x64xf32>
      tpu.vector_store %arg13[%swap3A_365, %swap3A_366], %mul3A_215 {strides = array<i32>} : memref<512x256xf32, #tpu.memory_space<vmem>>, vector<64x64xf32>,
      %get3A_368 = arith.index_cast %get3A_182 : i32 to index
      %get3A_369 = arith.constant 0 : index
      %get3A_370 = vector.load %arg6[%get3A_368, %get3A_369] : memref<8x64xf32, #tpu.memory_space<vmem>>, vector<1x64xf32>
      %get3A_371 = vector.shape_cast %get3A_370 : vector<1x64xf32> to vector<64xf32>
      %swap3A_372 = arith.constant 0 : index
      %swap3A_373 = arith.constant 128 : index
      %swap3A_374 = vector.load %arg14[%swap3A_372, %swap3A_373] : memref<1x512xf32, #tpu.memory_space<vmem>>, vector<1x64xf32>
      %swap3A_375 = vector.shape_cast %swap3A_374 : vector<1x64xf32> to vector<64xf32>
      %swap3A_376 = vector.shape_cast %get3A_371 : vector<64xf32> to vector<1x64xf32>
      tpu.vector_store %arg14[%swap3A_372, %swap3A_373], %swap3A_376 {strides = array<i32>} : memref<1x512xf32, #tpu.memory_space<vmem>>, vector<1x64xf32>,
      %get3A_377 = arith.index_cast %get3A_185 : i32 to index
      %get3A_378 = arith.constant 0 : index
      %get3A_379 = vector.load %arg6[%get3A_377, %get3A_378] : memref<8x64xf32, #tpu.memory_space<vmem>>, vector<1x64xf32>
      %get3A_380 = vector.shape_cast %get3A_379 : vector<1x64xf32> to vector<64xf32>
      %swap3A_381 = arith.constant 0 : index
      %swap3A_382 = arith.constant 384 : index
      %swap3A_383 = vector.load %arg14[%swap3A_381, %swap3A_382] : memref<1x512xf32, #tpu.memory_space<vmem>>, vector<1x64xf32>
      %swap3A_384 = vector.shape_cast %swap3A_383 : vector<1x64xf32> to vector<64xf32>
      %swap3A_385 = vector.shape_cast %get3A_380 : vector<64xf32> to vector<1x64xf32>
      tpu.vector_store %arg14[%swap3A_381, %swap3A_382], %swap3A_385 {strides = array<i32>} : memref<1x512xf32, #tpu.memory_space<vmem>>, vector<1x64xf32>,
      %get3A_386 = arith.index_cast %get3A_182 : i32 to index
      %get3A_387 = arith.constant 0 : index
      %get3A_388 = vector.load %arg8[%get3A_386, %get3A_387] : memref<8x64xf32, #tpu.memory_space<vmem>>, vector<1x64xf32>
      %get3A_389 = vector.shape_cast %get3A_388 : vector<1x64xf32> to vector<64xf32>
      %mul3A_390 = vector.broadcast %get3A_188 : f32 to vector<64xf32>
      %mul3A_391 = arith.mulf %get3A_389, %mul3A_390 : vector<64xf32>
      %get3A_392 = arith.index_cast %get3A_185 : i32 to index
      %get3A_393 = arith.constant 0 : index
      %get3A_394 = vector.load %arg8[%get3A_392, %get3A_393] : memref<8x64xf32, #tpu.memory_space<vmem>>, vector<1x64xf32>
      %get3A_395 = vector.shape_cast %get3A_394 : vector<1x64xf32> to vector<64xf32>
      %mul3A_396 = vector.broadcast %get3A_191 : f32 to vector<64xf32>
      %mul3A_397 = arith.mulf %get3A_395, %mul3A_396 : vector<64xf32>
      %add3A_398 = arith.addf %mul3A_391, %mul3A_397 : vector<64xf32>
      %swap3A_399 = arith.constant 0 : index
      %swap3A_400 = arith.constant 128 : index
      %swap3A_401 = vector.load %arg15[%swap3A_399, %swap3A_400] : memref<1x256xf32, #tpu.memory_space<vmem>>, vector<1x64xf32>
      %swap3A_402 = vector.shape_cast %swap3A_401 : vector<1x64xf32> to vector<64xf32>
      %swap3A_403 = vector.shape_cast %add3A_398 : vector<64xf32> to vector<1x64xf32>
      tpu.vector_store %arg15[%swap3A_399, %swap3A_400], %swap3A_403 {strides = array<i32>} : memref<1x256xf32, #tpu.memory_space<vmem>>, vector<1x64xf32>,
      %broadcast_in_dim3A_404 = arith.constant 0.000000e+00 : f32
      %broadcast_in_dim3A_405 = vector.broadcast %broadcast_in_dim3A_404 : f32 to vector<64x512xf32>
      %swap3A_406 = arith.constant 192 : index
      %swap3A_407 = arith.constant 0 : index
      %swap3A_408 = vector.load %arg12[%swap3A_406, %swap3A_407] : memref<256x512xf32, #tpu.memory_space<vmem>>, vector<64x512xf32>
      tpu.vector_store %arg12[%swap3A_406, %swap3A_407], %broadcast_in_dim3A_405 {strides = array<i32>} : memref<256x512xf32, #tpu.memory_space<vmem>>, vector<64x512xf32>,
      %swap3A_409 = arith.constant 192 : index
      %swap3A_410 = arith.constant 192 : index
      %swap3A_411 = vector.load %arg12[%swap3A_409, %swap3A_410] : memref<256x512xf32, #tpu.memory_space<vmem>>, vector<64x64xf32>
      tpu.vector_store %arg12[%swap3A_409, %swap3A_410], %get3A_196 {strides = array<i32>} : memref<256x512xf32, #tpu.memory_space<vmem>>, vector<64x64xf32>,
      %swap3A_412 = arith.constant 192 : index
      %swap3A_413 = arith.constant 448 : index
      %swap3A_414 = vector.load %arg12[%swap3A_412, %swap3A_413] : memref<256x512xf32, #tpu.memory_space<vmem>>, vector<64x64xf32>
      tpu.vector_store %arg12[%swap3A_412, %swap3A_413], %get3A_201 {strides = array<i32>} : memref<256x512xf32, #tpu.memory_space<vmem>>, vector<64x64xf32>,
      %broadcast_in_dim3A_415 = arith.constant 0.000000e+00 : f32
      %broadcast_in_dim3A_416 = vector.broadcast %broadcast_in_dim3A_415 : f32 to vector<64x256xf32>
      %swap3A_417 = arith.constant 192 : index
      %swap3A_418 = arith.constant 0 : index
      %swap3A_419 = vector.load %arg13[%swap3A_417, %swap3A_418] : memref<512x256xf32, #tpu.memory_space<vmem>>, vector<64x256xf32>
      tpu.vector_store %arg13[%swap3A_417, %swap3A_418], %broadcast_in_dim3A_416 {strides = array<i32>} : memref<512x256xf32, #tpu.memory_space<vmem>>, vector<64x256xf32>,
      %broadcast_in_dim3A_420 = arith.constant 0.000000e+00 : f32
      %broadcast_in_dim3A_421 = vector.broadcast %broadcast_in_dim3A_420 : f32 to vector<64x256xf32>
      %swap3A_422 = arith.constant 448 : index
      %swap3A_423 = arith.constant 0 : index
      %swap3A_424 = vector.load %arg13[%swap3A_422, %swap3A_423] : memref<512x256xf32, #tpu.memory_space<vmem>>, vector<64x256xf32>
      tpu.vector_store %arg13[%swap3A_422, %swap3A_423], %broadcast_in_dim3A_421 {strides = array<i32>} : memref<512x256xf32, #tpu.memory_space<vmem>>, vector<64x256xf32>,
      %swap3A_425 = arith.constant 192 : index
      %swap3A_426 = arith.constant 192 : index
      %swap3A_427 = vector.load %arg13[%swap3A_425, %swap3A_426] : memref<512x256xf32, #tpu.memory_space<vmem>>, vector<64x64xf32>
      tpu.vector_store %arg13[%swap3A_425, %swap3A_426], %mul3A_208 {strides = array<i32>} : memref<512x256xf32, #tpu.memory_space<vmem>>, vector<64x64xf32>,
      %swap3A_428 = arith.constant 448 : index
      %swap3A_429 = arith.constant 192 : index
      %swap3A_430 = vector.load %arg13[%swap3A_428, %swap3A_429] : memref<512x256xf32, #tpu.memory_space<vmem>>, vector<64x64xf32>
      tpu.vector_store %arg13[%swap3A_428, %swap3A_429], %mul3A_215 {strides = array<i32>} : memref<512x256xf32, #tpu.memory_space<vmem>>, vector<64x64xf32>,
      %get3A_431 = arith.index_cast %get3A_182 : i32 to index
      %get3A_432 = arith.constant 0 : index
      %get3A_433 = vector.load %arg6[%get3A_431, %get3A_432] : memref<8x64xf32, #tpu.memory_space<vmem>>, vector<1x64xf32>
      %get3A_434 = vector.shape_cast %get3A_433 : vector<1x64xf32> to vector<64xf32>
      %swap3A_435 = arith.constant 0 : index
      %swap3A_436 = arith.constant 192 : index
      %swap3A_437 = vector.load %arg14[%swap3A_435, %swap3A_436] : memref<1x512xf32, #tpu.memory_space<vmem>>, vector<1x64xf32>
      %swap3A_438 = vector.shape_cast %swap3A_437 : vector<1x64xf32> to vector<64xf32>
      %swap3A_439 = vector.shape_cast %get3A_434 : vector<64xf32> to vector<1x64xf32>
      tpu.vector_store %arg14[%swap3A_435, %swap3A_436], %swap3A_439 {strides = array<i32>} : memref<1x512xf32, #tpu.memory_space<vmem>>, vector<1x64xf32>,
      %get3A_440 = arith.index_cast %get3A_185 : i32 to index
      %get3A_441 = arith.constant 0 : index
      %get3A_442 = vector.load %arg6[%get3A_440, %get3A_441] : memref<8x64xf32, #tpu.memory_space<vmem>>, vector<1x64xf32>
      %get3A_443 = vector.shape_cast %get3A_442 : vector<1x64xf32> to vector<64xf32>
      %swap3A_444 = arith.constant 0 : index
      %swap3A_445 = arith.constant 448 : index
      %swap3A_446 = vector.load %arg14[%swap3A_444, %swap3A_445] : memref<1x512xf32, #tpu.memory_space<vmem>>, vector<1x64xf32>
      %swap3A_447 = vector.shape_cast %swap3A_446 : vector<1x64xf32> to vector<64xf32>
      %swap3A_448 = vector.shape_cast %get3A_443 : vector<64xf32> to vector<1x64xf32>
      tpu.vector_store %arg14[%swap3A_444, %swap3A_445], %swap3A_448 {strides = array<i32>} : memref<1x512xf32, #tpu.memory_space<vmem>>, vector<1x64xf32>,
      %get3A_449 = arith.index_cast %get3A_182 : i32 to index
      %get3A_450 = arith.constant 0 : index
      %get3A_451 = vector.load %arg8[%get3A_449, %get3A_450] : memref<8x64xf32, #tpu.memory_space<vmem>>, vector<1x64xf32>
      %get3A_452 = vector.shape_cast %get3A_451 : vector<1x64xf32> to vector<64xf32>
      %mul3A_453 = vector.broadcast %get3A_188 : f32 to vector<64xf32>
      %mul3A_454 = arith.mulf %get3A_452, %mul3A_453 : vector<64xf32>
      %get3A_455 = arith.index_cast %get3A_185 : i32 to index
      %get3A_456 = arith.constant 0 : index
      %get3A_457 = vector.load %arg8[%get3A_455, %get3A_456] : memref<8x64xf32, #tpu.memory_space<vmem>>, vector<1x64xf32>
      %get3A_458 = vector.shape_cast %get3A_457 : vector<1x64xf32> to vector<64xf32>
      %mul3A_459 = vector.broadcast %get3A_191 : f32 to vector<64xf32>
      %mul3A_460 = arith.mulf %get3A_458, %mul3A_459 : vector<64xf32>
      %add3A_461 = arith.addf %mul3A_454, %mul3A_460 : vector<64xf32>
      %swap3A_462 = arith.constant 0 : index
      %swap3A_463 = arith.constant 192 : index
      %swap3A_464 = vector.load %arg15[%swap3A_462, %swap3A_463] : memref<1x256xf32, #tpu.memory_space<vmem>>, vector<1x64xf32>
      %swap3A_465 = vector.shape_cast %swap3A_464 : vector<1x64xf32> to vector<64xf32>
      %swap3A_466 = vector.shape_cast %add3A_461 : vector<64xf32> to vector<1x64xf32>
      tpu.vector_store %arg15[%swap3A_462, %swap3A_463], %swap3A_466 {strides = array<i32>} : memref<1x256xf32, #tpu.memory_space<vmem>>, vector<1x64xf32>,
    } else {
    }
    %get3A = arith.constant 0 : index
    %get3A_2 = arith.constant 0 : index
    %get3A_3 = arith.constant 0 : index
    %get3A_4 = vector.load %arg2[%get3A, %get3A_2, %get3A_3] : memref<1x256x1024xf32, #tpu.memory_space<vmem>>, vector<1x256x1024xf32>
    %get3A_5 = vector.shape_cast %get3A_4 : vector<1x256x1024xf32> to vector<256x1024xf32>
    %get3A_6 = arith.constant 0 : index
    %get3A_7 = arith.constant 0 : index
    %get3A_8 = vector.load %arg12[%get3A_6, %get3A_7] : memref<256x512xf32, #tpu.memory_space<vmem>>, vector<256x512xf32>
    %convert_element_type3A_9 = arith.truncf %get3A_8 : vector<256x512xf32> to vector<256x512xbf16>
    %get3A_10 = arith.constant 0 : index
    %get3A_11 = arith.constant 0 : index
    %get3A_12 = vector.load %arg13[%get3A_10, %get3A_11] : memref<512x256xf32, #tpu.memory_space<vmem>>, vector<512x256xf32>
    %convert_element_type3A_13 = arith.truncf %get3A_12 : vector<512x256xf32> to vector<512x256xbf16>
    %slice3A = vector.extract_strided_slice %get3A_5 {offsets = [0, 0], sizes = [256, 256], strides = [1, 1]} : vector<256x1024xf32> to vector<256x256xf32>
    %convert_element_type3A_14 = arith.truncf %slice3A : vector<256x256xf32> to vector<256x256xbf16>
    %dot_general3A = arith.constant dense<0.000000e+00> : vector<256x512xf32>
    %dot_general3A_15 = tpu.matmul %convert_element_type3A_14, %convert_element_type3A_9, %dot_general3A {dimension_numbers = #tpu.dot_dimension_numbers<[1], [0], [0], [1], [0, 0, 1, 1], [], []>, transpose_lhs_hint = false} : vector<256x256xbf16>, vector<256x512xbf16>, vector<256x512xf32> -> vector<256x512xf32>
    %get3A_16 = arith.constant 0 : index
    %get3A_17 = arith.constant 0 : index
    %get3A_18 = vector.load %arg14[%get3A_16, %get3A_17] : memref<1x512xf32, #tpu.memory_space<vmem>>, vector<1x512xf32>
    %add3A = vector.broadcast %get3A_18 : vector<1x512xf32> to vector<256x512xf32>
    %add3A_19 = arith.addf %dot_general3A_15, %add3A : vector<256x512xf32>
    %mul3A = arith.constant 5.000000e-01 : f32
    %mul3A_20 = vector.broadcast %mul3A : f32 to vector<256x512xf32>
    %mul3A_21 = arith.mulf %mul3A_20, %add3A_19 : vector<256x512xf32>
    %mul3A_22 = arith.constant 4.471500e-02 : f32
    %mul3A_23 = vector.broadcast %mul3A_22 : f32 to vector<256x512xf32>
    %mul3A_24 = arith.mulf %mul3A_23, %add3A_19 : vector<256x512xf32>
    %mul3A_25 = arith.mulf %mul3A_24, %add3A_19 : vector<256x512xf32>
    %mul3A_26 = arith.mulf %mul3A_25, %add3A_19 : vector<256x512xf32>
    %add3A_27 = arith.addf %add3A_19, %mul3A_26 : vector<256x512xf32>
    %mul3A_28 = arith.constant 0.797884583 : f32
    %mul3A_29 = vector.broadcast %mul3A_28 : f32 to vector<256x512xf32>
    %mul3A_30 = arith.mulf %mul3A_29, %add3A_27 : vector<256x512xf32>
    %tanh3A = math.tanh %mul3A_30 : vector<256x512xf32>
    %add3A_31 = arith.constant 1.000000e+00 : f32
    %add3A_32 = vector.broadcast %add3A_31 : f32 to vector<256x512xf32>
    %add3A_33 = arith.addf %add3A_32, %tanh3A : vector<256x512xf32>
    %mul3A_34 = arith.mulf %mul3A_21, %add3A_33 : vector<256x512xf32>
    %convert_element_type3A_35 = arith.truncf %mul3A_34 : vector<256x512xf32> to vector<256x512xbf16>
    %dot_general3A_36 = arith.constant dense<0.000000e+00> : vector<256x256xf32>
    %dot_general3A_37 = tpu.matmul %convert_element_type3A_35, %convert_element_type3A_13, %dot_general3A_36 {dimension_numbers = #tpu.dot_dimension_numbers<[1], [0], [0], [1], [0, 0, 1, 1], [], []>, transpose_lhs_hint = false} : vector<256x512xbf16>, vector<512x256xbf16>, vector<256x256xf32> -> vector<256x256xf32>
    %add3A_38 = arith.addf %slice3A, %dot_general3A_37 : vector<256x256xf32>
    %get3A_39 = arith.constant 0 : index
    %get3A_40 = arith.constant 0 : index
    %get3A_41 = vector.load %arg15[%get3A_39, %get3A_40] : memref<1x256xf32, #tpu.memory_space<vmem>>, vector<1x256xf32>
    %add3A_42 = vector.broadcast %get3A_41 : vector<1x256xf32> to vector<256x256xf32>
    %add3A_43 = arith.addf %add3A_38, %add3A_42 : vector<256x256xf32>
    %swap3A = arith.constant 0 : index
    %swap3A_44 = arith.constant 0 : index
    %swap3A_45 = vector.load %arg16[%swap3A, %swap3A_44] : memref<256x1024xf32, #tpu.memory_space<vmem>>, vector<256x256xf32>
    tpu.vector_store %arg16[%swap3A, %swap3A_44], %add3A_43 {strides = array<i32>} : memref<256x1024xf32, #tpu.memory_space<vmem>>, vector<256x256xf32>,
    %slice3A_46 = vector.extract_strided_slice %get3A_5 {offsets = [0, 256], sizes = [256, 256], strides = [1, 1]} : vector<256x1024xf32> to vector<256x256xf32>
    %convert_element_type3A_47 = arith.truncf %slice3A_46 : vector<256x256xf32> to vector<256x256xbf16>
    %dot_general3A_48 = arith.constant dense<0.000000e+00> : vector<256x512xf32>
    %dot_general3A_49 = tpu.matmul %convert_element_type3A_47, %convert_element_type3A_9, %dot_general3A_48 {dimension_numbers = #tpu.dot_dimension_numbers<[1], [0], [0], [1], [0, 0, 1, 1], [], []>, transpose_lhs_hint = false} : vector<256x256xbf16>, vector<256x512xbf16>, vector<256x512xf32> -> vector<256x512xf32>
    %get3A_50 = arith.constant 0 : index
    %get3A_51 = arith.constant 0 : index
    %get3A_52 = vector.load %arg14[%get3A_50, %get3A_51] : memref<1x512xf32, #tpu.memory_space<vmem>>, vector<1x512xf32>
    %add3A_53 = vector.broadcast %get3A_52 : vector<1x512xf32> to vector<256x512xf32>
    %add3A_54 = arith.addf %dot_general3A_49, %add3A_53 : vector<256x512xf32>
    %mul3A_55 = arith.constant 5.000000e-01 : f32
    %mul3A_56 = vector.broadcast %mul3A_55 : f32 to vector<256x512xf32>
    %mul3A_57 = arith.mulf %mul3A_56, %add3A_54 : vector<256x512xf32>
    %mul3A_58 = arith.constant 4.471500e-02 : f32
    %mul3A_59 = vector.broadcast %mul3A_58 : f32 to vector<256x512xf32>
    %mul3A_60 = arith.mulf %mul3A_59, %add3A_54 : vector<256x512xf32>
    %mul3A_61 = arith.mulf %mul3A_60, %add3A_54 : vector<256x512xf32>
    %mul3A_62 = arith.mulf %mul3A_61, %add3A_54 : vector<256x512xf32>
    %add3A_63 = arith.addf %add3A_54, %mul3A_62 : vector<256x512xf32>
    %mul3A_64 = arith.constant 0.797884583 : f32
    %mul3A_65 = vector.broadcast %mul3A_64 : f32 to vector<256x512xf32>
    %mul3A_66 = arith.mulf %mul3A_65, %add3A_63 : vector<256x512xf32>
    %tanh3A_67 = math.tanh %mul3A_66 : vector<256x512xf32>
    %add3A_68 = arith.constant 1.000000e+00 : f32
    %add3A_69 = vector.broadcast %add3A_68 : f32 to vector<256x512xf32>
    %add3A_70 = arith.addf %add3A_69, %tanh3A_67 : vector<256x512xf32>
    %mul3A_71 = arith.mulf %mul3A_57, %add3A_70 : vector<256x512xf32>
    %convert_element_type3A_72 = arith.truncf %mul3A_71 : vector<256x512xf32> to vector<256x512xbf16>
    %dot_general3A_73 = arith.constant dense<0.000000e+00> : vector<256x256xf32>
    %dot_general3A_74 = tpu.matmul %convert_element_type3A_72, %convert_element_type3A_13, %dot_general3A_73 {dimension_numbers = #tpu.dot_dimension_numbers<[1], [0], [0], [1], [0, 0, 1, 1], [], []>, transpose_lhs_hint = false} : vector<256x512xbf16>, vector<512x256xbf16>, vector<256x256xf32> -> vector<256x256xf32>
    %add3A_75 = arith.addf %slice3A_46, %dot_general3A_74 : vector<256x256xf32>
    %get3A_76 = arith.constant 0 : index
    %get3A_77 = arith.constant 0 : index
    %get3A_78 = vector.load %arg15[%get3A_76, %get3A_77] : memref<1x256xf32, #tpu.memory_space<vmem>>, vector<1x256xf32>
    %add3A_79 = vector.broadcast %get3A_78 : vector<1x256xf32> to vector<256x256xf32>
    %add3A_80 = arith.addf %add3A_75, %add3A_79 : vector<256x256xf32>
    %swap3A_81 = arith.constant 0 : index
    %swap3A_82 = arith.constant 256 : index
    %swap3A_83 = vector.load %arg16[%swap3A_81, %swap3A_82] : memref<256x1024xf32, #tpu.memory_space<vmem>>, vector<256x256xf32>
    tpu.vector_store %arg16[%swap3A_81, %swap3A_82], %add3A_80 {strides = array<i32>} : memref<256x1024xf32, #tpu.memory_space<vmem>>, vector<256x256xf32>,
    %slice3A_84 = vector.extract_strided_slice %get3A_5 {offsets = [0, 512], sizes = [256, 256], strides = [1, 1]} : vector<256x1024xf32> to vector<256x256xf32>
    %convert_element_type3A_85 = arith.truncf %slice3A_84 : vector<256x256xf32> to vector<256x256xbf16>
    %dot_general3A_86 = arith.constant dense<0.000000e+00> : vector<256x512xf32>
    %dot_general3A_87 = tpu.matmul %convert_element_type3A_85, %convert_element_type3A_9, %dot_general3A_86 {dimension_numbers = #tpu.dot_dimension_numbers<[1], [0], [0], [1], [0, 0, 1, 1], [], []>, transpose_lhs_hint = false} : vector<256x256xbf16>, vector<256x512xbf16>, vector<256x512xf32> -> vector<256x512xf32>
    %get3A_88 = arith.constant 0 : index
    %get3A_89 = arith.constant 0 : index
    %get3A_90 = vector.load %arg14[%get3A_88, %get3A_89] : memref<1x512xf32, #tpu.memory_space<vmem>>, vector<1x512xf32>
    %add3A_91 = vector.broadcast %get3A_90 : vector<1x512xf32> to vector<256x512xf32>
    %add3A_92 = arith.addf %dot_general3A_87, %add3A_91 : vector<256x512xf32>
    %mul3A_93 = arith.constant 5.000000e-01 : f32
    %mul3A_94 = vector.broadcast %mul3A_93 : f32 to vector<256x512xf32>
    %mul3A_95 = arith.mulf %mul3A_94, %add3A_92 : vector<256x512xf32>
    %mul3A_96 = arith.constant 4.471500e-02 : f32
    %mul3A_97 = vector.broadcast %mul3A_96 : f32 to vector<256x512xf32>
    %mul3A_98 = arith.mulf %mul3A_97, %add3A_92 : vector<256x512xf32>
    %mul3A_99 = arith.mulf %mul3A_98, %add3A_92 : vector<256x512xf32>
    %mul3A_100 = arith.mulf %mul3A_99, %add3A_92 : vector<256x512xf32>
    %add3A_101 = arith.addf %add3A_92, %mul3A_100 : vector<256x512xf32>
    %mul3A_102 = arith.constant 0.797884583 : f32
    %mul3A_103 = vector.broadcast %mul3A_102 : f32 to vector<256x512xf32>
    %mul3A_104 = arith.mulf %mul3A_103, %add3A_101 : vector<256x512xf32>
    %tanh3A_105 = math.tanh %mul3A_104 : vector<256x512xf32>
    %add3A_106 = arith.constant 1.000000e+00 : f32
    %add3A_107 = vector.broadcast %add3A_106 : f32 to vector<256x512xf32>
    %add3A_108 = arith.addf %add3A_107, %tanh3A_105 : vector<256x512xf32>
    %mul3A_109 = arith.mulf %mul3A_95, %add3A_108 : vector<256x512xf32>
    %convert_element_type3A_110 = arith.truncf %mul3A_109 : vector<256x512xf32> to vector<256x512xbf16>
    %dot_general3A_111 = arith.constant dense<0.000000e+00> : vector<256x256xf32>
    %dot_general3A_112 = tpu.matmul %convert_element_type3A_110, %convert_element_type3A_13, %dot_general3A_111 {dimension_numbers = #tpu.dot_dimension_numbers<[1], [0], [0], [1], [0, 0, 1, 1], [], []>, transpose_lhs_hint = false} : vector<256x512xbf16>, vector<512x256xbf16>, vector<256x256xf32> -> vector<256x256xf32>
    %add3A_113 = arith.addf %slice3A_84, %dot_general3A_112 : vector<256x256xf32>
    %get3A_114 = arith.constant 0 : index
    %get3A_115 = arith.constant 0 : index
    %get3A_116 = vector.load %arg15[%get3A_114, %get3A_115] : memref<1x256xf32, #tpu.memory_space<vmem>>, vector<1x256xf32>
    %add3A_117 = vector.broadcast %get3A_116 : vector<1x256xf32> to vector<256x256xf32>
    %add3A_118 = arith.addf %add3A_113, %add3A_117 : vector<256x256xf32>
    %swap3A_119 = arith.constant 0 : index
    %swap3A_120 = arith.constant 512 : index
    %swap3A_121 = vector.load %arg16[%swap3A_119, %swap3A_120] : memref<256x1024xf32, #tpu.memory_space<vmem>>, vector<256x256xf32>
    tpu.vector_store %arg16[%swap3A_119, %swap3A_120], %add3A_118 {strides = array<i32>} : memref<256x1024xf32, #tpu.memory_space<vmem>>, vector<256x256xf32>,
    %slice3A_122 = vector.extract_strided_slice %get3A_5 {offsets = [0, 768], sizes = [256, 256], strides = [1, 1]} : vector<256x1024xf32> to vector<256x256xf32>
    %convert_element_type3A_123 = arith.truncf %slice3A_122 : vector<256x256xf32> to vector<256x256xbf16>
    %dot_general3A_124 = arith.constant dense<0.000000e+00> : vector<256x512xf32>
    %dot_general3A_125 = tpu.matmul %convert_element_type3A_123, %convert_element_type3A_9, %dot_general3A_124 {dimension_numbers = #tpu.dot_dimension_numbers<[1], [0], [0], [1], [0, 0, 1, 1], [], []>, transpose_lhs_hint = false} : vector<256x256xbf16>, vector<256x512xbf16>, vector<256x512xf32> -> vector<256x512xf32>
    %get3A_126 = arith.constant 0 : index
    %get3A_127 = arith.constant 0 : index
    %get3A_128 = vector.load %arg14[%get3A_126, %get3A_127] : memref<1x512xf32, #tpu.memory_space<vmem>>, vector<1x512xf32>
    %add3A_129 = vector.broadcast %get3A_128 : vector<1x512xf32> to vector<256x512xf32>
    %add3A_130 = arith.addf %dot_general3A_125, %add3A_129 : vector<256x512xf32>
    %mul3A_131 = arith.constant 5.000000e-01 : f32
    %mul3A_132 = vector.broadcast %mul3A_131 : f32 to vector<256x512xf32>
    %mul3A_133 = arith.mulf %mul3A_132, %add3A_130 : vector<256x512xf32>
    %mul3A_134 = arith.constant 4.471500e-02 : f32
    %mul3A_135 = vector.broadcast %mul3A_134 : f32 to vector<256x512xf32>
    %mul3A_136 = arith.mulf %mul3A_135, %add3A_130 : vector<256x512xf32>
    %mul3A_137 = arith.mulf %mul3A_136, %add3A_130 : vector<256x512xf32>
    %mul3A_138 = arith.mulf %mul3A_137, %add3A_130 : vector<256x512xf32>
    %add3A_139 = arith.addf %add3A_130, %mul3A_138 : vector<256x512xf32>
    %mul3A_140 = arith.constant 0.797884583 : f32
    %mul3A_141 = vector.broadcast %mul3A_140 : f32 to vector<256x512xf32>
    %mul3A_142 = arith.mulf %mul3A_141, %add3A_139 : vector<256x512xf32>
    %tanh3A_143 = math.tanh %mul3A_142 : vector<256x512xf32>
    %add3A_144 = arith.constant 1.000000e+00 : f32
    %add3A_145 = vector.broadcast %add3A_144 : f32 to vector<256x512xf32>
    %add3A_146 = arith.addf %add3A_145, %tanh3A_143 : vector<256x512xf32>
    %mul3A_147 = arith.mulf %mul3A_133, %add3A_146 : vector<256x512xf32>
    %convert_element_type3A_148 = arith.truncf %mul3A_147 : vector<256x512xf32> to vector<256x512xbf16>
    %dot_general3A_149 = arith.constant dense<0.000000e+00> : vector<256x256xf32>
    %dot_general3A_150 = tpu.matmul %convert_element_type3A_148, %convert_element_type3A_13, %dot_general3A_149 {dimension_numbers = #tpu.dot_dimension_numbers<[1], [0], [0], [1], [0, 0, 1, 1], [], []>, transpose_lhs_hint = false} : vector<256x512xbf16>, vector<512x256xbf16>, vector<256x256xf32> -> vector<256x256xf32>
    %add3A_151 = arith.addf %slice3A_122, %dot_general3A_150 : vector<256x256xf32>
    %get3A_152 = arith.constant 0 : index
    %get3A_153 = arith.constant 0 : index
    %get3A_154 = vector.load %arg15[%get3A_152, %get3A_153] : memref<1x256xf32, #tpu.memory_space<vmem>>, vector<1x256xf32>
    %add3A_155 = vector.broadcast %get3A_154 : vector<1x256xf32> to vector<256x256xf32>
    %add3A_156 = arith.addf %add3A_151, %add3A_155 : vector<256x256xf32>
    %swap3A_157 = arith.constant 0 : index
    %swap3A_158 = arith.constant 768 : index
    %swap3A_159 = vector.load %arg16[%swap3A_157, %swap3A_158] : memref<256x1024xf32, #tpu.memory_space<vmem>>, vector<256x256xf32>
    tpu.vector_store %arg16[%swap3A_157, %swap3A_158], %add3A_156 {strides = array<i32>} : memref<256x1024xf32, #tpu.memory_space<vmem>>, vector<256x256xf32>,
    %get3A_160 = arith.constant 0 : index
    %get3A_161 = arith.constant 0 : index
    %get3A_162 = vector.load %arg16[%get3A_160, %get3A_161] : memref<256x1024xf32, #tpu.memory_space<vmem>>, vector<256x1024xf32>
    %convert_element_type3A_163 = arith.truncf %get3A_162 : vector<256x1024xf32> to vector<256x1024xbf16>
    %get3A_164 = arith.constant 0 : index
    %get3A_165 = arith.constant 0 : index
    %get3A_166 = vector.load %arg9[%get3A_164, %get3A_165] : memref<1024x1024xbf16, #tpu.memory_space<vmem>>, vector<1024x1024xbf16>
    %dot_general3A_167 = arith.constant dense<0.000000e+00> : vector<256x1024xf32>
    %dot_general3A_168 = tpu.matmul %convert_element_type3A_163, %get3A_166, %dot_general3A_167 {dimension_numbers = #tpu.dot_dimension_numbers<[1], [0], [0], [1], [0, 0, 1, 1], [], []>, transpose_lhs_hint = false} : vector<256x1024xbf16>, vector<1024x1024xbf16>, vector<256x1024xf32> -> vector<256x1024xf32>
    %get3A_169 = arith.constant 0 : index
    %get3A_170 = arith.constant 0 : index
    %get3A_171 = vector.load %arg10[%get3A_169, %get3A_170] : memref<1x1024xf32, #tpu.memory_space<vmem>>, vector<1x1024xf32>
    %add3A_172 = vector.broadcast %get3A_171 : vector<1x1024xf32> to vector<256x1024xf32>
    %add3A_173 = arith.addf %dot_general3A_168, %add3A_172 : vector<256x1024xf32>
    %swap3A_174 = arith.constant 0 : index
    %swap3A_175 = arith.constant 0 : index
    %swap3A_176 = arith.constant 0 : index
    %swap3A_177 = vector.load %arg11[%swap3A_174, %swap3A_175, %swap3A_176] : memref<1x256x1024xf32, #tpu.memory_space<vmem>>, vector<1x256x1024xf32>
    %swap3A_178 = vector.shape_cast %swap3A_177 : vector<1x256x1024xf32> to vector<256x1024xf32>
    %swap3A_179 = vector.shape_cast %add3A_173 : vector<256x1024xf32> to vector<1x256x1024xf32>
    tpu.vector_store %arg11[%swap3A_174, %swap3A_175, %swap3A_176], %swap3A_179 {strides = array<i32>} : memref<1x256x1024xf32, #tpu.memory_space<vmem>>, vector<1x256x1024xf32>,
    return
  }
  func.func @transform_0(%arg0: i32, %arg1: i32) -> (i32, i32, i32) {
    %c0_i32 = arith.constant 0 : i32
    %c0_i32_0 = arith.constant 0 : i32
    return %arg0, %arg1, %c0_i32 : i32, i32, i32
  }
  func.func @transform_1(%arg0: i32, %arg1: i32) -> (i32, i32) {
    %c0_i32 = arith.constant 0 : i32
    %c0_i32_0 = arith.constant 0 : i32
    %c0_i32_1 = arith.constant 0 : i32
    return %c0_i32, %c0_i32_0 : i32, i32
  }
  func.func @transform_2(%arg0: i32, %arg1: i32) -> (i32, i32) {
    %c0_i32 = arith.constant 0 : i32
    %c0_i32_0 = arith.constant 0 : i32
    %c0_i32_1 = arith.constant 0 : i32
    return %c0_i32, %c0_i32_0 : i32, i32
  }
  func.func @transform_3(%arg0: i32, %arg1: i32) -> (i32, i32, i32) {
    %c0_i32 = arith.constant 0 : i32
    %c0_i32_0 = arith.constant 0 : i32
    %c0_i32_1 = arith.constant 0 : i32
    %c0_i32_2 = arith.constant 0 : i32
    return %c0_i32, %c0_i32_0, %c0_i32_1 : i32, i32, i32
  }
  func.func @transform_4(%arg0: i32, %arg1: i32) -> (i32, i32) {
    %c0_i32 = arith.constant 0 : i32
    %c0_i32_0 = arith.constant 0 : i32
    %c0_i32_1 = arith.constant 0 : i32
    return %c0_i32, %c0_i32_0 : i32, i32
  }
  func.func @transform_5(%arg0: i32, %arg1: i32) -> (i32, i32, i32) {
    %c0_i32 = arith.constant 0 : i32
    %c0_i32_0 = arith.constant 0 : i32
    %c0_i32_1 = arith.constant 0 : i32
    %c0_i32_2 = arith.constant 0 : i32
    return %c0_i32, %c0_i32_0, %c0_i32_1 : i32, i32, i32
  }
  func.func @transform_6(%arg0: i32, %arg1: i32) -> (i32, i32) {
    %c0_i32 = arith.constant 0 : i32
    %c0_i32_0 = arith.constant 0 : i32
    %c0_i32_1 = arith.constant 0 : i32
    return %c0_i32, %c0_i32_0 : i32, i32
  }
  func.func @transform_7(%arg0: i32, %arg1: i32) -> (i32, i32) {
    %c0_i32 = arith.constant 0 : i32
    %c0_i32_0 = arith.constant 0 : i32
    %c0_i32_1 = arith.constant 0 : i32
    return %c0_i32, %c0_i32_0 : i32, i32
  }
  func.func @transform_8(%arg0: i32, %arg1: i32) -> (i32, i32) {
    %c0_i32 = arith.constant 0 : i32
    %c0_i32_0 = arith.constant 0 : i32
    %c0_i32_1 = arith.constant 0 : i32
    return %c0_i32, %c0_i32_0 : i32, i32
  }
  func.func @transform_9(%arg0: i32, %arg1: i32) -> (i32, i32, i32) {
    %c0_i32 = arith.constant 0 : i32
    %c0_i32_0 = arith.constant 0 : i32
    return %arg0, %arg1, %c0_i32 : i32, i32, i32
  }
}

</mosaic_0001>

<sc_bundles>
// kernel: kernel.5.cloned.1.call-start
scs
__scs_entry_jumppad:
0x0: {  	(pc) =	sbr.rel $0x88, $3  }
0x1: {  	(tag) =	ssettag $0x0;
	lr =	simm.s32 $0x1  }
0x2: {  	[smem:$0x3F98] =	sst lr;
	_ =	strace $0xD0000000  }
0x3: {  	_ = 	snop  }
0x4: {  	_ = 	snop  }
0x5: {  	_ = 	snop  }
0x6: {  	_ = 	snop  }
0x7: {  	_ = 	snop  }
__scs_overlays_trampoline_lowered:
0x8: {  	[smem:$0x3FA7] =	sst s0  }
0x9: {  	[smem:$0x3FA8] =	sst s1  }
0xa: {  	[smem:$0x3FA9] =	sst s2  }
0xb: {  	[smem:$0x3FAA] =	sst s3  }
0xc: {  	[smem:$0x3FAB] =	sst s4  }
0xd: {  	[smem:$0x3FAC] =	sst s5  }
0xe: {  	[smem:$0x3FAD] =	sst s6  }
0xf: {  	[smem:$0x3FAE] =	sst s7  }
0x10: {  	[smem:$0x3FAF] =	sst s8  }
0x11: {  	[smem:$0x3FB0] =	sst s9;
	s0 =	simm.s32 @!p0 $0x0  }
0x12: {  	s1 =	sld [smem:$0x3F96];
	s0 =	simm.s32 @p0 $0x1  }
0x13: {  	[smem:$0x3FB1] =	sst s0;
	s0 =	simm.s32 @!p1 $0x0  }
0x14: {  	s2 =	sld [smem:$0x3F95];
	s0 =	simm.s32 @p1 $0x1  }
0x15: {  	[smem:$0x3FB2] =	sst s0;
	s0 =	simm.s32 @!p2 $0x0  }
0x16: {  	s3 =	sld [smem:$0x3FDB];
	s0 =	simm.s32 @p2 $0x1  }
0x17: {  	s4 =	simm.s32 $0x1BF5;
	[smem:$0x3FB4] =	sst s0  }
0x18: {  	s0 =	sld [smem:$0x3F97];
	_ =	swait.ge [sflag:s4], $0x0  }
0x19: {  	s7 =	sld [smem:$0x3F98]  }
0x1a: {  	s8 =	sadd.s32 $0xFFFFE003, lr  }
0x1b: {  	s9 =	sadd.s32 $0xFFFFFEF7, lr;
	s5 =	simm.s32 $0xFFFFFFFF;
	p2 =	slt.u32 s8, $0xFFFFF086  }
0x1c: {  	p1 =	slt.u32 s9, $0xF7A;
	s5 =	simm.s32 @!p2 $0x0  }
0x1d: {  	s5 =	simm.s32 @p1 $0x1;
	p0 =	seq.s32 s7, s2  }
0x1e: {  	s7 =	smul.u32 @!p0 $0xF7A, s2;
	p2 =	seq.s32 @!p0 s5, $0x0  }
0x1f: {  	s9 =	smul.u32 $0xF7A, s1;
	s8 =	simm.s32 @!p0 $0x1BF5;
	p2 =	por !p2, p0  }
0x20: {  	[sflag:s8] =	ssyncset.s32 @!p0 $0xFFFFF086;
	s6 =	sadd.s32 @!p0 s3, s7;
	s7 =	simm.s32 @!p0 $0x108  }
0x21: {  	s3 =	sadd.s32 s3, s9;
	s6 =	sadd.s32 @!p0 $0x88, s6;
	s7 =	simm.s32 @p2 $0x1082  }
0x22: {  	[simem:s7], [sflag:s8] =	dma.local @!p0 [hbm:s6], $0xF7A  }
0x23: {  	s9 =	sor.u32 $0xD0000000, s2;
	s6 =	simm.s32 $0x108;
	_ =	swait.ge @!p0 [sflag:s8], $0x0  }
0x24: {  	s3 =	sadd.s32 $0x88, s3;
	s6 =	simm.s32 @!p1 $0x1082;
	[sflag:s4] =	ssyncset.s32 $0xFFFFF086  }
0x25: {  	[simem:s6], [sflag:s4] =	dma.local [hbm:s3], $0xF7A  }
0x26: {  	[smem:$0x3F98] =	sst s1;
	(tag) =	ssettag s2;
	_ =	strace s9  }
0x27: {  	s1 =	sld [smem:$0x3FA8]  }
0x28: {  	s2 =	sld [smem:$0x3FA9]  }
0x29: {  	s4 =	sld [smem:$0x3FAB]  }
0x2a: {  	p0 =	seq.s32 s5, $0x0;
	s5 =	sld [smem:$0x3FAC]  }
0x2b: {  	s6 =	sld [smem:$0x3FAD]  }
0x2c: {  	s7 =	sld [smem:$0x3FAE]  }
0x2d: {  	s3 =	simm.s32 $0x108;
	s8 =	sld [smem:$0x3FAF]  }
0x2e: {  	s3 =	simm.s32 @!p0 $0x1082;
	s9 =	sld [smem:$0x3FB0]  }
0x2f: {  	lr =	sadd.s32 s0, s3;
	s0 =	sld [smem:$0x3FA7]  }
0x30: {  	s3 =	sld [smem:$0x3FAA]  }
0x31: {  	[smem:$0x3FB3] =	sst s10  }
0x32: {  	s10 =	sld [smem:$0x3FB1];
	_ =	sdelay $0x3  }
0x33: {  	p0 =	seq.s32 s10, $0x1;
	s10 =	sld [smem:$0x3FB3];
	_ =	sdelay $0x3  }
0x34: {  	[smem:$0x3FB3] =	sst s10  }
0x35: {  	s10 =	sld [smem:$0x3FB2];
	_ =	sdelay $0x3  }
0x36: {  	p1 =	seq.s32 s10, $0x1;
	s10 =	sld [smem:$0x3FB3];
	_ =	sdelay $0x3  }
0x37: {  	[smem:$0x3FB3] =	sst s10  }
0x38: {  	s10 =	sld [smem:$0x3FB4]  }
0x39: {  	_ = 	snop;
	(pc) =	sbr.ind lr, $3  }
0x3a: {  	_ = 	snop  }
0x3b: {  	_ = 	snop  }
0x3c: {  	p2 =	seq.s32 s10, $0x1;
	s10 =	sld [smem:$0x3FB3]  }
0x3d: {  	_ =	shalt  }
0x3e: {  	_ =	shalt  }
0x3f: {  	_ =	shalt  }
0x40: {  	_ =	shalt  }
0x41: {  	_ =	shalt  }
0x42: {  	_ =	shalt  }
0x43: {  	_ =	shalt  }
0x44: {  	_ =	shalt  }
0x45: {  	_ =	shalt  }
0x46: {  	_ =	shalt  }
0x47: {  	_ =	shalt  }
0x48: {  	_ =	shalt  }
0x49: {  	_ =	shalt  }
0x4a: {  	_ =	shalt  }
0x4b: {  	_ =	shalt  }
0x4c: {  	_ =	shalt  }
0x4d: {  	_ =	shalt  }
0x4e: {  	_ =	shalt  }
0x4f: {  	_ =	shalt  }
0x50: {  	_ =	shalt  }
0x51: {  	_ =	shalt  }
0x52: {  	_ =	shalt  }
0x53: {  	_ =	shalt  }
0x54: {  	_ =	shalt  }
0x55: {  	_ =	shalt  }
0x56: {  	_ =	shalt  }
0x57: {  	_ =	shalt  }
0x58: {  	_ =	shalt  }
0x59: {  	_ =	shalt  }
0x5a: {  	_ =	shalt  }
0x5b: {  	_ =	shalt  }
0x5c: {  	_ =	shalt  }
0x5d: {  	_ =	shalt  }
0x5e: {  	_ =	shalt  }
0x5f: {  	_ =	shalt  }
0x60: {  	_ =	shalt  }
0x61: {  	_ =	shalt  }
0x62: {  	_ =	shalt  }
0x63: {  	_ =	shalt  }
0x64: {  	_ =	shalt  }
0x65: {  	_ =	shalt  }
0x66: {  	_ =	shalt  }
0x67: {  	_ =	shalt  }
0x68: {  	_ =	shalt  }
0x69: {  	_ =	shalt  }
0x6a: {  	_ =	shalt  }
0x6b: {  	_ =	shalt  }
0x6c: {  	_ =	shalt  }
0x6d: {  	_ =	shalt  }
0x6e: {  	_ =	shalt  }
0x6f: {  	_ =	shalt  }
0x70: {  	_ =	shalt  }
0x71: {  	_ =	shalt  }
0x72: {  	_ =	shalt  }
0x73: {  	_ =	shalt  }
0x74: {  	_ =	shalt  }
0x75: {  	_ =	shalt  }
0x76: {  	_ =	shalt  }
0x77: {  	_ =	shalt  }
0x78: {  	_ =	shalt  }
0x79: {  	_ =	shalt  }
0x7a: {  	_ =	shalt  }
0x7b: {  	_ =	shalt  }
0x7c: {  	_ =	shalt  }
0x7d: {  	_ =	shalt  }
0x7e: {  	_ =	shalt  }
0x7f: {  	_ =	shalt  }
0x80: {  	_ =	shalt  }
0x81: {  	_ =	shalt  }
0x82: {  	_ =	shalt  }
0x83: {  	_ =	shalt  }
0x84: {  	_ =	shalt  }
0x85: {  	_ =	shalt  }
0x86: {  	_ =	shalt  }
0x87: {  	_ =	shalt  }
.Lfunc_end0:
.L_simem_size_0:
called_computation_lowered:
.L_overlay_start_0:
0x88: {  	s2 =	sld [smem:$0x3FD9]  }
0x89: {  	s3 =	sld [smem:$0x3FFE];
	_ =	sdelay $0x1  }
0x8a: {  	s1 =	srdreg.scid  }
0x8b: {  	s0 =	sand.u32 $0x1, s1  }
0x8c: {  	s18 =	sshll.u32 s0, $0xA;
	s2 =	sadd.s32 s3, s2  }
0x8d: {  	s2 =	sadd.s32 s2, s18  }
0x8e: {  	[smem:$0x3FBF] =	sst s2  }
0x8f: {  	_ = 	snop  }
0x90: {  	s2 =	sld [smem:$0x3FC9]  }
0x91: {  	s19 =	sld [smem:$0x3FC8]  }
0x92: {  	s4 =	sld [smem:$0x3FD0];
	(tm) =	ssettm $0x1  }
0x93: {  	s5 =	sld [smem:$0x3FFB];
	_ =	sdelay $0x3  }
0x94: {  	_ =	strace s5  }
0x95: {  	s5 =	sld [smem:$0x3FFC];
	_ =	sdelay $0x3  }
0x96: {  	_ =	strace s5  }
0x97: {  	s5 =	sld [smem:$0x3FFD];
	_ =	sdelay $0x3  }
0x98: {  	_ =	strace s5  }
0x99: {  	_ =	strace $0x8FFFFFFF  }
0x9a: {  	s20 =	sld [smem:$0x3FDB];
	_ =	sdelay $0x1  }
0x9b: {  	s6 =	simm.s32 $_scs_section_size  }
0x9c: {  	s7 =	simm.s32 $_size__tile_overlayer_lowered;
	s8 =	simm.s32 $_tile_overlayer_lowered  }
0x9d: {  	s23 =	simm.s32 $0x1BFF;
	s22 =	sshll.u32 s8, $0x1;
	s5 =	sadd.s32 s6, s20  }
0x9e: {  	s9 =	simm.s32 $0x0;
	s21 =	sshll.u32 s7, $0x1;
	s7 =	sadd.s32 s22, s5  }
0x9f: {  	[timem:s9], [sflag:s23] =	dma.local [hbm:s7], s21  }
0xa0: {  	_ =	swait.ge [sflag:s23], s21  }
0xa1: {  	s6 =	ssub.s32 $0x0, s21;
	[sflag:s23] =	ssyncset.done $0x0  }
0xa2: {  	[sflag:s23] =	ssyncadd.s32 s6;
	_ =	sdelay $0x1  }
0xa3: {  	s24 =	simm.s32 $0x1B8B  }
0xa4: {  	_ =	swait.ge [sflag:s24], $0x1  }
0xa5: {  	[sflag:s24] =	ssyncset.done $0x0  }
0xa6: {  	s25 =	simm.s32 $0x1B8E;
	[sflag:s24] =	ssyncadd.s32 $0xFFFFFFFF  }
0xa7: {  	s26 =	simm.s32 $execute0_lowered;
	[smem:$0x3FD2] =	sst s25  }
0xa8: {  	s6 =	sshll.u32 s26, $0x1;
	_ =	strace $0x80000046;
	[dreg:$0x1] =	wrdreg $0xFFFFFFFF  }
0xa9: {  	s28 =	simm.s32 $_size_execute0_lowered;
	s5 =	sadd.s32 s5, s6;
	[dreg:$0x0] =	wrdreg $0x0  }
0xaa: {  	s6 =	sshll.u32 s28, $0x1;
	[dreg:$0x2] =	wrdreg s5  }
0xab: {  	[dreg:$0x3] =	wrdreg s6  }
0xac: {  	[dreg:$0x4] =	wrdreg $0xC0  }
0xad: {  	_ =	task [dreg:s9], $0x5FFFF  }
0xae: {  	[dreg:$0x1] =	wrdreg $0xFFFFFFFF  }
0xaf: {  	[dreg:$0x0] =	wrdreg $0x60  }
0xb0: {  	[dreg:$0x2] =	wrdreg s2  }
0xb1: {  	[dreg:$0x3] =	wrdreg s19  }
0xb2: {  	[dreg:$0x4] =	wrdreg s4  }
0xb3: {  	[dreg:$0x5] =	wrdreg $0x9  }
0xb4: {  	_ =	task.clear_ibuf [dreg:s9], $0x6FFFF;
	_ =	strace $0x90000046  }
0xb5: {  	s29 =	simm.s32 $0x9;
	_ =	strace $0x80000048  }
0xb6: {  	_ =	swait.ge [sflag:s29], $0x1  }
0xb7: {  	[sflag:s29] =	ssyncadd.s32 $0xFFFFFFFF  }
0xb8: {  	_ =	strace $0x90000048  }
0xb9: {  	_ =	sfence  }
0xba: {  	s30 =	sld [smem:$0x0];
	_ =	sdelay $0x2  }
0xbb: {  	s31 =	sshll.u32 s1, $0xD;
	s1 =	sshrl.u32 s1, $0x2  }
0xbc: {  	s3 =	sand.u32 $0x4000, s31;
	s1 =	sadd.s32 s1, s30  }
0xbd: {  	s0 =	sor.u32 s3, s0;
	s1 =	sshll.u32 s1, $0x11  }
0xbe: {  	s0 =	sor.u32 s1, s0  }
0xbf: {  	s0 =	sadd.s32 $0x8F2B, s0  }
0xc0: {  	[sflag:s0] =	ssyncadd.remote.s32 $0x1  }
0xc1: {  	_ =	sfence.sel $0xFFFF  }
0xc2: {  	[dreg:$0x0] =	wrdreg $0xFFFFFFFF;
	(pc) =	sbr.abs _section_cstart, $3  }
0xc3: {  	[dreg:$0x1] =	wrdreg $0xFFFFFFFF  }
0xc4: {  	_ =	task.clear_ibuf [dreg:s9], $0x2FFFF;
	_ =	strace $0x9FFFFFFF  }
0xc5: {  	(tm) =	ssettm $0x7FFFFFFF  }
tec
execute0_lowered:
.L_overlay_start_1:
0x0: {  	(tag) =	ssettag $0x1  }
0x1: {  	s20 =	rddreg [dreg:$0x0]  }
0x2: {  	s4 =	rddreg [dreg:$0x1]  }
0x3: {  	s0 =	rddreg [dreg:$0x2];
	s1 =	srdreg.scid  }
0x4: {  	s6 =	simm.s32 $0x0;
	s5 =	stileid.u32;
	s15 =	simm.s32 $0x400  }
0x5: {  	v0 =	vimm.s32 $0xEFCDAB89;
	s28 =	simm.s32 $0x14380;
	s29 =	simm.s32 $0x14400;
	s30 =	simm.s32 $0x14480  }
0x6: {  	v1 =	vimm.s32 $0x67452301;
	s31 =	simm.s32 $0x14500;
	s16 =	simm.s32 $0x14680;
	s17 =	simm.s32 $0x14700  }
0x7: {  	v2 =	vimm.s32 $0xDCFE98BA;
	v3 =	vimm.s32 $0x54761032;
	s7 =	simm.s32 $0x14880;
	s8 =	simm.s32 $0x2;
	s9 =	simm.s32 $0x0  }
0x8: {  	v4 =	vimm.s32 $0xBA98FEDC;
	v5 =	vimm.s32 $0x32107654;
	s1 =	sand.u32 $0x1, s1;
	[smem:$0x7FF] =	sst s6;
	s22 =	sadd.s32 $0x40000, s20  }
0x9: {  	v6 =	vimm.s32 $0xFEDCBA98;
	v7 =	vimm.s32 $0x76543210;
	s25 =	sadd.s32 $0x40, s20;
	_ =	strace $0x80000047;
	[dreg:$0x5] =	wrdreg s22  }
0xa: {  	vm0 =	vmmov $0x1;
	vm1 =	vcmask $0x320;
	vm2 =	vcmask $0x720;
	s2 =	ssub.s32 $0x2, s1;
	s1 =	sshll.u32 s1, $0x4;
	[dreg:$0x9] =	wrdreg s25  }
0xb: {  	vm3 =	vcmask $0xB20;
	vm4 =	vcmask $0xF20;
	v0 =	vunpack.c.l.s4.s8 v0;
	s25 =	simm.s32 $0x14280;
	s3 =	sshrl.u32 s2, $0x1;
	s1 =	sor.u32 s5, s1  }
0xc: {  	v1 =	vunpack.c.l.s4.s8 v1;
	v2 =	vunpack.c.l.s4.s8 v2;
	v3 =	vunpack.c.l.s4.s8 v3;
	s2 =	ssub.s32 s2, s3;
	s19 =	sshll.u32 s1, $0x10;
	s24 =	sshll.u32 s1, $0x4  }
0xd: {  	v4 =	vunpack.c.l.s4.s8 v4;
	v5 =	vunpack.c.l.s4.s8 v5;
	v6 =	vunpack.c.l.s4.s8 v6;
	s21 =	sshll.u32 s1, $0xD;
	s3 =	sadd.s32 s4, s19;
	[dreg:$0x8] =	wrdreg s24  }
0xe: {  	v0 =	vunpack.c.0.s8.s32 v0;
	v1 =	vunpack.c.0.s8.s32 v1;
	v2 =	vunpack.c.0.s8.s32 v2;
	s1 =	sshll.u32 s1, $0x5;
	s23 =	sadd.s32 s20, s21;
	[dreg:$0x4] =	wrdreg s3  }
0xf: {  	v3 =	vunpack.c.0.s8.s32 v3;
	v4 =	vunpack.c.0.s8.s32 v4;
	v5 =	vunpack.c.0.s8.s32 v5;
	s5 =	simm.s32 $0x14800;
	s0 =	sadd.s32 s0, s1;
	[dreg:$0x6] =	wrdreg s23  }
0x10: {  	vm5 =	vcmask $0x1320;
	v7 =	vunpack.c.l.s4.s8 v7;
	s26 =	smax.u32 s2, $0x1;
	v1 =	vcombine.low v1, v0;
	s4 =	simm.s32 $0x14780;
	[dreg:$0xb] =	wrdreg s0  }
0x11: {  	v2 =	vcombine.low v3, v2;
	v3 =	vcombine.low v5, v4;
	v4 =	vunpack.c.0.s8.s32 v6;
	s3 =	sadd.s32 s21, s22;
	[dreg:$0xc] =	wrdreg s26;
	s21 =	simm.s32 $0x1  }
0x12: {  	vm6 =	vcmask $0x1720;
	vm7 =	vcmask $0x1B20;
	v5 =	vunpack.c.0.s8.s32 v7;
	s22 =	simm.s32 $0x14100;
	s23 =	simm.s32 $0x14180;
	s26 =	simm.s32 $0x14300  }
0x13: {  	v0 =	vimm.f32 $0.0e+00;
	s0 =	simm.s32 $0x14580;
	[dreg:$0x7] =	wrdreg s3;
	s3 =	sor.u32 $0x2, s24;
	v1 =	vand.u32 $0xF, v1;
	v4 =	vand.u32 $0xF, v4  }
0x14: {  	s24 =	simm.s32 $0x14200;
	v2 =	vand.u32 $0xF, v2;
	v3 =	vand.u32 $0xF, v3;
	[dreg:$0xa] =	wrdreg s3;
	s3 =	simm.s32 $0x14600;
	v4 =	vcombine.low v4, v5  }
.LBB2_1:
0x15: {  	[tilespmem:$0x14100] =	vst v0  }
0x16: {  	[tilespmem:$0x14180] =	vst v0  }
0x17: {  	[tilespmem:$0x14200] =	vst v0  }
0x18: {  	[tilespmem:$0x14280] =	vst v0  }
0x19: {  	[tilespmem:$0x14300] =	vst v0  }
0x1a: {  	[tilespmem:$0x14380] =	vst v0  }
0x1b: {  	[tilespmem:$0x14400] =	vst v0  }
0x1c: {  	[tilespmem:$0x14480] =	vst v0  }
0x1d: {  	[tilespmem:$0x14500] =	vst v0  }
0x1e: {  	[tilespmem:$0x14580] =	vst v0  }
0x1f: {  	[tilespmem:$0x14600] =	vst v0  }
0x20: {  	[tilespmem:$0x14680] =	vst v0  }
0x21: {  	[tilespmem:$0x14700] =	vst v0  }
0x22: {  	[tilespmem:$0x14780] =	vst v0  }
0x23: {  	[dreg:$0xd] =	wrdreg s9;
	[tilespmem:$0x14800] =	vst v0  }
0x24: {  	[tilespmem:$0x14880] =	vst v0;
	s1 =	rddreg [dreg:$0x4]  }
0x25: {  	[tilespmem:s6], [sflag:$0x1] =	stream.linear.gather [hbm4b:s1+s6], $0x8000, $0x38;
	[tilespmem:$0x14900] =	vst v63  }
0x26: {  	s13 =	rddreg [dreg:$0x6];
	s2 =	simm.s32 $0x200;
	s14 =	simm.s32 $0x10000  }
0x27: {  	[tilespmem:s14], [sflag:$0x1] =	stream.strided.gather [hbm4b:s13+s2], $0x1000, s15, s2, $0x38;
	[tilespmem:$0x14900] =	vst v63  }
0x28: {  	s18 =	rddreg [dreg:$0x7];
	s19 =	simm.s32 $0x12000;
	s12 =	simm.s32 $0x0  }
0x29: {  	[tilespmem:s19], [sflag:$0x1] =	stream.strided.gather [hbm4b:s18+s2], $0x1000, s15, s2, $0x38;
	[tilespmem:$0x14900] =	vst v63  }
.LBB2_2:
0x2a: {  	s13 =	sshll.u32 s12, $0x1;
	s1 =	rddreg [dreg:$0x8]  }
0x2b: {  	s1 =	sor.u32 s13, s1  }
0x2c: {  	s2 =	rddreg [dreg:$0x1];
	s18 =	simm.s32 $0x0;
	s1 =	sshll.u32 s1, $0xC  }
0x2d: {  	s6 =	simm.s32 $0x8000;
	s14 =	rddreg [dreg:$0x9];
	s2 =	sadd.s32 s1, s2  }
0x2e: {  	s19 =	simm.s32 $0x200;
	s1 =	sshrl.u32 s1, $0x3;
	s2 =	sadd.s32 $0x1000, s2  }
0x2f: {  	[tilespmem:s6], [sflag:$0x2] =	stream.linear.gather [hbm4b:s2+s18], $0x8000, $0x38;
	[tilespmem:$0x14900] =	vst v63  }
0x30: {  	s9 =	simm.s32 $0x11000;
	s2 =	sadd.s32 s1, s14;
	s1 =	sadd.s32 s20, s1  }
0x31: {  	[tilespmem:s9], [sflag:$0x2] =	stream.strided.gather [hbm4b:s2+s19], $0x1000, s15, s19, $0x38;
	[tilespmem:$0x14900] =	vst v63  }
0x32: {  	s10 =	simm.s32 $0x13000;
	s1 =	sadd.s32 $0x40040, s1  }
0x33: {  	[tilespmem:s10], [sflag:$0x2] =	stream.strided.gather [hbm4b:s1+s19], $0x1000, s15, s19, $0x38;
	[tilespmem:$0x14900] =	vst v63  }
0x34: {  	_ =	swait.ge [sflag:s21], $0x8000  }
0x35: {  	[sflag:s21] =	ssyncset.done $0x0  }
0x36: {  	[sflag:s21] =	ssyncadd.s32 $0xFFFF8000  }
0x37: {  	_ =	swait.ge [sflag:s21], $0x1000  }
0x38: {  	[sflag:s21] =	ssyncset.done $0x0  }
0x39: {  	s11 =	simm.s32 $0x0;
	[sflag:s21] =	ssyncadd.s32 $0xFFFFF000  }
0x3a: {  	s14 =	smov.u32 s20;
	s20 =	simm.s32 $0x0;
	_ =	swait.ge [sflag:s21], $0x1000  }
0x3b: {  	s19 =	sand.u32 $0x70, s18;
	s1 =	sand.u32 $0xFFFFFE00, s11;
	[sflag:s21] =	ssyncset.done $0x0  }
0x3c: {  	s2 =	sand.u32 $0x3FFFFC00, s20;
	s1 =	sor.u32 s19, s1;
	[sflag:s21] =	ssyncadd.s32 $0xFFFFF000  }
0x3d: {  	s2 =	sor.u32 s19, s2;
	v5 =	vld [tilespmem:s1+$0x10000]  }
0x3e: {  	v6 =	vld [tilespmem:s2+$0x0]  }
0x3f: {  	v7 =	vld [tilespmem:s1+$0x12000];
	_ =	sdelay $0x3  }
0x40: {  	v8 =	vmul.f32 v6, v5  }
0x41: {  	v6 =	vmul.f32 v6, v7  }
0x42: {  	[tilespmem:s22+$0x0] =	vst.add.f32.msk $0xffff, v8  }
0x43: {  	[tilespmem:s23+$0x0] =	vst.add.f32.msk $0xffff, v6  }
0x44: {  	v6 =	vld [tilespmem:s2+$0x80];
	_ =	sdelay $0x4  }
0x45: {  	v8 =	vmul.f32 v6, v5  }
0x46: {  	v6 =	vmul.f32 v6, v7  }
0x47: {  	[tilespmem:s24+$0x0] =	vst.add.f32.msk $0xffff, v8  }
0x48: {  	[tilespmem:s25+$0x0] =	vst.add.f32.msk $0xffff, v6  }
0x49: {  	v6 =	vld [tilespmem:s2+$0x100];
	_ =	sdelay $0x4  }
0x4a: {  	v8 =	vmul.f32 v6, v5  }
0x4b: {  	v6 =	vmul.f32 v6, v7  }
0x4c: {  	[tilespmem:s26+$0x0] =	vst.add.f32.msk $0xffff, v8  }
0x4d: {  	[tilespmem:s28+$0x0] =	vst.add.f32.msk $0xffff, v6  }
0x4e: {  	v6 =	vld [tilespmem:s2+$0x180];
	_ =	sdelay $0x4  }
0x4f: {  	v8 =	vmul.f32 v6, v5  }
0x50: {  	v6 =	vmul.f32 v6, v7  }
0x51: {  	[tilespmem:s29+$0x0] =	vst.add.f32.msk $0xffff, v8  }
0x52: {  	[tilespmem:s30+$0x0] =	vst.add.f32.msk $0xffff, v6  }
0x53: {  	v6 =	vld [tilespmem:s2+$0x200];
	_ =	sdelay $0x4  }
0x54: {  	v8 =	vmul.f32 v6, v5  }
0x55: {  	v6 =	vmul.f32 v6, v7  }
0x56: {  	[tilespmem:s31+$0x0] =	vst.add.f32.msk $0xffff, v8  }
0x57: {  	[tilespmem:s0+$0x0] =	vst.add.f32.msk $0xffff, v6  }
0x58: {  	v6 =	vld [tilespmem:s2+$0x280];
	_ =	sdelay $0x4  }
0x59: {  	v8 =	vmul.f32 v6, v5  }
0x5a: {  	v6 =	vmul.f32 v6, v7  }
0x5b: {  	[tilespmem:s3+$0x0] =	vst.add.f32.msk $0xffff, v8  }
0x5c: {  	[tilespmem:s16+$0x0] =	vst.add.f32.msk $0xffff, v6  }
0x5d: {  	v6 =	vld [tilespmem:s2+$0x300];
	_ =	sdelay $0x4  }
0x5e: {  	v8 =	vmul.f32 v6, v5  }
0x5f: {  	v6 =	vmul.f32 v6, v7  }
0x60: {  	[tilespmem:s17+$0x0] =	vst.add.f32.msk $0xffff, v8  }
0x61: {  	[tilespmem:s4+$0x0] =	vst.add.f32.msk $0xffff, v6  }
0x62: {  	v8 =	vld [tilespmem:s2+$0x380];
	_ =	sdelay $0x4  }
0x63: {  	s6 =	simm.s32 $0x2;
	s20 =	simm.s32 $0x1;
	s2 =	simm.s32 $0x10;
	v6 =	vmul.f32 v8, v5;
	v5 =	vmul.f32 v8, v7  }
.LBB2_3:
0x64: {  	s9 =	sshll.u32 s20, $0x6  }
0x65: {  	s10 =	sshll.u32 s20, $0x7;
	s20 =	smov.u32 s6;
	s1 =	sadd.s32 $0x1, s6  }
0x66: {  	s11 =	sand.u32 $0x70, s2;
	s9 =	sand.u32 $0xFFFFFE00, s9;
	s10 =	sand.u32 $0x3FFFFC00, s10;
	[tilespmem:s5+$0x0] =	vst.add.f32.msk $0xffff, v6  }
0x67: {  	p0 =	sne.s32 s6, $0x3F;
	s9 =	sor.u32 s11, s9;
	s6 =	sor.u32 s11, s10;
	[tilespmem:s7+$0x0] =	vst.add.f32.msk $0xffff, v5  }
0x68: {  	v5 =	vld [tilespmem:s9+$0x12000]  }
0x69: {  	v6 =	vld [tilespmem:s9+$0x10000]  }
0x6a: {  	v7 =	vld [tilespmem:s6+$0x0];
	_ =	sdelay $0x4  }
0x6b: {  	v8 =	vmul.f32 v7, v6;
	v7 =	vmul.f32 v7, v5;
	_ =	sdelay $0x1  }
0x6c: {  	[tilespmem:s22+$0x0] =	vst.add.f32.msk $0xffff, v8  }
0x6d: {  	[tilespmem:s23+$0x0] =	vst.add.f32.msk $0xffff, v7  }
0x6e: {  	v7 =	vld [tilespmem:s6+$0x80];
	_ =	sdelay $0x4  }
0x6f: {  	v8 =	vmul.f32 v7, v6;
	v7 =	vmul.f32 v7, v5;
	_ =	sdelay $0x1  }
0x70: {  	[tilespmem:s24+$0x0] =	vst.add.f32.msk $0xffff, v8  }
0x71: {  	[tilespmem:s25+$0x0] =	vst.add.f32.msk $0xffff, v7  }
0x72: {  	v7 =	vld [tilespmem:s6+$0x100];
	_ =	sdelay $0x4  }
0x73: {  	v8 =	vmul.f32 v7, v6;
	v7 =	vmul.f32 v7, v5;
	_ =	sdelay $0x1  }
0x74: {  	[tilespmem:s26+$0x0] =	vst.add.f32.msk $0xffff, v8  }
0x75: {  	[tilespmem:s28+$0x0] =	vst.add.f32.msk $0xffff, v7  }
0x76: {  	v7 =	vld [tilespmem:s6+$0x180];
	_ =	sdelay $0x4  }
0x77: {  	v8 =	vmul.f32 v7, v6;
	v7 =	vmul.f32 v7, v5;
	_ =	sdelay $0x1  }
0x78: {  	[tilespmem:s29+$0x0] =	vst.add.f32.msk $0xffff, v8  }
0x79: {  	[tilespmem:s30+$0x0] =	vst.add.f32.msk $0xffff, v7  }
0x7a: {  	v7 =	vld [tilespmem:s6+$0x200];
	_ =	sdelay $0x4  }
0x7b: {  	v8 =	vmul.f32 v7, v6;
	v7 =	vmul.f32 v7, v5;
	_ =	sdelay $0x1  }
0x7c: {  	[tilespmem:s31+$0x0] =	vst.add.f32.msk $0xffff, v8  }
0x7d: {  	[tilespmem:s0+$0x0] =	vst.add.f32.msk $0xffff, v7  }
0x7e: {  	v7 =	vld [tilespmem:s6+$0x280];
	_ =	sdelay $0x4  }
0x7f: {  	v8 =	vmul.f32 v7, v6;
	v7 =	vmul.f32 v7, v5;
	_ =	sdelay $0x1  }
0x80: {  	[tilespmem:s3+$0x0] =	vst.add.f32.msk $0xffff, v8  }
0x81: {  	[tilespmem:s16+$0x0] =	vst.add.f32.msk $0xffff, v7  }
0x82: {  	v7 =	vld [tilespmem:s6+$0x300];
	_ =	sdelay $0x4  }
0x83: {  	v8 =	vmul.f32 v7, v6;
	v7 =	vmul.f32 v7, v5;
	_ =	sdelay $0x1  }
0x84: {  	[tilespmem:s17+$0x0] =	vst.add.f32.msk $0xffff, v8  }
0x85: {  	[tilespmem:s4+$0x0] =	vst.add.f32.msk $0xffff, v7  }
0x86: {  	v7 =	vld [tilespmem:s6+$0x380]  }
.Ltmp0:
0x87: {  	(pc) =	sbr.rel @p0 .LBB2_3-.Ltmp0, $2  }
0x88: {  	_ =	sdelay $0x2  }
0x89: {  	s2 =	sadd.s32 $0x10, s2;
	s6 =	smov.u32 s1;
	v6 =	vmul.f32 v7, v6;
	v5 =	vmul.f32 v7, v5  }
0x8a: {  	s1 =	sshll.u32 s20, $0x6  }
0x8b: {  	s6 =	sshll.u32 s20, $0x7;
	s2 =	sand.u32 $0x70, s2;
	s1 =	sand.u32 $0xFFFFFE00, s1;
	[tilespmem:s5+$0x0] =	vst.add.f32.msk $0xffff, v6  }
0x8c: {  	s6 =	sand.u32 $0x3FFFFC00, s6;
	s1 =	sor.u32 s2, s1;
	[tilespmem:s7+$0x0] =	vst.add.f32.msk $0xffff, v5  }
0x8d: {  	s2 =	sor.u32 s2, s6;
	v5 =	vld [tilespmem:s1+$0x10000]  }
0x8e: {  	v6 =	vld [tilespmem:s2+$0x0]  }
0x8f: {  	v7 =	vld [tilespmem:s1+$0x12000];
	_ =	sdelay $0x3  }
0x90: {  	v8 =	vmul.f32 v6, v5  }
0x91: {  	v6 =	vmul.f32 v6, v7  }
0x92: {  	[tilespmem:s22+$0x0] =	vst.add.f32.msk $0xffff, v8  }
0x93: {  	[tilespmem:s23+$0x0] =	vst.add.f32.msk $0xffff, v6  }
0x94: {  	v6 =	vld [tilespmem:s2+$0x80];
	_ =	sdelay $0x4  }
0x95: {  	v8 =	vmul.f32 v6, v5  }
0x96: {  	v6 =	vmul.f32 v6, v7  }
0x97: {  	[tilespmem:s24+$0x0] =	vst.add.f32.msk $0xffff, v8  }
0x98: {  	[tilespmem:s25+$0x0] =	vst.add.f32.msk $0xffff, v6  }
0x99: {  	v6 =	vld [tilespmem:s2+$0x100];
	_ =	sdelay $0x4  }
0x9a: {  	v8 =	vmul.f32 v6, v5  }
0x9b: {  	v6 =	vmul.f32 v6, v7  }
0x9c: {  	[tilespmem:s26+$0x0] =	vst.add.f32.msk $0xffff, v8  }
0x9d: {  	[tilespmem:s28+$0x0] =	vst.add.f32.msk $0xffff, v6  }
0x9e: {  	v6 =	vld [tilespmem:s2+$0x180];
	_ =	sdelay $0x4  }
0x9f: {  	v8 =	vmul.f32 v6, v5  }
0xa0: {  	v6 =	vmul.f32 v6, v7  }
0xa1: {  	[tilespmem:s29+$0x0] =	vst.add.f32.msk $0xffff, v8  }
0xa2: {  	[tilespmem:s30+$0x0] =	vst.add.f32.msk $0xffff, v6  }
0xa3: {  	v6 =	vld [tilespmem:s2+$0x200];
	_ =	sdelay $0x4  }
0xa4: {  	v8 =	vmul.f32 v6, v5  }
0xa5: {  	v6 =	vmul.f32 v6, v7  }
0xa6: {  	[tilespmem:s31+$0x0] =	vst.add.f32.msk $0xffff, v8  }
0xa7: {  	[tilespmem:s0+$0x0] =	vst.add.f32.msk $0xffff, v6  }
0xa8: {  	v6 =	vld [tilespmem:s2+$0x280];
	_ =	sdelay $0x4  }
0xa9: {  	v8 =	vmul.f32 v6, v5  }
0xaa: {  	v6 =	vmul.f32 v6, v7  }
0xab: {  	[tilespmem:s3+$0x0] =	vst.add.f32.msk $0xffff, v8  }
0xac: {  	[tilespmem:s16+$0x0] =	vst.add.f32.msk $0xffff, v6  }
0xad: {  	v6 =	vld [tilespmem:s2+$0x300];
	_ =	sdelay $0x4  }
0xae: {  	v8 =	vmul.f32 v6, v5  }
0xaf: {  	v6 =	vmul.f32 v6, v7  }
0xb0: {  	[tilespmem:s17+$0x0] =	vst.add.f32.msk $0xffff, v8  }
0xb1: {  	[tilespmem:s4+$0x0] =	vst.add.f32.msk $0xffff, v6  }
0xb2: {  	v6 =	vld [tilespmem:s2+$0x380];
	_ =	sdelay $0x4  }
0xb3: {  	v5 =	vmul.f32 v6, v5  }
0xb4: {  	v6 =	vmul.f32 v6, v7  }
0xb5: {  	s11 =	sand.u32 $0xE00, s18;
	[tilespmem:s5+$0x0] =	vst.add.f32.msk $0xffff, v5  }
0xb6: {  	s20 =	sand.u32 $0x1C00, s18;
	s1 =	sor.u32 s11, s19;
	[tilespmem:s7+$0x0] =	vst.add.f32.msk $0xffff, v6  }
0xb7: {  	s2 =	sor.u32 s19, s20;
	v5 =	vld [tilespmem:s1+$0x10080]  }
0xb8: {  	v6 =	vld [tilespmem:s2+$0x2000]  }
0xb9: {  	v7 =	vld [tilespmem:s1+$0x12080];
	_ =	sdelay $0x3  }
0xba: {  	v8 =	vmul.f32 v6, v5  }
0xbb: {  	v6 =	vmul.f32 v6, v7  }
0xbc: {  	[tilespmem:s22+$0x0] =	vst.add.f32.msk $0xffff, v8  }
0xbd: {  	[tilespmem:s23+$0x0] =	vst.add.f32.msk $0xffff, v6  }
0xbe: {  	v6 =	vld [tilespmem:s2+$0x2080];
	_ =	sdelay $0x4  }
0xbf: {  	v8 =	vmul.f32 v6, v5  }
0xc0: {  	v6 =	vmul.f32 v6, v7  }
0xc1: {  	[tilespmem:s24+$0x0] =	vst.add.f32.msk $0xffff, v8  }
0xc2: {  	[tilespmem:s25+$0x0] =	vst.add.f32.msk $0xffff, v6  }
0xc3: {  	v6 =	vld [tilespmem:s2+$0x2100];
	_ =	sdelay $0x4  }
0xc4: {  	v8 =	vmul.f32 v6, v5  }
0xc5: {  	v6 =	vmul.f32 v6, v7  }
0xc6: {  	[tilespmem:s26+$0x0] =	vst.add.f32.msk $0xffff, v8  }
0xc7: {  	[tilespmem:s28+$0x0] =	vst.add.f32.msk $0xffff, v6  }
0xc8: {  	v6 =	vld [tilespmem:s2+$0x2180];
	_ =	sdelay $0x4  }
0xc9: {  	v8 =	vmul.f32 v6, v5  }
0xca: {  	v6 =	vmul.f32 v6, v7  }
0xcb: {  	[tilespmem:s29+$0x0] =	vst.add.f32.msk $0xffff, v8  }
0xcc: {  	[tilespmem:s30+$0x0] =	vst.add.f32.msk $0xffff, v6  }
0xcd: {  	v6 =	vld [tilespmem:s2+$0x2200];
	_ =	sdelay $0x4  }
0xce: {  	v8 =	vmul.f32 v6, v5  }
0xcf: {  	v6 =	vmul.f32 v6, v7  }
0xd0: {  	[tilespmem:s31+$0x0] =	vst.add.f32.msk $0xffff, v8  }
0xd1: {  	[tilespmem:s0+$0x0] =	vst.add.f32.msk $0xffff, v6  }
0xd2: {  	v6 =	vld [tilespmem:s2+$0x2280];
	_ =	sdelay $0x4  }
0xd3: {  	v8 =	vmul.f32 v6, v5  }
0xd4: {  	v6 =	vmul.f32 v6, v7  }
0xd5: {  	[tilespmem:s3+$0x0] =	vst.add.f32.msk $0xffff, v8  }
0xd6: {  	[tilespmem:s16+$0x0] =	vst.add.f32.msk $0xffff, v6  }
0xd7: {  	v6 =	vld [tilespmem:s2+$0x2300];
	_ =	sdelay $0x4  }
0xd8: {  	v8 =	vmul.f32 v6, v5  }
0xd9: {  	v6 =	vmul.f32 v6, v7  }
0xda: {  	[tilespmem:s17+$0x0] =	vst.add.f32.msk $0xffff, v8  }
0xdb: {  	[tilespmem:s4+$0x0] =	vst.add.f32.msk $0xffff, v6  }
0xdc: {  	v8 =	vld [tilespmem:s2+$0x2380];
	_ =	sdelay $0x4  }
0xdd: {  	s20 =	simm.s32 $0x0;
	s2 =	simm.s32 $0x10;
	v6 =	vmul.f32 v8, v5;
	v5 =	vmul.f32 v8, v7  }
.LBB2_5:
0xde: {  	p0 =	sne.s32 s2, $0x3F0;
	s18 =	sadd.s32 $0x80, s18;
	s20 =	sadd.s32 $0x40, s20  }
0xdf: {  	s1 =	sand.u32 $0x70, s2;
	s6 =	sand.u32 $0xE00, s20;
	s9 =	sand.u32 $0x1C00, s18;
	[tilespmem:s5+$0x0] =	vst.add.f32.msk $0xffff, v6  }
0xe0: {  	s2 =	sadd.s32 $0x10, s2;
	s6 =	sor.u32 s6, s1;
	s1 =	sor.u32 s1, s9;
	[tilespmem:s7+$0x0] =	vst.add.f32.msk $0xffff, v5  }
0xe1: {  	v5 =	vld [tilespmem:s6+$0x12080]  }
0xe2: {  	v6 =	vld [tilespmem:s6+$0x10080]  }
0xe3: {  	v7 =	vld [tilespmem:s1+$0x2000];
	_ =	sdelay $0x4  }
0xe4: {  	v8 =	vmul.f32 v7, v6;
	v7 =	vmul.f32 v7, v5;
	_ =	sdelay $0x1  }
0xe5: {  	[tilespmem:s22+$0x0] =	vst.add.f32.msk $0xffff, v8  }
0xe6: {  	[tilespmem:s23+$0x0] =	vst.add.f32.msk $0xffff, v7  }
0xe7: {  	v7 =	vld [tilespmem:s1+$0x2080];
	_ =	sdelay $0x4  }
0xe8: {  	v8 =	vmul.f32 v7, v6;
	v7 =	vmul.f32 v7, v5;
	_ =	sdelay $0x1  }
0xe9: {  	[tilespmem:s24+$0x0] =	vst.add.f32.msk $0xffff, v8  }
0xea: {  	[tilespmem:s25+$0x0] =	vst.add.f32.msk $0xffff, v7  }
0xeb: {  	v7 =	vld [tilespmem:s1+$0x2100];
	_ =	sdelay $0x4  }
0xec: {  	v8 =	vmul.f32 v7, v6;
	v7 =	vmul.f32 v7, v5;
	_ =	sdelay $0x1  }
0xed: {  	[tilespmem:s26+$0x0] =	vst.add.f32.msk $0xffff, v8  }
0xee: {  	[tilespmem:s28+$0x0] =	vst.add.f32.msk $0xffff, v7  }
0xef: {  	v7 =	vld [tilespmem:s1+$0x2180];
	_ =	sdelay $0x4  }
0xf0: {  	v8 =	vmul.f32 v7, v6;
	v7 =	vmul.f32 v7, v5;
	_ =	sdelay $0x1  }
0xf1: {  	[tilespmem:s29+$0x0] =	vst.add.f32.msk $0xffff, v8  }
0xf2: {  	[tilespmem:s30+$0x0] =	vst.add.f32.msk $0xffff, v7  }
0xf3: {  	v7 =	vld [tilespmem:s1+$0x2200];
	_ =	sdelay $0x4  }
0xf4: {  	v8 =	vmul.f32 v7, v6;
	v7 =	vmul.f32 v7, v5;
	_ =	sdelay $0x1  }
0xf5: {  	[tilespmem:s31+$0x0] =	vst.add.f32.msk $0xffff, v8  }
0xf6: {  	[tilespmem:s0+$0x0] =	vst.add.f32.msk $0xffff, v7  }
0xf7: {  	v7 =	vld [tilespmem:s1+$0x2280];
	_ =	sdelay $0x4  }
0xf8: {  	v8 =	vmul.f32 v7, v6;
	v7 =	vmul.f32 v7, v5;
	_ =	sdelay $0x1  }
0xf9: {  	[tilespmem:s3+$0x0] =	vst.add.f32.msk $0xffff, v8  }
0xfa: {  	[tilespmem:s16+$0x0] =	vst.add.f32.msk $0xffff, v7  }
0xfb: {  	v7 =	vld [tilespmem:s1+$0x2300];
	_ =	sdelay $0x4  }
0xfc: {  	v8 =	vmul.f32 v7, v6;
	v7 =	vmul.f32 v7, v5;
	_ =	sdelay $0x1  }
0xfd: {  	[tilespmem:s17+$0x0] =	vst.add.f32.msk $0xffff, v8  }
0xfe: {  	[tilespmem:s4+$0x0] =	vst.add.f32.msk $0xffff, v7  }
0xff: {  	v7 =	vld [tilespmem:s1+$0x2380]  }
.Ltmp1:
0x100: {  	(pc) =	sbr.rel @p0 .LBB2_5-.Ltmp1, $2  }
0x101: {  	_ =	sdelay $0x2  }
0x102: {  	s19 =	simm.s32 $0x0;
	v6 =	vmul.f32 v7, v6;
	v5 =	vmul.f32 v7, v5  }
0x103: {  	_ = 	snop  }
0x104: {  	s1 =	sand.u32 $0x70, s19;
	s2 =	sand.u32 $0xE00, s19;
	[tilespmem:s5+$0x0] =	vst.add.f32.msk $0xffff, v6  }
0x105: {  	s6 =	sand.u32 $0x1C00, s19;
	s20 =	sor.u32 s2, s1;
	[tilespmem:s7+$0x0] =	vst.add.f32.msk $0xffff, v5  }
0x106: {  	s18 =	sor.u32 s1, s6;
	v5 =	vld [tilespmem:s20+$0x10100]  }
0x107: {  	v6 =	vld [tilespmem:s18+$0x4000]  }
0x108: {  	v7 =	vld [tilespmem:s20+$0x12100];
	_ =	sdelay $0x3  }
0x109: {  	v8 =	vmul.f32 v6, v5  }
0x10a: {  	v6 =	vmul.f32 v6, v7  }
0x10b: {  	[tilespmem:s22+$0x0] =	vst.add.f32.msk $0xffff, v8  }
0x10c: {  	[tilespmem:s23+$0x0] =	vst.add.f32.msk $0xffff, v6  }
0x10d: {  	v6 =	vld [tilespmem:s18+$0x4080];
	_ =	sdelay $0x4  }
0x10e: {  	v8 =	vmul.f32 v6, v5  }
0x10f: {  	v6 =	vmul.f32 v6, v7  }
0x110: {  	[tilespmem:s24+$0x0] =	vst.add.f32.msk $0xffff, v8  }
0x111: {  	[tilespmem:s25+$0x0] =	vst.add.f32.msk $0xffff, v6  }
0x112: {  	v6 =	vld [tilespmem:s18+$0x4100];
	_ =	sdelay $0x4  }
0x113: {  	v8 =	vmul.f32 v6, v5  }
0x114: {  	v6 =	vmul.f32 v6, v7  }
0x115: {  	[tilespmem:s26+$0x0] =	vst.add.f32.msk $0xffff, v8  }
0x116: {  	[tilespmem:s28+$0x0] =	vst.add.f32.msk $0xffff, v6  }
0x117: {  	v6 =	vld [tilespmem:s18+$0x4180];
	_ =	sdelay $0x4  }
0x118: {  	v8 =	vmul.f32 v6, v5  }
0x119: {  	v6 =	vmul.f32 v6, v7  }
0x11a: {  	[tilespmem:s29+$0x0] =	vst.add.f32.msk $0xffff, v8  }
0x11b: {  	[tilespmem:s30+$0x0] =	vst.add.f32.msk $0xffff, v6  }
0x11c: {  	v6 =	vld [tilespmem:s18+$0x4200];
	_ =	sdelay $0x4  }
0x11d: {  	v8 =	vmul.f32 v6, v5  }
0x11e: {  	v6 =	vmul.f32 v6, v7  }
0x11f: {  	[tilespmem:s31+$0x0] =	vst.add.f32.msk $0xffff, v8  }
0x120: {  	[tilespmem:s0+$0x0] =	vst.add.f32.msk $0xffff, v6  }
0x121: {  	v6 =	vld [tilespmem:s18+$0x4280];
	_ =	sdelay $0x4  }
0x122: {  	v8 =	vmul.f32 v6, v5  }
0x123: {  	v6 =	vmul.f32 v6, v7  }
0x124: {  	[tilespmem:s3+$0x0] =	vst.add.f32.msk $0xffff, v8  }
0x125: {  	[tilespmem:s16+$0x0] =	vst.add.f32.msk $0xffff, v6  }
0x126: {  	v6 =	vld [tilespmem:s18+$0x4300];
	_ =	sdelay $0x4  }
0x127: {  	v8 =	vmul.f32 v6, v5  }
0x128: {  	v6 =	vmul.f32 v6, v7  }
0x129: {  	[tilespmem:s17+$0x0] =	vst.add.f32.msk $0xffff, v8  }
0x12a: {  	[tilespmem:s4+$0x0] =	vst.add.f32.msk $0xffff, v6  }
0x12b: {  	v8 =	vld [tilespmem:s18+$0x4380];
	_ =	sdelay $0x4  }
0x12c: {  	s2 =	simm.s32 $0x10;
	s1 =	simm.s32 $0x0;
	s6 =	simm.s32 $0x0;
	v6 =	vmul.f32 v8, v5;
	v5 =	vmul.f32 v8, v7  }
.LBB2_7:
0x12d: {  	p0 =	sne.s32 s2, $0x3F0;
	s1 =	sadd.s32 $0x80, s1;
	s6 =	sadd.s32 $0x40, s6  }
0x12e: {  	s9 =	sand.u32 $0x70, s2;
	s10 =	sand.u32 $0xE00, s6;
	s11 =	sand.u32 $0x1C00, s1;
	[tilespmem:s5+$0x0] =	vst.add.f32.msk $0xffff, v6  }
0x12f: {  	s2 =	sadd.s32 $0x10, s2;
	s10 =	sor.u32 s10, s9;
	s9 =	sor.u32 s9, s11;
	[tilespmem:s7+$0x0] =	vst.add.f32.msk $0xffff, v5  }
0x130: {  	v5 =	vld [tilespmem:s10+$0x12100]  }
0x131: {  	v6 =	vld [tilespmem:s10+$0x10100]  }
0x132: {  	v7 =	vld [tilespmem:s9+$0x4000];
	_ =	sdelay $0x4  }
0x133: {  	v8 =	vmul.f32 v7, v6;
	v7 =	vmul.f32 v7, v5;
	_ =	sdelay $0x1  }
0x134: {  	[tilespmem:s22+$0x0] =	vst.add.f32.msk $0xffff, v8  }
0x135: {  	[tilespmem:s23+$0x0] =	vst.add.f32.msk $0xffff, v7  }
0x136: {  	v7 =	vld [tilespmem:s9+$0x4080];
	_ =	sdelay $0x4  }
0x137: {  	v8 =	vmul.f32 v7, v6;
	v7 =	vmul.f32 v7, v5;
	_ =	sdelay $0x1  }
0x138: {  	[tilespmem:s24+$0x0] =	vst.add.f32.msk $0xffff, v8  }
0x139: {  	[tilespmem:s25+$0x0] =	vst.add.f32.msk $0xffff, v7  }
0x13a: {  	v7 =	vld [tilespmem:s9+$0x4100];
	_ =	sdelay $0x4  }
0x13b: {  	v8 =	vmul.f32 v7, v6;
	v7 =	vmul.f32 v7, v5;
	_ =	sdelay $0x1  }
0x13c: {  	[tilespmem:s26+$0x0] =	vst.add.f32.msk $0xffff, v8  }
0x13d: {  	[tilespmem:s28+$0x0] =	vst.add.f32.msk $0xffff, v7  }
0x13e: {  	v7 =	vld [tilespmem:s9+$0x4180];
	_ =	sdelay $0x4  }
0x13f: {  	v8 =	vmul.f32 v7, v6;
	v7 =	vmul.f32 v7, v5;
	_ =	sdelay $0x1  }
0x140: {  	[tilespmem:s29+$0x0] =	vst.add.f32.msk $0xffff, v8  }
0x141: {  	[tilespmem:s30+$0x0] =	vst.add.f32.msk $0xffff, v7  }
0x142: {  	v7 =	vld [tilespmem:s9+$0x4200];
	_ =	sdelay $0x4  }
0x143: {  	v8 =	vmul.f32 v7, v6;
	v7 =	vmul.f32 v7, v5;
	_ =	sdelay $0x1  }
0x144: {  	[tilespmem:s31+$0x0] =	vst.add.f32.msk $0xffff, v8  }
0x145: {  	[tilespmem:s0+$0x0] =	vst.add.f32.msk $0xffff, v7  }
0x146: {  	v7 =	vld [tilespmem:s9+$0x4280];
	_ =	sdelay $0x4  }
0x147: {  	v8 =	vmul.f32 v7, v6;
	v7 =	vmul.f32 v7, v5;
	_ =	sdelay $0x1  }
0x148: {  	[tilespmem:s3+$0x0] =	vst.add.f32.msk $0xffff, v8  }
0x149: {  	[tilespmem:s16+$0x0] =	vst.add.f32.msk $0xffff, v7  }
0x14a: {  	v7 =	vld [tilespmem:s9+$0x4300];
	_ =	sdelay $0x4  }
0x14b: {  	v8 =	vmul.f32 v7, v6;
	v7 =	vmul.f32 v7, v5;
	_ =	sdelay $0x1  }
0x14c: {  	[tilespmem:s17+$0x0] =	vst.add.f32.msk $0xffff, v8  }
0x14d: {  	[tilespmem:s4+$0x0] =	vst.add.f32.msk $0xffff, v7  }
0x14e: {  	v7 =	vld [tilespmem:s9+$0x4380]  }
.Ltmp2:
0x14f: {  	(pc) =	sbr.rel @p0 .LBB2_7-.Ltmp2, $2  }
0x150: {  	_ =	sdelay $0x2  }
0x151: {  	v6 =	vmul.f32 v7, v6;
	v5 =	vmul.f32 v7, v5  }
0x152: {  	_ = 	snop  }
0x153: {  	[tilespmem:s5+$0x0] =	vst.add.f32.msk $0xffff, v6  }
0x154: {  	[tilespmem:s7+$0x0] =	vst.add.f32.msk $0xffff, v5  }
0x155: {  	v5 =	vld [tilespmem:s20+$0x10180]  }
0x156: {  	v6 =	vld [tilespmem:s18+$0x6000]  }
0x157: {  	v7 =	vld [tilespmem:s20+$0x12180];
	_ =	sdelay $0x3  }
0x158: {  	v8 =	vmul.f32 v6, v5  }
0x159: {  	v6 =	vmul.f32 v6, v7  }
0x15a: {  	[tilespmem:s22+$0x0] =	vst.add.f32.msk $0xffff, v8  }
0x15b: {  	[tilespmem:s23+$0x0] =	vst.add.f32.msk $0xffff, v6  }
0x15c: {  	v6 =	vld [tilespmem:s18+$0x6080];
	_ =	sdelay $0x4  }
0x15d: {  	v8 =	vmul.f32 v6, v5  }
0x15e: {  	v6 =	vmul.f32 v6, v7  }
0x15f: {  	[tilespmem:s24+$0x0] =	vst.add.f32.msk $0xffff, v8  }
0x160: {  	[tilespmem:s25+$0x0] =	vst.add.f32.msk $0xffff, v6  }
0x161: {  	v6 =	vld [tilespmem:s18+$0x6100];
	_ =	sdelay $0x4  }
0x162: {  	v8 =	vmul.f32 v6, v5  }
0x163: {  	v6 =	vmul.f32 v6, v7  }
0x164: {  	[tilespmem:s26+$0x0] =	vst.add.f32.msk $0xffff, v8  }
0x165: {  	[tilespmem:s28+$0x0] =	vst.add.f32.msk $0xffff, v6  }
0x166: {  	v6 =	vld [tilespmem:s18+$0x6180];
	_ =	sdelay $0x4  }
0x167: {  	v8 =	vmul.f32 v6, v5  }
0x168: {  	v6 =	vmul.f32 v6, v7  }
0x169: {  	[tilespmem:s29+$0x0] =	vst.add.f32.msk $0xffff, v8  }
0x16a: {  	[tilespmem:s30+$0x0] =	vst.add.f32.msk $0xffff, v6  }
0x16b: {  	v6 =	vld [tilespmem:s18+$0x6200];
	_ =	sdelay $0x4  }
0x16c: {  	v8 =	vmul.f32 v6, v5  }
0x16d: {  	v6 =	vmul.f32 v6, v7  }
0x16e: {  	[tilespmem:s31+$0x0] =	vst.add.f32.msk $0xffff, v8  }
0x16f: {  	[tilespmem:s0+$0x0] =	vst.add.f32.msk $0xffff, v6  }
0x170: {  	v6 =	vld [tilespmem:s18+$0x6280];
	_ =	sdelay $0x4  }
0x171: {  	v8 =	vmul.f32 v6, v5  }
0x172: {  	v6 =	vmul.f32 v6, v7  }
0x173: {  	[tilespmem:s3+$0x0] =	vst.add.f32.msk $0xffff, v8  }
0x174: {  	[tilespmem:s16+$0x0] =	vst.add.f32.msk $0xffff, v6  }
0x175: {  	v6 =	vld [tilespmem:s18+$0x6300];
	_ =	sdelay $0x4  }
0x176: {  	v8 =	vmul.f32 v6, v5  }
0x177: {  	v6 =	vmul.f32 v6, v7  }
0x178: {  	[tilespmem:s17+$0x0] =	vst.add.f32.msk $0xffff, v8  }
0x179: {  	[tilespmem:s4+$0x0] =	vst.add.f32.msk $0xffff, v6  }
0x17a: {  	v8 =	vld [tilespmem:s18+$0x6380];
	_ =	sdelay $0x4  }
0x17b: {  	s2 =	simm.s32 $0x10;
	s1 =	simm.s32 $0x0;
	v6 =	vmul.f32 v8, v5;
	v5 =	vmul.f32 v8, v7  }
.LBB2_9:
0x17c: {  	p0 =	sne.s32 s2, $0x3F0;
	s19 =	sadd.s32 $0x80, s19;
	s1 =	sadd.s32 $0x40, s1  }
0x17d: {  	s6 =	sand.u32 $0x70, s2;
	s9 =	sand.u32 $0xE00, s1;
	s10 =	sand.u32 $0x1C00, s19;
	[tilespmem:s5+$0x0] =	vst.add.f32.msk $0xffff, v6  }
0x17e: {  	s2 =	sadd.s32 $0x10, s2;
	s9 =	sor.u32 s9, s6;
	s6 =	sor.u32 s6, s10;
	[tilespmem:s7+$0x0] =	vst.add.f32.msk $0xffff, v5  }
0x17f: {  	v5 =	vld [tilespmem:s9+$0x12180]  }
0x180: {  	v6 =	vld [tilespmem:s9+$0x10180]  }
0x181: {  	v7 =	vld [tilespmem:s6+$0x6000];
	_ =	sdelay $0x4  }
0x182: {  	v8 =	vmul.f32 v7, v6;
	v7 =	vmul.f32 v7, v5;
	_ =	sdelay $0x1  }
0x183: {  	[tilespmem:s22+$0x0] =	vst.add.f32.msk $0xffff, v8  }
0x184: {  	[tilespmem:s23+$0x0] =	vst.add.f32.msk $0xffff, v7  }
0x185: {  	v7 =	vld [tilespmem:s6+$0x6080];
	_ =	sdelay $0x4  }
0x186: {  	v8 =	vmul.f32 v7, v6;
	v7 =	vmul.f32 v7, v5;
	_ =	sdelay $0x1  }
0x187: {  	[tilespmem:s24+$0x0] =	vst.add.f32.msk $0xffff, v8  }
0x188: {  	[tilespmem:s25+$0x0] =	vst.add.f32.msk $0xffff, v7  }
0x189: {  	v7 =	vld [tilespmem:s6+$0x6100];
	_ =	sdelay $0x4  }
0x18a: {  	v8 =	vmul.f32 v7, v6;
	v7 =	vmul.f32 v7, v5;
	_ =	sdelay $0x1  }
0x18b: {  	[tilespmem:s26+$0x0] =	vst.add.f32.msk $0xffff, v8  }
0x18c: {  	[tilespmem:s28+$0x0] =	vst.add.f32.msk $0xffff, v7  }
0x18d: {  	v7 =	vld [tilespmem:s6+$0x6180];
	_ =	sdelay $0x4  }
0x18e: {  	v8 =	vmul.f32 v7, v6;
	v7 =	vmul.f32 v7, v5;
	_ =	sdelay $0x1  }
0x18f: {  	[tilespmem:s29+$0x0] =	vst.add.f32.msk $0xffff, v8  }
0x190: {  	[tilespmem:s30+$0x0] =	vst.add.f32.msk $0xffff, v7  }
0x191: {  	v7 =	vld [tilespmem:s6+$0x6200];
	_ =	sdelay $0x4  }
0x192: {  	v8 =	vmul.f32 v7, v6;
	v7 =	vmul.f32 v7, v5;
	_ =	sdelay $0x1  }
0x193: {  	[tilespmem:s31+$0x0] =	vst.add.f32.msk $0xffff, v8  }
0x194: {  	[tilespmem:s0+$0x0] =	vst.add.f32.msk $0xffff, v7  }
0x195: {  	v7 =	vld [tilespmem:s6+$0x6280];
	_ =	sdelay $0x4  }
0x196: {  	v8 =	vmul.f32 v7, v6;
	v7 =	vmul.f32 v7, v5;
	_ =	sdelay $0x1  }
0x197: {  	[tilespmem:s3+$0x0] =	vst.add.f32.msk $0xffff, v8  }
0x198: {  	[tilespmem:s16+$0x0] =	vst.add.f32.msk $0xffff, v7  }
0x199: {  	v7 =	vld [tilespmem:s6+$0x6300];
	_ =	sdelay $0x4  }
0x19a: {  	v8 =	vmul.f32 v7, v6;
	v7 =	vmul.f32 v7, v5;
	_ =	sdelay $0x1  }
0x19b: {  	[tilespmem:s17+$0x0] =	vst.add.f32.msk $0xffff, v8  }
0x19c: {  	[tilespmem:s4+$0x0] =	vst.add.f32.msk $0xffff, v7  }
0x19d: {  	v7 =	vld [tilespmem:s6+$0x6380]  }
.Ltmp3:
0x19e: {  	(pc) =	sbr.rel @p0 .LBB2_9-.Ltmp3, $2  }
0x19f: {  	_ =	sdelay $0x2  }
0x1a0: {  	v6 =	vmul.f32 v7, v6;
	v5 =	vmul.f32 v7, v5  }
0x1a1: {  	p0 =	seq.s32 s12, $0x7;
	s1 =	rddreg [dreg:$0xa]  }
0x1a2: {  	s1 =	sadd.s32 @!p0 s13, s1  }
0x1a3: {  	s2 =	sshll.u32 @!p0 s1, $0xC  }
0x1a4: {  	s6 =	rddreg [dreg:$0x1];
	[tilespmem:s5+$0x0] =	vst.add.f32.msk $0xffff, v6;
	s9 =	simm.s32 @!p0 $0x400;
	s2 =	sand.u32 @!p0 $0x1FFFE000, s2  }
0x1a5: {  	[tilespmem:s7+$0x0] =	vst.add.f32.msk $0xffff, v5;
	s1 =	sshll.u32 @!p0 s1, $0x9;
	s2 =	sadd.s32 @!p0 s6, s2;
	s6 =	simm.s32 @!p0 $0x0  }
0x1a6: {  	[tilespmem:s6], [sflag:$0x1] =	stream.linear.gather @!p0 [hbm4b:s2+s6], $0x8000, $0x38;
	[tilespmem:$0x14900] =	vst v63  }
0x1a7: {  	s10 =	simm.s32 @!p0 $0x10000;
	s2 =	sadd.s32 @!p0 s14, s1;
	s6 =	simm.s32 @!p0 $0x200  }
0x1a8: {  	[tilespmem:s10], [sflag:$0x1] =	stream.strided.gather @!p0 [hbm4b:s2+s6], $0x1000, s9, s6, $0x38;
	[tilespmem:$0x14900] =	vst v63  }
0x1a9: {  	s2 =	rddreg [dreg:$0x5]  }
0x1aa: {  	s1 =	sadd.s32 @!p0 s1, s2;
	s2 =	simm.s32 @!p0 $0x12000  }
0x1ab: {  	[tilespmem:s2], [sflag:$0x1] =	stream.strided.gather @!p0 [hbm4b:s1+s6], $0x1000, s9, s6, $0x38;
	[tilespmem:$0x14900] =	vst v63  }
0x1ac: {  	_ =	swait.ge [sflag:s8], $0x8000  }
0x1ad: {  	[sflag:s8] =	ssyncset.done $0x0  }
0x1ae: {  	[sflag:s8] =	ssyncadd.s32 $0xFFFF8000  }
0x1af: {  	_ =	swait.ge [sflag:s8], $0x1000  }
0x1b0: {  	[sflag:s8] =	ssyncset.done $0x0  }
0x1b1: {  	s20 =	smov.u32 s14;
	s19 =	simm.s32 $0x0;
	[sflag:s8] =	ssyncadd.s32 $0xFFFFF000  }
0x1b2: {  	s13 =	simm.s32 $0x0;
	s14 =	simm.s32 $0x0;
	_ =	swait.ge [sflag:s8], $0x1000  }
0x1b3: {  	s18 =	sand.u32 $0x70, s13;
	s1 =	sand.u32 $0xFFFFFE00, s14;
	[sflag:s8] =	ssyncset.done $0x0  }
0x1b4: {  	s2 =	sand.u32 $0x3FFFFC00, s19;
	s1 =	sor.u32 s18, s1;
	[sflag:s8] =	ssyncadd.s32 $0xFFFFF000  }
0x1b5: {  	s2 =	sor.u32 s18, s2;
	v5 =	vld [tilespmem:s1+$0x11000]  }
0x1b6: {  	v6 =	vld [tilespmem:s2+$0x8000]  }
0x1b7: {  	v7 =	vld [tilespmem:s1+$0x13000];
	_ =	sdelay $0x3  }
0x1b8: {  	v8 =	vmul.f32 v6, v5  }
0x1b9: {  	v6 =	vmul.f32 v6, v7  }
0x1ba: {  	[tilespmem:s22+$0x0] =	vst.add.f32.msk $0xffff, v8  }
0x1bb: {  	[tilespmem:s23+$0x0] =	vst.add.f32.msk $0xffff, v6  }
0x1bc: {  	v6 =	vld [tilespmem:s2+$0x8080];
	_ =	sdelay $0x4  }
0x1bd: {  	v8 =	vmul.f32 v6, v5  }
0x1be: {  	v6 =	vmul.f32 v6, v7  }
0x1bf: {  	[tilespmem:s24+$0x0] =	vst.add.f32.msk $0xffff, v8  }
0x1c0: {  	[tilespmem:s25+$0x0] =	vst.add.f32.msk $0xffff, v6  }
0x1c1: {  	v6 =	vld [tilespmem:s2+$0x8100];
	_ =	sdelay $0x4  }
0x1c2: {  	v8 =	vmul.f32 v6, v5  }
0x1c3: {  	v6 =	vmul.f32 v6, v7  }
0x1c4: {  	[tilespmem:s26+$0x0] =	vst.add.f32.msk $0xffff, v8  }
0x1c5: {  	[tilespmem:s28+$0x0] =	vst.add.f32.msk $0xffff, v6  }
0x1c6: {  	v6 =	vld [tilespmem:s2+$0x8180];
	_ =	sdelay $0x4  }
0x1c7: {  	v8 =	vmul.f32 v6, v5  }
0x1c8: {  	v6 =	vmul.f32 v6, v7  }
0x1c9: {  	[tilespmem:s29+$0x0] =	vst.add.f32.msk $0xffff, v8  }
0x1ca: {  	[tilespmem:s30+$0x0] =	vst.add.f32.msk $0xffff, v6  }
0x1cb: {  	v6 =	vld [tilespmem:s2+$0x8200];
	_ =	sdelay $0x4  }
0x1cc: {  	v8 =	vmul.f32 v6, v5  }
0x1cd: {  	v6 =	vmul.f32 v6, v7  }
0x1ce: {  	[tilespmem:s31+$0x0] =	vst.add.f32.msk $0xffff, v8  }
0x1cf: {  	[tilespmem:s0+$0x0] =	vst.add.f32.msk $0xffff, v6  }
0x1d0: {  	v6 =	vld [tilespmem:s2+$0x8280];
	_ =	sdelay $0x4  }
0x1d1: {  	v8 =	vmul.f32 v6, v5  }
0x1d2: {  	v6 =	vmul.f32 v6, v7  }
0x1d3: {  	[tilespmem:s3+$0x0] =	vst.add.f32.msk $0xffff, v8  }
0x1d4: {  	[tilespmem:s16+$0x0] =	vst.add.f32.msk $0xffff, v6  }
0x1d5: {  	v6 =	vld [tilespmem:s2+$0x8300];
	_ =	sdelay $0x4  }
0x1d6: {  	v8 =	vmul.f32 v6, v5  }
0x1d7: {  	v6 =	vmul.f32 v6, v7  }
0x1d8: {  	[tilespmem:s17+$0x0] =	vst.add.f32.msk $0xffff, v8  }
0x1d9: {  	[tilespmem:s4+$0x0] =	vst.add.f32.msk $0xffff, v6  }
0x1da: {  	v8 =	vld [tilespmem:s2+$0x8380];
	_ =	sdelay $0x4  }
0x1db: {  	s19 =	simm.s32 $0x1;
	s6 =	simm.s32 $0x2;
	s2 =	simm.s32 $0x10;
	v6 =	vmul.f32 v8, v5;
	v5 =	vmul.f32 v8, v7  }
.LBB2_11:
0x1dc: {  	s9 =	sshll.u32 s19, $0x6  }
0x1dd: {  	s10 =	sshll.u32 s19, $0x7;
	s19 =	smov.u32 s6;
	s1 =	sadd.s32 $0x1, s6  }
0x1de: {  	s11 =	sand.u32 $0x70, s2;
	s9 =	sand.u32 $0xFFFFFE00, s9;
	s10 =	sand.u32 $0x3FFFFC00, s10;
	[tilespmem:s5+$0x0] =	vst.add.f32.msk $0xffff, v6  }
0x1df: {  	p0 =	sne.s32 s6, $0x3F;
	s9 =	sor.u32 s11, s9;
	s6 =	sor.u32 s11, s10;
	[tilespmem:s7+$0x0] =	vst.add.f32.msk $0xffff, v5  }
0x1e0: {  	v5 =	vld [tilespmem:s9+$0x13000]  }
0x1e1: {  	v6 =	vld [tilespmem:s9+$0x11000]  }
0x1e2: {  	v7 =	vld [tilespmem:s6+$0x8000];
	_ =	sdelay $0x4  }
0x1e3: {  	v8 =	vmul.f32 v7, v6;
	v7 =	vmul.f32 v7, v5;
	_ =	sdelay $0x1  }
0x1e4: {  	[tilespmem:s22+$0x0] =	vst.add.f32.msk $0xffff, v8  }
0x1e5: {  	[tilespmem:s23+$0x0] =	vst.add.f32.msk $0xffff, v7  }
0x1e6: {  	v7 =	vld [tilespmem:s6+$0x8080];
	_ =	sdelay $0x4  }
0x1e7: {  	v8 =	vmul.f32 v7, v6;
	v7 =	vmul.f32 v7, v5;
	_ =	sdelay $0x1  }
0x1e8: {  	[tilespmem:s24+$0x0] =	vst.add.f32.msk $0xffff, v8  }
0x1e9: {  	[tilespmem:s25+$0x0] =	vst.add.f32.msk $0xffff, v7  }
0x1ea: {  	v7 =	vld [tilespmem:s6+$0x8100];
	_ =	sdelay $0x4  }
0x1eb: {  	v8 =	vmul.f32 v7, v6;
	v7 =	vmul.f32 v7, v5;
	_ =	sdelay $0x1  }
0x1ec: {  	[tilespmem:s26+$0x0] =	vst.add.f32.msk $0xffff, v8  }
0x1ed: {  	[tilespmem:s28+$0x0] =	vst.add.f32.msk $0xffff, v7  }
0x1ee: {  	v7 =	vld [tilespmem:s6+$0x8180];
	_ =	sdelay $0x4  }
0x1ef: {  	v8 =	vmul.f32 v7, v6;
	v7 =	vmul.f32 v7, v5;
	_ =	sdelay $0x1  }
0x1f0: {  	[tilespmem:s29+$0x0] =	vst.add.f32.msk $0xffff, v8  }
0x1f1: {  	[tilespmem:s30+$0x0] =	vst.add.f32.msk $0xffff, v7  }
0x1f2: {  	v7 =	vld [tilespmem:s6+$0x8200];
	_ =	sdelay $0x4  }
0x1f3: {  	v8 =	vmul.f32 v7, v6;
	v7 =	vmul.f32 v7, v5;
	_ =	sdelay $0x1  }
0x1f4: {  	[tilespmem:s31+$0x0] =	vst.add.f32.msk $0xffff, v8  }
0x1f5: {  	[tilespmem:s0+$0x0] =	vst.add.f32.msk $0xffff, v7  }
0x1f6: {  	v7 =	vld [tilespmem:s6+$0x8280];
	_ =	sdelay $0x4  }
0x1f7: {  	v8 =	vmul.f32 v7, v6;
	v7 =	vmul.f32 v7, v5;
	_ =	sdelay $0x1  }
0x1f8: {  	[tilespmem:s3+$0x0] =	vst.add.f32.msk $0xffff, v8  }
0x1f9: {  	[tilespmem:s16+$0x0] =	vst.add.f32.msk $0xffff, v7  }
0x1fa: {  	v7 =	vld [tilespmem:s6+$0x8300];
	_ =	sdelay $0x4  }
0x1fb: {  	v8 =	vmul.f32 v7, v6;
	v7 =	vmul.f32 v7, v5;
	_ =	sdelay $0x1  }
0x1fc: {  	[tilespmem:s17+$0x0] =	vst.add.f32.msk $0xffff, v8  }
0x1fd: {  	[tilespmem:s4+$0x0] =	vst.add.f32.msk $0xffff, v7  }
0x1fe: {  	v7 =	vld [tilespmem:s6+$0x8380]  }
.Ltmp4:
0x1ff: {  	(pc) =	sbr.rel @p0 .LBB2_11-.Ltmp4, $2  }
0x200: {  	_ =	sdelay $0x2  }
0x201: {  	s2 =	sadd.s32 $0x10, s2;
	s6 =	smov.u32 s1;
	v6 =	vmul.f32 v7, v6;
	v5 =	vmul.f32 v7, v5  }
0x202: {  	s1 =	sshll.u32 s19, $0x6  }
0x203: {  	s6 =	sshll.u32 s19, $0x7;
	s2 =	sand.u32 $0x70, s2;
	s1 =	sand.u32 $0xFFFFFE00, s1;
	[tilespmem:s5+$0x0] =	vst.add.f32.msk $0xffff, v6  }
0x204: {  	s6 =	sand.u32 $0x3FFFFC00, s6;
	s1 =	sor.u32 s2, s1;
	[tilespmem:s7+$0x0] =	vst.add.f32.msk $0xffff, v5  }
0x205: {  	s2 =	sor.u32 s2, s6;
	v5 =	vld [tilespmem:s1+$0x11000]  }
0x206: {  	v6 =	vld [tilespmem:s2+$0x8000]  }
0x207: {  	v7 =	vld [tilespmem:s1+$0x13000];
	_ =	sdelay $0x3  }
0x208: {  	v8 =	vmul.f32 v6, v5  }
0x209: {  	v6 =	vmul.f32 v6, v7  }
0x20a: {  	[tilespmem:s22+$0x0] =	vst.add.f32.msk $0xffff, v8  }
0x20b: {  	[tilespmem:s23+$0x0] =	vst.add.f32.msk $0xffff, v6  }
0x20c: {  	v6 =	vld [tilespmem:s2+$0x8080];
	_ =	sdelay $0x4  }
0x20d: {  	v8 =	vmul.f32 v6, v5  }
0x20e: {  	v6 =	vmul.f32 v6, v7  }
0x20f: {  	[tilespmem:s24+$0x0] =	vst.add.f32.msk $0xffff, v8  }
0x210: {  	[tilespmem:s25+$0x0] =	vst.add.f32.msk $0xffff, v6  }
0x211: {  	v6 =	vld [tilespmem:s2+$0x8100];
	_ =	sdelay $0x4  }
0x212: {  	v8 =	vmul.f32 v6, v5  }
0x213: {  	v6 =	vmul.f32 v6, v7  }
0x214: {  	[tilespmem:s26+$0x0] =	vst.add.f32.msk $0xffff, v8  }
0x215: {  	[tilespmem:s28+$0x0] =	vst.add.f32.msk $0xffff, v6  }
0x216: {  	v6 =	vld [tilespmem:s2+$0x8180];
	_ =	sdelay $0x4  }
0x217: {  	v8 =	vmul.f32 v6, v5  }
0x218: {  	v6 =	vmul.f32 v6, v7  }
0x219: {  	[tilespmem:s29+$0x0] =	vst.add.f32.msk $0xffff, v8  }
0x21a: {  	[tilespmem:s30+$0x0] =	vst.add.f32.msk $0xffff, v6  }
0x21b: {  	v6 =	vld [tilespmem:s2+$0x8200];
	_ =	sdelay $0x4  }
0x21c: {  	v8 =	vmul.f32 v6, v5  }
0x21d: {  	v6 =	vmul.f32 v6, v7  }
0x21e: {  	[tilespmem:s31+$0x0] =	vst.add.f32.msk $0xffff, v8  }
0x21f: {  	[tilespmem:s0+$0x0] =	vst.add.f32.msk $0xffff, v6  }
0x220: {  	v6 =	vld [tilespmem:s2+$0x8280];
	_ =	sdelay $0x4  }
0x221: {  	v8 =	vmul.f32 v6, v5  }
0x222: {  	v6 =	vmul.f32 v6, v7  }
0x223: {  	[tilespmem:s3+$0x0] =	vst.add.f32.msk $0xffff, v8  }
0x224: {  	[tilespmem:s16+$0x0] =	vst.add.f32.msk $0xffff, v6  }
0x225: {  	v6 =	vld [tilespmem:s2+$0x8300];
	_ =	sdelay $0x4  }
0x226: {  	v8 =	vmul.f32 v6, v5  }
0x227: {  	v6 =	vmul.f32 v6, v7  }
0x228: {  	[tilespmem:s17+$0x0] =	vst.add.f32.msk $0xffff, v8  }
0x229: {  	[tilespmem:s4+$0x0] =	vst.add.f32.msk $0xffff, v6  }
0x22a: {  	v6 =	vld [tilespmem:s2+$0x8380];
	_ =	sdelay $0x4  }
0x22b: {  	v5 =	vmul.f32 v6, v5  }
0x22c: {  	v6 =	vmul.f32 v6, v7  }
0x22d: {  	s14 =	sand.u32 $0xE00, s13;
	[tilespmem:s5+$0x0] =	vst.add.f32.msk $0xffff, v5  }
0x22e: {  	s19 =	sand.u32 $0x1C00, s13;
	s1 =	sor.u32 s14, s18;
	[tilespmem:s7+$0x0] =	vst.add.f32.msk $0xffff, v6  }
0x22f: {  	s2 =	sor.u32 s18, s19;
	v5 =	vld [tilespmem:s1+$0x11080]  }
0x230: {  	v6 =	vld [tilespmem:s2+$0xA000]  }
0x231: {  	v7 =	vld [tilespmem:s1+$0x13080];
	_ =	sdelay $0x3  }
0x232: {  	v8 =	vmul.f32 v6, v5  }
0x233: {  	v6 =	vmul.f32 v6, v7  }
0x234: {  	[tilespmem:s22+$0x0] =	vst.add.f32.msk $0xffff, v8  }
0x235: {  	[tilespmem:s23+$0x0] =	vst.add.f32.msk $0xffff, v6  }
0x236: {  	v6 =	vld [tilespmem:s2+$0xA080];
	_ =	sdelay $0x4  }
0x237: {  	v8 =	vmul.f32 v6, v5  }
0x238: {  	v6 =	vmul.f32 v6, v7  }
0x239: {  	[tilespmem:s24+$0x0] =	vst.add.f32.msk $0xffff, v8  }
0x23a: {  	[tilespmem:s25+$0x0] =	vst.add.f32.msk $0xffff, v6  }
0x23b: {  	v6 =	vld [tilespmem:s2+$0xA100];
	_ =	sdelay $0x4  }
0x23c: {  	v8 =	vmul.f32 v6, v5  }
0x23d: {  	v6 =	vmul.f32 v6, v7  }
0x23e: {  	[tilespmem:s26+$0x0] =	vst.add.f32.msk $0xffff, v8  }
0x23f: {  	[tilespmem:s28+$0x0] =	vst.add.f32.msk $0xffff, v6  }
0x240: {  	v6 =	vld [tilespmem:s2+$0xA180];
	_ =	sdelay $0x4  }
0x241: {  	v8 =	vmul.f32 v6, v5  }
0x242: {  	v6 =	vmul.f32 v6, v7  }
0x243: {  	[tilespmem:s29+$0x0] =	vst.add.f32.msk $0xffff, v8  }
0x244: {  	[tilespmem:s30+$0x0] =	vst.add.f32.msk $0xffff, v6  }
0x245: {  	v6 =	vld [tilespmem:s2+$0xA200];
	_ =	sdelay $0x4  }
0x246: {  	v8 =	vmul.f32 v6, v5  }
0x247: {  	v6 =	vmul.f32 v6, v7  }
0x248: {  	[tilespmem:s31+$0x0] =	vst.add.f32.msk $0xffff, v8  }
0x249: {  	[tilespmem:s0+$0x0] =	vst.add.f32.msk $0xffff, v6  }
0x24a: {  	v6 =	vld [tilespmem:s2+$0xA280];
	_ =	sdelay $0x4  }
0x24b: {  	v8 =	vmul.f32 v6, v5  }
0x24c: {  	v6 =	vmul.f32 v6, v7  }
0x24d: {  	[tilespmem:s3+$0x0] =	vst.add.f32.msk $0xffff, v8  }
0x24e: {  	[tilespmem:s16+$0x0] =	vst.add.f32.msk $0xffff, v6  }
0x24f: {  	v6 =	vld [tilespmem:s2+$0xA300];
	_ =	sdelay $0x4  }
0x250: {  	v8 =	vmul.f32 v6, v5  }
0x251: {  	v6 =	vmul.f32 v6, v7  }
0x252: {  	[tilespmem:s17+$0x0] =	vst.add.f32.msk $0xffff, v8  }
0x253: {  	[tilespmem:s4+$0x0] =	vst.add.f32.msk $0xffff, v6  }
0x254: {  	v8 =	vld [tilespmem:s2+$0xA380];
	_ =	sdelay $0x4  }
0x255: {  	s1 =	simm.s32 $0x0;
	s2 =	simm.s32 $0x10;
	v6 =	vmul.f32 v8, v5;
	v5 =	vmul.f32 v8, v7  }
.LBB2_13:
0x256: {  	p0 =	sne.s32 s2, $0x3F0;
	s13 =	sadd.s32 $0x80, s13;
	s1 =	sadd.s32 $0x40, s1  }
0x257: {  	s6 =	sand.u32 $0x70, s2;
	s9 =	sand.u32 $0xE00, s1;
	s10 =	sand.u32 $0x1C00, s13;
	[tilespmem:s5+$0x0] =	vst.add.f32.msk $0xffff, v6  }
0x258: {  	s2 =	sadd.s32 $0x10, s2;
	s9 =	sor.u32 s9, s6;
	s6 =	sor.u32 s6, s10;
	[tilespmem:s7+$0x0] =	vst.add.f32.msk $0xffff, v5  }
0x259: {  	v5 =	vld [tilespmem:s9+$0x13080]  }
0x25a: {  	v6 =	vld [tilespmem:s9+$0x11080]  }
0x25b: {  	v7 =	vld [tilespmem:s6+$0xA000];
	_ =	sdelay $0x4  }
0x25c: {  	v8 =	vmul.f32 v7, v6;
	v7 =	vmul.f32 v7, v5;
	_ =	sdelay $0x1  }
0x25d: {  	[tilespmem:s22+$0x0] =	vst.add.f32.msk $0xffff, v8  }
0x25e: {  	[tilespmem:s23+$0x0] =	vst.add.f32.msk $0xffff, v7  }
0x25f: {  	v7 =	vld [tilespmem:s6+$0xA080];
	_ =	sdelay $0x4  }
0x260: {  	v8 =	vmul.f32 v7, v6;
	v7 =	vmul.f32 v7, v5;
	_ =	sdelay $0x1  }
0x261: {  	[tilespmem:s24+$0x0] =	vst.add.f32.msk $0xffff, v8  }
0x262: {  	[tilespmem:s25+$0x0] =	vst.add.f32.msk $0xffff, v7  }
0x263: {  	v7 =	vld [tilespmem:s6+$0xA100];
	_ =	sdelay $0x4  }
0x264: {  	v8 =	vmul.f32 v7, v6;
	v7 =	vmul.f32 v7, v5;
	_ =	sdelay $0x1  }
0x265: {  	[tilespmem:s26+$0x0] =	vst.add.f32.msk $0xffff, v8  }
0x266: {  	[tilespmem:s28+$0x0] =	vst.add.f32.msk $0xffff, v7  }
0x267: {  	v7 =	vld [tilespmem:s6+$0xA180];
	_ =	sdelay $0x4  }
0x268: {  	v8 =	vmul.f32 v7, v6;
	v7 =	vmul.f32 v7, v5;
	_ =	sdelay $0x1  }
0x269: {  	[tilespmem:s29+$0x0] =	vst.add.f32.msk $0xffff, v8  }
0x26a: {  	[tilespmem:s30+$0x0] =	vst.add.f32.msk $0xffff, v7  }
0x26b: {  	v7 =	vld [tilespmem:s6+$0xA200];
	_ =	sdelay $0x4  }
0x26c: {  	v8 =	vmul.f32 v7, v6;
	v7 =	vmul.f32 v7, v5;
	_ =	sdelay $0x1  }
0x26d: {  	[tilespmem:s31+$0x0] =	vst.add.f32.msk $0xffff, v8  }
0x26e: {  	[tilespmem:s0+$0x0] =	vst.add.f32.msk $0xffff, v7  }
0x26f: {  	v7 =	vld [tilespmem:s6+$0xA280];
	_ =	sdelay $0x4  }
0x270: {  	v8 =	vmul.f32 v7, v6;
	v7 =	vmul.f32 v7, v5;
	_ =	sdelay $0x1  }
0x271: {  	[tilespmem:s3+$0x0] =	vst.add.f32.msk $0xffff, v8  }
0x272: {  	[tilespmem:s16+$0x0] =	vst.add.f32.msk $0xffff, v7  }
0x273: {  	v7 =	vld [tilespmem:s6+$0xA300];
	_ =	sdelay $0x4  }
0x274: {  	v8 =	vmul.f32 v7, v6;
	v7 =	vmul.f32 v7, v5;
	_ =	sdelay $0x1  }
0x275: {  	[tilespmem:s17+$0x0] =	vst.add.f32.msk $0xffff, v8  }
0x276: {  	[tilespmem:s4+$0x0] =	vst.add.f32.msk $0xffff, v7  }
0x277: {  	v7 =	vld [tilespmem:s6+$0xA380]  }
.Ltmp5:
0x278: {  	(pc) =	sbr.rel @p0 .LBB2_13-.Ltmp5, $2  }
0x279: {  	_ =	sdelay $0x2  }
0x27a: {  	s18 =	simm.s32 $0x0;
	v6 =	vmul.f32 v7, v6;
	v5 =	vmul.f32 v7, v5  }
0x27b: {  	_ = 	snop  }
0x27c: {  	s1 =	sand.u32 $0x70, s18;
	s2 =	sand.u32 $0xE00, s18;
	[tilespmem:s5+$0x0] =	vst.add.f32.msk $0xffff, v6  }
0x27d: {  	s6 =	sand.u32 $0x1C00, s18;
	s19 =	sor.u32 s2, s1;
	[tilespmem:s7+$0x0] =	vst.add.f32.msk $0xffff, v5  }
0x27e: {  	s13 =	sor.u32 s1, s6;
	v5 =	vld [tilespmem:s19+$0x11100]  }
0x27f: {  	v6 =	vld [tilespmem:s13+$0xC000]  }
0x280: {  	v7 =	vld [tilespmem:s19+$0x13100];
	_ =	sdelay $0x3  }
0x281: {  	v8 =	vmul.f32 v6, v5  }
0x282: {  	v6 =	vmul.f32 v6, v7  }
0x283: {  	[tilespmem:s22+$0x0] =	vst.add.f32.msk $0xffff, v8  }
0x284: {  	[tilespmem:s23+$0x0] =	vst.add.f32.msk $0xffff, v6  }
0x285: {  	v6 =	vld [tilespmem:s13+$0xC080];
	_ =	sdelay $0x4  }
0x286: {  	v8 =	vmul.f32 v6, v5  }
0x287: {  	v6 =	vmul.f32 v6, v7  }
0x288: {  	[tilespmem:s24+$0x0] =	vst.add.f32.msk $0xffff, v8  }
0x289: {  	[tilespmem:s25+$0x0] =	vst.add.f32.msk $0xffff, v6  }
0x28a: {  	v6 =	vld [tilespmem:s13+$0xC100];
	_ =	sdelay $0x4  }
0x28b: {  	v8 =	vmul.f32 v6, v5  }
0x28c: {  	v6 =	vmul.f32 v6, v7  }
0x28d: {  	[tilespmem:s26+$0x0] =	vst.add.f32.msk $0xffff, v8  }
0x28e: {  	[tilespmem:s28+$0x0] =	vst.add.f32.msk $0xffff, v6  }
0x28f: {  	v6 =	vld [tilespmem:s13+$0xC180];
	_ =	sdelay $0x4  }
0x290: {  	v8 =	vmul.f32 v6, v5  }
0x291: {  	v6 =	vmul.f32 v6, v7  }
0x292: {  	[tilespmem:s29+$0x0] =	vst.add.f32.msk $0xffff, v8  }
0x293: {  	[tilespmem:s30+$0x0] =	vst.add.f32.msk $0xffff, v6  }
0x294: {  	v6 =	vld [tilespmem:s13+$0xC200];
	_ =	sdelay $0x4  }
0x295: {  	v8 =	vmul.f32 v6, v5  }
0x296: {  	v6 =	vmul.f32 v6, v7  }
0x297: {  	[tilespmem:s31+$0x0] =	vst.add.f32.msk $0xffff, v8  }
0x298: {  	[tilespmem:s0+$0x0] =	vst.add.f32.msk $0xffff, v6  }
0x299: {  	v6 =	vld [tilespmem:s13+$0xC280];
	_ =	sdelay $0x4  }
0x29a: {  	v8 =	vmul.f32 v6, v5  }
0x29b: {  	v6 =	vmul.f32 v6, v7  }
0x29c: {  	[tilespmem:s3+$0x0] =	vst.add.f32.msk $0xffff, v8  }
0x29d: {  	[tilespmem:s16+$0x0] =	vst.add.f32.msk $0xffff, v6  }
0x29e: {  	v6 =	vld [tilespmem:s13+$0xC300];
	_ =	sdelay $0x4  }
0x29f: {  	v8 =	vmul.f32 v6, v5  }
0x2a0: {  	v6 =	vmul.f32 v6, v7  }
0x2a1: {  	[tilespmem:s17+$0x0] =	vst.add.f32.msk $0xffff, v8  }
0x2a2: {  	[tilespmem:s4+$0x0] =	vst.add.f32.msk $0xffff, v6  }
0x2a3: {  	v8 =	vld [tilespmem:s13+$0xC380];
	_ =	sdelay $0x4  }
0x2a4: {  	s2 =	simm.s32 $0x10;
	s1 =	simm.s32 $0x0;
	s6 =	simm.s32 $0x0;
	v6 =	vmul.f32 v8, v5;
	v5 =	vmul.f32 v8, v7  }
.LBB2_15:
0x2a5: {  	p0 =	sne.s32 s2, $0x3F0;
	s1 =	sadd.s32 $0x80, s1;
	s6 =	sadd.s32 $0x40, s6  }
0x2a6: {  	s9 =	sand.u32 $0x70, s2;
	s10 =	sand.u32 $0xE00, s6;
	s11 =	sand.u32 $0x1C00, s1;
	[tilespmem:s5+$0x0] =	vst.add.f32.msk $0xffff, v6  }
0x2a7: {  	s2 =	sadd.s32 $0x10, s2;
	s10 =	sor.u32 s10, s9;
	s9 =	sor.u32 s9, s11;
	[tilespmem:s7+$0x0] =	vst.add.f32.msk $0xffff, v5  }
0x2a8: {  	v5 =	vld [tilespmem:s10+$0x13100]  }
0x2a9: {  	v6 =	vld [tilespmem:s10+$0x11100]  }
0x2aa: {  	v7 =	vld [tilespmem:s9+$0xC000];
	_ =	sdelay $0x4  }
0x2ab: {  	v8 =	vmul.f32 v7, v6;
	v7 =	vmul.f32 v7, v5;
	_ =	sdelay $0x1  }
0x2ac: {  	[tilespmem:s22+$0x0] =	vst.add.f32.msk $0xffff, v8  }
0x2ad: {  	[tilespmem:s23+$0x0] =	vst.add.f32.msk $0xffff, v7  }
0x2ae: {  	v7 =	vld [tilespmem:s9+$0xC080];
	_ =	sdelay $0x4  }
0x2af: {  	v8 =	vmul.f32 v7, v6;
	v7 =	vmul.f32 v7, v5;
	_ =	sdelay $0x1  }
0x2b0: {  	[tilespmem:s24+$0x0] =	vst.add.f32.msk $0xffff, v8  }
0x2b1: {  	[tilespmem:s25+$0x0] =	vst.add.f32.msk $0xffff, v7  }
0x2b2: {  	v7 =	vld [tilespmem:s9+$0xC100];
	_ =	sdelay $0x4  }
0x2b3: {  	v8 =	vmul.f32 v7, v6;
	v7 =	vmul.f32 v7, v5;
	_ =	sdelay $0x1  }
0x2b4: {  	[tilespmem:s26+$0x0] =	vst.add.f32.msk $0xffff, v8  }
0x2b5: {  	[tilespmem:s28+$0x0] =	vst.add.f32.msk $0xffff, v7  }
0x2b6: {  	v7 =	vld [tilespmem:s9+$0xC180];
	_ =	sdelay $0x4  }
0x2b7: {  	v8 =	vmul.f32 v7, v6;
	v7 =	vmul.f32 v7, v5;
	_ =	sdelay $0x1  }
0x2b8: {  	[tilespmem:s29+$0x0] =	vst.add.f32.msk $0xffff, v8  }
0x2b9: {  	[tilespmem:s30+$0x0] =	vst.add.f32.msk $0xffff, v7  }
0x2ba: {  	v7 =	vld [tilespmem:s9+$0xC200];
	_ =	sdelay $0x4  }
0x2bb: {  	v8 =	vmul.f32 v7, v6;
	v7 =	vmul.f32 v7, v5;
	_ =	sdelay $0x1  }
0x2bc: {  	[tilespmem:s31+$0x0] =	vst.add.f32.msk $0xffff, v8  }
0x2bd: {  	[tilespmem:s0+$0x0] =	vst.add.f32.msk $0xffff, v7  }
0x2be: {  	v7 =	vld [tilespmem:s9+$0xC280];
	_ =	sdelay $0x4  }
0x2bf: {  	v8 =	vmul.f32 v7, v6;
	v7 =	vmul.f32 v7, v5;
	_ =	sdelay $0x1  }
0x2c0: {  	[tilespmem:s3+$0x0] =	vst.add.f32.msk $0xffff, v8  }
0x2c1: {  	[tilespmem:s16+$0x0] =	vst.add.f32.msk $0xffff, v7  }
0x2c2: {  	v7 =	vld [tilespmem:s9+$0xC300];
	_ =	sdelay $0x4  }
0x2c3: {  	v8 =	vmul.f32 v7, v6;
	v7 =	vmul.f32 v7, v5;
	_ =	sdelay $0x1  }
0x2c4: {  	[tilespmem:s17+$0x0] =	vst.add.f32.msk $0xffff, v8  }
0x2c5: {  	[tilespmem:s4+$0x0] =	vst.add.f32.msk $0xffff, v7  }
0x2c6: {  	v7 =	vld [tilespmem:s9+$0xC380]  }
.Ltmp6:
0x2c7: {  	(pc) =	sbr.rel @p0 .LBB2_15-.Ltmp6, $2  }
0x2c8: {  	_ =	sdelay $0x2  }
0x2c9: {  	v6 =	vmul.f32 v7, v6;
	v5 =	vmul.f32 v7, v5  }
0x2ca: {  	_ = 	snop  }
0x2cb: {  	[tilespmem:s5+$0x0] =	vst.add.f32.msk $0xffff, v6  }
0x2cc: {  	[tilespmem:s7+$0x0] =	vst.add.f32.msk $0xffff, v5  }
0x2cd: {  	v5 =	vld [tilespmem:s19+$0x11180]  }
0x2ce: {  	v6 =	vld [tilespmem:s13+$0xE000]  }
0x2cf: {  	v7 =	vld [tilespmem:s19+$0x13180];
	_ =	sdelay $0x3  }
0x2d0: {  	v8 =	vmul.f32 v6, v5  }
0x2d1: {  	v6 =	vmul.f32 v6, v7  }
0x2d2: {  	[tilespmem:s22+$0x0] =	vst.add.f32.msk $0xffff, v8  }
0x2d3: {  	[tilespmem:s23+$0x0] =	vst.add.f32.msk $0xffff, v6  }
0x2d4: {  	v6 =	vld [tilespmem:s13+$0xE080];
	_ =	sdelay $0x4  }
0x2d5: {  	v8 =	vmul.f32 v6, v5  }
0x2d6: {  	v6 =	vmul.f32 v6, v7  }
0x2d7: {  	[tilespmem:s24+$0x0] =	vst.add.f32.msk $0xffff, v8  }
0x2d8: {  	[tilespmem:s25+$0x0] =	vst.add.f32.msk $0xffff, v6  }
0x2d9: {  	v6 =	vld [tilespmem:s13+$0xE100];
	_ =	sdelay $0x4  }
0x2da: {  	v8 =	vmul.f32 v6, v5  }
0x2db: {  	v6 =	vmul.f32 v6, v7  }
0x2dc: {  	[tilespmem:s26+$0x0] =	vst.add.f32.msk $0xffff, v8  }
0x2dd: {  	[tilespmem:s28+$0x0] =	vst.add.f32.msk $0xffff, v6  }
0x2de: {  	v6 =	vld [tilespmem:s13+$0xE180];
	_ =	sdelay $0x4  }
0x2df: {  	v8 =	vmul.f32 v6, v5  }
0x2e0: {  	v6 =	vmul.f32 v6, v7  }
0x2e1: {  	[tilespmem:s29+$0x0] =	vst.add.f32.msk $0xffff, v8  }
0x2e2: {  	[tilespmem:s30+$0x0] =	vst.add.f32.msk $0xffff, v6  }
0x2e3: {  	v6 =	vld [tilespmem:s13+$0xE200];
	_ =	sdelay $0x4  }
0x2e4: {  	v8 =	vmul.f32 v6, v5  }
0x2e5: {  	v6 =	vmul.f32 v6, v7  }
0x2e6: {  	[tilespmem:s31+$0x0] =	vst.add.f32.msk $0xffff, v8  }
0x2e7: {  	[tilespmem:s0+$0x0] =	vst.add.f32.msk $0xffff, v6  }
0x2e8: {  	v6 =	vld [tilespmem:s13+$0xE280];
	_ =	sdelay $0x4  }
0x2e9: {  	v8 =	vmul.f32 v6, v5  }
0x2ea: {  	v6 =	vmul.f32 v6, v7  }
0x2eb: {  	[tilespmem:s3+$0x0] =	vst.add.f32.msk $0xffff, v8  }
0x2ec: {  	[tilespmem:s16+$0x0] =	vst.add.f32.msk $0xffff, v6  }
0x2ed: {  	v6 =	vld [tilespmem:s13+$0xE300];
	_ =	sdelay $0x4  }
0x2ee: {  	v8 =	vmul.f32 v6, v5  }
0x2ef: {  	v6 =	vmul.f32 v6, v7  }
0x2f0: {  	[tilespmem:s17+$0x0] =	vst.add.f32.msk $0xffff, v8  }
0x2f1: {  	[tilespmem:s4+$0x0] =	vst.add.f32.msk $0xffff, v6  }
0x2f2: {  	v8 =	vld [tilespmem:s13+$0xE380];
	_ =	sdelay $0x4  }
0x2f3: {  	s2 =	simm.s32 $0x10;
	s1 =	simm.s32 $0x0;
	v6 =	vmul.f32 v8, v5;
	v5 =	vmul.f32 v8, v7  }
.LBB2_17:
0x2f4: {  	p0 =	sne.s32 s2, $0x3F0;
	s18 =	sadd.s32 $0x80, s18;
	s1 =	sadd.s32 $0x40, s1  }
0x2f5: {  	s6 =	sand.u32 $0x70, s2;
	s9 =	sand.u32 $0xE00, s1;
	s10 =	sand.u32 $0x1C00, s18;
	[tilespmem:s5+$0x0] =	vst.add.f32.msk $0xffff, v6  }
0x2f6: {  	s2 =	sadd.s32 $0x10, s2;
	s9 =	sor.u32 s9, s6;
	s6 =	sor.u32 s6, s10;
	[tilespmem:s7+$0x0] =	vst.add.f32.msk $0xffff, v5  }
0x2f7: {  	v5 =	vld [tilespmem:s9+$0x13180]  }
0x2f8: {  	v6 =	vld [tilespmem:s9+$0x11180]  }
0x2f9: {  	v7 =	vld [tilespmem:s6+$0xE000];
	_ =	sdelay $0x4  }
0x2fa: {  	v8 =	vmul.f32 v7, v6;
	v7 =	vmul.f32 v7, v5;
	_ =	sdelay $0x1  }
0x2fb: {  	[tilespmem:s22+$0x0] =	vst.add.f32.msk $0xffff, v8  }
0x2fc: {  	[tilespmem:s23+$0x0] =	vst.add.f32.msk $0xffff, v7  }
0x2fd: {  	v7 =	vld [tilespmem:s6+$0xE080];
	_ =	sdelay $0x4  }
0x2fe: {  	v8 =	vmul.f32 v7, v6;
	v7 =	vmul.f32 v7, v5;
	_ =	sdelay $0x1  }
0x2ff: {  	[tilespmem:s24+$0x0] =	vst.add.f32.msk $0xffff, v8  }
0x300: {  	[tilespmem:s25+$0x0] =	vst.add.f32.msk $0xffff, v7  }
0x301: {  	v7 =	vld [tilespmem:s6+$0xE100];
	_ =	sdelay $0x4  }
0x302: {  	v8 =	vmul.f32 v7, v6;
	v7 =	vmul.f32 v7, v5;
	_ =	sdelay $0x1  }
0x303: {  	[tilespmem:s26+$0x0] =	vst.add.f32.msk $0xffff, v8  }
0x304: {  	[tilespmem:s28+$0x0] =	vst.add.f32.msk $0xffff, v7  }
0x305: {  	v7 =	vld [tilespmem:s6+$0xE180];
	_ =	sdelay $0x4  }
0x306: {  	v8 =	vmul.f32 v7, v6;
	v7 =	vmul.f32 v7, v5;
	_ =	sdelay $0x1  }
0x307: {  	[tilespmem:s29+$0x0] =	vst.add.f32.msk $0xffff, v8  }
0x308: {  	[tilespmem:s30+$0x0] =	vst.add.f32.msk $0xffff, v7  }
0x309: {  	v7 =	vld [tilespmem:s6+$0xE200];
	_ =	sdelay $0x4  }
0x30a: {  	v8 =	vmul.f32 v7, v6;
	v7 =	vmul.f32 v7, v5;
	_ =	sdelay $0x1  }
0x30b: {  	[tilespmem:s31+$0x0] =	vst.add.f32.msk $0xffff, v8  }
0x30c: {  	[tilespmem:s0+$0x0] =	vst.add.f32.msk $0xffff, v7  }
0x30d: {  	v7 =	vld [tilespmem:s6+$0xE280];
	_ =	sdelay $0x4  }
0x30e: {  	v8 =	vmul.f32 v7, v6;
	v7 =	vmul.f32 v7, v5;
	_ =	sdelay $0x1  }
0x30f: {  	[tilespmem:s3+$0x0] =	vst.add.f32.msk $0xffff, v8  }
0x310: {  	[tilespmem:s16+$0x0] =	vst.add.f32.msk $0xffff, v7  }
0x311: {  	v7 =	vld [tilespmem:s6+$0xE300];
	_ =	sdelay $0x4  }
0x312: {  	v8 =	vmul.f32 v7, v6;
	v7 =	vmul.f32 v7, v5;
	_ =	sdelay $0x1  }
0x313: {  	[tilespmem:s17+$0x0] =	vst.add.f32.msk $0xffff, v8  }
0x314: {  	[tilespmem:s4+$0x0] =	vst.add.f32.msk $0xffff, v7  }
0x315: {  	v7 =	vld [tilespmem:s6+$0xE380]  }
.Ltmp7:
0x316: {  	(pc) =	sbr.rel @p0 .LBB2_17-.Ltmp7, $2  }
0x317: {  	_ =	sdelay $0x2  }
0x318: {  	v6 =	vmul.f32 v7, v6;
	v5 =	vmul.f32 v7, v5  }
0x319: {  	s12 =	sadd.s32 $0x1, s12  }
0x31a: {  	p0 =	sne.s32 s12, $0x8  }
.Ltmp8:
0x31b: {  	_ = 	snop;
	(pc) =	sbr.rel @p0 .LBB2_2-.Ltmp8, $3  }
0x31c: {  	_ =	sdelay $0x1  }
0x31d: {  	[tilespmem:s5+$0x0] =	vst.add.f32.msk $0xffff, v6  }
0x31e: {  	[tilespmem:s7+$0x0] =	vst.add.f32.msk $0xffff, v5  }
0x31f: {  	v5 =	vld [tilespmem:$0x14100]  }
0x320: {  	v7 =	vld [tilespmem:$0x14200];
	_ =	sdelay $0x1  }
0x321: {  	v6 =	vld [tilespmem:$0x14180]  }
0x322: {  	v8 =	vld [tilespmem:$0x14280]  }
0x323: {  	v9 =	vperm.xlane v5, v1  }
0x324: {  	v11 =	vperm.xlane v7, v1  }
0x325: {  	v5 =	vadd.f32 v9, v5  }
0x326: {  	v10 =	vperm.xlane v6, v1;
	v7 =	vadd.f32 v11, v7  }
0x327: {  	v45 =	vperm.xlane v8, v1;
	v46 =	vperm.xlane v5, v2  }
0x328: {  	v6 =	vadd.f32 v10, v6;
	v11 =	vperm.xlane v7, v2  }
0x329: {  	v8 =	vadd.f32 v45, v8;
	v5 =	vadd.f32 v46, v5  }
0x32a: {  	v47 =	vperm.xlane v6, v2;
	v7 =	vadd.f32 v11, v7  }
0x32b: {  	v48 =	vperm.xlane v8, v2;
	v49 =	vperm.xlane v5, v3  }
0x32c: {  	v52 =	vld [tilespmem:$0x14380];
	v6 =	vadd.f32 v47, v6;
	v11 =	vperm.xlane v7, v3  }
0x32d: {  	v54 =	vld [tilespmem:$0x14400];
	v8 =	vadd.f32 v48, v8;
	v5 =	vadd.f32 v49, v5  }
0x32e: {  	v56 =	vld [tilespmem:$0x14580];
	v50 =	vperm.xlane v6, v3;
	v7 =	vadd.f32 v11, v7  }
0x32f: {  	v12 =	vld [tilespmem:$0x14300];
	v51 =	vperm.xlane v8, v3;
	v53 =	vperm.xlane v5, v4  }
0x330: {  	v15 =	vld [tilespmem:$0x14480];
	v6 =	vadd.f32 v50, v6;
	v14 =	vperm.xlane v7, v4  }
0x331: {  	v57 =	vperm.xlane v52, v1;
	v8 =	vadd.f32 v51, v8;
	v5 =	vadd.f32 v53, v5  }
0x332: {  	v58 =	vperm.xlane v54, v1;
	v13 =	vperm.xlane v6, v4;
	v7 =	vadd.f32 v14, v7  }
0x333: {  	v61 =	vperm.xlane v56, v1;
	v55 =	vperm.xlane v8, v4;
	v5 =	vnsel vm0, $0x0, v5  }
0x334: {  	v6 =	vadd.f32 v13, v6;
	v5 =	vsel vm1, v5, v7;
	v7 =	vperm.xlane v12, v1  }
0x335: {  	v16 =	vld [tilespmem:$0x14500];
	v59 =	vperm.xlane v15, v1;
	v10 =	vadd.f32 v61, v56;
	v8 =	vadd.f32 v55, v8  }
0x336: {  	v9 =	vadd.f32 v58, v54;
	v6 =	vnsel vm0, $0x0, v6;
	v7 =	vadd.f32 v7, v12  }
0x337: {  	v32 =	vld [tilespmem:$0x14680];
	v23 =	vperm.xlane v10, v2;
	v6 =	vsel vm1, v6, v8;
	v8 =	vadd.f32 v57, v52  }
0x338: {  	v12 =	vadd.f32 v59, v15;
	v62 =	vperm.xlane v7, v2  }
0x339: {  	v20 =	vperm.xlane v9, v2;
	v10 =	vadd.f32 v23, v10;
	v63 =	vperm.xlane v8, v2  }
0x33a: {  	v60 =	vperm.xlane v16, v1;
	v21 =	vperm.xlane v12, v2;
	v7 =	vadd.f32 v62, v7  }
0x33b: {  	v9 =	vadd.f32 v20, v9;
	v30 =	vperm.xlane v10, v3;
	v8 =	vadd.f32 v63, v8  }
0x33c: {  	v41 =	vperm.xlane v32, v1;
	v20 =	vld [tilespmem:$0x14780];
	v11 =	vadd.f32 v21, v12;
	v24 =	vperm.xlane v7, v3  }
0x33d: {  	v27 =	vperm.xlane v9, v3;
	v10 =	vadd.f32 v30, v10;
	v26 =	vperm.xlane v8, v3  }
0x33e: {  	v34 =	vld [tilespmem:$0x14700];
	v14 =	vadd.f32 v60, v16;
	v28 =	vperm.xlane v11, v3;
	v7 =	vadd.f32 v24, v7  }
0x33f: {  	v9 =	vadd.f32 v27, v9;
	v36 =	vperm.xlane v10, v4;
	v8 =	vadd.f32 v26, v8  }
0x340: {  	v31 =	vld [tilespmem:$0x14600];
	v22 =	vperm.xlane v14, v2;
	v11 =	vadd.f32 v28, v11;
	v17 =	vperm.xlane v7, v4  }
0x341: {  	v37 =	vld [tilespmem:$0x14800];
	v43 =	vperm.xlane v20, v1;
	v40 =	vadd.f32 v36, v10;
	v33 =	vperm.xlane v8, v4  }
0x342: {  	v39 =	vld [tilespmem:$0x14880];
	v25 =	vadd.f32 v22, v14;
	v35 =	vperm.xlane v11, v4;
	v7 =	vadd.f32 v17, v7  }
0x343: {  	v42 =	vperm.xlane v34, v1;
	v10 =	vadd.f32 v43, v20;
	v8 =	vadd.f32 v33, v8  }
0x344: {  	v29 =	vperm.xlane v25, v3;
	v5 =	vsel vm2, v5, v7;
	v7 =	vadd.f32 v35, v11  }
0x345: {  	v18 =	vperm.xlane v9, v4;
	v47 =	vperm.xlane v10, v2;
	v6 =	vsel vm2, v6, v8  }
0x346: {  	v12 =	vadd.f32 v29, v25;
	v6 =	vsel vm3, v6, v7;
	v7 =	vperm.xlane v31, v1  }
0x347: {  	v44 =	vperm.xlane v37, v1;
	v45 =	vperm.xlane v39, v1;
	v9 =	vadd.f32 v18, v9  }
0x348: {  	v10 =	vadd.f32 v47, v10;
	v19 =	vperm.xlane v12, v4;
	v7 =	vadd.f32 v7, v31  }
0x349: {  	v8 =	vadd.f32 v41, v32;
	v5 =	vsel vm3, v5, v9;
	v9 =	vadd.f32 v42, v34  }
0x34a: {  	v38 =	vadd.f32 v19, v12;
	v11 =	vadd.f32 v44, v37;
	v14 =	vperm.xlane v7, v2  }
0x34b: {  	v12 =	vadd.f32 v45, v39;
	v15 =	vperm.xlane v8, v2;
	v46 =	vperm.xlane v9, v2  }
0x34c: {  	v53 =	vperm.xlane v10, v3;
	v48 =	vperm.xlane v11, v2;
	v7 =	vadd.f32 v14, v7  }
0x34d: {  	v49 =	vperm.xlane v12, v2;
	v8 =	vadd.f32 v15, v8;
	v9 =	vadd.f32 v46, v9  }
0x34e: {  	v10 =	vadd.f32 v53, v10;
	v11 =	vadd.f32 v48, v11;
	v50 =	vperm.xlane v7, v3  }
0x34f: {  	v12 =	vadd.f32 v49, v12;
	v51 =	vperm.xlane v8, v3;
	v52 =	vperm.xlane v9, v3  }
0x350: {  	v59 =	vperm.xlane v10, v4;
	v54 =	vperm.xlane v11, v3;
	v7 =	vadd.f32 v50, v7  }
0x351: {  	v55 =	vperm.xlane v12, v3;
	v8 =	vadd.f32 v51, v8;
	v9 =	vadd.f32 v52, v9  }
0x352: {  	v5 =	vsel vm4, v5, v38;
	v11 =	vadd.f32 v54, v11;
	v56 =	vperm.xlane v7, v4  }
0x353: {  	v12 =	vadd.f32 v55, v12;
	v57 =	vperm.xlane v8, v4;
	v58 =	vperm.xlane v9, v4  }
0x354: {  	v6 =	vsel vm4, v6, v40;
	v60 =	vperm.xlane v11, v4;
	v7 =	vadd.f32 v56, v7  }
0x355: {  	v61 =	vperm.xlane v12, v4;
	v8 =	vadd.f32 v57, v8;
	v9 =	vadd.f32 v58, v9  }
0x356: {  	v62 =	vadd.f32 v60, v11;
	v5 =	vsel vm5, v5, v7;
	v7 =	vadd.f32 v59, v10  }
0x357: {  	v63 =	vadd.f32 v61, v12;
	v6 =	vsel vm5, v6, v8;
	v5 =	vsel vm6, v5, v9  }
0x358: {  	v6 =	vsel vm6, v6, v7;
	v5 =	vsel vm7, v5, v62  }
0x359: {  	s6 =	simm.s32 $0x0;
	v6 =	vsel vm7, v6, v63;
	[tilespmem:$0x14000] =	vst v5  }
0x35a: {  	s1 =	rddreg [dreg:$0xb];
	s2 =	simm.s32 $0x14000;
	s18 =	simm.s32 $0x3;
	[tilespmem:$0x14080] =	vst v6  }
0x35b: {  	[hbm4b:s1+s6] =	stream.linear.scatter [tilespmem:s2], [sflag:$0x3], $0x100, $0x38;
	[tilespmem:$0x14900] =	vst v63  }
0x35c: {  	_ =	swait.ge [sflag:s18], $0x100  }
0x35d: {  	s9 =	rddreg [dreg:$0xd]  }
0x35e: {  	s19 =	rddreg [dreg:$0xc];
	s9 =	sadd.s32 $0x1, s9  }
0x35f: {  	p0 =	sne.s32 s9, s19  }
.Ltmp9:
0x360: {  	_ = 	snop;
	(pc) =	sbr.rel @p0 .LBB2_1-.Ltmp9, $3  }
0x361: {  	_ =	sdelay $0x1  }
0x362: {  	[sflag:s18] =	ssyncset.done $0x0  }
0x363: {  	[sflag:s18] =	ssyncadd.s32 $0xFFFFFF00  }
0x364: {  	_ =	sfence.sel $0x180000  }
0x365: {  	[bflag:$0x0] =	sbarrier.arrive $0xFFFF  }
0x366: {  	_ =	strace $0x90000047  }
0x367: {  	s0 =	stileid.u32;
	[bflag:$0x2] =	sbarrier.arrive $0xFFFF  }
0x368: {  	p0 =	sne.s32 s0, $0x0;
	s0 =	rddreg [dreg:$0x3]  }
0x369: {  	s0 =	sadd.s32 @!p0 $0x100000, s0  }
0x36a: {  	[sflag:s0] =	ssyncadd.tile.s32 @!p0 $0x1;
	_ =	shalt  }
.Lfunc_end2:
_tile_overlayer_lowered:
.L_overlay_start_2:
0x36b: {  	(tag) =	ssettag $0x2  }
0x36c: {  	s0 =	rddreg [dreg:$0x0];
	s2 =	stileid.u32  }
0x36d: {  	s1 =	rddreg [dreg:$0x1];
	p0 =	sne.s32 s2, $0x0  }
0x36e: {  	s3 =	rddreg [dreg:$0x2];
	[bflag:$0x3] =	sbarrier.arrive $0xFFFF;
	s2 =	simm.s32 @!p0 $0x1C03  }
0x36f: {  	[timem:s3], [sflag:s2] =	dma.local @!p0 [hbm:s0], s1  }
0x370: {  	s0 =	simm.s32 @!p0 $0x3  }
0x371: {  	_ =	swait.ge @!p0 [sflag:s0], s1  }
0x372: {  	s1 =	ssub.s32 @!p0 $0x0, s1;
	[sflag:s0] =	ssyncset.done @!p0 $0x0  }
0x373: {  	[sflag:s0] =	ssyncadd.s32 @!p0 s1  }
0x374: {  	[bflag:$0x3] =	sbarrier.arrive $0xFFFF  }
0x375: {  	_ =	shalt  }

// kernel: kernel.8.cloned.1.call-start
scs
__scs_entry_jumppad:
0x0: {  	(pc) =	sbr.rel $0x88, $3  }
0x1: {  	(tag) =	ssettag $0x0;
	lr =	simm.s32 $0x1  }
0x2: {  	[smem:$0x3F98] =	sst lr;
	_ =	strace $0xD0000000  }
0x3: {  	_ = 	snop  }
0x4: {  	_ = 	snop  }
0x5: {  	_ = 	snop  }
0x6: {  	_ = 	snop  }
0x7: {  	_ = 	snop  }
__scs_overlays_trampoline_lowered:
0x8: {  	[smem:$0x3FA7] =	sst s0  }
0x9: {  	[smem:$0x3FA8] =	sst s1  }
0xa: {  	[smem:$0x3FA9] =	sst s2  }
0xb: {  	[smem:$0x3FAA] =	sst s3  }
0xc: {  	[smem:$0x3FAB] =	sst s4  }
0xd: {  	[smem:$0x3FAC] =	sst s5  }
0xe: {  	[smem:$0x3FAD] =	sst s6  }
0xf: {  	[smem:$0x3FAE] =	sst s7  }
0x10: {  	[smem:$0x3FAF] =	sst s8  }
0x11: {  	[smem:$0x3FB0] =	sst s9;
	s0 =	simm.s32 @!p0 $0x0  }
0x12: {  	s1 =	sld [smem:$0x3F96];
	s0 =	simm.s32 @p0 $0x1  }
0x13: {  	[smem:$0x3FB1] =	sst s0;
	s0 =	simm.s32 @!p1 $0x0  }
0x14: {  	s2 =	sld [smem:$0x3F95];
	s0 =	simm.s32 @p1 $0x1  }
0x15: {  	[smem:$0x3FB2] =	sst s0;
	s0 =	simm.s32 @!p2 $0x0  }
0x16: {  	s3 =	sld [smem:$0x3FDB];
	s0 =	simm.s32 @p2 $0x1  }
0x17: {  	s4 =	simm.s32 $0x1BF5;
	[smem:$0x3FB4] =	sst s0  }
0x18: {  	s0 =	sld [smem:$0x3F97];
	_ =	swait.ge [sflag:s4], $0x0  }
0x19: {  	s7 =	sld [smem:$0x3F98]  }
0x1a: {  	s8 =	sadd.s32 $0xFFFFE003, lr  }
0x1b: {  	s9 =	sadd.s32 $0xFFFFFEF7, lr;
	s5 =	simm.s32 $0xFFFFFFFF;
	p2 =	slt.u32 s8, $0xFFFFF086  }
0x1c: {  	p1 =	slt.u32 s9, $0xF7A;
	s5 =	simm.s32 @!p2 $0x0  }
0x1d: {  	s5 =	simm.s32 @p1 $0x1;
	p0 =	seq.s32 s7, s2  }
0x1e: {  	s7 =	smul.u32 @!p0 $0xF7A, s2;
	p2 =	seq.s32 @!p0 s5, $0x0  }
0x1f: {  	s9 =	smul.u32 $0xF7A, s1;
	s8 =	simm.s32 @!p0 $0x1BF5;
	p2 =	por !p2, p0  }
0x20: {  	[sflag:s8] =	ssyncset.s32 @!p0 $0xFFFFF086;
	s6 =	sadd.s32 @!p0 s3, s7;
	s7 =	simm.s32 @!p0 $0x108  }
0x21: {  	s3 =	sadd.s32 s3, s9;
	s6 =	sadd.s32 @!p0 $0x88, s6;
	s7 =	simm.s32 @p2 $0x1082  }
0x22: {  	[simem:s7], [sflag:s8] =	dma.local @!p0 [hbm:s6], $0xF7A  }
0x23: {  	s9 =	sor.u32 $0xD0000000, s2;
	s6 =	simm.s32 $0x108;
	_ =	swait.ge @!p0 [sflag:s8], $0x0  }
0x24: {  	s3 =	sadd.s32 $0x88, s3;
	s6 =	simm.s32 @!p1 $0x1082;
	[sflag:s4] =	ssyncset.s32 $0xFFFFF086  }
0x25: {  	[simem:s6], [sflag:s4] =	dma.local [hbm:s3], $0xF7A  }
0x26: {  	[smem:$0x3F98] =	sst s1;
	(tag) =	ssettag s2;
	_ =	strace s9  }
0x27: {  	s1 =	sld [smem:$0x3FA8]  }
0x28: {  	s2 =	sld [smem:$0x3FA9]  }
0x29: {  	s4 =	sld [smem:$0x3FAB]  }
0x2a: {  	p0 =	seq.s32 s5, $0x0;
	s5 =	sld [smem:$0x3FAC]  }
0x2b: {  	s6 =	sld [smem:$0x3FAD]  }
0x2c: {  	s7 =	sld [smem:$0x3FAE]  }
0x2d: {  	s3 =	simm.s32 $0x108;
	s8 =	sld [smem:$0x3FAF]  }
0x2e: {  	s3 =	simm.s32 @!p0 $0x1082;
	s9 =	sld [smem:$0x3FB0]  }
0x2f: {  	lr =	sadd.s32 s0, s3;
	s0 =	sld [smem:$0x3FA7]  }
0x30: {  	s3 =	sld [smem:$0x3FAA]  }
0x31: {  	[smem:$0x3FB3] =	sst s10  }
0x32: {  	s10 =	sld [smem:$0x3FB1];
	_ =	sdelay $0x3  }
0x33: {  	p0 =	seq.s32 s10, $0x1;
	s10 =	sld [smem:$0x3FB3];
	_ =	sdelay $0x3  }
0x34: {  	[smem:$0x3FB3] =	sst s10  }
0x35: {  	s10 =	sld [smem:$0x3FB2];
	_ =	sdelay $0x3  }
0x36: {  	p1 =	seq.s32 s10, $0x1;
	s10 =	sld [smem:$0x3FB3];
	_ =	sdelay $0x3  }
0x37: {  	[smem:$0x3FB3] =	sst s10  }
0x38: {  	s10 =	sld [smem:$0x3FB4]  }
0x39: {  	_ = 	snop;
	(pc) =	sbr.ind lr, $3  }
0x3a: {  	_ = 	snop  }
0x3b: {  	_ = 	snop  }
0x3c: {  	p2 =	seq.s32 s10, $0x1;
	s10 =	sld [smem:$0x3FB3]  }
0x3d: {  	_ =	shalt  }
0x3e: {  	_ =	shalt  }
0x3f: {  	_ =	shalt  }
0x40: {  	_ =	shalt  }
0x41: {  	_ =	shalt  }
0x42: {  	_ =	shalt  }
0x43: {  	_ =	shalt  }
0x44: {  	_ =	shalt  }
0x45: {  	_ =	shalt  }
0x46: {  	_ =	shalt  }
0x47: {  	_ =	shalt  }
0x48: {  	_ =	shalt  }
0x49: {  	_ =	shalt  }
0x4a: {  	_ =	shalt  }
0x4b: {  	_ =	shalt  }
0x4c: {  	_ =	shalt  }
0x4d: {  	_ =	shalt  }
0x4e: {  	_ =	shalt  }
0x4f: {  	_ =	shalt  }
0x50: {  	_ =	shalt  }
0x51: {  	_ =	shalt  }
0x52: {  	_ =	shalt  }
0x53: {  	_ =	shalt  }
0x54: {  	_ =	shalt  }
0x55: {  	_ =	shalt  }
0x56: {  	_ =	shalt  }
0x57: {  	_ =	shalt  }
0x58: {  	_ =	shalt  }
0x59: {  	_ =	shalt  }
0x5a: {  	_ =	shalt  }
0x5b: {  	_ =	shalt  }
0x5c: {  	_ =	shalt  }
0x5d: {  	_ =	shalt  }
0x5e: {  	_ =	shalt  }
0x5f: {  	_ =	shalt  }
0x60: {  	_ =	shalt  }
0x61: {  	_ =	shalt  }
0x62: {  	_ =	shalt  }
0x63: {  	_ =	shalt  }
0x64: {  	_ =	shalt  }
0x65: {  	_ =	shalt  }
0x66: {  	_ =	shalt  }
0x67: {  	_ =	shalt  }
0x68: {  	_ =	shalt  }
0x69: {  	_ =	shalt  }
0x6a: {  	_ =	shalt  }
0x6b: {  	_ =	shalt  }
0x6c: {  	_ =	shalt  }
0x6d: {  	_ =	shalt  }
0x6e: {  	_ =	shalt  }
0x6f: {  	_ =	shalt  }
0x70: {  	_ =	shalt  }
0x71: {  	_ =	shalt  }
0x72: {  	_ =	shalt  }
0x73: {  	_ =	shalt  }
0x74: {  	_ =	shalt  }
0x75: {  	_ =	shalt  }
0x76: {  	_ =	shalt  }
0x77: {  	_ =	shalt  }
0x78: {  	_ =	shalt  }
0x79: {  	_ =	shalt  }
0x7a: {  	_ =	shalt  }
0x7b: {  	_ =	shalt  }
0x7c: {  	_ =	shalt  }
0x7d: {  	_ =	shalt  }
0x7e: {  	_ =	shalt  }
0x7f: {  	_ =	shalt  }
0x80: {  	_ =	shalt  }
0x81: {  	_ =	shalt  }
0x82: {  	_ =	shalt  }
0x83: {  	_ =	shalt  }
0x84: {  	_ =	shalt  }
0x85: {  	_ =	shalt  }
0x86: {  	_ =	shalt  }
0x87: {  	_ =	shalt  }
.Lfunc_end0:
.L_simem_size_0:
called_computation.1_lowered:
.L_overlay_start_0:
0x88: {  	s2 =	sld [smem:$0x3FD9]  }
0x89: {  	s3 =	sld [smem:$0x3FFE];
	_ =	sdelay $0x1  }
0x8a: {  	s1 =	srdreg.scid  }
0x8b: {  	s0 =	sand.u32 $0x1, s1  }
0x8c: {  	s17 =	sshll.u32 s0, $0xA;
	s2 =	sadd.s32 s3, s2  }
0x8d: {  	s2 =	sadd.s32 s2, s17  }
0x8e: {  	[smem:$0x3FBF] =	sst s2  }
0x8f: {  	_ = 	snop  }
0x90: {  	s2 =	sld [smem:$0x3FD0];
	(tm) =	ssettm $0x1  }
0x91: {  	s18 =	sld [smem:$0x3FFB];
	_ =	sdelay $0x3  }
0x92: {  	_ =	strace s18  }
0x93: {  	s3 =	sld [smem:$0x3FFC];
	_ =	sdelay $0x3  }
0x94: {  	_ =	strace s3  }
0x95: {  	s3 =	sld [smem:$0x3FFD];
	_ =	sdelay $0x3  }
0x96: {  	_ =	strace s3  }
0x97: {  	_ =	strace $0x8FFFFFFF  }
0x98: {  	s19 =	sld [smem:$0x3FDB];
	_ =	sdelay $0x1  }
0x99: {  	s4 =	simm.s32 $_scs_section_size  }
0x9a: {  	s5 =	simm.s32 $_size__tile_overlayer_lowered;
	s6 =	simm.s32 $_tile_overlayer_lowered  }
0x9b: {  	s22 =	simm.s32 $0x1BFF;
	s21 =	sshll.u32 s6, $0x1;
	s3 =	sadd.s32 s4, s19  }
0x9c: {  	s7 =	simm.s32 $0x0;
	s20 =	sshll.u32 s5, $0x1;
	s5 =	sadd.s32 s21, s3  }
0x9d: {  	[timem:s7], [sflag:s22] =	dma.local [hbm:s5], s20  }
0x9e: {  	_ =	swait.ge [sflag:s22], s20  }
0x9f: {  	s4 =	ssub.s32 $0x0, s20;
	[sflag:s22] =	ssyncset.done $0x0  }
0xa0: {  	[sflag:s22] =	ssyncadd.s32 s4;
	_ =	sdelay $0x1  }
0xa1: {  	s23 =	simm.s32 $0x1B8B  }
0xa2: {  	_ =	swait.ge [sflag:s23], $0x1  }
0xa3: {  	[sflag:s23] =	ssyncset.done $0x0  }
0xa4: {  	s25 =	simm.s32 $0x1B8E;
	s24 =	sld [smem:$0x3FFE];
	[sflag:s23] =	ssyncadd.s32 $0xFFFFFFFF  }
0xa5: {  	s26 =	simm.s32 $execute0_lowered;
	[smem:$0x3FD2] =	sst s25  }
0xa6: {  	s5 =	sshll.u32 s26, $0x1;
	_ =	strace $0x80000049;
	[dreg:$0x1] =	wrdreg $0xFFFFFFFF  }
0xa7: {  	s28 =	simm.s32 $_size_execute0_lowered;
	s3 =	sadd.s32 s3, s5;
	[dreg:$0x0] =	wrdreg $0x0  }
0xa8: {  	s5 =	sshll.u32 s28, $0x1;
	[dreg:$0x2] =	wrdreg s3  }
0xa9: {  	[dreg:$0x3] =	wrdreg s5  }
0xaa: {  	[dreg:$0x4] =	wrdreg $0xC0  }
0xab: {  	_ =	task [dreg:s7], $0x5FFFF  }
0xac: {  	[dreg:$0x1] =	wrdreg $0xFFFFFFFF  }
0xad: {  	[dreg:$0x0] =	wrdreg $0x60  }
0xae: {  	[dreg:$0x2] =	wrdreg s2  }
0xaf: {  	[dreg:$0x3] =	wrdreg s24  }
0xb0: {  	[dreg:$0x4] =	wrdreg $0x9  }
0xb1: {  	_ =	task.clear_ibuf [dreg:s7], $0x5FFFF;
	_ =	strace $0x90000049  }
0xb2: {  	s29 =	simm.s32 $0x9;
	_ =	strace $0x8000004B  }
0xb3: {  	_ =	swait.ge [sflag:s29], $0x1  }
0xb4: {  	[sflag:s29] =	ssyncadd.s32 $0xFFFFFFFF  }
0xb5: {  	_ =	strace $0x9000004B  }
0xb6: {  	_ =	sfence  }
0xb7: {  	s30 =	sld [smem:$0x0];
	_ =	sdelay $0x2  }
0xb8: {  	s31 =	sshll.u32 s1, $0xD;
	s1 =	sshrl.u32 s1, $0x2  }
0xb9: {  	s3 =	sand.u32 $0x4000, s31;
	s1 =	sadd.s32 s1, s30  }
0xba: {  	s0 =	sor.u32 s3, s0;
	s1 =	sshll.u32 s1, $0x11  }
0xbb: {  	s0 =	sor.u32 s1, s0  }
0xbc: {  	s0 =	sadd.s32 $0x8F2B, s0  }
0xbd: {  	[sflag:s0] =	ssyncadd.remote.s32 $0x1  }
0xbe: {  	_ =	sfence.sel $0xFFFF  }
0xbf: {  	[dreg:$0x0] =	wrdreg $0xFFFFFFFF;
	(pc) =	sbr.abs _section_cstart, $3  }
0xc0: {  	[dreg:$0x1] =	wrdreg $0xFFFFFFFF  }
0xc1: {  	_ =	task.clear_ibuf [dreg:s7], $0x2FFFF;
	_ =	strace $0x9FFFFFFF  }
0xc2: {  	(tm) =	ssettm $0x7FFFFFFF  }
0xc3: {  	_ =	shalt  }
tec
execute0_lowered:
.L_overlay_start_1:
0x0: {  	(tag) =	ssettag $0x1  }
0x1: {  	s0 =	srdreg.scid  }
0x2: {  	s10 =	sand.u32 $0x1, s0;
	s0 =	stileid.u32  }
0x3: {  	s3 =	sor.u32 s0, s10  }
0x4: {  	p0 =	sne.s32 s3, $0x0  }
.Ltmp0:
0x5: {  	_ = 	snop;
	(pc) =	sbr.rel @p0 .LBB2_4-.Ltmp0, $4  }
0x6: {  	_ = 	snop  }
0x7: {  	s2 =	rddreg [dreg:$0x0]  }
0x8: {  	s9 =	rddreg [dreg:$0x1]  }
0x9: {  	s1 =	rddreg [dreg:$0x2];
	_ =	strace $0x8000004A  }
0xa: {  	s4 =	simm.s32 $0x0;
	s3 =	simm.s32 $0x1  }
0xb: {  	[tilespmem:s4], [sflag:$0x1] =	stream.linear.gather [hbm4b:s2+s4], $0x2000, $0x38;
	[tilespmem:$0x2280] =	vst v63  }
0xc: {  	_ =	swait.ge [sflag:s3], $0x2000  }
0xd: {  	[sflag:s3] =	ssyncset.done $0x0  }
0xe: {  	s5 =	sadd.s32 $0x2E00, s9;
	s6 =	simm.s32 $0x2000;
	[sflag:s3] =	ssyncadd.s32 $0xFFFFE000  }
0xf: {  	[tilespmem:s6], [sflag:$0x1] =	stream.linear.gather [hbm4b:s5+s4], $0x80, $0x38;
	[tilespmem:$0x2280] =	vst v63  }
0x10: {  	_ =	swait.ge [sflag:s3], $0x80  }
0x11: {  	[sflag:s3] =	ssyncset.done $0x0  }
0x12: {  	[sflag:s3] =	ssyncadd.s32 $0xFFFFFF80  }
0x13: {  	v0 =	vld [tilespmem:$0x80]  }
0x14: {  	v1 =	vld [tilespmem:$0x2000]  }
0x15: {  	v2 =	vld [tilespmem:$0x0]  }
0x16: {  	v3 =	vld [tilespmem:$0x180]  }
0x17: {  	v4 =	vld [tilespmem:$0x100]  }
0x18: {  	v5 =	vld [tilespmem:$0x280]  }
0x19: {  	v6 =	vld [tilespmem:$0x200];
	v0 =	vadd.f32 v0, v1  }
0x1a: {  	v1 =	vadd.f32 v2, v1;
	v2 =	vld [tilespmem:$0x380]  }
0x1b: {  	v7 =	vld [tilespmem:$0x300];
	v0 =	vadd.f32 v3, v0  }
0x1c: {  	v1 =	vadd.f32 v4, v1;
	v3 =	vld [tilespmem:$0x480]  }
0x1d: {  	v4 =	vld [tilespmem:$0x400];
	v0 =	vadd.f32 v5, v0  }
0x1e: {  	v1 =	vadd.f32 v6, v1;
	v5 =	vld [tilespmem:$0x580]  }
0x1f: {  	v6 =	vld [tilespmem:$0x500];
	v0 =	vadd.f32 v2, v0  }
0x20: {  	v1 =	vadd.f32 v7, v1;
	v2 =	vld [tilespmem:$0x680]  }
0x21: {  	v7 =	vld [tilespmem:$0x600];
	v0 =	vadd.f32 v3, v0  }
0x22: {  	v1 =	vadd.f32 v4, v1;
	v3 =	vld [tilespmem:$0x780]  }
0x23: {  	v4 =	vld [tilespmem:$0x700];
	v0 =	vadd.f32 v5, v0  }
0x24: {  	v1 =	vadd.f32 v6, v1;
	v5 =	vld [tilespmem:$0x880]  }
0x25: {  	v6 =	vld [tilespmem:$0x800];
	v0 =	vadd.f32 v2, v0  }
0x26: {  	v1 =	vadd.f32 v7, v1;
	v2 =	vld [tilespmem:$0x980]  }
0x27: {  	v7 =	vld [tilespmem:$0x900];
	v0 =	vadd.f32 v3, v0  }
0x28: {  	v1 =	vadd.f32 v4, v1;
	v3 =	vld [tilespmem:$0xA80]  }
0x29: {  	v4 =	vld [tilespmem:$0xA00];
	v0 =	vadd.f32 v5, v0  }
0x2a: {  	v1 =	vadd.f32 v6, v1;
	v5 =	vld [tilespmem:$0xB80]  }
0x2b: {  	v6 =	vld [tilespmem:$0xB00];
	v0 =	vadd.f32 v2, v0  }
0x2c: {  	v1 =	vadd.f32 v7, v1;
	v2 =	vld [tilespmem:$0xC80]  }
0x2d: {  	v7 =	vld [tilespmem:$0xC00];
	v0 =	vadd.f32 v3, v0  }
0x2e: {  	v1 =	vadd.f32 v4, v1;
	v3 =	vld [tilespmem:$0xD80]  }
0x2f: {  	v4 =	vld [tilespmem:$0xD00];
	v0 =	vadd.f32 v5, v0  }
0x30: {  	v1 =	vadd.f32 v6, v1;
	v5 =	vld [tilespmem:$0xE80]  }
0x31: {  	v6 =	vld [tilespmem:$0xE00];
	v0 =	vadd.f32 v2, v0  }
0x32: {  	v1 =	vadd.f32 v7, v1;
	v2 =	vld [tilespmem:$0xF80]  }
0x33: {  	v7 =	vld [tilespmem:$0xF00];
	v0 =	vadd.f32 v3, v0  }
0x34: {  	v1 =	vadd.f32 v4, v1;
	v3 =	vld [tilespmem:$0x1080]  }
0x35: {  	v4 =	vld [tilespmem:$0x1000];
	v0 =	vadd.f32 v5, v0  }
0x36: {  	v1 =	vadd.f32 v6, v1;
	v5 =	vld [tilespmem:$0x1180]  }
0x37: {  	v6 =	vld [tilespmem:$0x1100];
	v0 =	vadd.f32 v2, v0  }
0x38: {  	v1 =	vadd.f32 v7, v1;
	v2 =	vld [tilespmem:$0x1280]  }
0x39: {  	v7 =	vld [tilespmem:$0x1200];
	v0 =	vadd.f32 v3, v0  }
0x3a: {  	v1 =	vadd.f32 v4, v1;
	v3 =	vld [tilespmem:$0x1380]  }
0x3b: {  	v4 =	vld [tilespmem:$0x1300];
	v0 =	vadd.f32 v5, v0  }
0x3c: {  	v1 =	vadd.f32 v6, v1;
	v5 =	vld [tilespmem:$0x1480]  }
0x3d: {  	v6 =	vld [tilespmem:$0x1400];
	v0 =	vadd.f32 v2, v0  }
0x3e: {  	v1 =	vadd.f32 v7, v1;
	v2 =	vld [tilespmem:$0x1580]  }
0x3f: {  	v7 =	vld [tilespmem:$0x1500];
	v0 =	vadd.f32 v3, v0  }
0x40: {  	v1 =	vadd.f32 v4, v1;
	v3 =	vld [tilespmem:$0x1680]  }
0x41: {  	v4 =	vld [tilespmem:$0x1600];
	v0 =	vadd.f32 v5, v0  }
0x42: {  	v1 =	vadd.f32 v6, v1;
	v5 =	vld [tilespmem:$0x1780]  }
0x43: {  	v6 =	vld [tilespmem:$0x1700];
	v0 =	vadd.f32 v2, v0  }
0x44: {  	v1 =	vadd.f32 v7, v1;
	v2 =	vld [tilespmem:$0x1880]  }
0x45: {  	v7 =	vld [tilespmem:$0x1800];
	v0 =	vadd.f32 v3, v0  }
0x46: {  	v1 =	vadd.f32 v4, v1;
	v3 =	vld [tilespmem:$0x1980]  }
0x47: {  	v4 =	vld [tilespmem:$0x1900];
	v0 =	vadd.f32 v5, v0  }
0x48: {  	v1 =	vadd.f32 v6, v1;
	v5 =	vld [tilespmem:$0x1A80]  }
0x49: {  	v6 =	vld [tilespmem:$0x1A00];
	v0 =	vadd.f32 v2, v0  }
0x4a: {  	v1 =	vadd.f32 v7, v1;
	v2 =	vld [tilespmem:$0x1B80]  }
0x4b: {  	v7 =	vld [tilespmem:$0x1B00];
	v0 =	vadd.f32 v3, v0  }
0x4c: {  	v1 =	vadd.f32 v4, v1;
	v3 =	vld [tilespmem:$0x1C80]  }
0x4d: {  	v4 =	vld [tilespmem:$0x1C00];
	v0 =	vadd.f32 v5, v0  }
0x4e: {  	v1 =	vadd.f32 v6, v1;
	v6 =	vld [tilespmem:$0x1D80]  }
0x4f: {  	v8 =	vimm.s32 $0x67452301;
	v9 =	vld [tilespmem:$0x1D00];
	v5 =	vimm.s32 $0xEFCDAB89;
	v0 =	vadd.f32 v2, v0  }
0x50: {  	v8 =	vunpack.c.l.s4.s8 v8;
	v5 =	vunpack.c.l.s4.s8 v5;
	v1 =	vadd.f32 v7, v1;
	v2 =	vld [tilespmem:$0x1E80]  }
0x51: {  	v10 =	vimm.s32 $0x54761032;
	vm0 =	vmmov $0xff;
	v46 =	vld [tilespmem:$0x1E00];
	v0 =	vadd.f32 v3, v0  }
0x52: {  	v7 =	vunpack.c.0.s8.s32 v8;
	v5 =	vunpack.c.0.s8.s32 v5;
	v1 =	vadd.f32 v4, v1;
	v4 =	vld [tilespmem:$0x1F80]  }
0x53: {  	v10 =	vunpack.c.l.s4.s8 v10;
	v11 =	vld [tilespmem:$0x1F00];
	v3 =	vimm.s32 $0xDCFE98BA;
	v0 =	vadd.f32 v6, v0  }
0x54: {  	v3 =	vunpack.c.l.s4.s8 v3;
	v5 =	vcombine.low v7, v5;
	v1 =	vadd.f32 v9, v1  }
0x55: {  	v7 =	vimm.s32 $0x32107654;
	v6 =	vunpack.c.0.s8.s32 v10;
	v0 =	vadd.f32 v2, v0  }
0x56: {  	v3 =	vunpack.c.0.s8.s32 v3;
	v2 =	vimm.s32 $0xBA98FEDC;
	v1 =	vadd.f32 v46, v1  }
0x57: {  	v7 =	vunpack.c.l.s4.s8 v7;
	v2 =	vunpack.c.l.s4.s8 v2;
	v4 =	vadd.f32 v4, v0  }
0x58: {  	v3 =	vcombine.low v6, v3;
	v0 =	vand.u32 $0xF, v5;
	v5 =	vadd.f32 v11, v1  }
0x59: {  	v6 =	vunpack.c.0.s8.s32 v7;
	v2 =	vunpack.c.0.s8.s32 v2;
	v4 =	vnsel vm0, $0xFF7FC99E, v4  }
0x5a: {  	v1 =	vand.u32 $0xF, v3;
	v5 =	vnsel vm0, $0xFF7FC99E, v5;
	v3 =	vperm.xlane v4, v0  }
0x5b: {  	v2 =	vcombine.low v6, v2;
	v6 =	vimm.s32 $0xFEDCBA98;
	v7 =	vperm.xlane v5, v0  }
0x5c: {  	v47 =	vimm.s32 $0x76543210;
	v6 =	vunpack.c.l.s4.s8 v6;
	v3 =	vmax.f32 v4, v3  }
0x5d: {  	v8 =	vunpack.c.l.s4.s8 v47;
	v7 =	vmax.f32 v5, v7;
	v48 =	vperm.xlane v3, v1  }
0x5e: {  	v6 =	vunpack.c.0.s8.s32 v6;
	v49 =	vperm.xlane v7, v1  }
0x5f: {  	v8 =	vunpack.c.0.s8.s32 v8;
	v2 =	vand.u32 $0xF, v2;
	v9 =	vmax.f32 v3, v48  }
0x60: {  	v3 =	vand.u32 $0xF, v6;
	v6 =	vmax.f32 v7, v49;
	v7 =	vperm.xlane v9, v2  }
0x61: {  	v3 =	vcombine.low v3, v8;
	v50 =	vperm.xlane v6, v2  }
0x62: {  	v7 =	vmax.f32 v9, v7  }
0x63: {  	v6 =	vmax.f32 v6, v50;
	v51 =	vperm.xlane v7, v3  }
0x64: {  	v52 =	vperm.xlane v6, v3  }
0x65: {  	v7 =	vmax.f32 v7, v51  }
0x66: {  	v6 =	vmax.f32 v6, v52;
	v4 =	vsub.f32 v4, v7  }
0x67: {  	v5 =	vsub.f32 v5, v6  }
0x68: {  	v4 =	vmul.f32 $1.442695020e+00, v4  }
0x69: {  	v5 =	vmul.f32 $1.442695020e+00, v5  }
0x6a: {  	(erf) = vpow2.f32 v4  }
0x6b: {  	(erf) = vpow2.f32 v5;
	_ =	sdelay $0x7  }
0x6c: {  	v4 =	vpop (erf)  }
0x6d: {  	v5 =	vperm.xlane v4, v0;
	v6 =	vpop (erf)  }
0x6e: {  	v7 =	vperm.xlane v6, v0  }
0x6f: {  	v5 =	vadd.f32 v4, v5  }
0x70: {  	v7 =	vadd.f32 v6, v7  }
0x71: {  	v53 =	vperm.xlane v5, v1  }
0x72: {  	v54 =	vperm.xlane v7, v1  }
0x73: {  	v5 =	vadd.f32 v5, v53  }
0x74: {  	v7 =	vadd.f32 v7, v54  }
0x75: {  	v8 =	vperm.xlane v5, v2  }
0x76: {  	v9 =	vperm.xlane v7, v2  }
0x77: {  	v5 =	vadd.f32 v5, v8  }
0x78: {  	v7 =	vadd.f32 v7, v9  }
0x79: {  	v8 =	vperm.xlane v5, v3  }
0x7a: {  	v9 =	vperm.xlane v7, v3  }
0x7b: {  	v5 =	vadd.f32 v5, v8  }
0x7c: {  	v7 =	vadd.f32 v7, v9  }
0x7d: {  	(erf) = vrcp.f32 v5  }
0x7e: {  	(erf) = vrcp.f32 v7;
	_ =	sdelay $0x7  }
0x7f: {  	v5 =	vpop (erf)  }
0x80: {  	v5 =	vmul.f32 v5, v4;
	v4 =	vpop (erf)  }
0x81: {  	v6 =	vmul.f32 v4, v6  }
0x82: {  	v4 =	vperm.xlane v5, v0  }
0x83: {  	v7 =	vperm.xlane v6, v0  }
0x84: {  	v4 =	vmax.f32 v5, v4  }
0x85: {  	v7 =	vmax.f32 v6, v7;
	v55 =	vperm.xlane v4, v1  }
0x86: {  	v56 =	vperm.xlane v7, v1  }
0x87: {  	v4 =	vmax.f32 v4, v55  }
0x88: {  	v7 =	vmax.f32 v7, v56;
	v8 =	vperm.xlane v4, v2  }
0x89: {  	v9 =	vperm.xlane v7, v2  }
0x8a: {  	v4 =	vmax.f32 v4, v8  }
0x8b: {  	v7 =	vmax.f32 v7, v9;
	v8 =	vperm.xlane v4, v3  }
0x8c: {  	v9 =	vperm.xlane v7, v3  }
0x8d: {  	v8 =	vmax.f32 v4, v8  }
0x8e: {  	v4 =	vlaneseq.u32;
	v7 =	vmax.f32 v7, v9;
	vm1 =	veq.f32 v5, v8  }
0x8f: {  	vm2 =	veq.f32 v6, v7;
	v57 =	vnsel vm1, $0x10, v4  }
0x90: {  	v58 =	vnsel vm2, $0x10, v4;
	v59 =	vperm.xlane v57, v0  }
0x91: {  	v12 =	vperm.xlane v58, v0  }
0x92: {  	vm1 =	vlt.s32 v57, v59  }
0x93: {  	vm2 =	vlt.s32 v58, v12;
	v9 =	vsel vm1, v57, v59  }
0x94: {  	v10 =	vsel vm2, v58, v12;
	v11 =	vperm.xlane v9, v1  }
0x95: {  	v12 =	vperm.xlane v10, v1  }
0x96: {  	vm1 =	vlt.s32 v9, v11  }
0x97: {  	vm2 =	vlt.s32 v10, v12;
	v9 =	vsel vm1, v9, v11  }
0x98: {  	v10 =	vsel vm2, v10, v12;
	v11 =	vperm.xlane v9, v2  }
0x99: {  	v12 =	vperm.xlane v10, v2  }
0x9a: {  	vm1 =	vlt.s32 v9, v11  }
0x9b: {  	vm2 =	vlt.s32 v10, v12;
	v9 =	vsel vm1, v9, v11  }
0x9c: {  	v10 =	vsel vm2, v10, v12;
	v11 =	vperm.xlane v9, v3  }
0x9d: {  	v12 =	vperm.xlane v10, v3  }
0x9e: {  	vm1 =	vlt.s32 v9, v11  }
0x9f: {  	vm2 =	vlt.s32 v10, v12;
	v9 =	vsel vm1, v9, v11  }
0xa0: {  	v10 =	vsel vm2, v10, v12;
	vm1 =	veq.s32 v9, v4  }
0xa1: {  	vm2 =	veq.s32 v10, v4;
	v5 =	vsel vm1, $0xBF800000, v5  }
0xa2: {  	v6 =	vsel vm2, $0xBF800000, v6;
	v60 =	vperm.xlane v5, v0  }
0xa3: {  	v61 =	vperm.xlane v6, v0  }
0xa4: {  	v11 =	vmax.f32 v5, v60  }
0xa5: {  	v12 =	vmax.f32 v6, v61;
	v13 =	vperm.xlane v11, v1  }
0xa6: {  	v14 =	vperm.xlane v12, v1  }
0xa7: {  	v11 =	vmax.f32 v11, v13  }
0xa8: {  	v12 =	vmax.f32 v12, v14;
	v13 =	vperm.xlane v11, v2  }
0xa9: {  	v14 =	vperm.xlane v12, v2  }
0xaa: {  	v11 =	vmax.f32 v11, v13  }
0xab: {  	v12 =	vmax.f32 v12, v14;
	v13 =	vperm.xlane v11, v3  }
0xac: {  	v14 =	vperm.xlane v12, v3  }
0xad: {  	v11 =	vmax.f32 v11, v13  }
0xae: {  	v12 =	vmax.f32 v12, v14;
	vm1 =	veq.f32 v5, v11  }
0xaf: {  	vm2 =	veq.f32 v6, v12;
	v5 =	vnsel vm1, $0x10, v4  }
0xb0: {  	v6 =	vnsel vm2, $0x10, v4;
	v62 =	vperm.xlane v5, v0  }
0xb1: {  	v63 =	vperm.xlane v6, v0  }
0xb2: {  	vm1 =	vlt.s32 v5, v62  }
0xb3: {  	vm2 =	vlt.s32 v6, v63;
	v5 =	vsel vm1, v5, v62  }
0xb4: {  	v6 =	vsel vm2, v6, v63;
	v13 =	vperm.xlane v5, v1  }
0xb5: {  	v14 =	vperm.xlane v6, v1  }
0xb6: {  	vm1 =	vlt.s32 v5, v13  }
0xb7: {  	vm2 =	vlt.s32 v6, v14;
	v5 =	vsel vm1, v5, v13  }
0xb8: {  	v6 =	vsel vm2, v6, v14;
	v13 =	vperm.xlane v5, v2  }
0xb9: {  	v14 =	vperm.xlane v6, v2  }
0xba: {  	vm1 =	vlt.s32 v5, v13  }
0xbb: {  	vm2 =	vlt.s32 v6, v14;
	v5 =	vsel vm1, v5, v13  }
0xbc: {  	v6 =	vsel vm2, v6, v14;
	v13 =	vperm.xlane v5, v3  }
0xbd: {  	vm1 =	vcmask $0x3F08;
	vm2 =	vmmov $0x1;
	v14 =	vperm.xlane v6, v3  }
0xbe: {  	v12 =	vsel vm1, $0x0, v12;
	v11 =	vsel vm1, $0x0, v11;
	vm3 =	vlt.s32 v5, v13  }
0xbf: {  	v7 =	vsel vm2, v7, v12;
	v5 =	vsel vm3, v5, v13;
	vm3 =	vlt.s32 v6, v14  }
0xc0: {  	s10 =	ssub.s32 $0x2, s10;
	[tilespmem:$0x2080] =	vst v7;
	v7 =	vsel vm2, v8, v11;
	v6 =	vsel vm3, v6, v14;
	v5 =	vsel vm1, $0x0, v5  }
0xc1: {  	s11 =	sshrl.u32 s10, $0x1;
	[tilespmem:$0x2100] =	vst v7;
	v6 =	vsel vm1, $0x0, v6;
	v5 =	vsel vm2, v9, v5  }
0xc2: {  	s11 =	ssub.s32 s10, s11;
	v6 =	vsel vm2, v10, v6;
	[tilespmem:$0x2200] =	vst v5  }
0xc3: {  	s7 =	sadd.s32 $0x3000, s9;
	s8 =	simm.s32 $0x2080;
	p0 =	sne.s32 s11, $0x1;
	[tilespmem:$0x2180] =	vst v6  }
0xc4: {  	[hbm4b:s7+s4] =	stream.linear.scatter [tilespmem:s8], [sflag:$0x1], $0x100, $0x38;
	[tilespmem:$0x2280] =	vst v63  }
.Ltmp1:
0xc5: {  	_ = 	snop;
	(pc) =	sbr.rel @!p0 .LBB2_3-.Ltmp1, $4  }
0xc6: {  	_ =	swait.ge [sflag:s3], $0x100  }
0xc7: {  	s9 =	sadd.s32 $0x3200, s9;
	[sflag:s3] =	ssyncset.done $0x0  }
0xc8: {  	s10 =	simm.s32 $0x2180;
	s11 =	sadd.s32 $0xFFFFFFFF, s11;
	[sflag:s3] =	ssyncadd.s32 $0xFFFFFF00  }
0xc9: {  	[hbm4b:s9+s4] =	stream.linear.scatter [tilespmem:s10], [sflag:$0x1], $0x100, $0x38;
	[tilespmem:$0x2280] =	vst v63  }
.LBB2_2:
0xca: {  	p0 =	sne.s32 s11, $0x1;
	s11 =	sadd.s32 $0xFFFFFFFF, s11;
	_ =	swait.ge [sflag:s3], $0x100  }
0xcb: {  	[sflag:s3] =	ssyncset.done $0x0  }
0xcc: {  	[sflag:s3] =	ssyncadd.s32 $0xFFFFFF00  }
0xcd: {  	[tilespmem:s4], [sflag:$0x1] =	stream.linear.gather [hbm4b:s2+s4], $0x2000, $0x38;
	[tilespmem:$0x2280] =	vst v63  }
0xce: {  	_ =	swait.ge [sflag:s3], $0x2000  }
0xcf: {  	[sflag:s3] =	ssyncset.done $0x0  }
0xd0: {  	[sflag:s3] =	ssyncadd.s32 $0xFFFFE000  }
0xd1: {  	[tilespmem:s6], [sflag:$0x1] =	stream.linear.gather [hbm4b:s5+s4], $0x80, $0x38;
	[tilespmem:$0x2280] =	vst v63  }
0xd2: {  	_ =	swait.ge [sflag:s3], $0x80  }
0xd3: {  	[sflag:s3] =	ssyncset.done $0x0  }
0xd4: {  	[sflag:s3] =	ssyncadd.s32 $0xFFFFFF80  }
0xd5: {  	v5 =	vld [tilespmem:$0x80]  }
0xd6: {  	v6 =	vld [tilespmem:$0x2000]  }
0xd7: {  	v7 =	vld [tilespmem:$0x0]  }
0xd8: {  	v8 =	vld [tilespmem:$0x180]  }
0xd9: {  	v9 =	vld [tilespmem:$0x100]  }
0xda: {  	v10 =	vld [tilespmem:$0x280]  }
0xdb: {  	v11 =	vld [tilespmem:$0x200];
	v5 =	vadd.f32 v5, v6  }
0xdc: {  	v6 =	vadd.f32 v7, v6;
	v7 =	vld [tilespmem:$0x380]  }
0xdd: {  	v12 =	vld [tilespmem:$0x300];
	v5 =	vadd.f32 v8, v5  }
0xde: {  	v6 =	vadd.f32 v9, v6;
	v8 =	vld [tilespmem:$0x480]  }
0xdf: {  	v9 =	vld [tilespmem:$0x400];
	v5 =	vadd.f32 v10, v5  }
0xe0: {  	v6 =	vadd.f32 v11, v6;
	v10 =	vld [tilespmem:$0x580]  }
0xe1: {  	v11 =	vld [tilespmem:$0x500];
	v5 =	vadd.f32 v7, v5  }
0xe2: {  	v6 =	vadd.f32 v12, v6;
	v7 =	vld [tilespmem:$0x680]  }
0xe3: {  	v12 =	vld [tilespmem:$0x600];
	v5 =	vadd.f32 v8, v5  }
0xe4: {  	v6 =	vadd.f32 v9, v6;
	v8 =	vld [tilespmem:$0x780]  }
0xe5: {  	v9 =	vld [tilespmem:$0x700];
	v5 =	vadd.f32 v10, v5  }
0xe6: {  	v6 =	vadd.f32 v11, v6;
	v10 =	vld [tilespmem:$0x880]  }
0xe7: {  	v11 =	vld [tilespmem:$0x800];
	v5 =	vadd.f32 v7, v5  }
0xe8: {  	v6 =	vadd.f32 v12, v6;
	v7 =	vld [tilespmem:$0x980]  }
0xe9: {  	v12 =	vld [tilespmem:$0x900];
	v5 =	vadd.f32 v8, v5  }
0xea: {  	v6 =	vadd.f32 v9, v6;
	v8 =	vld [tilespmem:$0xA80]  }
0xeb: {  	v9 =	vld [tilespmem:$0xA00];
	v5 =	vadd.f32 v10, v5  }
0xec: {  	v6 =	vadd.f32 v11, v6;
	v10 =	vld [tilespmem:$0xB80]  }
0xed: {  	v11 =	vld [tilespmem:$0xB00];
	v5 =	vadd.f32 v7, v5  }
0xee: {  	v6 =	vadd.f32 v12, v6;
	v7 =	vld [tilespmem:$0xC80]  }
0xef: {  	v12 =	vld [tilespmem:$0xC00];
	v5 =	vadd.f32 v8, v5  }
0xf0: {  	v6 =	vadd.f32 v9, v6;
	v8 =	vld [tilespmem:$0xD80]  }
0xf1: {  	v9 =	vld [tilespmem:$0xD00];
	v5 =	vadd.f32 v10, v5  }
0xf2: {  	v6 =	vadd.f32 v11, v6;
	v10 =	vld [tilespmem:$0xE80]  }
0xf3: {  	v11 =	vld [tilespmem:$0xE00];
	v5 =	vadd.f32 v7, v5  }
0xf4: {  	v6 =	vadd.f32 v12, v6;
	v7 =	vld [tilespmem:$0xF80]  }
0xf5: {  	v12 =	vld [tilespmem:$0xF00];
	v5 =	vadd.f32 v8, v5  }
0xf6: {  	v6 =	vadd.f32 v9, v6;
	v8 =	vld [tilespmem:$0x1080]  }
0xf7: {  	v9 =	vld [tilespmem:$0x1000];
	v5 =	vadd.f32 v10, v5  }
0xf8: {  	v6 =	vadd.f32 v11, v6;
	v10 =	vld [tilespmem:$0x1180]  }
0xf9: {  	v11 =	vld [tilespmem:$0x1100];
	v5 =	vadd.f32 v7, v5  }
0xfa: {  	v6 =	vadd.f32 v12, v6;
	v7 =	vld [tilespmem:$0x1280]  }
0xfb: {  	v12 =	vld [tilespmem:$0x1200];
	v5 =	vadd.f32 v8, v5  }
0xfc: {  	v6 =	vadd.f32 v9, v6;
	v8 =	vld [tilespmem:$0x1380]  }
0xfd: {  	v9 =	vld [tilespmem:$0x1300];
	v5 =	vadd.f32 v10, v5  }
0xfe: {  	v6 =	vadd.f32 v11, v6;
	v10 =	vld [tilespmem:$0x1480]  }
0xff: {  	v11 =	vld [tilespmem:$0x1400];
	v5 =	vadd.f32 v7, v5  }
0x100: {  	v6 =	vadd.f32 v12, v6;
	v7 =	vld [tilespmem:$0x1580]  }
0x101: {  	v12 =	vld [tilespmem:$0x1500];
	v5 =	vadd.f32 v8, v5  }
0x102: {  	v6 =	vadd.f32 v9, v6;
	v8 =	vld [tilespmem:$0x1680]  }
0x103: {  	v9 =	vld [tilespmem:$0x1600];
	v5 =	vadd.f32 v10, v5  }
0x104: {  	v6 =	vadd.f32 v11, v6;
	v10 =	vld [tilespmem:$0x1780]  }
0x105: {  	v11 =	vld [tilespmem:$0x1700];
	v5 =	vadd.f32 v7, v5  }
0x106: {  	v6 =	vadd.f32 v12, v6;
	v7 =	vld [tilespmem:$0x1880]  }
0x107: {  	v12 =	vld [tilespmem:$0x1800];
	v5 =	vadd.f32 v8, v5  }
0x108: {  	v6 =	vadd.f32 v9, v6;
	v8 =	vld [tilespmem:$0x1980]  }
0x109: {  	v9 =	vld [tilespmem:$0x1900];
	v5 =	vadd.f32 v10, v5  }
0x10a: {  	v6 =	vadd.f32 v11, v6;
	v10 =	vld [tilespmem:$0x1A80]  }
0x10b: {  	v11 =	vld [tilespmem:$0x1A00];
	v5 =	vadd.f32 v7, v5  }
0x10c: {  	v6 =	vadd.f32 v12, v6;
	v7 =	vld [tilespmem:$0x1B80]  }
0x10d: {  	v12 =	vld [tilespmem:$0x1B00];
	v5 =	vadd.f32 v8, v5  }
0x10e: {  	v6 =	vadd.f32 v9, v6;
	v8 =	vld [tilespmem:$0x1C80]  }
0x10f: {  	v9 =	vld [tilespmem:$0x1C00];
	v5 =	vadd.f32 v10, v5  }
0x110: {  	v6 =	vadd.f32 v11, v6;
	v10 =	vld [tilespmem:$0x1D80]  }
0x111: {  	v11 =	vld [tilespmem:$0x1D00];
	v5 =	vadd.f32 v7, v5  }
0x112: {  	v6 =	vadd.f32 v12, v6;
	v7 =	vld [tilespmem:$0x1E80]  }
0x113: {  	v12 =	vld [tilespmem:$0x1E00];
	v5 =	vadd.f32 v8, v5  }
0x114: {  	v6 =	vadd.f32 v9, v6;
	v8 =	vld [tilespmem:$0x1F80]  }
0x115: {  	v9 =	vld [tilespmem:$0x1F00];
	v5 =	vadd.f32 v10, v5  }
0x116: {  	v6 =	vadd.f32 v11, v6  }
0x117: {  	v5 =	vadd.f32 v7, v5  }
0x118: {  	v6 =	vadd.f32 v12, v6  }
0x119: {  	v5 =	vadd.f32 v8, v5  }
0x11a: {  	v6 =	vadd.f32 v9, v6  }
0x11b: {  	v5 =	vnsel vm0, $0xFF7FC99E, v5  }
0x11c: {  	v6 =	vnsel vm0, $0xFF7FC99E, v6;
	v7 =	vperm.xlane v5, v0  }
0x11d: {  	v8 =	vperm.xlane v6, v0  }
0x11e: {  	v7 =	vmax.f32 v5, v7  }
0x11f: {  	v8 =	vmax.f32 v6, v8;
	v9 =	vperm.xlane v7, v1  }
0x120: {  	v10 =	vperm.xlane v8, v1  }
0x121: {  	v7 =	vmax.f32 v7, v9  }
0x122: {  	v8 =	vmax.f32 v8, v10;
	v9 =	vperm.xlane v7, v2  }
0x123: {  	v10 =	vperm.xlane v8, v2  }
0x124: {  	v7 =	vmax.f32 v7, v9  }
0x125: {  	v8 =	vmax.f32 v8, v10;
	v9 =	vperm.xlane v7, v3  }
0x126: {  	v10 =	vperm.xlane v8, v3  }
0x127: {  	v7 =	vmax.f32 v7, v9  }
0x128: {  	v8 =	vmax.f32 v8, v10;
	v5 =	vsub.f32 v5, v7  }
0x129: {  	v6 =	vsub.f32 v6, v8  }
0x12a: {  	v5 =	vmul.f32 $1.442695020e+00, v5  }
0x12b: {  	v6 =	vmul.f32 $1.442695020e+00, v6  }
0x12c: {  	(erf) = vpow2.f32 v5  }
0x12d: {  	(erf) = vpow2.f32 v6;
	_ =	sdelay $0x7  }
0x12e: {  	v5 =	vpop (erf)  }
0x12f: {  	v6 =	vperm.xlane v5, v0;
	v7 =	vpop (erf)  }
0x130: {  	v8 =	vperm.xlane v7, v0  }
0x131: {  	v6 =	vadd.f32 v5, v6  }
0x132: {  	v8 =	vadd.f32 v7, v8  }
0x133: {  	v9 =	vperm.xlane v6, v1  }
0x134: {  	v10 =	vperm.xlane v8, v1  }
0x135: {  	v6 =	vadd.f32 v6, v9  }
0x136: {  	v8 =	vadd.f32 v8, v10  }
0x137: {  	v9 =	vperm.xlane v6, v2  }
0x138: {  	v10 =	vperm.xlane v8, v2  }
0x139: {  	v6 =	vadd.f32 v6, v9  }
0x13a: {  	v8 =	vadd.f32 v8, v10  }
0x13b: {  	v9 =	vperm.xlane v6, v3  }
0x13c: {  	v10 =	vperm.xlane v8, v3  }
0x13d: {  	v6 =	vadd.f32 v6, v9  }
0x13e: {  	v8 =	vadd.f32 v8, v10  }
0x13f: {  	(erf) = vrcp.f32 v6  }
0x140: {  	(erf) = vrcp.f32 v8;
	_ =	sdelay $0x7  }
0x141: {  	v6 =	vpop (erf)  }
0x142: {  	v5 =	vmul.f32 v6, v5;
	v6 =	vpop (erf)  }
0x143: {  	v6 =	vmul.f32 v6, v7  }
0x144: {  	v7 =	vperm.xlane v5, v0  }
0x145: {  	v8 =	vperm.xlane v6, v0  }
0x146: {  	v7 =	vmax.f32 v5, v7  }
0x147: {  	v8 =	vmax.f32 v6, v8;
	v9 =	vperm.xlane v7, v1  }
0x148: {  	v10 =	vperm.xlane v8, v1  }
0x149: {  	v7 =	vmax.f32 v7, v9  }
0x14a: {  	v8 =	vmax.f32 v8, v10;
	v9 =	vperm.xlane v7, v2  }
0x14b: {  	v10 =	vperm.xlane v8, v2  }
0x14c: {  	v7 =	vmax.f32 v7, v9  }
0x14d: {  	v8 =	vmax.f32 v8, v10;
	v9 =	vperm.xlane v7, v3  }
0x14e: {  	v10 =	vperm.xlane v8, v3  }
0x14f: {  	v7 =	vmax.f32 v7, v9  }
0x150: {  	v8 =	vmax.f32 v8, v10;
	vm3 =	veq.f32 v5, v7  }
0x151: {  	vm4 =	veq.f32 v6, v8;
	v9 =	vnsel vm3, $0x10, v4  }
0x152: {  	v10 =	vnsel vm4, $0x10, v4;
	v11 =	vperm.xlane v9, v0  }
0x153: {  	v12 =	vperm.xlane v10, v0  }
0x154: {  	vm3 =	vlt.s32 v9, v11  }
0x155: {  	vm4 =	vlt.s32 v10, v12;
	v9 =	vsel vm3, v9, v11  }
0x156: {  	v10 =	vsel vm4, v10, v12;
	v11 =	vperm.xlane v9, v1  }
0x157: {  	v12 =	vperm.xlane v10, v1  }
0x158: {  	vm3 =	vlt.s32 v9, v11  }
0x159: {  	vm4 =	vlt.s32 v10, v12;
	v9 =	vsel vm3, v9, v11  }
0x15a: {  	v10 =	vsel vm4, v10, v12;
	v11 =	vperm.xlane v9, v2  }
0x15b: {  	v12 =	vperm.xlane v10, v2  }
0x15c: {  	vm3 =	vlt.s32 v9, v11  }
0x15d: {  	vm4 =	vlt.s32 v10, v12;
	v9 =	vsel vm3, v9, v11  }
0x15e: {  	v10 =	vsel vm4, v10, v12;
	v11 =	vperm.xlane v9, v3  }
0x15f: {  	v12 =	vperm.xlane v10, v3  }
0x160: {  	vm3 =	vlt.s32 v9, v11  }
0x161: {  	vm4 =	vlt.s32 v10, v12;
	v9 =	vsel vm3, v9, v11  }
0x162: {  	v10 =	vsel vm4, v10, v12;
	vm3 =	veq.s32 v9, v4  }
0x163: {  	vm4 =	veq.s32 v10, v4;
	v5 =	vsel vm3, $0xBF800000, v5  }
0x164: {  	v6 =	vsel vm4, $0xBF800000, v6;
	v11 =	vperm.xlane v5, v0  }
0x165: {  	v12 =	vperm.xlane v6, v0  }
0x166: {  	v11 =	vmax.f32 v5, v11  }
0x167: {  	v12 =	vmax.f32 v6, v12;
	v13 =	vperm.xlane v11, v1  }
0x168: {  	v14 =	vperm.xlane v12, v1  }
0x169: {  	v11 =	vmax.f32 v11, v13  }
0x16a: {  	v12 =	vmax.f32 v12, v14;
	v13 =	vperm.xlane v11, v2  }
0x16b: {  	v14 =	vperm.xlane v12, v2  }
0x16c: {  	v11 =	vmax.f32 v11, v13  }
0x16d: {  	v12 =	vmax.f32 v12, v14;
	v13 =	vperm.xlane v11, v3  }
0x16e: {  	v14 =	vperm.xlane v12, v3  }
0x16f: {  	v11 =	vmax.f32 v11, v13  }
0x170: {  	v12 =	vmax.f32 v12, v14;
	vm3 =	veq.f32 v5, v11;
	v5 =	vsel vm1, $0x0, v11  }
0x171: {  	vm4 =	veq.f32 v6, v12;
	v6 =	vsel vm1, $0x0, v12;
	v11 =	vnsel vm3, $0x10, v4  }
0x172: {  	v12 =	vnsel vm4, $0x10, v4;
	v6 =	vsel vm2, v8, v6;
	v8 =	vperm.xlane v11, v0  }
0x173: {  	v5 =	vsel vm2, v7, v5;
	v13 =	vperm.xlane v12, v0;
	[tilespmem:$0x2080] =	vst v6  }
0x174: {  	vm3 =	vlt.s32 v11, v8;
	[tilespmem:$0x2100] =	vst v5  }
0x175: {  	vm4 =	vlt.s32 v12, v13;
	v5 =	vsel vm3, v11, v8  }
0x176: {  	v6 =	vsel vm4, v12, v13;
	v7 =	vperm.xlane v5, v1  }
0x177: {  	v8 =	vperm.xlane v6, v1  }
0x178: {  	vm3 =	vlt.s32 v5, v7  }
0x179: {  	vm4 =	vlt.s32 v6, v8;
	v5 =	vsel vm3, v5, v7  }
0x17a: {  	v6 =	vsel vm4, v6, v8;
	v7 =	vperm.xlane v5, v2  }
0x17b: {  	v8 =	vperm.xlane v6, v2  }
0x17c: {  	vm3 =	vlt.s32 v5, v7  }
0x17d: {  	vm4 =	vlt.s32 v6, v8;
	v5 =	vsel vm3, v5, v7  }
0x17e: {  	v6 =	vsel vm4, v6, v8;
	v7 =	vperm.xlane v5, v3  }
0x17f: {  	v8 =	vperm.xlane v6, v3  }
0x180: {  	vm3 =	vlt.s32 v5, v7  }
0x181: {  	vm4 =	vlt.s32 v6, v8;
	v5 =	vsel vm3, v5, v7  }
0x182: {  	v6 =	vsel vm4, v6, v8;
	v5 =	vsel vm1, $0x0, v5  }
0x183: {  	v6 =	vsel vm1, $0x0, v6;
	v5 =	vsel vm2, v9, v5  }
0x184: {  	v6 =	vsel vm2, v10, v6;
	[tilespmem:$0x2200] =	vst v5  }
0x185: {  	[tilespmem:$0x2180] =	vst v6  }
0x186: {  	[hbm4b:s7+s4] =	stream.linear.scatter [tilespmem:s8], [sflag:$0x1], $0x100, $0x38;
	[tilespmem:$0x2280] =	vst v63  }
.Ltmp2:
0x187: {  	_ = 	snop;
	(pc) =	sbr.rel @p0 .LBB2_2-.Ltmp2, $4  }
0x188: {  	_ =	swait.ge [sflag:s3], $0x100  }
0x189: {  	[sflag:s3] =	ssyncset.done $0x0  }
0x18a: {  	[sflag:s3] =	ssyncadd.s32 $0xFFFFFF00  }
0x18b: {  	[hbm4b:s9+s4] =	stream.linear.scatter [tilespmem:s10], [sflag:$0x1], $0x100, $0x38;
	[tilespmem:$0x2280] =	vst v63  }
.LBB2_3:
0x18c: {  	_ =	swait.ge [sflag:s3], $0x100  }
0x18d: {  	[sflag:s3] =	ssyncset.done $0x0  }
0x18e: {  	[sflag:s3] =	ssyncadd.s32 $0xFFFFFF00  }
.LBB2_4:
0x18f: {  	_ =	sfence.sel $0x180000  }
0x190: {  	[bflag:$0x0] =	sbarrier.arrive $0xFFFF  }
0x191: {  	p0 =	sne.s32 s0, $0x0;
	_ =	strace $0x9000004A  }
0x192: {  	s0 =	sadd.s32 @!p0 $0x100000, s1;
	[bflag:$0x2] =	sbarrier.arrive $0xFFFF  }
0x193: {  	[sflag:s0] =	ssyncadd.tile.s32 @!p0 $0x1;
	_ =	shalt  }
.Lfunc_end2:
_tile_overlayer_lowered:
.L_overlay_start_2:
0x194: {  	(tag) =	ssettag $0x2  }
0x195: {  	s0 =	rddreg [dreg:$0x0];
	s2 =	stileid.u32  }
0x196: {  	s1 =	rddreg [dreg:$0x1];
	p0 =	sne.s32 s2, $0x0  }
0x197: {  	s3 =	rddreg [dreg:$0x2];
	[bflag:$0x3] =	sbarrier.arrive $0xFFFF;
	s2 =	simm.s32 @!p0 $0x1C01  }
0x198: {  	[timem:s3], [sflag:s2] =	dma.local @!p0 [hbm:s0], s1  }
0x199: {  	s0 =	simm.s32 @!p0 $0x1  }
0x19a: {  	_ =	swait.ge @!p0 [sflag:s0], s1  }
0x19b: {  	s1 =	ssub.s32 @!p0 $0x0, s1;
	[sflag:s0] =	ssyncset.done @!p0 $0x0  }
0x19c: {  	[sflag:s0] =	ssyncadd.s32 @!p0 s1  }
0x19d: {  	[bflag:$0x3] =	sbarrier.arrive $0xFFFF  }
0x19e: {  	_ =	shalt  }

</sc_bundles>
